<compile_context>
chip_gen: v7x
topology: tpu7x:2x2x1
jax: 0.10.2.dev20260603
libtpu: 0.0.44.dev20260713+nightly
codegen_flags: <defaults>
</compile_context>

<pallas_src>
import functools

import jax
import jax.numpy as jnp
from jax import lax
from jax.experimental import pallas as pl
from jax.experimental.pallas import tpu as pltpu
from jax.experimental.pallas import tpu_sc as plsc

NC = 2
NS = 16
NW = NC * NS
LANES = 16
CH = 80

NUM_GRAPHS = 64


def _ceil_to(v, m):
  return -(-v // m) * m


def _make_slabs(src, dst, nslabs, n):
  e = src.shape[0]
  e1 = _ceil_to(e, nslabs)
  if e1 > e:
    src = jnp.concatenate([src, jnp.zeros((e1 - e,), jnp.int32)])
    dst = jnp.concatenate([dst, jnp.full((e1 - e,), n, jnp.int32)])
  per = e1 // nslabs
  nch = -(-per // CH)
  cap = nch * CH
  s2 = src.reshape(nslabs, per)
  d2 = dst.reshape(nslabs, per)
  if cap > per:
    s2 = jnp.concatenate(
        [s2, jnp.zeros((nslabs, cap - per), jnp.int32)], axis=1)
    d2 = jnp.concatenate(
        [d2, jnp.full((nslabs, cap - per), n, jnp.int32)], axis=1)
  padded = (cap > per) or (e1 > e)
  return s2.reshape(nslabs, nch, CH), d2.reshape(nslabs, nch, CH), padded


def _sc_mesh():
  return plsc.VectorSubcoreMesh(
      core_axis_name="c", subcore_axis_name="s", num_cores=NC,
      num_subcores=NS)




def _sc_degree(dst3, n_pad, rpt):
  nch = dst3.shape[1]
  zch = rpt // 8

  @functools.partial(
      pl.kernel,
      out_type=jax.ShapeDtypeStruct((NC, n_pad, 16), jnp.float32),
      mesh=_sc_mesh(),
      scratch_types=[
          pltpu.VMEM((nch, CH), jnp.int32),
          pltpu.VMEM((CH, 16), jnp.float32),
          pltpu.VMEM((zch, 16), jnp.float32),
          pltpu.VMEM_SHARED((n_pad, 16), jnp.float32),
      ],
  )
  def deg_kernel(dst_hbm, out_hbm, idx_v, ones_v, z_v, acc):
    cid = lax.axis_index("c")
    sid = lax.axis_index("s")
    wid = sid * NC + cid

    ones16 = jnp.full((LANES,), 1.0, jnp.float32)
    zero16 = jnp.zeros((LANES,), jnp.float32)

    def fill_ones(r, _):
      ones_v[r, :] = ones16
      return 0

    lax.fori_loop(0, CH, fill_ones, 0)

    def fill_zero(r, _):
      z_v[r, :] = zero16
      return 0

    lax.fori_loop(0, zch, fill_zero, 0)

    def zero_acc(k, _):
      pltpu.sync_copy(z_v, acc.at[pl.ds(sid * rpt + k * zch, zch)])
      return 0

    lax.fori_loop(0, 8, zero_acc, 0)

    pltpu.sync_copy(dst_hbm.at[wid], idx_v)
    plsc.subcore_barrier()

    def body(j, _):
      pltpu.sync_copy(ones_v, acc.at[idx_v.at[j]], add=True)
      return 0

    lax.fori_loop(0, nch, body, 0)
    plsc.subcore_barrier()

    pltpu.sync_copy(acc.at[pl.ds(sid * rpt, rpt)],
                    out_hbm.at[cid, pl.ds(sid * rpt, rpt)])

  return deg_kernel(dst3)


def _sc_edge_aggregate(glo, ghi, src2, dst2, n_pad, rpt):
  nch = src2.shape[1]
  d = glo.shape[1]
  zch = rpt // 8

  @functools.partial(
      pl.kernel,
      out_type=jax.ShapeDtypeStruct((NC, n_pad, d), jnp.float32),
      mesh=_sc_mesh(),
      compiler_params=pltpu.CompilerParams(use_tc_tiling_on_sc=False),
      scratch_types=[
          pltpu.VMEM((nch, CH), jnp.int32),
          pltpu.VMEM((nch, CH), jnp.int32),
          pltpu.VMEM((CH, d), jnp.float32),
          pltpu.VMEM((CH, d), jnp.float32),
          pltpu.VMEM((CH, d), jnp.float32),
          pltpu.VMEM((CH, d), jnp.float32),
          pltpu.VMEM((CH, d), jnp.float32),
          pltpu.VMEM((CH, d), jnp.float32),
          pltpu.VMEM((zch, d), jnp.float32),
          pltpu.VMEM_SHARED((n_pad, d), jnp.float32),
          [pltpu.SemaphoreType.DMA] * 6,
          [pltpu.SemaphoreType.DMA] * 6,
      ],
  )
  def edge_kernel(glo_hbm, ghi_hbm, src_hbm, dst_hbm, out_hbm, src_v, dst_v,
                  gbuf0, gbuf1, gbuf2, gbuf3, gbuf4, gbuf5, z_v, acc,
                  gsem, ssem):
    cid = lax.axis_index("c")
    sid = lax.axis_index("s")

    zero16 = jnp.zeros((LANES,), jnp.float32)

    def fill_zero(r, _):
      def inner(q, _):
        z_v[r, pl.ds(q * LANES, LANES)] = zero16
        return 0
      lax.fori_loop(0, d // LANES, inner, 0)
      return 0

    lax.fori_loop(0, zch, fill_zero, 0)

    def zero_acc(k, _):
      pltpu.sync_copy(z_v, acc.at[pl.ds(sid * rpt + k * zch, zch)])
      return 0

    lax.fori_loop(0, 8, zero_acc, 0)

    pltpu.sync_copy(src_hbm.at[sid], src_v)
    pltpu.sync_copy(dst_hbm.at[sid], dst_v)
    plsc.subcore_barrier()

    NB = 6
    PF = NB - 1
    bufs = (gbuf0, gbuf1, gbuf2, gbuf3, gbuf4, gbuf5)
    assert nch >= NB

    def run(gtab):
      for b in range(PF):
        pltpu.async_copy(gtab.at[src_v.at[b]], bufs[b], gsem[b])

      def body(jj0, _):
        for b in range(NB):
          j = jj0 * NB + b

          @pl.when(j < nch)
          def _(j=j, b=b):
            pltpu.make_async_copy(gtab.at[src_v.at[j]], bufs[b],
                                  gsem[b]).wait()
            bb = (b + PF) % NB

            @pl.when(j + PF < nch)
            def _(j=j, bb=bb):
              @pl.when(j >= 1)
              def _(j=j, bb=bb):
                pltpu.make_async_copy(
                    bufs[bb], acc.at[dst_v.at[j - 1]], ssem[bb]).wait()

              pltpu.async_copy(gtab.at[src_v.at[j + PF]], bufs[bb], gsem[bb])

            pltpu.async_copy(bufs[b], acc.at[dst_v.at[j]], ssem[b], add=True)
        return 0

      lax.fori_loop(0, -(-nch // NB), body, 0)

      for jt in range(max(0, nch - NB), nch):
        pltpu.make_async_copy(
            bufs[jt % NB], acc.at[dst_v.at[jt]], ssem[jt % NB]).wait()

    @pl.when(cid == 0)
    def _():
      run(glo_hbm)

    @pl.when(cid == 1)
    def _():
      run(ghi_hbm)

    plsc.subcore_barrier()

    pltpu.sync_copy(acc.at[pl.ds(sid * rpt, rpt)],
                    out_hbm.at[cid, pl.ds(sid * rpt, rpt)])

  return edge_kernel(glo, ghi, src2, dst2)



ROWS = 1000


def _dinv_block(dp):
  return lax.rsqrt(dp[0, :, 0:1] + dp[1, :, 0:1] + 1.0)


def _tc_matmul(x, w):
  n, din = x.shape
  dout = w.shape[1]

  def body(x_ref, w_ref, h_ref):
    h_ref[...] = jnp.dot(x_ref[...], w_ref[...],
                         preferred_element_type=jnp.float32)

  return pl.pallas_call(
      body,
      grid=(n // ROWS,),
      in_specs=[
          pl.BlockSpec((ROWS, din), lambda i: (i, 0)),
          pl.BlockSpec((din, dout), lambda i: (0, 0)),
      ],
      out_specs=pl.BlockSpec((ROWS, dout), lambda i: (i, 0)),
      out_shape=jax.ShapeDtypeStruct((n, dout), jnp.float32),
  )(x, w)


def _tc_scale(h, dp):
  n, dout = h.shape
  dh = dout // 2

  def body(h_ref, dp_ref, glo_ref, ghi_ref):
    dinv = _dinv_block(dp_ref[...])
    g = h_ref[...] * dinv
    glo_ref[...] = g[:, :dh]
    ghi_ref[...] = g[:, dh:]

  return pl.pallas_call(
      body,
      grid=(n // ROWS,),
      in_specs=[
          pl.BlockSpec((ROWS, dout), lambda i: (i, 0)),
          pl.BlockSpec((2, ROWS, 16), lambda i: (0, i, 0)),
      ],
      out_specs=[
          pl.BlockSpec((ROWS, dh), lambda i: (i, 0)),
          pl.BlockSpec((ROWS, dh), lambda i: (i, 0)),
      ],
      out_shape=[
          jax.ShapeDtypeStruct((n, dh), jnp.float32),
          jax.ShapeDtypeStruct((n, dh), jnp.float32),
      ],
  )(h, dp)


def _combine(a_ref, gl_ref, gh_ref, dinv):
  a = a_ref[...]
  lo = (a[0] + gl_ref[...]) * dinv
  hi = (a[1] + gh_ref[...]) * dinv
  return jnp.maximum(jnp.concatenate([lo, hi], axis=1), 0.0)


def _tc_combine_matmul(agg, g1l, g1h, dp, w):
  n, dh = g1l.shape
  d = 2 * dh
  dout = w.shape[1]

  def body(a_ref, g1l_ref, g1h_ref, dp_ref, w_ref, x1_ref, g2l_ref, g2h_ref):
    dinv = _dinv_block(dp_ref[...])
    x1 = _combine(a_ref, g1l_ref, g1h_ref, dinv)
    x1_ref[...] = x1
    g2 = jnp.dot(x1, w_ref[...], preferred_element_type=jnp.float32) * dinv
    g2l_ref[...] = g2[:, :dh]
    g2h_ref[...] = g2[:, dh:]

  return pl.pallas_call(
      body,
      grid=(n // ROWS,),
      in_specs=[
          pl.BlockSpec((2, ROWS, dh), lambda i: (0, i, 0)),
          pl.BlockSpec((ROWS, dh), lambda i: (i, 0)),
          pl.BlockSpec((ROWS, dh), lambda i: (i, 0)),
          pl.BlockSpec((2, ROWS, 16), lambda i: (0, i, 0)),
          pl.BlockSpec((d, dout), lambda i: (0, 0)),
      ],
      out_specs=[
          pl.BlockSpec((ROWS, d), lambda i: (i, 0)),
          pl.BlockSpec((ROWS, dh), lambda i: (i, 0)),
          pl.BlockSpec((ROWS, dh), lambda i: (i, 0)),
      ],
      out_shape=[
          jax.ShapeDtypeStruct((n, d), jnp.float32),
          jax.ShapeDtypeStruct((n, dh), jnp.float32),
          jax.ShapeDtypeStruct((n, dh), jnp.float32),
      ],
  )(agg, g1l, g1h, dp, w)


def _tc_combine_pool(agg, g2l, g2h, dp, x1, batch2d):
  n, dh = g2l.shape
  d = 2 * dh

  def body(a_ref, g2l_ref, g2h_ref, dp_ref, x1_ref, b_ref, out_ref):
    i = pl.program_id(0)

    @pl.when(i == 0)
    def _():
      out_ref[...] = jnp.full((NUM_GRAPHS, 2 * d), -jnp.inf, jnp.float32)

    dinv = _dinv_block(dp_ref[...])
    x2 = _combine(a_ref, g2l_ref, g2h_ref, dinv)
    x1 = x1_ref[...]
    b = b_ref[...]
    gmin = jnp.min(b)
    gmax = jnp.max(b)
    neg = jnp.float32(-jnp.inf)

    def gbody(gid, _):
      m = b == gid
      r1 = jnp.max(jnp.where(m, x1, neg), axis=0, keepdims=True)
      r2 = jnp.max(jnp.where(m, x2, neg), axis=0, keepdims=True)
      row = jnp.concatenate([r1, r2], axis=1)
      cur = out_ref[pl.ds(gid, 1), :]
      out_ref[pl.ds(gid, 1), :] = jnp.maximum(cur, row)
      return 0

    lax.fori_loop(gmin, gmax + 1, gbody, 0)

  return pl.pallas_call(
      body,
      grid=(n // ROWS,),
      in_specs=[
          pl.BlockSpec((2, ROWS, dh), lambda i: (0, i, 0)),
          pl.BlockSpec((ROWS, dh), lambda i: (i, 0)),
          pl.BlockSpec((ROWS, dh), lambda i: (i, 0)),
          pl.BlockSpec((2, ROWS, 16), lambda i: (0, i, 0)),
          pl.BlockSpec((ROWS, d), lambda i: (i, 0)),
          pl.BlockSpec((ROWS, 1), lambda i: (i, 0)),
      ],
      out_specs=pl.BlockSpec((NUM_GRAPHS, 2 * d), lambda i: (0, 0)),
      out_shape=jax.ShapeDtypeStruct((NUM_GRAPHS, 2 * d), jnp.float32),
  )(agg, g2l, g2h, dp, x1, batch2d)




def kernel(x, edge_index, batch, W1, W2):
  n = x.shape[0]
  e = edge_index.shape[1]

  ei = edge_index.astype(jnp.int32)
  src = ei[0]
  dst = ei[1]

  _, dst3, padded3 = _make_slabs(src, dst, NW, n)
  src2, dst2, padded2 = _make_slabs(src, dst, NS, n)

  rpt = _ceil_to(n + (8 if (padded2 or padded3) else 0), NS * 8) // NS
  n_pad = rpt * NS

  h1 = _tc_matmul(x, W1)
  dp = _sc_degree(dst3, n_pad, rpt)
  g1l, g1h = _tc_scale(h1, dp)
  agg1 = _sc_edge_aggregate(g1l, g1h, src2, dst2, n_pad, rpt)
  x1, g2l, g2h = _tc_combine_matmul(agg1, g1l, g1h, dp, W2)
  agg2 = _sc_edge_aggregate(g2l, g2h, src2, dst2, n_pad, rpt)

  batch2d = batch.astype(jnp.int32).reshape(n, 1)
  return _tc_combine_pool(agg2, g2l, g2h, dp, x1, batch2d)

# --- scband reference (transcript-rebuilt; emitter-appended) ---
"""Pipeline reference for scband-gcngraph-embedding-7773890806280 (READ-ONLY COPY).

The authoritative reference and input builder live on the scoring server;
editing this copy changes nothing except your own understanding.
"""

import jax, jax.numpy as jnp
import numpy as np

NUM_NODES = 10000
NUM_EDGES = 320000
D_IN = 128
D_OUT = 128
NUM_GRAPHS = 64


def gcn_conv(x, edge_index, W, num_nodes):
    # PyG GCNConv with add_self_loops=True, normalize=True, bias=False
    src = edge_index[0]
    dst = edge_index[1]
    loop = jnp.arange(num_nodes, dtype=src.dtype)
    src = jnp.concatenate([src, loop])
    dst = jnp.concatenate([dst, loop])
    ew = jnp.ones(src.shape[0], dtype=x.dtype)
    deg = jax.ops.segment_sum(ew, dst, num_segments=num_nodes)
    dinv = jnp.where(deg > 0, 1.0 / jnp.sqrt(deg), 0.0)
    norm = dinv[src] * dinv[dst]
    h = x @ W
    msg = h[src] * norm[:, None]
    return jax.ops.segment_sum(msg, dst, num_segments=num_nodes)


def setup_inputs(seed: int = 0) -> dict:
    key = jax.random.key(seed)
    k1, k2, k3, k4, k5 = jax.random.split(key, 5)
    x = jax.random.normal(k1, (NUM_NODES, D_IN), dtype=jnp.float32)
    edge_index = jax.random.randint(k2, (2, NUM_EDGES), 0, NUM_NODES, dtype=jnp.int64)
    batch = jnp.sort(jax.random.randint(k3, (NUM_NODES,), 0, NUM_GRAPHS, dtype=jnp.int64))
    # Glorot-like init for GCNConv weights (bias=False)
    s1 = float(np.sqrt(6.0 / (D_IN + D_OUT)))
    s2 = float(np.sqrt(6.0 / (D_OUT + D_OUT)))
    W1 = jax.random.uniform(k4, (D_IN, D_OUT), dtype=jnp.float32, minval=-s1, maxval=s1)
    W2 = jax.random.uniform(k5, (D_OUT, D_OUT), dtype=jnp.float32, minval=-s2, maxval=s2)
    return {"x": x, "edge_index": edge_index, "batch": batch, "W1": W1, "W2": W2}


def reference(x, edge_index, batch, W1, W2):
    # Dropout(p=0.0) is identity
    x1 = jax.nn.relu(gcn_conv(x, edge_index, W1, NUM_NODES))
    x2 = jax.nn.relu(gcn_conv(x1, edge_index, W2, NUM_NODES))
    # JumpingKnowledge('cat')
    xc = jnp.concatenate([x1, x2], axis=1)
    # global_max_pool
    out = jax.ops.segment_max(xc, batch, num_segments=NUM_GRAPHS)
    return out

if __name__ == "__main__":
    import jax
    _d = setup_inputs()
    print(jax.jit(kernel)(*tuple(_d.values())))

</pallas_src>

<mosaic_0001>
#map = affine_map<(d0, d1) -> (0, 0, 0)>
module attributes {stable_mosaic.version = 14 : i64} {
  func.func @deg_kernel(%arg0: i32, %arg1: i32, %arg2: memref<32x125x80xi32, #tpu.memory_space<hbm>>, %arg3: memref<2x10112x16xf32, #tpu.memory_space<hbm>>, %arg4: memref<125x80xi32, #tpu.memory_space<vmem>>, %arg5: memref<80x16xf32, #tpu.memory_space<vmem>>, %arg6: memref<79x16xf32, #tpu.memory_space<vmem>>, %arg7: memref<10112x16xf32, #tpu.memory_space<vmem_shared>>) attributes {dimension_semantics = [#tpu.dimension_semantics<core_parallel>, #tpu.dimension_semantics<subcore_parallel>], iteration_bounds = array<i64: 2, 16>, scalar_prefetch = 0 : i64, scratch_operands = 4 : i64, tpu.core_type = #tpu.core_type<sc_vector_subcore>, window_params = [{transform_indices = #map}, {transform_indices = #map}]} {
    %mul3A = arith.constant 2 : i32
    %mul3A_0 = arith.muli %arg1, %mul3A : i32
    %add3A = arith.addi %mul3A_0, %arg0 : i32
    %broadcast_in_dim3A = arith.constant 1.000000e+00 : f32
    %broadcast_in_dim3A_1 = vector.broadcast %broadcast_in_dim3A : f32 to vector<16xf32>
    %broadcast_in_dim3A_2 = arith.constant 0.000000e+00 : f32
    %broadcast_in_dim3A_3 = vector.broadcast %broadcast_in_dim3A_2 : f32 to vector<16xf32>
    %scan3A = arith.constant 0 : i32
    %scan3A_4 = arith.constant 0 : i32
    %scan3A_5 = arith.constant 80 : i32
    %scan3A_6 = arith.addi %scan3A_4, %scan3A_5 : i32
    %scan3A_7 = arith.constant 1 : i32
    %scan3A_8 = scf.for %scan3A_36 = %scan3A_4 to %scan3A_6 step %scan3A_7 iter_args(%scan3A_37 = %scan3A) -> (i32)  : i32 {
      %swap3A = arith.index_cast %scan3A_36 : i32 to index
      %swap3A_38 = arith.constant 0 : index
      %swap3A_39 = tpu.vector_load %arg5[%swap3A, %swap3A_38] {strides = array<i32>} : memref<80x16xf32, #tpu.memory_space<vmem>>, vector<1x16xf32>,
      %swap3A_40 = vector.shape_cast %swap3A_39 : vector<1x16xf32> to vector<16xf32>
      %swap3A_41 = vector.shape_cast %broadcast_in_dim3A_1 : vector<16xf32> to vector<1x16xf32>
      tpu.vector_store %arg5[%swap3A, %swap3A_38], %swap3A_41 {strides = array<i32>} : memref<80x16xf32, #tpu.memory_space<vmem>>, vector<1x16xf32>,
      %scan3A_42 = arith.constant 0 : i32
      scf.yield %scan3A_42 : i32
    }
    %scan3A_9 = arith.constant 80 : i32
    %scan3A_10 = arith.constant 0 : i32
    %scan3A_11 = arith.constant 0 : i32
    %scan3A_12 = arith.constant 79 : i32
    %scan3A_13 = arith.addi %scan3A_11, %scan3A_12 : i32
    %scan3A_14 = arith.constant 1 : i32
    %scan3A_15 = scf.for %scan3A_36 = %scan3A_11 to %scan3A_13 step %scan3A_14 iter_args(%scan3A_37 = %scan3A_10) -> (i32)  : i32 {
      %swap3A = arith.index_cast %scan3A_36 : i32 to index
      %swap3A_38 = arith.constant 0 : index
      %swap3A_39 = tpu.vector_load %arg6[%swap3A, %swap3A_38] {strides = array<i32>} : memref<79x16xf32, #tpu.memory_space<vmem>>, vector<1x16xf32>,
      %swap3A_40 = vector.shape_cast %swap3A_39 : vector<1x16xf32> to vector<16xf32>
      %swap3A_41 = vector.shape_cast %broadcast_in_dim3A_3 : vector<16xf32> to vector<1x16xf32>
      tpu.vector_store %arg6[%swap3A, %swap3A_38], %swap3A_41 {strides = array<i32>} : memref<79x16xf32, #tpu.memory_space<vmem>>, vector<1x16xf32>,
      %scan3A_42 = arith.constant 0 : i32
      scf.yield %scan3A_42 : i32
    }
    %scan3A_16 = arith.constant 79 : i32
    %scan3A_17 = arith.constant 0 : i32
    %scan3A_18 = arith.constant 0 : i32
    %scan3A_19 = arith.constant 8 : i32
    %scan3A_20 = arith.addi %scan3A_18, %scan3A_19 : i32
    %scan3A_21 = arith.constant 1 : i32
    %scan3A_22 = scf.for %scan3A_36 = %scan3A_18 to %scan3A_20 step %scan3A_21 iter_args(%scan3A_37 = %scan3A_17) -> (i32)  : i32 {
      %mul3A_38 = arith.constant 632 : i32
      %mul3A_39 = arith.muli %arg1, %mul3A_38 : i32
      %mul3A_40 = arith.constant 79 : i32
      %mul3A_41 = arith.muli %scan3A_36, %mul3A_40 : i32
      %add3A_42 = arith.addi %mul3A_39, %mul3A_41 : i32
      "tpu.region"() ({
        %run_scoped3A = tpu.sem_alloc : memref<!tpu.dma_semaphore, #tpu.memory_space<semaphore_mem>>
        %dma_start3A = arith.constant 0 : i32
        %dma_start3A_44 = tpu.memref_slice %arg7[%add3A_42, %dma_start3A] : memref<10112x16xf32, #tpu.memory_space<vmem_shared>> -> memref<79x16xf32, #tpu.memory_space<vmem_shared>>
        %dma_start3A_45 = arith.constant 0 : i32
        %dma_start3A_46 = tpu.memref_slice %arg7[%add3A_42, %dma_start3A_45] : memref<10112x16xf32, #tpu.memory_space<vmem_shared>> -> memref<79x16xf32, #tpu.memory_space<vmem_shared>>
        tpu.enqueue_dma source(%arg6 : memref<79x16xf32, #tpu.memory_space<vmem>>) target(%dma_start3A_46 : memref<79x16xf32, #tpu.memory_space<vmem_shared>>) target_semaphore(%run_scoped3A : memref<!tpu.dma_semaphore, #tpu.memory_space<semaphore_mem>>)
        %dma_wait3A = arith.constant 0 : i32
        %dma_wait3A_47 = tpu.memref_slice %arg7[%add3A_42, %dma_wait3A] : memref<10112x16xf32, #tpu.memory_space<vmem_shared>> -> memref<79x16xf32, #tpu.memory_space<vmem_shared>>
        %dma_wait3A_48 = arith.constant 0 : i32
        %dma_wait3A_49 = tpu.memref_slice %arg7[%add3A_42, %dma_wait3A_48] : memref<10112x16xf32, #tpu.memory_space<vmem_shared>> -> memref<79x16xf32, #tpu.memory_space<vmem_shared>>
        tpu.wait_dma2 semaphore(%run_scoped3A : memref<!tpu.dma_semaphore, #tpu.memory_space<semaphore_mem>>) src(%arg6 : memref<79x16xf32, #tpu.memory_space<vmem>>) dst(%dma_wait3A_49 : memref<79x16xf32, #tpu.memory_space<vmem_shared>>)
        tpu.yield
      }) : () -> ()
      %scan3A_43 = arith.constant 0 : i32
      scf.yield %scan3A_43 : i32
    }
    %scan3A_23 = arith.constant 8 : i32
    "tpu.region"() ({
      %run_scoped3A = tpu.sem_alloc : memref<!tpu.dma_semaphore, #tpu.memory_space<semaphore_mem>>
      %dma_start3A = arith.constant 0 : i32
      %dma_start3A_36 = arith.constant 0 : i32
      %dma_start3A_37 = tpu.memref_slice %arg2[%add3A, %dma_start3A, %dma_start3A_36] : memref<32x125x80xi32, #tpu.memory_space<hbm>> -> memref<1x125x80xi32, #tpu.memory_space<hbm>>
      %dma_start3A_38 = tpu.memref_squeeze %dma_start3A_37 : memref<1x125x80xi32, #tpu.memory_space<hbm>> -> memref<125x80xi32, #tpu.memory_space<hbm>>
      %dma_start3A_39 = arith.constant 0 : i32
      %dma_start3A_40 = arith.constant 0 : i32
      %dma_start3A_41 = tpu.memref_slice %arg2[%add3A, %dma_start3A_39, %dma_start3A_40] : memref<32x125x80xi32, #tpu.memory_space<hbm>> -> memref<1x125x80xi32, #tpu.memory_space<hbm>>
      %dma_start3A_42 = tpu.memref_squeeze %dma_start3A_41 : memref<1x125x80xi32, #tpu.memory_space<hbm>> -> memref<125x80xi32, #tpu.memory_space<hbm>>
      tpu.enqueue_dma source(%dma_start3A_42 : memref<125x80xi32, #tpu.memory_space<hbm>>) target(%arg4 : memref<125x80xi32, #tpu.memory_space<vmem>>) target_semaphore(%run_scoped3A : memref<!tpu.dma_semaphore, #tpu.memory_space<semaphore_mem>>)
      %dma_wait3A = arith.constant 0 : i32
      %dma_wait3A_43 = arith.constant 0 : i32
      %dma_wait3A_44 = tpu.memref_slice %arg2[%add3A, %dma_wait3A, %dma_wait3A_43] : memref<32x125x80xi32, #tpu.memory_space<hbm>> -> memref<1x125x80xi32, #tpu.memory_space<hbm>>
      %dma_wait3A_45 = tpu.memref_squeeze %dma_wait3A_44 : memref<1x125x80xi32, #tpu.memory_space<hbm>> -> memref<125x80xi32, #tpu.memory_space<hbm>>
      %dma_wait3A_46 = arith.constant 0 : i32
      %dma_wait3A_47 = arith.constant 0 : i32
      %dma_wait3A_48 = tpu.memref_slice %arg2[%add3A, %dma_wait3A_46, %dma_wait3A_47] : memref<32x125x80xi32, #tpu.memory_space<hbm>> -> memref<1x125x80xi32, #tpu.memory_space<hbm>>
      %dma_wait3A_49 = tpu.memref_squeeze %dma_wait3A_48 : memref<1x125x80xi32, #tpu.memory_space<hbm>> -> memref<125x80xi32, #tpu.memory_space<hbm>>
      tpu.wait_dma2 semaphore(%run_scoped3A : memref<!tpu.dma_semaphore, #tpu.memory_space<semaphore_mem>>) src(%dma_wait3A_49 : memref<125x80xi32, #tpu.memory_space<hbm>>) dst(%arg4 : memref<125x80xi32, #tpu.memory_space<vmem>>)
      tpu.yield
    }) : () -> ()
    %barrier3A = arith.constant 0 : index
    tpu.barrier barrier_id(%barrier3A)
    %scan3A_24 = arith.constant 0 : i32
    %scan3A_25 = arith.constant 0 : i32
    %scan3A_26 = arith.constant 125 : i32
    %scan3A_27 = arith.addi %scan3A_25, %scan3A_26 : i32
    %scan3A_28 = arith.constant 1 : i32
    %scan3A_29 = scf.for %scan3A_36 = %scan3A_25 to %scan3A_27 step %scan3A_28 iter_args(%scan3A_37 = %scan3A_24) -> (i32)  : i32 {
      "tpu.region"() ({
        %run_scoped3A = tpu.sem_alloc : memref<!tpu.dma_semaphore, #tpu.memory_space<semaphore_mem>>
        %dma_start3A = arith.constant 0 : i32
        %dma_start3A_39 = tpu.memref_slice %arg4[%scan3A_36, %dma_start3A] : memref<125x80xi32, #tpu.memory_space<vmem>> -> memref<1x80xi32, #tpu.memory_space<vmem>>
        %dma_start3A_40 = tpu.memref_squeeze %dma_start3A_39 : memref<1x80xi32, #tpu.memory_space<vmem>> -> memref<80xi32, #tpu.memory_space<vmem>>
        %dma_start3A_41 = arith.constant 0 : i32
        %dma_start3A_42 = arith.constant 0 : i32
        %dma_start3A_43 = tpu.memref_slice %arg7[%dma_start3A_41, %dma_start3A_42] : memref<10112x16xf32, #tpu.memory_space<vmem_shared>> -> memref<10112x16xf32, #tpu.memory_space<vmem_shared>>
        tpu.enqueue_indirect_dma source(%arg5 : memref<80x16xf32, #tpu.memory_space<vmem>>) target(%dma_start3A_43 : memref<10112x16xf32, #tpu.memory_space<vmem_shared>>) offsets(%dma_start3A_40 : memref<80xi32, #tpu.memory_space<vmem>>) semaphore(%run_scoped3A : memref<!tpu.dma_semaphore, #tpu.memory_space<semaphore_mem>>) {add = true}
        %dma_wait3A = arith.constant 0 : i32
        %dma_wait3A_44 = tpu.memref_slice %arg4[%scan3A_36, %dma_wait3A] : memref<125x80xi32, #tpu.memory_space<vmem>> -> memref<1x80xi32, #tpu.memory_space<vmem>>
        %dma_wait3A_45 = tpu.memref_squeeze %dma_wait3A_44 : memref<1x80xi32, #tpu.memory_space<vmem>> -> memref<80xi32, #tpu.memory_space<vmem>>
        %dma_wait3A_46 = arith.constant 0 : i32
        %dma_wait3A_47 = arith.constant 0 : i32
        %dma_wait3A_48 = tpu.memref_slice %arg7[%dma_wait3A_46, %dma_wait3A_47] : memref<10112x16xf32, #tpu.memory_space<vmem_shared>> -> memref<10112x16xf32, #tpu.memory_space<vmem_shared>>
        tpu.wait_indirect_dma semaphore(%run_scoped3A : memref<!tpu.dma_semaphore, #tpu.memory_space<semaphore_mem>>) src(%arg5 : memref<80x16xf32, #tpu.memory_space<vmem>>) dst(%dma_wait3A_48 : memref<10112x16xf32, #tpu.memory_space<vmem_shared>>)
        tpu.yield
      }) : () -> ()
      %scan3A_38 = arith.constant 0 : i32
      scf.yield %scan3A_38 : i32
    }
    %scan3A_30 = arith.constant 125 : i32
    %barrier3A_31 = arith.constant 0 : index
    tpu.barrier barrier_id(%barrier3A_31)
    %mul3A_32 = arith.constant 632 : i32
    %mul3A_33 = arith.muli %arg1, %mul3A_32 : i32
    %mul3A_34 = arith.constant 632 : i32
    %mul3A_35 = arith.muli %arg1, %mul3A_34 : i32
    "tpu.region"() ({
      %run_scoped3A = tpu.sem_alloc : memref<!tpu.dma_semaphore, #tpu.memory_space<semaphore_mem>>
      %dma_start3A = arith.constant 0 : i32
      %dma_start3A_36 = tpu.memref_slice %arg3[%arg0, %mul3A_35, %dma_start3A] : memref<2x10112x16xf32, #tpu.memory_space<hbm>> -> memref<1x632x16xf32, #tpu.memory_space<hbm>>
      %dma_start3A_37 = tpu.memref_squeeze %dma_start3A_36 : memref<1x632x16xf32, #tpu.memory_space<hbm>> -> memref<632x16xf32, #tpu.memory_space<hbm>>
      %dma_start3A_38 = arith.constant 0 : i32
      %dma_start3A_39 = tpu.memref_slice %arg7[%mul3A_33, %dma_start3A_38] : memref<10112x16xf32, #tpu.memory_space<vmem_shared>> -> memref<632x16xf32, #tpu.memory_space<vmem_shared>>
      tpu.enqueue_dma source(%dma_start3A_39 : memref<632x16xf32, #tpu.memory_space<vmem_shared>>) target(%dma_start3A_37 : memref<632x16xf32, #tpu.memory_space<hbm>>) target_semaphore(%run_scoped3A : memref<!tpu.dma_semaphore, #tpu.memory_space<semaphore_mem>>)
      %dma_wait3A = arith.constant 0 : i32
      %dma_wait3A_40 = tpu.memref_slice %arg3[%arg0, %mul3A_35, %dma_wait3A] : memref<2x10112x16xf32, #tpu.memory_space<hbm>> -> memref<1x632x16xf32, #tpu.memory_space<hbm>>
      %dma_wait3A_41 = tpu.memref_squeeze %dma_wait3A_40 : memref<1x632x16xf32, #tpu.memory_space<hbm>> -> memref<632x16xf32, #tpu.memory_space<hbm>>
      %dma_wait3A_42 = arith.constant 0 : i32
      %dma_wait3A_43 = tpu.memref_slice %arg7[%mul3A_33, %dma_wait3A_42] : memref<10112x16xf32, #tpu.memory_space<vmem_shared>> -> memref<632x16xf32, #tpu.memory_space<vmem_shared>>
      tpu.wait_dma2 semaphore(%run_scoped3A : memref<!tpu.dma_semaphore, #tpu.memory_space<semaphore_mem>>) src(%dma_wait3A_43 : memref<632x16xf32, #tpu.memory_space<vmem_shared>>) dst(%dma_wait3A_41 : memref<632x16xf32, #tpu.memory_space<hbm>>)
      tpu.yield
    }) : () -> ()
    return
  }
}

#map = affine_map<(d0, d1) -> (0, 0)>
#map1 = affine_map<(d0, d1) -> (0, 0, 0)>
module attributes {stable_mosaic.version = 14 : i64} {
  func.func @edge_kernel(%arg0: i32, %arg1: i32, %arg2: memref<10000x64xf32, #tpu.memory_space<hbm>>, %arg3: memref<10000x64xf32, #tpu.memory_space<hbm>>, %arg4: memref<16x250x80xi32, #tpu.memory_space<hbm>>, %arg5: memref<16x250x80xi32, #tpu.memory_space<hbm>>, %arg6: memref<2x10112x64xf32, #tpu.memory_space<hbm>>, %arg7: memref<250x80xi32, #tpu.memory_space<vmem>>, %arg8: memref<250x80xi32, #tpu.memory_space<vmem>>, %arg9: memref<80x64xf32, #tpu.memory_space<vmem>>, %arg10: memref<80x64xf32, #tpu.memory_space<vmem>>, %arg11: memref<80x64xf32, #tpu.memory_space<vmem>>, %arg12: memref<80x64xf32, #tpu.memory_space<vmem>>, %arg13: memref<80x64xf32, #tpu.memory_space<vmem>>, %arg14: memref<80x64xf32, #tpu.memory_space<vmem>>, %arg15: memref<79x64xf32, #tpu.memory_space<vmem>>, %arg16: memref<10112x64xf32, #tpu.memory_space<vmem_shared>>, %arg17: memref<!tpu.dma_semaphore, #tpu.memory_space<semaphore_mem>>, %arg18: memref<!tpu.dma_semaphore, #tpu.memory_space<semaphore_mem>>, %arg19: memref<!tpu.dma_semaphore, #tpu.memory_space<semaphore_mem>>, %arg20: memref<!tpu.dma_semaphore, #tpu.memory_space<semaphore_mem>>, %arg21: memref<!tpu.dma_semaphore, #tpu.memory_space<semaphore_mem>>, %arg22: memref<!tpu.dma_semaphore, #tpu.memory_space<semaphore_mem>>, %arg23: memref<!tpu.dma_semaphore, #tpu.memory_space<semaphore_mem>>, %arg24: memref<!tpu.dma_semaphore, #tpu.memory_space<semaphore_mem>>, %arg25: memref<!tpu.dma_semaphore, #tpu.memory_space<semaphore_mem>>, %arg26: memref<!tpu.dma_semaphore, #tpu.memory_space<semaphore_mem>>, %arg27: memref<!tpu.dma_semaphore, #tpu.memory_space<semaphore_mem>>, %arg28: memref<!tpu.dma_semaphore, #tpu.memory_space<semaphore_mem>>) attributes {dimension_semantics = [#tpu.dimension_semantics<core_parallel>, #tpu.dimension_semantics<subcore_parallel>], iteration_bounds = array<i64: 2, 16>, scalar_prefetch = 0 : i64, scratch_operands = 22 : i64, tpu.core_type = #tpu.core_type<sc_vector_subcore>, window_params = [{transform_indices = #map}, {transform_indices = #map}, {transform_indices = #map1}, {transform_indices = #map1}, {transform_indices = #map1}]} {
    %broadcast_in_dim3A = arith.constant 0.000000e+00 : f32
    %broadcast_in_dim3A_0 = vector.broadcast %broadcast_in_dim3A : f32 to vector<16xf32>
    %scan3A = arith.constant 0 : i32
    %scan3A_1 = arith.constant 0 : i32
    %scan3A_2 = arith.constant 79 : i32
    %scan3A_3 = arith.addi %scan3A_1, %scan3A_2 : i32
    %scan3A_4 = arith.constant 1 : i32
    %scan3A_5 = scf.for %scan3A_25 = %scan3A_1 to %scan3A_3 step %scan3A_4 iter_args(%scan3A_26 = %scan3A) -> (i32)  : i32 {
      %scan3A_27 = arith.constant 0 : i32
      %scan3A_28 = arith.constant 0 : i32
      %scan3A_29 = arith.constant 4 : i32
      %scan3A_30 = arith.addi %scan3A_28, %scan3A_29 : i32
      %scan3A_31 = arith.constant 1 : i32
      %scan3A_32 = scf.for %scan3A_35 = %scan3A_28 to %scan3A_30 step %scan3A_31 iter_args(%scan3A_36 = %scan3A_27) -> (i32)  : i32 {
        %mul3A_37 = arith.constant 16 : i32
        %mul3A_38 = arith.muli %scan3A_35, %mul3A_37 : i32
        %swap3A = arith.index_cast %scan3A_25 : i32 to index
        %swap3A_39 = arith.index_cast %mul3A_38 : i32 to index
        %swap3A_40 = tpu.vector_load %arg15[%swap3A, %swap3A_39] {strides = array<i32>} : memref<79x64xf32, #tpu.memory_space<vmem>>, vector<1x16xf32>,
        %swap3A_41 = vector.shape_cast %swap3A_40 : vector<1x16xf32> to vector<16xf32>
        %swap3A_42 = vector.shape_cast %broadcast_in_dim3A_0 : vector<16xf32> to vector<1x16xf32>
        tpu.vector_store %arg15[%swap3A, %swap3A_39], %swap3A_42 {strides = array<i32>} : memref<79x64xf32, #tpu.memory_space<vmem>>, vector<1x16xf32>,
        %scan3A_43 = arith.constant 0 : i32
        scf.yield %scan3A_43 : i32
      }
      %scan3A_33 = arith.constant 4 : i32
      %scan3A_34 = arith.constant 0 : i32
      scf.yield %scan3A_34 : i32
    }
    %scan3A_6 = arith.constant 79 : i32
    %scan3A_7 = arith.constant 0 : i32
    %scan3A_8 = arith.constant 0 : i32
    %scan3A_9 = arith.constant 8 : i32
    %scan3A_10 = arith.addi %scan3A_8, %scan3A_9 : i32
    %scan3A_11 = arith.constant 1 : i32
    %scan3A_12 = scf.for %scan3A_25 = %scan3A_8 to %scan3A_10 step %scan3A_11 iter_args(%scan3A_26 = %scan3A_7) -> (i32)  : i32 {
      %mul3A_27 = arith.constant 632 : i32
      %mul3A_28 = arith.muli %arg1, %mul3A_27 : i32
      %mul3A_29 = arith.constant 79 : i32
      %mul3A_30 = arith.muli %scan3A_25, %mul3A_29 : i32
      %add3A = arith.addi %mul3A_28, %mul3A_30 : i32
      "tpu.region"() ({
        %run_scoped3A = tpu.sem_alloc : memref<!tpu.dma_semaphore, #tpu.memory_space<semaphore_mem>>
        %dma_start3A = arith.constant 0 : i32
        %dma_start3A_32 = tpu.memref_slice %arg16[%add3A, %dma_start3A] : memref<10112x64xf32, #tpu.memory_space<vmem_shared>> -> memref<79x64xf32, #tpu.memory_space<vmem_shared>>
        %dma_start3A_33 = arith.constant 0 : i32
        %dma_start3A_34 = tpu.memref_slice %arg16[%add3A, %dma_start3A_33] : memref<10112x64xf32, #tpu.memory_space<vmem_shared>> -> memref<79x64xf32, #tpu.memory_space<vmem_shared>>
        tpu.enqueue_dma source(%arg15 : memref<79x64xf32, #tpu.memory_space<vmem>>) target(%dma_start3A_34 : memref<79x64xf32, #tpu.memory_space<vmem_shared>>) target_semaphore(%run_scoped3A : memref<!tpu.dma_semaphore, #tpu.memory_space<semaphore_mem>>)
        %dma_wait3A = arith.constant 0 : i32
        %dma_wait3A_35 = tpu.memref_slice %arg16[%add3A, %dma_wait3A] : memref<10112x64xf32, #tpu.memory_space<vmem_shared>> -> memref<79x64xf32, #tpu.memory_space<vmem_shared>>
        %dma_wait3A_36 = arith.constant 0 : i32
        %dma_wait3A_37 = tpu.memref_slice %arg16[%add3A, %dma_wait3A_36] : memref<10112x64xf32, #tpu.memory_space<vmem_shared>> -> memref<79x64xf32, #tpu.memory_space<vmem_shared>>
        tpu.wait_dma2 semaphore(%run_scoped3A : memref<!tpu.dma_semaphore, #tpu.memory_space<semaphore_mem>>) src(%arg15 : memref<79x64xf32, #tpu.memory_space<vmem>>) dst(%dma_wait3A_37 : memref<79x64xf32, #tpu.memory_space<vmem_shared>>)
        tpu.yield
      }) : () -> ()
      %scan3A_31 = arith.constant 0 : i32
      scf.yield %scan3A_31 : i32
    }
    %scan3A_13 = arith.constant 8 : i32
    "tpu.region"() ({
      %run_scoped3A = tpu.sem_alloc : memref<!tpu.dma_semaphore, #tpu.memory_space<semaphore_mem>>
      %dma_start3A = arith.constant 0 : i32
      %dma_start3A_25 = arith.constant 0 : i32
      %dma_start3A_26 = tpu.memref_slice %arg4[%arg1, %dma_start3A, %dma_start3A_25] : memref<16x250x80xi32, #tpu.memory_space<hbm>> -> memref<1x250x80xi32, #tpu.memory_space<hbm>>
      %dma_start3A_27 = tpu.memref_squeeze %dma_start3A_26 : memref<1x250x80xi32, #tpu.memory_space<hbm>> -> memref<250x80xi32, #tpu.memory_space<hbm>>
      %dma_start3A_28 = arith.constant 0 : i32
      %dma_start3A_29 = arith.constant 0 : i32
      %dma_start3A_30 = tpu.memref_slice %arg4[%arg1, %dma_start3A_28, %dma_start3A_29] : memref<16x250x80xi32, #tpu.memory_space<hbm>> -> memref<1x250x80xi32, #tpu.memory_space<hbm>>
      %dma_start3A_31 = tpu.memref_squeeze %dma_start3A_30 : memref<1x250x80xi32, #tpu.memory_space<hbm>> -> memref<250x80xi32, #tpu.memory_space<hbm>>
      tpu.enqueue_dma source(%dma_start3A_31 : memref<250x80xi32, #tpu.memory_space<hbm>>) target(%arg7 : memref<250x80xi32, #tpu.memory_space<vmem>>) target_semaphore(%run_scoped3A : memref<!tpu.dma_semaphore, #tpu.memory_space<semaphore_mem>>)
      %dma_wait3A = arith.constant 0 : i32
      %dma_wait3A_32 = arith.constant 0 : i32
      %dma_wait3A_33 = tpu.memref_slice %arg4[%arg1, %dma_wait3A, %dma_wait3A_32] : memref<16x250x80xi32, #tpu.memory_space<hbm>> -> memref<1x250x80xi32, #tpu.memory_space<hbm>>
      %dma_wait3A_34 = tpu.memref_squeeze %dma_wait3A_33 : memref<1x250x80xi32, #tpu.memory_space<hbm>> -> memref<250x80xi32, #tpu.memory_space<hbm>>
      %dma_wait3A_35 = arith.constant 0 : i32
      %dma_wait3A_36 = arith.constant 0 : i32
      %dma_wait3A_37 = tpu.memref_slice %arg4[%arg1, %dma_wait3A_35, %dma_wait3A_36] : memref<16x250x80xi32, #tpu.memory_space<hbm>> -> memref<1x250x80xi32, #tpu.memory_space<hbm>>
      %dma_wait3A_38 = tpu.memref_squeeze %dma_wait3A_37 : memref<1x250x80xi32, #tpu.memory_space<hbm>> -> memref<250x80xi32, #tpu.memory_space<hbm>>
      tpu.wait_dma2 semaphore(%run_scoped3A : memref<!tpu.dma_semaphore, #tpu.memory_space<semaphore_mem>>) src(%dma_wait3A_38 : memref<250x80xi32, #tpu.memory_space<hbm>>) dst(%arg7 : memref<250x80xi32, #tpu.memory_space<vmem>>)
      tpu.yield
    }) : () -> ()
    "tpu.region"() ({
      %run_scoped3A = tpu.sem_alloc : memref<!tpu.dma_semaphore, #tpu.memory_space<semaphore_mem>>
      %dma_start3A = arith.constant 0 : i32
      %dma_start3A_25 = arith.constant 0 : i32
      %dma_start3A_26 = tpu.memref_slice %arg5[%arg1, %dma_start3A, %dma_start3A_25] : memref<16x250x80xi32, #tpu.memory_space<hbm>> -> memref<1x250x80xi32, #tpu.memory_space<hbm>>
      %dma_start3A_27 = tpu.memref_squeeze %dma_start3A_26 : memref<1x250x80xi32, #tpu.memory_space<hbm>> -> memref<250x80xi32, #tpu.memory_space<hbm>>
      %dma_start3A_28 = arith.constant 0 : i32
      %dma_start3A_29 = arith.constant 0 : i32
      %dma_start3A_30 = tpu.memref_slice %arg5[%arg1, %dma_start3A_28, %dma_start3A_29] : memref<16x250x80xi32, #tpu.memory_space<hbm>> -> memref<1x250x80xi32, #tpu.memory_space<hbm>>
      %dma_start3A_31 = tpu.memref_squeeze %dma_start3A_30 : memref<1x250x80xi32, #tpu.memory_space<hbm>> -> memref<250x80xi32, #tpu.memory_space<hbm>>
      tpu.enqueue_dma source(%dma_start3A_31 : memref<250x80xi32, #tpu.memory_space<hbm>>) target(%arg8 : memref<250x80xi32, #tpu.memory_space<vmem>>) target_semaphore(%run_scoped3A : memref<!tpu.dma_semaphore, #tpu.memory_space<semaphore_mem>>)
      %dma_wait3A = arith.constant 0 : i32
      %dma_wait3A_32 = arith.constant 0 : i32
      %dma_wait3A_33 = tpu.memref_slice %arg5[%arg1, %dma_wait3A, %dma_wait3A_32] : memref<16x250x80xi32, #tpu.memory_space<hbm>> -> memref<1x250x80xi32, #tpu.memory_space<hbm>>
      %dma_wait3A_34 = tpu.memref_squeeze %dma_wait3A_33 : memref<1x250x80xi32, #tpu.memory_space<hbm>> -> memref<250x80xi32, #tpu.memory_space<hbm>>
      %dma_wait3A_35 = arith.constant 0 : i32
      %dma_wait3A_36 = arith.constant 0 : i32
      %dma_wait3A_37 = tpu.memref_slice %arg5[%arg1, %dma_wait3A_35, %dma_wait3A_36] : memref<16x250x80xi32, #tpu.memory_space<hbm>> -> memref<1x250x80xi32, #tpu.memory_space<hbm>>
      %dma_wait3A_38 = tpu.memref_squeeze %dma_wait3A_37 : memref<1x250x80xi32, #tpu.memory_space<hbm>> -> memref<250x80xi32, #tpu.memory_space<hbm>>
      tpu.wait_dma2 semaphore(%run_scoped3A : memref<!tpu.dma_semaphore, #tpu.memory_space<semaphore_mem>>) src(%dma_wait3A_38 : memref<250x80xi32, #tpu.memory_space<hbm>>) dst(%arg8 : memref<250x80xi32, #tpu.memory_space<vmem>>)
      tpu.yield
    }) : () -> ()
    %barrier3A = arith.constant 0 : index
    tpu.barrier barrier_id(%barrier3A)
    %eq3A = arith.constant 0 : i32
    %eq3A_14 = arith.cmpi eq, %arg0, %eq3A : i32
    %convert_element_type3A = arith.extui %eq3A_14 : i1 to i32
    %cond3A = arith.constant 0 : i32
    %cond3A_15 = arith.cmpi ne, %convert_element_type3A, %cond3A : i32
    scf.if %cond3A_15 {
      %dma_start3A = arith.constant 0 : i32
      %dma_start3A_25 = arith.constant 0 : i32
      %dma_start3A_26 = tpu.memref_slice %arg7[%dma_start3A, %dma_start3A_25] : memref<250x80xi32, #tpu.memory_space<vmem>> -> memref<1x80xi32, #tpu.memory_space<vmem>>
      %dma_start3A_27 = tpu.memref_squeeze %dma_start3A_26 : memref<1x80xi32, #tpu.memory_space<vmem>> -> memref<80xi32, #tpu.memory_space<vmem>>
      %dma_start3A_28 = arith.constant 0 : i32
      %dma_start3A_29 = arith.constant 0 : i32
      %dma_start3A_30 = tpu.memref_slice %arg2[%dma_start3A_28, %dma_start3A_29] : memref<10000x64xf32, #tpu.memory_space<hbm>> -> memref<10000x64xf32, #tpu.memory_space<hbm>>
      tpu.enqueue_indirect_dma source(%dma_start3A_30 : memref<10000x64xf32, #tpu.memory_space<hbm>>) target(%arg9 : memref<80x64xf32, #tpu.memory_space<vmem>>) offsets(%dma_start3A_27 : memref<80xi32, #tpu.memory_space<vmem>>) semaphore(%arg17 : memref<!tpu.dma_semaphore, #tpu.memory_space<semaphore_mem>>)
      %dma_start3A_31 = arith.constant 1 : i32
      %dma_start3A_32 = arith.constant 0 : i32
      %dma_start3A_33 = tpu.memref_slice %arg7[%dma_start3A_31, %dma_start3A_32] : memref<250x80xi32, #tpu.memory_space<vmem>> -> memref<1x80xi32, #tpu.memory_space<vmem>>
      %dma_start3A_34 = tpu.memref_squeeze %dma_start3A_33 : memref<1x80xi32, #tpu.memory_space<vmem>> -> memref<80xi32, #tpu.memory_space<vmem>>
      %dma_start3A_35 = arith.constant 0 : i32
      %dma_start3A_36 = arith.constant 0 : i32
      %dma_start3A_37 = tpu.memref_slice %arg2[%dma_start3A_35, %dma_start3A_36] : memref<10000x64xf32, #tpu.memory_space<hbm>> -> memref<10000x64xf32, #tpu.memory_space<hbm>>
      tpu.enqueue_indirect_dma source(%dma_start3A_37 : memref<10000x64xf32, #tpu.memory_space<hbm>>) target(%arg10 : memref<80x64xf32, #tpu.memory_space<vmem>>) offsets(%dma_start3A_34 : memref<80xi32, #tpu.memory_space<vmem>>) semaphore(%arg18 : memref<!tpu.dma_semaphore, #tpu.memory_space<semaphore_mem>>)
      %dma_start3A_38 = arith.constant 2 : i32
      %dma_start3A_39 = arith.constant 0 : i32
      %dma_start3A_40 = tpu.memref_slice %arg7[%dma_start3A_38, %dma_start3A_39] : memref<250x80xi32, #tpu.memory_space<vmem>> -> memref<1x80xi32, #tpu.memory_space<vmem>>
      %dma_start3A_41 = tpu.memref_squeeze %dma_start3A_40 : memref<1x80xi32, #tpu.memory_space<vmem>> -> memref<80xi32, #tpu.memory_space<vmem>>
      %dma_start3A_42 = arith.constant 0 : i32
      %dma_start3A_43 = arith.constant 0 : i32
      %dma_start3A_44 = tpu.memref_slice %arg2[%dma_start3A_42, %dma_start3A_43] : memref<10000x64xf32, #tpu.memory_space<hbm>> -> memref<10000x64xf32, #tpu.memory_space<hbm>>
      tpu.enqueue_indirect_dma source(%dma_start3A_44 : memref<10000x64xf32, #tpu.memory_space<hbm>>) target(%arg11 : memref<80x64xf32, #tpu.memory_space<vmem>>) offsets(%dma_start3A_41 : memref<80xi32, #tpu.memory_space<vmem>>) semaphore(%arg19 : memref<!tpu.dma_semaphore, #tpu.memory_space<semaphore_mem>>)
      %dma_start3A_45 = arith.constant 3 : i32
      %dma_start3A_46 = arith.constant 0 : i32
      %dma_start3A_47 = tpu.memref_slice %arg7[%dma_start3A_45, %dma_start3A_46] : memref<250x80xi32, #tpu.memory_space<vmem>> -> memref<1x80xi32, #tpu.memory_space<vmem>>
      %dma_start3A_48 = tpu.memref_squeeze %dma_start3A_47 : memref<1x80xi32, #tpu.memory_space<vmem>> -> memref<80xi32, #tpu.memory_space<vmem>>
      %dma_start3A_49 = arith.constant 0 : i32
      %dma_start3A_50 = arith.constant 0 : i32
      %dma_start3A_51 = tpu.memref_slice %arg2[%dma_start3A_49, %dma_start3A_50] : memref<10000x64xf32, #tpu.memory_space<hbm>> -> memref<10000x64xf32, #tpu.memory_space<hbm>>
      tpu.enqueue_indirect_dma source(%dma_start3A_51 : memref<10000x64xf32, #tpu.memory_space<hbm>>) target(%arg12 : memref<80x64xf32, #tpu.memory_space<vmem>>) offsets(%dma_start3A_48 : memref<80xi32, #tpu.memory_space<vmem>>) semaphore(%arg20 : memref<!tpu.dma_semaphore, #tpu.memory_space<semaphore_mem>>)
      %dma_start3A_52 = arith.constant 4 : i32
      %dma_start3A_53 = arith.constant 0 : i32
      %dma_start3A_54 = tpu.memref_slice %arg7[%dma_start3A_52, %dma_start3A_53] : memref<250x80xi32, #tpu.memory_space<vmem>> -> memref<1x80xi32, #tpu.memory_space<vmem>>
      %dma_start3A_55 = tpu.memref_squeeze %dma_start3A_54 : memref<1x80xi32, #tpu.memory_space<vmem>> -> memref<80xi32, #tpu.memory_space<vmem>>
      %dma_start3A_56 = arith.constant 0 : i32
      %dma_start3A_57 = arith.constant 0 : i32
      %dma_start3A_58 = tpu.memref_slice %arg2[%dma_start3A_56, %dma_start3A_57] : memref<10000x64xf32, #tpu.memory_space<hbm>> -> memref<10000x64xf32, #tpu.memory_space<hbm>>
      tpu.enqueue_indirect_dma source(%dma_start3A_58 : memref<10000x64xf32, #tpu.memory_space<hbm>>) target(%arg13 : memref<80x64xf32, #tpu.memory_space<vmem>>) offsets(%dma_start3A_55 : memref<80xi32, #tpu.memory_space<vmem>>) semaphore(%arg21 : memref<!tpu.dma_semaphore, #tpu.memory_space<semaphore_mem>>)
      %scan3A_59 = arith.constant 0 : i32
      %scan3A_60 = arith.constant 0 : i32
      %scan3A_61 = arith.constant 42 : i32
      %scan3A_62 = arith.addi %scan3A_60, %scan3A_61 : i32
      %scan3A_63 = arith.constant 1 : i32
      %scan3A_64 = scf.for %scan3A_107 = %scan3A_60 to %scan3A_62 step %scan3A_63 iter_args(%scan3A_108 = %scan3A_59) -> (i32)  : i32 {
        %mul3A_109 = arith.constant 6 : i32
        %mul3A_110 = arith.muli %scan3A_107, %mul3A_109 : i32
        %add3A = arith.constant 0 : i32
        %add3A_111 = arith.addi %mul3A_110, %add3A : i32
        %lt3A = arith.constant 250 : i32
        %lt3A_112 = arith.cmpi slt, %add3A_111, %lt3A : i32
        %convert_element_type3A_113 = arith.extui %lt3A_112 : i1 to i32
        %cond3A_114 = arith.constant 0 : i32
        %cond3A_115 = arith.cmpi ne, %convert_element_type3A_113, %cond3A_114 : i32
        scf.if %cond3A_115 {
          %dma_wait3A_162 = arith.constant 0 : i32
          %dma_wait3A_163 = tpu.memref_slice %arg7[%add3A_111, %dma_wait3A_162] : memref<250x80xi32, #tpu.memory_space<vmem>> -> memref<1x80xi32, #tpu.memory_space<vmem>>
          %dma_wait3A_164 = tpu.memref_squeeze %dma_wait3A_163 : memref<1x80xi32, #tpu.memory_space<vmem>> -> memref<80xi32, #tpu.memory_space<vmem>>
          %dma_wait3A_165 = arith.constant 0 : i32
          %dma_wait3A_166 = arith.constant 0 : i32
          %dma_wait3A_167 = tpu.memref_slice %arg2[%dma_wait3A_165, %dma_wait3A_166] : memref<10000x64xf32, #tpu.memory_space<hbm>> -> memref<10000x64xf32, #tpu.memory_space<hbm>>
          tpu.wait_indirect_dma semaphore(%arg17 : memref<!tpu.dma_semaphore, #tpu.memory_space<semaphore_mem>>) src(%dma_wait3A_167 : memref<10000x64xf32, #tpu.memory_space<hbm>>) dst(%arg9 : memref<80x64xf32, #tpu.memory_space<vmem>>)
          %add3A_168 = arith.constant 5 : i32
          %add3A_169 = arith.addi %add3A_111, %add3A_168 : i32
          %lt3A_170 = arith.constant 250 : i32
          %lt3A_171 = arith.cmpi slt, %add3A_169, %lt3A_170 : i32
          %convert_element_type3A_172 = arith.extui %lt3A_171 : i1 to i32
          %cond3A_173 = arith.constant 0 : i32
          %cond3A_174 = arith.cmpi ne, %convert_element_type3A_172, %cond3A_173 : i32
          scf.if %cond3A_174 {
            %ge3A = arith.constant 1 : i32
            %ge3A_181 = arith.cmpi sge, %add3A_111, %ge3A : i32
            %convert_element_type3A_182 = arith.extui %ge3A_181 : i1 to i32
            %cond3A_183 = arith.constant 0 : i32
            %cond3A_184 = arith.cmpi ne, %convert_element_type3A_182, %cond3A_183 : i32
            scf.if %cond3A_184 {
              %sub3A = arith.constant 1 : i32
              %sub3A_193 = arith.subi %add3A_111, %sub3A : i32
              %dma_wait3A_194 = arith.constant 0 : i32
              %dma_wait3A_195 = tpu.memref_slice %arg8[%sub3A_193, %dma_wait3A_194] : memref<250x80xi32, #tpu.memory_space<vmem>> -> memref<1x80xi32, #tpu.memory_space<vmem>>
              %dma_wait3A_196 = tpu.memref_squeeze %dma_wait3A_195 : memref<1x80xi32, #tpu.memory_space<vmem>> -> memref<80xi32, #tpu.memory_space<vmem>>
              %dma_wait3A_197 = arith.constant 0 : i32
              %dma_wait3A_198 = arith.constant 0 : i32
              %dma_wait3A_199 = tpu.memref_slice %arg16[%dma_wait3A_197, %dma_wait3A_198] : memref<10112x64xf32, #tpu.memory_space<vmem_shared>> -> memref<10112x64xf32, #tpu.memory_space<vmem_shared>>
              tpu.wait_indirect_dma semaphore(%arg28 : memref<!tpu.dma_semaphore, #tpu.memory_space<semaphore_mem>>) src(%arg14 : memref<80x64xf32, #tpu.memory_space<vmem>>) dst(%dma_wait3A_199 : memref<10112x64xf32, #tpu.memory_space<vmem_shared>>)
            } else {
            }
            %add3A_185 = arith.constant 5 : i32
            %add3A_186 = arith.addi %add3A_111, %add3A_185 : i32
            %dma_start3A_187 = arith.constant 0 : i32
            %dma_start3A_188 = tpu.memref_slice %arg7[%add3A_186, %dma_start3A_187] : memref<250x80xi32, #tpu.memory_space<vmem>> -> memref<1x80xi32, #tpu.memory_space<vmem>>
            %dma_start3A_189 = tpu.memref_squeeze %dma_start3A_188 : memref<1x80xi32, #tpu.memory_space<vmem>> -> memref<80xi32, #tpu.memory_space<vmem>>
            %dma_start3A_190 = arith.constant 0 : i32
            %dma_start3A_191 = arith.constant 0 : i32
            %dma_start3A_192 = tpu.memref_slice %arg2[%dma_start3A_190, %dma_start3A_191] : memref<10000x64xf32, #tpu.memory_space<hbm>> -> memref<10000x64xf32, #tpu.memory_space<hbm>>
            tpu.enqueue_indirect_dma source(%dma_start3A_192 : memref<10000x64xf32, #tpu.memory_space<hbm>>) target(%arg14 : memref<80x64xf32, #tpu.memory_space<vmem>>) offsets(%dma_start3A_189 : memref<80xi32, #tpu.memory_space<vmem>>) semaphore(%arg22 : memref<!tpu.dma_semaphore, #tpu.memory_space<semaphore_mem>>)
          } else {
          }
          %dma_start3A_175 = arith.constant 0 : i32
          %dma_start3A_176 = tpu.memref_slice %arg8[%add3A_111, %dma_start3A_175] : memref<250x80xi32, #tpu.memory_space<vmem>> -> memref<1x80xi32, #tpu.memory_space<vmem>>
          %dma_start3A_177 = tpu.memref_squeeze %dma_start3A_176 : memref<1x80xi32, #tpu.memory_space<vmem>> -> memref<80xi32, #tpu.memory_space<vmem>>
          %dma_start3A_178 = arith.constant 0 : i32
          %dma_start3A_179 = arith.constant 0 : i32
          %dma_start3A_180 = tpu.memref_slice %arg16[%dma_start3A_178, %dma_start3A_179] : memref<10112x64xf32, #tpu.memory_space<vmem_shared>> -> memref<10112x64xf32, #tpu.memory_space<vmem_shared>>
          tpu.enqueue_indirect_dma source(%arg9 : memref<80x64xf32, #tpu.memory_space<vmem>>) target(%dma_start3A_180 : memref<10112x64xf32, #tpu.memory_space<vmem_shared>>) offsets(%dma_start3A_177 : memref<80xi32, #tpu.memory_space<vmem>>) semaphore(%arg23 : memref<!tpu.dma_semaphore, #tpu.memory_space<semaphore_mem>>) {add = true}
        } else {
        }
        %mul3A_116 = arith.constant 6 : i32
        %mul3A_117 = arith.muli %scan3A_107, %mul3A_116 : i32
        %add3A_118 = arith.constant 1 : i32
        %add3A_119 = arith.addi %mul3A_117, %add3A_118 : i32
        %lt3A_120 = arith.constant 250 : i32
        %lt3A_121 = arith.cmpi slt, %add3A_119, %lt3A_120 : i32
        %convert_element_type3A_122 = arith.extui %lt3A_121 : i1 to i32
        %cond3A_123 = arith.constant 0 : i32
        %cond3A_124 = arith.cmpi ne, %convert_element_type3A_122, %cond3A_123 : i32
        scf.if %cond3A_124 {
          %dma_wait3A_162 = arith.constant 0 : i32
          %dma_wait3A_163 = tpu.memref_slice %arg7[%add3A_119, %dma_wait3A_162] : memref<250x80xi32, #tpu.memory_space<vmem>> -> memref<1x80xi32, #tpu.memory_space<vmem>>
          %dma_wait3A_164 = tpu.memref_squeeze %dma_wait3A_163 : memref<1x80xi32, #tpu.memory_space<vmem>> -> memref<80xi32, #tpu.memory_space<vmem>>
          %dma_wait3A_165 = arith.constant 0 : i32
          %dma_wait3A_166 = arith.constant 0 : i32
          %dma_wait3A_167 = tpu.memref_slice %arg2[%dma_wait3A_165, %dma_wait3A_166] : memref<10000x64xf32, #tpu.memory_space<hbm>> -> memref<10000x64xf32, #tpu.memory_space<hbm>>
          tpu.wait_indirect_dma semaphore(%arg18 : memref<!tpu.dma_semaphore, #tpu.memory_space<semaphore_mem>>) src(%dma_wait3A_167 : memref<10000x64xf32, #tpu.memory_space<hbm>>) dst(%arg10 : memref<80x64xf32, #tpu.memory_space<vmem>>)
          %add3A_168 = arith.constant 5 : i32
          %add3A_169 = arith.addi %add3A_119, %add3A_168 : i32
          %lt3A_170 = arith.constant 250 : i32
          %lt3A_171 = arith.cmpi slt, %add3A_169, %lt3A_170 : i32
          %convert_element_type3A_172 = arith.extui %lt3A_171 : i1 to i32
          %cond3A_173 = arith.constant 0 : i32
          %cond3A_174 = arith.cmpi ne, %convert_element_type3A_172, %cond3A_173 : i32
          scf.if %cond3A_174 {
            %ge3A = arith.constant 1 : i32
            %ge3A_181 = arith.cmpi sge, %add3A_119, %ge3A : i32
            %convert_element_type3A_182 = arith.extui %ge3A_181 : i1 to i32
            %cond3A_183 = arith.constant 0 : i32
            %cond3A_184 = arith.cmpi ne, %convert_element_type3A_182, %cond3A_183 : i32
            scf.if %cond3A_184 {
              %sub3A = arith.constant 1 : i32
              %sub3A_193 = arith.subi %add3A_119, %sub3A : i32
              %dma_wait3A_194 = arith.constant 0 : i32
              %dma_wait3A_195 = tpu.memref_slice %arg8[%sub3A_193, %dma_wait3A_194] : memref<250x80xi32, #tpu.memory_space<vmem>> -> memref<1x80xi32, #tpu.memory_space<vmem>>
              %dma_wait3A_196 = tpu.memref_squeeze %dma_wait3A_195 : memref<1x80xi32, #tpu.memory_space<vmem>> -> memref<80xi32, #tpu.memory_space<vmem>>
              %dma_wait3A_197 = arith.constant 0 : i32
              %dma_wait3A_198 = arith.constant 0 : i32
              %dma_wait3A_199 = tpu.memref_slice %arg16[%dma_wait3A_197, %dma_wait3A_198] : memref<10112x64xf32, #tpu.memory_space<vmem_shared>> -> memref<10112x64xf32, #tpu.memory_space<vmem_shared>>
              tpu.wait_indirect_dma semaphore(%arg23 : memref<!tpu.dma_semaphore, #tpu.memory_space<semaphore_mem>>) src(%arg9 : memref<80x64xf32, #tpu.memory_space<vmem>>) dst(%dma_wait3A_199 : memref<10112x64xf32, #tpu.memory_space<vmem_shared>>)
            } else {
            }
            %add3A_185 = arith.constant 5 : i32
            %add3A_186 = arith.addi %add3A_119, %add3A_185 : i32
            %dma_start3A_187 = arith.constant 0 : i32
            %dma_start3A_188 = tpu.memref_slice %arg7[%add3A_186, %dma_start3A_187] : memref<250x80xi32, #tpu.memory_space<vmem>> -> memref<1x80xi32, #tpu.memory_space<vmem>>
            %dma_start3A_189 = tpu.memref_squeeze %dma_start3A_188 : memref<1x80xi32, #tpu.memory_space<vmem>> -> memref<80xi32, #tpu.memory_space<vmem>>
            %dma_start3A_190 = arith.constant 0 : i32
            %dma_start3A_191 = arith.constant 0 : i32
            %dma_start3A_192 = tpu.memref_slice %arg2[%dma_start3A_190, %dma_start3A_191] : memref<10000x64xf32, #tpu.memory_space<hbm>> -> memref<10000x64xf32, #tpu.memory_space<hbm>>
            tpu.enqueue_indirect_dma source(%dma_start3A_192 : memref<10000x64xf32, #tpu.memory_space<hbm>>) target(%arg9 : memref<80x64xf32, #tpu.memory_space<vmem>>) offsets(%dma_start3A_189 : memref<80xi32, #tpu.memory_space<vmem>>) semaphore(%arg17 : memref<!tpu.dma_semaphore, #tpu.memory_space<semaphore_mem>>)
          } else {
          }
          %dma_start3A_175 = arith.constant 0 : i32
          %dma_start3A_176 = tpu.memref_slice %arg8[%add3A_119, %dma_start3A_175] : memref<250x80xi32, #tpu.memory_space<vmem>> -> memref<1x80xi32, #tpu.memory_space<vmem>>
          %dma_start3A_177 = tpu.memref_squeeze %dma_start3A_176 : memref<1x80xi32, #tpu.memory_space<vmem>> -> memref<80xi32, #tpu.memory_space<vmem>>
          %dma_start3A_178 = arith.constant 0 : i32
          %dma_start3A_179 = arith.constant 0 : i32
          %dma_start3A_180 = tpu.memref_slice %arg16[%dma_start3A_178, %dma_start3A_179] : memref<10112x64xf32, #tpu.memory_space<vmem_shared>> -> memref<10112x64xf32, #tpu.memory_space<vmem_shared>>
          tpu.enqueue_indirect_dma source(%arg10 : memref<80x64xf32, #tpu.memory_space<vmem>>) target(%dma_start3A_180 : memref<10112x64xf32, #tpu.memory_space<vmem_shared>>) offsets(%dma_start3A_177 : memref<80xi32, #tpu.memory_space<vmem>>) semaphore(%arg24 : memref<!tpu.dma_semaphore, #tpu.memory_space<semaphore_mem>>) {add = true}
        } else {
        }
        %mul3A_125 = arith.constant 6 : i32
        %mul3A_126 = arith.muli %scan3A_107, %mul3A_125 : i32
        %add3A_127 = arith.constant 2 : i32
        %add3A_128 = arith.addi %mul3A_126, %add3A_127 : i32
        %lt3A_129 = arith.constant 250 : i32
        %lt3A_130 = arith.cmpi slt, %add3A_128, %lt3A_129 : i32
        %convert_element_type3A_131 = arith.extui %lt3A_130 : i1 to i32
        %cond3A_132 = arith.constant 0 : i32
        %cond3A_133 = arith.cmpi ne, %convert_element_type3A_131, %cond3A_132 : i32
        scf.if %cond3A_133 {
          %dma_wait3A_162 = arith.constant 0 : i32
          %dma_wait3A_163 = tpu.memref_slice %arg7[%add3A_128, %dma_wait3A_162] : memref<250x80xi32, #tpu.memory_space<vmem>> -> memref<1x80xi32, #tpu.memory_space<vmem>>
          %dma_wait3A_164 = tpu.memref_squeeze %dma_wait3A_163 : memref<1x80xi32, #tpu.memory_space<vmem>> -> memref<80xi32, #tpu.memory_space<vmem>>
          %dma_wait3A_165 = arith.constant 0 : i32
          %dma_wait3A_166 = arith.constant 0 : i32
          %dma_wait3A_167 = tpu.memref_slice %arg2[%dma_wait3A_165, %dma_wait3A_166] : memref<10000x64xf32, #tpu.memory_space<hbm>> -> memref<10000x64xf32, #tpu.memory_space<hbm>>
          tpu.wait_indirect_dma semaphore(%arg19 : memref<!tpu.dma_semaphore, #tpu.memory_space<semaphore_mem>>) src(%dma_wait3A_167 : memref<10000x64xf32, #tpu.memory_space<hbm>>) dst(%arg11 : memref<80x64xf32, #tpu.memory_space<vmem>>)
          %add3A_168 = arith.constant 5 : i32
          %add3A_169 = arith.addi %add3A_128, %add3A_168 : i32
          %lt3A_170 = arith.constant 250 : i32
          %lt3A_171 = arith.cmpi slt, %add3A_169, %lt3A_170 : i32
          %convert_element_type3A_172 = arith.extui %lt3A_171 : i1 to i32
          %cond3A_173 = arith.constant 0 : i32
          %cond3A_174 = arith.cmpi ne, %convert_element_type3A_172, %cond3A_173 : i32
          scf.if %cond3A_174 {
            %ge3A = arith.constant 1 : i32
            %ge3A_181 = arith.cmpi sge, %add3A_128, %ge3A : i32
            %convert_element_type3A_182 = arith.extui %ge3A_181 : i1 to i32
            %cond3A_183 = arith.constant 0 : i32
            %cond3A_184 = arith.cmpi ne, %convert_element_type3A_182, %cond3A_183 : i32
            scf.if %cond3A_184 {
              %sub3A = arith.constant 1 : i32
              %sub3A_193 = arith.subi %add3A_128, %sub3A : i32
              %dma_wait3A_194 = arith.constant 0 : i32
              %dma_wait3A_195 = tpu.memref_slice %arg8[%sub3A_193, %dma_wait3A_194] : memref<250x80xi32, #tpu.memory_space<vmem>> -> memref<1x80xi32, #tpu.memory_space<vmem>>
              %dma_wait3A_196 = tpu.memref_squeeze %dma_wait3A_195 : memref<1x80xi32, #tpu.memory_space<vmem>> -> memref<80xi32, #tpu.memory_space<vmem>>
              %dma_wait3A_197 = arith.constant 0 : i32
              %dma_wait3A_198 = arith.constant 0 : i32
              %dma_wait3A_199 = tpu.memref_slice %arg16[%dma_wait3A_197, %dma_wait3A_198] : memref<10112x64xf32, #tpu.memory_space<vmem_shared>> -> memref<10112x64xf32, #tpu.memory_space<vmem_shared>>
              tpu.wait_indirect_dma semaphore(%arg24 : memref<!tpu.dma_semaphore, #tpu.memory_space<semaphore_mem>>) src(%arg10 : memref<80x64xf32, #tpu.memory_space<vmem>>) dst(%dma_wait3A_199 : memref<10112x64xf32, #tpu.memory_space<vmem_shared>>)
            } else {
            }
            %add3A_185 = arith.constant 5 : i32
            %add3A_186 = arith.addi %add3A_128, %add3A_185 : i32
            %dma_start3A_187 = arith.constant 0 : i32
            %dma_start3A_188 = tpu.memref_slice %arg7[%add3A_186, %dma_start3A_187] : memref<250x80xi32, #tpu.memory_space<vmem>> -> memref<1x80xi32, #tpu.memory_space<vmem>>
            %dma_start3A_189 = tpu.memref_squeeze %dma_start3A_188 : memref<1x80xi32, #tpu.memory_space<vmem>> -> memref<80xi32, #tpu.memory_space<vmem>>
            %dma_start3A_190 = arith.constant 0 : i32
            %dma_start3A_191 = arith.constant 0 : i32
            %dma_start3A_192 = tpu.memref_slice %arg2[%dma_start3A_190, %dma_start3A_191] : memref<10000x64xf32, #tpu.memory_space<hbm>> -> memref<10000x64xf32, #tpu.memory_space<hbm>>
            tpu.enqueue_indirect_dma source(%dma_start3A_192 : memref<10000x64xf32, #tpu.memory_space<hbm>>) target(%arg10 : memref<80x64xf32, #tpu.memory_space<vmem>>) offsets(%dma_start3A_189 : memref<80xi32, #tpu.memory_space<vmem>>) semaphore(%arg18 : memref<!tpu.dma_semaphore, #tpu.memory_space<semaphore_mem>>)
          } else {
          }
          %dma_start3A_175 = arith.constant 0 : i32
          %dma_start3A_176 = tpu.memref_slice %arg8[%add3A_128, %dma_start3A_175] : memref<250x80xi32, #tpu.memory_space<vmem>> -> memref<1x80xi32, #tpu.memory_space<vmem>>
          %dma_start3A_177 = tpu.memref_squeeze %dma_start3A_176 : memref<1x80xi32, #tpu.memory_space<vmem>> -> memref<80xi32, #tpu.memory_space<vmem>>
          %dma_start3A_178 = arith.constant 0 : i32
          %dma_start3A_179 = arith.constant 0 : i32
          %dma_start3A_180 = tpu.memref_slice %arg16[%dma_start3A_178, %dma_start3A_179] : memref<10112x64xf32, #tpu.memory_space<vmem_shared>> -> memref<10112x64xf32, #tpu.memory_space<vmem_shared>>
          tpu.enqueue_indirect_dma source(%arg11 : memref<80x64xf32, #tpu.memory_space<vmem>>) target(%dma_start3A_180 : memref<10112x64xf32, #tpu.memory_space<vmem_shared>>) offsets(%dma_start3A_177 : memref<80xi32, #tpu.memory_space<vmem>>) semaphore(%arg25 : memref<!tpu.dma_semaphore, #tpu.memory_space<semaphore_mem>>) {add = true}
        } else {
        }
        %mul3A_134 = arith.constant 6 : i32
        %mul3A_135 = arith.muli %scan3A_107, %mul3A_134 : i32
        %add3A_136 = arith.constant 3 : i32
        %add3A_137 = arith.addi %mul3A_135, %add3A_136 : i32
        %lt3A_138 = arith.constant 250 : i32
        %lt3A_139 = arith.cmpi slt, %add3A_137, %lt3A_138 : i32
        %convert_element_type3A_140 = arith.extui %lt3A_139 : i1 to i32
        %cond3A_141 = arith.constant 0 : i32
        %cond3A_142 = arith.cmpi ne, %convert_element_type3A_140, %cond3A_141 : i32
        scf.if %cond3A_142 {
          %dma_wait3A_162 = arith.constant 0 : i32
          %dma_wait3A_163 = tpu.memref_slice %arg7[%add3A_137, %dma_wait3A_162] : memref<250x80xi32, #tpu.memory_space<vmem>> -> memref<1x80xi32, #tpu.memory_space<vmem>>
          %dma_wait3A_164 = tpu.memref_squeeze %dma_wait3A_163 : memref<1x80xi32, #tpu.memory_space<vmem>> -> memref<80xi32, #tpu.memory_space<vmem>>
          %dma_wait3A_165 = arith.constant 0 : i32
          %dma_wait3A_166 = arith.constant 0 : i32
          %dma_wait3A_167 = tpu.memref_slice %arg2[%dma_wait3A_165, %dma_wait3A_166] : memref<10000x64xf32, #tpu.memory_space<hbm>> -> memref<10000x64xf32, #tpu.memory_space<hbm>>
          tpu.wait_indirect_dma semaphore(%arg20 : memref<!tpu.dma_semaphore, #tpu.memory_space<semaphore_mem>>) src(%dma_wait3A_167 : memref<10000x64xf32, #tpu.memory_space<hbm>>) dst(%arg12 : memref<80x64xf32, #tpu.memory_space<vmem>>)
          %add3A_168 = arith.constant 5 : i32
          %add3A_169 = arith.addi %add3A_137, %add3A_168 : i32
          %lt3A_170 = arith.constant 250 : i32
          %lt3A_171 = arith.cmpi slt, %add3A_169, %lt3A_170 : i32
          %convert_element_type3A_172 = arith.extui %lt3A_171 : i1 to i32
          %cond3A_173 = arith.constant 0 : i32
          %cond3A_174 = arith.cmpi ne, %convert_element_type3A_172, %cond3A_173 : i32
          scf.if %cond3A_174 {
            %ge3A = arith.constant 1 : i32
            %ge3A_181 = arith.cmpi sge, %add3A_137, %ge3A : i32
            %convert_element_type3A_182 = arith.extui %ge3A_181 : i1 to i32
            %cond3A_183 = arith.constant 0 : i32
            %cond3A_184 = arith.cmpi ne, %convert_element_type3A_182, %cond3A_183 : i32
            scf.if %cond3A_184 {
              %sub3A = arith.constant 1 : i32
              %sub3A_193 = arith.subi %add3A_137, %sub3A : i32
              %dma_wait3A_194 = arith.constant 0 : i32
              %dma_wait3A_195 = tpu.memref_slice %arg8[%sub3A_193, %dma_wait3A_194] : memref<250x80xi32, #tpu.memory_space<vmem>> -> memref<1x80xi32, #tpu.memory_space<vmem>>
              %dma_wait3A_196 = tpu.memref_squeeze %dma_wait3A_195 : memref<1x80xi32, #tpu.memory_space<vmem>> -> memref<80xi32, #tpu.memory_space<vmem>>
              %dma_wait3A_197 = arith.constant 0 : i32
              %dma_wait3A_198 = arith.constant 0 : i32
              %dma_wait3A_199 = tpu.memref_slice %arg16[%dma_wait3A_197, %dma_wait3A_198] : memref<10112x64xf32, #tpu.memory_space<vmem_shared>> -> memref<10112x64xf32, #tpu.memory_space<vmem_shared>>
              tpu.wait_indirect_dma semaphore(%arg25 : memref<!tpu.dma_semaphore, #tpu.memory_space<semaphore_mem>>) src(%arg11 : memref<80x64xf32, #tpu.memory_space<vmem>>) dst(%dma_wait3A_199 : memref<10112x64xf32, #tpu.memory_space<vmem_shared>>)
            } else {
            }
            %add3A_185 = arith.constant 5 : i32
            %add3A_186 = arith.addi %add3A_137, %add3A_185 : i32
            %dma_start3A_187 = arith.constant 0 : i32
            %dma_start3A_188 = tpu.memref_slice %arg7[%add3A_186, %dma_start3A_187] : memref<250x80xi32, #tpu.memory_space<vmem>> -> memref<1x80xi32, #tpu.memory_space<vmem>>
            %dma_start3A_189 = tpu.memref_squeeze %dma_start3A_188 : memref<1x80xi32, #tpu.memory_space<vmem>> -> memref<80xi32, #tpu.memory_space<vmem>>
            %dma_start3A_190 = arith.constant 0 : i32
            %dma_start3A_191 = arith.constant 0 : i32
            %dma_start3A_192 = tpu.memref_slice %arg2[%dma_start3A_190, %dma_start3A_191] : memref<10000x64xf32, #tpu.memory_space<hbm>> -> memref<10000x64xf32, #tpu.memory_space<hbm>>
            tpu.enqueue_indirect_dma source(%dma_start3A_192 : memref<10000x64xf32, #tpu.memory_space<hbm>>) target(%arg11 : memref<80x64xf32, #tpu.memory_space<vmem>>) offsets(%dma_start3A_189 : memref<80xi32, #tpu.memory_space<vmem>>) semaphore(%arg19 : memref<!tpu.dma_semaphore, #tpu.memory_space<semaphore_mem>>)
          } else {
          }
          %dma_start3A_175 = arith.constant 0 : i32
          %dma_start3A_176 = tpu.memref_slice %arg8[%add3A_137, %dma_start3A_175] : memref<250x80xi32, #tpu.memory_space<vmem>> -> memref<1x80xi32, #tpu.memory_space<vmem>>
          %dma_start3A_177 = tpu.memref_squeeze %dma_start3A_176 : memref<1x80xi32, #tpu.memory_space<vmem>> -> memref<80xi32, #tpu.memory_space<vmem>>
          %dma_start3A_178 = arith.constant 0 : i32
          %dma_start3A_179 = arith.constant 0 : i32
          %dma_start3A_180 = tpu.memref_slice %arg16[%dma_start3A_178, %dma_start3A_179] : memref<10112x64xf32, #tpu.memory_space<vmem_shared>> -> memref<10112x64xf32, #tpu.memory_space<vmem_shared>>
          tpu.enqueue_indirect_dma source(%arg12 : memref<80x64xf32, #tpu.memory_space<vmem>>) target(%dma_start3A_180 : memref<10112x64xf32, #tpu.memory_space<vmem_shared>>) offsets(%dma_start3A_177 : memref<80xi32, #tpu.memory_space<vmem>>) semaphore(%arg26 : memref<!tpu.dma_semaphore, #tpu.memory_space<semaphore_mem>>) {add = true}
        } else {
        }
        %mul3A_143 = arith.constant 6 : i32
        %mul3A_144 = arith.muli %scan3A_107, %mul3A_143 : i32
        %add3A_145 = arith.constant 4 : i32
        %add3A_146 = arith.addi %mul3A_144, %add3A_145 : i32
        %lt3A_147 = arith.constant 250 : i32
        %lt3A_148 = arith.cmpi slt, %add3A_146, %lt3A_147 : i32
        %convert_element_type3A_149 = arith.extui %lt3A_148 : i1 to i32
        %cond3A_150 = arith.constant 0 : i32
        %cond3A_151 = arith.cmpi ne, %convert_element_type3A_149, %cond3A_150 : i32
        scf.if %cond3A_151 {
          %dma_wait3A_162 = arith.constant 0 : i32
          %dma_wait3A_163 = tpu.memref_slice %arg7[%add3A_146, %dma_wait3A_162] : memref<250x80xi32, #tpu.memory_space<vmem>> -> memref<1x80xi32, #tpu.memory_space<vmem>>
          %dma_wait3A_164 = tpu.memref_squeeze %dma_wait3A_163 : memref<1x80xi32, #tpu.memory_space<vmem>> -> memref<80xi32, #tpu.memory_space<vmem>>
          %dma_wait3A_165 = arith.constant 0 : i32
          %dma_wait3A_166 = arith.constant 0 : i32
          %dma_wait3A_167 = tpu.memref_slice %arg2[%dma_wait3A_165, %dma_wait3A_166] : memref<10000x64xf32, #tpu.memory_space<hbm>> -> memref<10000x64xf32, #tpu.memory_space<hbm>>
          tpu.wait_indirect_dma semaphore(%arg21 : memref<!tpu.dma_semaphore, #tpu.memory_space<semaphore_mem>>) src(%dma_wait3A_167 : memref<10000x64xf32, #tpu.memory_space<hbm>>) dst(%arg13 : memref<80x64xf32, #tpu.memory_space<vmem>>)
          %add3A_168 = arith.constant 5 : i32
          %add3A_169 = arith.addi %add3A_146, %add3A_168 : i32
          %lt3A_170 = arith.constant 250 : i32
          %lt3A_171 = arith.cmpi slt, %add3A_169, %lt3A_170 : i32
          %convert_element_type3A_172 = arith.extui %lt3A_171 : i1 to i32
          %cond3A_173 = arith.constant 0 : i32
          %cond3A_174 = arith.cmpi ne, %convert_element_type3A_172, %cond3A_173 : i32
          scf.if %cond3A_174 {
            %ge3A = arith.constant 1 : i32
            %ge3A_181 = arith.cmpi sge, %add3A_146, %ge3A : i32
            %convert_element_type3A_182 = arith.extui %ge3A_181 : i1 to i32
            %cond3A_183 = arith.constant 0 : i32
            %cond3A_184 = arith.cmpi ne, %convert_element_type3A_182, %cond3A_183 : i32
            scf.if %cond3A_184 {
              %sub3A = arith.constant 1 : i32
              %sub3A_193 = arith.subi %add3A_146, %sub3A : i32
              %dma_wait3A_194 = arith.constant 0 : i32
              %dma_wait3A_195 = tpu.memref_slice %arg8[%sub3A_193, %dma_wait3A_194] : memref<250x80xi32, #tpu.memory_space<vmem>> -> memref<1x80xi32, #tpu.memory_space<vmem>>
              %dma_wait3A_196 = tpu.memref_squeeze %dma_wait3A_195 : memref<1x80xi32, #tpu.memory_space<vmem>> -> memref<80xi32, #tpu.memory_space<vmem>>
              %dma_wait3A_197 = arith.constant 0 : i32
              %dma_wait3A_198 = arith.constant 0 : i32
              %dma_wait3A_199 = tpu.memref_slice %arg16[%dma_wait3A_197, %dma_wait3A_198] : memref<10112x64xf32, #tpu.memory_space<vmem_shared>> -> memref<10112x64xf32, #tpu.memory_space<vmem_shared>>
              tpu.wait_indirect_dma semaphore(%arg26 : memref<!tpu.dma_semaphore, #tpu.memory_space<semaphore_mem>>) src(%arg12 : memref<80x64xf32, #tpu.memory_space<vmem>>) dst(%dma_wait3A_199 : memref<10112x64xf32, #tpu.memory_space<vmem_shared>>)
            } else {
            }
            %add3A_185 = arith.constant 5 : i32
            %add3A_186 = arith.addi %add3A_146, %add3A_185 : i32
            %dma_start3A_187 = arith.constant 0 : i32
            %dma_start3A_188 = tpu.memref_slice %arg7[%add3A_186, %dma_start3A_187] : memref<250x80xi32, #tpu.memory_space<vmem>> -> memref<1x80xi32, #tpu.memory_space<vmem>>
            %dma_start3A_189 = tpu.memref_squeeze %dma_start3A_188 : memref<1x80xi32, #tpu.memory_space<vmem>> -> memref<80xi32, #tpu.memory_space<vmem>>
            %dma_start3A_190 = arith.constant 0 : i32
            %dma_start3A_191 = arith.constant 0 : i32
            %dma_start3A_192 = tpu.memref_slice %arg2[%dma_start3A_190, %dma_start3A_191] : memref<10000x64xf32, #tpu.memory_space<hbm>> -> memref<10000x64xf32, #tpu.memory_space<hbm>>
            tpu.enqueue_indirect_dma source(%dma_start3A_192 : memref<10000x64xf32, #tpu.memory_space<hbm>>) target(%arg12 : memref<80x64xf32, #tpu.memory_space<vmem>>) offsets(%dma_start3A_189 : memref<80xi32, #tpu.memory_space<vmem>>) semaphore(%arg20 : memref<!tpu.dma_semaphore, #tpu.memory_space<semaphore_mem>>)
          } else {
          }
          %dma_start3A_175 = arith.constant 0 : i32
          %dma_start3A_176 = tpu.memref_slice %arg8[%add3A_146, %dma_start3A_175] : memref<250x80xi32, #tpu.memory_space<vmem>> -> memref<1x80xi32, #tpu.memory_space<vmem>>
          %dma_start3A_177 = tpu.memref_squeeze %dma_start3A_176 : memref<1x80xi32, #tpu.memory_space<vmem>> -> memref<80xi32, #tpu.memory_space<vmem>>
          %dma_start3A_178 = arith.constant 0 : i32
          %dma_start3A_179 = arith.constant 0 : i32
          %dma_start3A_180 = tpu.memref_slice %arg16[%dma_start3A_178, %dma_start3A_179] : memref<10112x64xf32, #tpu.memory_space<vmem_shared>> -> memref<10112x64xf32, #tpu.memory_space<vmem_shared>>
          tpu.enqueue_indirect_dma source(%arg13 : memref<80x64xf32, #tpu.memory_space<vmem>>) target(%dma_start3A_180 : memref<10112x64xf32, #tpu.memory_space<vmem_shared>>) offsets(%dma_start3A_177 : memref<80xi32, #tpu.memory_space<vmem>>) semaphore(%arg27 : memref<!tpu.dma_semaphore, #tpu.memory_space<semaphore_mem>>) {add = true}
        } else {
        }
        %mul3A_152 = arith.constant 6 : i32
        %mul3A_153 = arith.muli %scan3A_107, %mul3A_152 : i32
        %add3A_154 = arith.constant 5 : i32
        %add3A_155 = arith.addi %mul3A_153, %add3A_154 : i32
        %lt3A_156 = arith.constant 250 : i32
        %lt3A_157 = arith.cmpi slt, %add3A_155, %lt3A_156 : i32
        %convert_element_type3A_158 = arith.extui %lt3A_157 : i1 to i32
        %cond3A_159 = arith.constant 0 : i32
        %cond3A_160 = arith.cmpi ne, %convert_element_type3A_158, %cond3A_159 : i32
        scf.if %cond3A_160 {
          %dma_wait3A_162 = arith.constant 0 : i32
          %dma_wait3A_163 = tpu.memref_slice %arg7[%add3A_155, %dma_wait3A_162] : memref<250x80xi32, #tpu.memory_space<vmem>> -> memref<1x80xi32, #tpu.memory_space<vmem>>
          %dma_wait3A_164 = tpu.memref_squeeze %dma_wait3A_163 : memref<1x80xi32, #tpu.memory_space<vmem>> -> memref<80xi32, #tpu.memory_space<vmem>>
          %dma_wait3A_165 = arith.constant 0 : i32
          %dma_wait3A_166 = arith.constant 0 : i32
          %dma_wait3A_167 = tpu.memref_slice %arg2[%dma_wait3A_165, %dma_wait3A_166] : memref<10000x64xf32, #tpu.memory_space<hbm>> -> memref<10000x64xf32, #tpu.memory_space<hbm>>
          tpu.wait_indirect_dma semaphore(%arg22 : memref<!tpu.dma_semaphore, #tpu.memory_space<semaphore_mem>>) src(%dma_wait3A_167 : memref<10000x64xf32, #tpu.memory_space<hbm>>) dst(%arg14 : memref<80x64xf32, #tpu.memory_space<vmem>>)
          %add3A_168 = arith.constant 5 : i32
          %add3A_169 = arith.addi %add3A_155, %add3A_168 : i32
          %lt3A_170 = arith.constant 250 : i32
          %lt3A_171 = arith.cmpi slt, %add3A_169, %lt3A_170 : i32
          %convert_element_type3A_172 = arith.extui %lt3A_171 : i1 to i32
          %cond3A_173 = arith.constant 0 : i32
          %cond3A_174 = arith.cmpi ne, %convert_element_type3A_172, %cond3A_173 : i32
          scf.if %cond3A_174 {
            %ge3A = arith.constant 1 : i32
            %ge3A_181 = arith.cmpi sge, %add3A_155, %ge3A : i32
            %convert_element_type3A_182 = arith.extui %ge3A_181 : i1 to i32
            %cond3A_183 = arith.constant 0 : i32
            %cond3A_184 = arith.cmpi ne, %convert_element_type3A_182, %cond3A_183 : i32
            scf.if %cond3A_184 {
              %sub3A = arith.constant 1 : i32
              %sub3A_193 = arith.subi %add3A_155, %sub3A : i32
              %dma_wait3A_194 = arith.constant 0 : i32
              %dma_wait3A_195 = tpu.memref_slice %arg8[%sub3A_193, %dma_wait3A_194] : memref<250x80xi32, #tpu.memory_space<vmem>> -> memref<1x80xi32, #tpu.memory_space<vmem>>
              %dma_wait3A_196 = tpu.memref_squeeze %dma_wait3A_195 : memref<1x80xi32, #tpu.memory_space<vmem>> -> memref<80xi32, #tpu.memory_space<vmem>>
              %dma_wait3A_197 = arith.constant 0 : i32
              %dma_wait3A_198 = arith.constant 0 : i32
              %dma_wait3A_199 = tpu.memref_slice %arg16[%dma_wait3A_197, %dma_wait3A_198] : memref<10112x64xf32, #tpu.memory_space<vmem_shared>> -> memref<10112x64xf32, #tpu.memory_space<vmem_shared>>
              tpu.wait_indirect_dma semaphore(%arg27 : memref<!tpu.dma_semaphore, #tpu.memory_space<semaphore_mem>>) src(%arg13 : memref<80x64xf32, #tpu.memory_space<vmem>>) dst(%dma_wait3A_199 : memref<10112x64xf32, #tpu.memory_space<vmem_shared>>)
            } else {
            }
            %add3A_185 = arith.constant 5 : i32
            %add3A_186 = arith.addi %add3A_155, %add3A_185 : i32
            %dma_start3A_187 = arith.constant 0 : i32
            %dma_start3A_188 = tpu.memref_slice %arg7[%add3A_186, %dma_start3A_187] : memref<250x80xi32, #tpu.memory_space<vmem>> -> memref<1x80xi32, #tpu.memory_space<vmem>>
            %dma_start3A_189 = tpu.memref_squeeze %dma_start3A_188 : memref<1x80xi32, #tpu.memory_space<vmem>> -> memref<80xi32, #tpu.memory_space<vmem>>
            %dma_start3A_190 = arith.constant 0 : i32
            %dma_start3A_191 = arith.constant 0 : i32
            %dma_start3A_192 = tpu.memref_slice %arg2[%dma_start3A_190, %dma_start3A_191] : memref<10000x64xf32, #tpu.memory_space<hbm>> -> memref<10000x64xf32, #tpu.memory_space<hbm>>
            tpu.enqueue_indirect_dma source(%dma_start3A_192 : memref<10000x64xf32, #tpu.memory_space<hbm>>) target(%arg13 : memref<80x64xf32, #tpu.memory_space<vmem>>) offsets(%dma_start3A_189 : memref<80xi32, #tpu.memory_space<vmem>>) semaphore(%arg21 : memref<!tpu.dma_semaphore, #tpu.memory_space<semaphore_mem>>)
          } else {
          }
          %dma_start3A_175 = arith.constant 0 : i32
          %dma_start3A_176 = tpu.memref_slice %arg8[%add3A_155, %dma_start3A_175] : memref<250x80xi32, #tpu.memory_space<vmem>> -> memref<1x80xi32, #tpu.memory_space<vmem>>
          %dma_start3A_177 = tpu.memref_squeeze %dma_start3A_176 : memref<1x80xi32, #tpu.memory_space<vmem>> -> memref<80xi32, #tpu.memory_space<vmem>>
          %dma_start3A_178 = arith.constant 0 : i32
          %dma_start3A_179 = arith.constant 0 : i32
          %dma_start3A_180 = tpu.memref_slice %arg16[%dma_start3A_178, %dma_start3A_179] : memref<10112x64xf32, #tpu.memory_space<vmem_shared>> -> memref<10112x64xf32, #tpu.memory_space<vmem_shared>>
          tpu.enqueue_indirect_dma source(%arg14 : memref<80x64xf32, #tpu.memory_space<vmem>>) target(%dma_start3A_180 : memref<10112x64xf32, #tpu.memory_space<vmem_shared>>) offsets(%dma_start3A_177 : memref<80xi32, #tpu.memory_space<vmem>>) semaphore(%arg28 : memref<!tpu.dma_semaphore, #tpu.memory_space<semaphore_mem>>) {add = true}
        } else {
        }
        %scan3A_161 = arith.constant 0 : i32
        scf.yield %scan3A_161 : i32
      }
      %scan3A_65 = arith.constant 42 : i32
      %dma_wait3A = arith.constant 244 : i32
      %dma_wait3A_66 = arith.constant 0 : i32
      %dma_wait3A_67 = tpu.memref_slice %arg8[%dma_wait3A, %dma_wait3A_66] : memref<250x80xi32, #tpu.memory_space<vmem>> -> memref<1x80xi32, #tpu.memory_space<vmem>>
      %dma_wait3A_68 = tpu.memref_squeeze %dma_wait3A_67 : memref<1x80xi32, #tpu.memory_space<vmem>> -> memref<80xi32, #tpu.memory_space<vmem>>
      %dma_wait3A_69 = arith.constant 0 : i32
      %dma_wait3A_70 = arith.constant 0 : i32
      %dma_wait3A_71 = tpu.memref_slice %arg16[%dma_wait3A_69, %dma_wait3A_70] : memref<10112x64xf32, #tpu.memory_space<vmem_shared>> -> memref<10112x64xf32, #tpu.memory_space<vmem_shared>>
      tpu.wait_indirect_dma semaphore(%arg27 : memref<!tpu.dma_semaphore, #tpu.memory_space<semaphore_mem>>) src(%arg13 : memref<80x64xf32, #tpu.memory_space<vmem>>) dst(%dma_wait3A_71 : memref<10112x64xf32, #tpu.memory_space<vmem_shared>>)
      %dma_wait3A_72 = arith.constant 245 : i32
      %dma_wait3A_73 = arith.constant 0 : i32
      %dma_wait3A_74 = tpu.memref_slice %arg8[%dma_wait3A_72, %dma_wait3A_73] : memref<250x80xi32, #tpu.memory_space<vmem>> -> memref<1x80xi32, #tpu.memory_space<vmem>>
      %dma_wait3A_75 = tpu.memref_squeeze %dma_wait3A_74 : memref<1x80xi32, #tpu.memory_space<vmem>> -> memref<80xi32, #tpu.memory_space<vmem>>
      %dma_wait3A_76 = arith.constant 0 : i32
      %dma_wait3A_77 = arith.constant 0 : i32
      %dma_wait3A_78 = tpu.memref_slice %arg16[%dma_wait3A_76, %dma_wait3A_77] : memref<10112x64xf32, #tpu.memory_space<vmem_shared>> -> memref<10112x64xf32, #tpu.memory_space<vmem_shared>>
      tpu.wait_indirect_dma semaphore(%arg28 : memref<!tpu.dma_semaphore, #tpu.memory_space<semaphore_mem>>) src(%arg14 : memref<80x64xf32, #tpu.memory_space<vmem>>) dst(%dma_wait3A_78 : memref<10112x64xf32, #tpu.memory_space<vmem_shared>>)
      %dma_wait3A_79 = arith.constant 246 : i32
      %dma_wait3A_80 = arith.constant 0 : i32
      %dma_wait3A_81 = tpu.memref_slice %arg8[%dma_wait3A_79, %dma_wait3A_80] : memref<250x80xi32, #tpu.memory_space<vmem>> -> memref<1x80xi32, #tpu.memory_space<vmem>>
      %dma_wait3A_82 = tpu.memref_squeeze %dma_wait3A_81 : memref<1x80xi32, #tpu.memory_space<vmem>> -> memref<80xi32, #tpu.memory_space<vmem>>
      %dma_wait3A_83 = arith.constant 0 : i32
      %dma_wait3A_84 = arith.constant 0 : i32
      %dma_wait3A_85 = tpu.memref_slice %arg16[%dma_wait3A_83, %dma_wait3A_84] : memref<10112x64xf32, #tpu.memory_space<vmem_shared>> -> memref<10112x64xf32, #tpu.memory_space<vmem_shared>>
      tpu.wait_indirect_dma semaphore(%arg23 : memref<!tpu.dma_semaphore, #tpu.memory_space<semaphore_mem>>) src(%arg9 : memref<80x64xf32, #tpu.memory_space<vmem>>) dst(%dma_wait3A_85 : memref<10112x64xf32, #tpu.memory_space<vmem_shared>>)
      %dma_wait3A_86 = arith.constant 247 : i32
      %dma_wait3A_87 = arith.constant 0 : i32
      %dma_wait3A_88 = tpu.memref_slice %arg8[%dma_wait3A_86, %dma_wait3A_87] : memref<250x80xi32, #tpu.memory_space<vmem>> -> memref<1x80xi32, #tpu.memory_space<vmem>>
      %dma_wait3A_89 = tpu.memref_squeeze %dma_wait3A_88 : memref<1x80xi32, #tpu.memory_space<vmem>> -> memref<80xi32, #tpu.memory_space<vmem>>
      %dma_wait3A_90 = arith.constant 0 : i32
      %dma_wait3A_91 = arith.constant 0 : i32
      %dma_wait3A_92 = tpu.memref_slice %arg16[%dma_wait3A_90, %dma_wait3A_91] : memref<10112x64xf32, #tpu.memory_space<vmem_shared>> -> memref<10112x64xf32, #tpu.memory_space<vmem_shared>>
      tpu.wait_indirect_dma semaphore(%arg24 : memref<!tpu.dma_semaphore, #tpu.memory_space<semaphore_mem>>) src(%arg10 : memref<80x64xf32, #tpu.memory_space<vmem>>) dst(%dma_wait3A_92 : memref<10112x64xf32, #tpu.memory_space<vmem_shared>>)
      %dma_wait3A_93 = arith.constant 248 : i32
      %dma_wait3A_94 = arith.constant 0 : i32
      %dma_wait3A_95 = tpu.memref_slice %arg8[%dma_wait3A_93, %dma_wait3A_94] : memref<250x80xi32, #tpu.memory_space<vmem>> -> memref<1x80xi32, #tpu.memory_space<vmem>>
      %dma_wait3A_96 = tpu.memref_squeeze %dma_wait3A_95 : memref<1x80xi32, #tpu.memory_space<vmem>> -> memref<80xi32, #tpu.memory_space<vmem>>
      %dma_wait3A_97 = arith.constant 0 : i32
      %dma_wait3A_98 = arith.constant 0 : i32
      %dma_wait3A_99 = tpu.memref_slice %arg16[%dma_wait3A_97, %dma_wait3A_98] : memref<10112x64xf32, #tpu.memory_space<vmem_shared>> -> memref<10112x64xf32, #tpu.memory_space<vmem_shared>>
      tpu.wait_indirect_dma semaphore(%arg25 : memref<!tpu.dma_semaphore, #tpu.memory_space<semaphore_mem>>) src(%arg11 : memref<80x64xf32, #tpu.memory_space<vmem>>) dst(%dma_wait3A_99 : memref<10112x64xf32, #tpu.memory_space<vmem_shared>>)
      %dma_wait3A_100 = arith.constant 249 : i32
      %dma_wait3A_101 = arith.constant 0 : i32
      %dma_wait3A_102 = tpu.memref_slice %arg8[%dma_wait3A_100, %dma_wait3A_101] : memref<250x80xi32, #tpu.memory_space<vmem>> -> memref<1x80xi32, #tpu.memory_space<vmem>>
      %dma_wait3A_103 = tpu.memref_squeeze %dma_wait3A_102 : memref<1x80xi32, #tpu.memory_space<vmem>> -> memref<80xi32, #tpu.memory_space<vmem>>
      %dma_wait3A_104 = arith.constant 0 : i32
      %dma_wait3A_105 = arith.constant 0 : i32
      %dma_wait3A_106 = tpu.memref_slice %arg16[%dma_wait3A_104, %dma_wait3A_105] : memref<10112x64xf32, #tpu.memory_space<vmem_shared>> -> memref<10112x64xf32, #tpu.memory_space<vmem_shared>>
      tpu.wait_indirect_dma semaphore(%arg26 : memref<!tpu.dma_semaphore, #tpu.memory_space<semaphore_mem>>) src(%arg12 : memref<80x64xf32, #tpu.memory_space<vmem>>) dst(%dma_wait3A_106 : memref<10112x64xf32, #tpu.memory_space<vmem_shared>>)
    } else {
    }
    %eq3A_16 = arith.constant 1 : i32
    %eq3A_17 = arith.cmpi eq, %arg0, %eq3A_16 : i32
    %convert_element_type3A_18 = arith.extui %eq3A_17 : i1 to i32
    %cond3A_19 = arith.constant 0 : i32
    %cond3A_20 = arith.cmpi ne, %convert_element_type3A_18, %cond3A_19 : i32
    scf.if %cond3A_20 {
      %dma_start3A = arith.constant 0 : i32
      %dma_start3A_25 = arith.constant 0 : i32
      %dma_start3A_26 = tpu.memref_slice %arg7[%dma_start3A, %dma_start3A_25] : memref<250x80xi32, #tpu.memory_space<vmem>> -> memref<1x80xi32, #tpu.memory_space<vmem>>
      %dma_start3A_27 = tpu.memref_squeeze %dma_start3A_26 : memref<1x80xi32, #tpu.memory_space<vmem>> -> memref<80xi32, #tpu.memory_space<vmem>>
      %dma_start3A_28 = arith.constant 0 : i32
      %dma_start3A_29 = arith.constant 0 : i32
      %dma_start3A_30 = tpu.memref_slice %arg3[%dma_start3A_28, %dma_start3A_29] : memref<10000x64xf32, #tpu.memory_space<hbm>> -> memref<10000x64xf32, #tpu.memory_space<hbm>>
      tpu.enqueue_indirect_dma source(%dma_start3A_30 : memref<10000x64xf32, #tpu.memory_space<hbm>>) target(%arg9 : memref<80x64xf32, #tpu.memory_space<vmem>>) offsets(%dma_start3A_27 : memref<80xi32, #tpu.memory_space<vmem>>) semaphore(%arg17 : memref<!tpu.dma_semaphore, #tpu.memory_space<semaphore_mem>>)
      %dma_start3A_31 = arith.constant 1 : i32
      %dma_start3A_32 = arith.constant 0 : i32
      %dma_start3A_33 = tpu.memref_slice %arg7[%dma_start3A_31, %dma_start3A_32] : memref<250x80xi32, #tpu.memory_space<vmem>> -> memref<1x80xi32, #tpu.memory_space<vmem>>
      %dma_start3A_34 = tpu.memref_squeeze %dma_start3A_33 : memref<1x80xi32, #tpu.memory_space<vmem>> -> memref<80xi32, #tpu.memory_space<vmem>>
      %dma_start3A_35 = arith.constant 0 : i32
      %dma_start3A_36 = arith.constant 0 : i32
      %dma_start3A_37 = tpu.memref_slice %arg3[%dma_start3A_35, %dma_start3A_36] : memref<10000x64xf32, #tpu.memory_space<hbm>> -> memref<10000x64xf32, #tpu.memory_space<hbm>>
      tpu.enqueue_indirect_dma source(%dma_start3A_37 : memref<10000x64xf32, #tpu.memory_space<hbm>>) target(%arg10 : memref<80x64xf32, #tpu.memory_space<vmem>>) offsets(%dma_start3A_34 : memref<80xi32, #tpu.memory_space<vmem>>) semaphore(%arg18 : memref<!tpu.dma_semaphore, #tpu.memory_space<semaphore_mem>>)
      %dma_start3A_38 = arith.constant 2 : i32
      %dma_start3A_39 = arith.constant 0 : i32
      %dma_start3A_40 = tpu.memref_slice %arg7[%dma_start3A_38, %dma_start3A_39] : memref<250x80xi32, #tpu.memory_space<vmem>> -> memref<1x80xi32, #tpu.memory_space<vmem>>
      %dma_start3A_41 = tpu.memref_squeeze %dma_start3A_40 : memref<1x80xi32, #tpu.memory_space<vmem>> -> memref<80xi32, #tpu.memory_space<vmem>>
      %dma_start3A_42 = arith.constant 0 : i32
      %dma_start3A_43 = arith.constant 0 : i32
      %dma_start3A_44 = tpu.memref_slice %arg3[%dma_start3A_42, %dma_start3A_43] : memref<10000x64xf32, #tpu.memory_space<hbm>> -> memref<10000x64xf32, #tpu.memory_space<hbm>>
      tpu.enqueue_indirect_dma source(%dma_start3A_44 : memref<10000x64xf32, #tpu.memory_space<hbm>>) target(%arg11 : memref<80x64xf32, #tpu.memory_space<vmem>>) offsets(%dma_start3A_41 : memref<80xi32, #tpu.memory_space<vmem>>) semaphore(%arg19 : memref<!tpu.dma_semaphore, #tpu.memory_space<semaphore_mem>>)
      %dma_start3A_45 = arith.constant 3 : i32
      %dma_start3A_46 = arith.constant 0 : i32
      %dma_start3A_47 = tpu.memref_slice %arg7[%dma_start3A_45, %dma_start3A_46] : memref<250x80xi32, #tpu.memory_space<vmem>> -> memref<1x80xi32, #tpu.memory_space<vmem>>
      %dma_start3A_48 = tpu.memref_squeeze %dma_start3A_47 : memref<1x80xi32, #tpu.memory_space<vmem>> -> memref<80xi32, #tpu.memory_space<vmem>>
      %dma_start3A_49 = arith.constant 0 : i32
      %dma_start3A_50 = arith.constant 0 : i32
      %dma_start3A_51 = tpu.memref_slice %arg3[%dma_start3A_49, %dma_start3A_50] : memref<10000x64xf32, #tpu.memory_space<hbm>> -> memref<10000x64xf32, #tpu.memory_space<hbm>>
      tpu.enqueue_indirect_dma source(%dma_start3A_51 : memref<10000x64xf32, #tpu.memory_space<hbm>>) target(%arg12 : memref<80x64xf32, #tpu.memory_space<vmem>>) offsets(%dma_start3A_48 : memref<80xi32, #tpu.memory_space<vmem>>) semaphore(%arg20 : memref<!tpu.dma_semaphore, #tpu.memory_space<semaphore_mem>>)
      %dma_start3A_52 = arith.constant 4 : i32
      %dma_start3A_53 = arith.constant 0 : i32
      %dma_start3A_54 = tpu.memref_slice %arg7[%dma_start3A_52, %dma_start3A_53] : memref<250x80xi32, #tpu.memory_space<vmem>> -> memref<1x80xi32, #tpu.memory_space<vmem>>
      %dma_start3A_55 = tpu.memref_squeeze %dma_start3A_54 : memref<1x80xi32, #tpu.memory_space<vmem>> -> memref<80xi32, #tpu.memory_space<vmem>>
      %dma_start3A_56 = arith.constant 0 : i32
      %dma_start3A_57 = arith.constant 0 : i32
      %dma_start3A_58 = tpu.memref_slice %arg3[%dma_start3A_56, %dma_start3A_57] : memref<10000x64xf32, #tpu.memory_space<hbm>> -> memref<10000x64xf32, #tpu.memory_space<hbm>>
      tpu.enqueue_indirect_dma source(%dma_start3A_58 : memref<10000x64xf32, #tpu.memory_space<hbm>>) target(%arg13 : memref<80x64xf32, #tpu.memory_space<vmem>>) offsets(%dma_start3A_55 : memref<80xi32, #tpu.memory_space<vmem>>) semaphore(%arg21 : memref<!tpu.dma_semaphore, #tpu.memory_space<semaphore_mem>>)
      %scan3A_59 = arith.constant 0 : i32
      %scan3A_60 = arith.constant 0 : i32
      %scan3A_61 = arith.constant 42 : i32
      %scan3A_62 = arith.addi %scan3A_60, %scan3A_61 : i32
      %scan3A_63 = arith.constant 1 : i32
      %scan3A_64 = scf.for %scan3A_107 = %scan3A_60 to %scan3A_62 step %scan3A_63 iter_args(%scan3A_108 = %scan3A_59) -> (i32)  : i32 {
        %mul3A_109 = arith.constant 6 : i32
        %mul3A_110 = arith.muli %scan3A_107, %mul3A_109 : i32
        %add3A = arith.constant 0 : i32
        %add3A_111 = arith.addi %mul3A_110, %add3A : i32
        %lt3A = arith.constant 250 : i32
        %lt3A_112 = arith.cmpi slt, %add3A_111, %lt3A : i32
        %convert_element_type3A_113 = arith.extui %lt3A_112 : i1 to i32
        %cond3A_114 = arith.constant 0 : i32
        %cond3A_115 = arith.cmpi ne, %convert_element_type3A_113, %cond3A_114 : i32
        scf.if %cond3A_115 {
          %dma_wait3A_162 = arith.constant 0 : i32
          %dma_wait3A_163 = tpu.memref_slice %arg7[%add3A_111, %dma_wait3A_162] : memref<250x80xi32, #tpu.memory_space<vmem>> -> memref<1x80xi32, #tpu.memory_space<vmem>>
          %dma_wait3A_164 = tpu.memref_squeeze %dma_wait3A_163 : memref<1x80xi32, #tpu.memory_space<vmem>> -> memref<80xi32, #tpu.memory_space<vmem>>
          %dma_wait3A_165 = arith.constant 0 : i32
          %dma_wait3A_166 = arith.constant 0 : i32
          %dma_wait3A_167 = tpu.memref_slice %arg3[%dma_wait3A_165, %dma_wait3A_166] : memref<10000x64xf32, #tpu.memory_space<hbm>> -> memref<10000x64xf32, #tpu.memory_space<hbm>>
          tpu.wait_indirect_dma semaphore(%arg17 : memref<!tpu.dma_semaphore, #tpu.memory_space<semaphore_mem>>) src(%dma_wait3A_167 : memref<10000x64xf32, #tpu.memory_space<hbm>>) dst(%arg9 : memref<80x64xf32, #tpu.memory_space<vmem>>)
          %add3A_168 = arith.constant 5 : i32
          %add3A_169 = arith.addi %add3A_111, %add3A_168 : i32
          %lt3A_170 = arith.constant 250 : i32
          %lt3A_171 = arith.cmpi slt, %add3A_169, %lt3A_170 : i32
          %convert_element_type3A_172 = arith.extui %lt3A_171 : i1 to i32
          %cond3A_173 = arith.constant 0 : i32
          %cond3A_174 = arith.cmpi ne, %convert_element_type3A_172, %cond3A_173 : i32
          scf.if %cond3A_174 {
            %ge3A = arith.constant 1 : i32
            %ge3A_181 = arith.cmpi sge, %add3A_111, %ge3A : i32
            %convert_element_type3A_182 = arith.extui %ge3A_181 : i1 to i32
            %cond3A_183 = arith.constant 0 : i32
            %cond3A_184 = arith.cmpi ne, %convert_element_type3A_182, %cond3A_183 : i32
            scf.if %cond3A_184 {
              %sub3A = arith.constant 1 : i32
              %sub3A_193 = arith.subi %add3A_111, %sub3A : i32
              %dma_wait3A_194 = arith.constant 0 : i32
              %dma_wait3A_195 = tpu.memref_slice %arg8[%sub3A_193, %dma_wait3A_194] : memref<250x80xi32, #tpu.memory_space<vmem>> -> memref<1x80xi32, #tpu.memory_space<vmem>>
              %dma_wait3A_196 = tpu.memref_squeeze %dma_wait3A_195 : memref<1x80xi32, #tpu.memory_space<vmem>> -> memref<80xi32, #tpu.memory_space<vmem>>
              %dma_wait3A_197 = arith.constant 0 : i32
              %dma_wait3A_198 = arith.constant 0 : i32
              %dma_wait3A_199 = tpu.memref_slice %arg16[%dma_wait3A_197, %dma_wait3A_198] : memref<10112x64xf32, #tpu.memory_space<vmem_shared>> -> memref<10112x64xf32, #tpu.memory_space<vmem_shared>>
              tpu.wait_indirect_dma semaphore(%arg28 : memref<!tpu.dma_semaphore, #tpu.memory_space<semaphore_mem>>) src(%arg14 : memref<80x64xf32, #tpu.memory_space<vmem>>) dst(%dma_wait3A_199 : memref<10112x64xf32, #tpu.memory_space<vmem_shared>>)
            } else {
            }
            %add3A_185 = arith.constant 5 : i32
            %add3A_186 = arith.addi %add3A_111, %add3A_185 : i32
            %dma_start3A_187 = arith.constant 0 : i32
            %dma_start3A_188 = tpu.memref_slice %arg7[%add3A_186, %dma_start3A_187] : memref<250x80xi32, #tpu.memory_space<vmem>> -> memref<1x80xi32, #tpu.memory_space<vmem>>
            %dma_start3A_189 = tpu.memref_squeeze %dma_start3A_188 : memref<1x80xi32, #tpu.memory_space<vmem>> -> memref<80xi32, #tpu.memory_space<vmem>>
            %dma_start3A_190 = arith.constant 0 : i32
            %dma_start3A_191 = arith.constant 0 : i32
            %dma_start3A_192 = tpu.memref_slice %arg3[%dma_start3A_190, %dma_start3A_191] : memref<10000x64xf32, #tpu.memory_space<hbm>> -> memref<10000x64xf32, #tpu.memory_space<hbm>>
            tpu.enqueue_indirect_dma source(%dma_start3A_192 : memref<10000x64xf32, #tpu.memory_space<hbm>>) target(%arg14 : memref<80x64xf32, #tpu.memory_space<vmem>>) offsets(%dma_start3A_189 : memref<80xi32, #tpu.memory_space<vmem>>) semaphore(%arg22 : memref<!tpu.dma_semaphore, #tpu.memory_space<semaphore_mem>>)
          } else {
          }
          %dma_start3A_175 = arith.constant 0 : i32
          %dma_start3A_176 = tpu.memref_slice %arg8[%add3A_111, %dma_start3A_175] : memref<250x80xi32, #tpu.memory_space<vmem>> -> memref<1x80xi32, #tpu.memory_space<vmem>>
          %dma_start3A_177 = tpu.memref_squeeze %dma_start3A_176 : memref<1x80xi32, #tpu.memory_space<vmem>> -> memref<80xi32, #tpu.memory_space<vmem>>
          %dma_start3A_178 = arith.constant 0 : i32
          %dma_start3A_179 = arith.constant 0 : i32
          %dma_start3A_180 = tpu.memref_slice %arg16[%dma_start3A_178, %dma_start3A_179] : memref<10112x64xf32, #tpu.memory_space<vmem_shared>> -> memref<10112x64xf32, #tpu.memory_space<vmem_shared>>
          tpu.enqueue_indirect_dma source(%arg9 : memref<80x64xf32, #tpu.memory_space<vmem>>) target(%dma_start3A_180 : memref<10112x64xf32, #tpu.memory_space<vmem_shared>>) offsets(%dma_start3A_177 : memref<80xi32, #tpu.memory_space<vmem>>) semaphore(%arg23 : memref<!tpu.dma_semaphore, #tpu.memory_space<semaphore_mem>>) {add = true}
        } else {
        }
        %mul3A_116 = arith.constant 6 : i32
        %mul3A_117 = arith.muli %scan3A_107, %mul3A_116 : i32
        %add3A_118 = arith.constant 1 : i32
        %add3A_119 = arith.addi %mul3A_117, %add3A_118 : i32
        %lt3A_120 = arith.constant 250 : i32
        %lt3A_121 = arith.cmpi slt, %add3A_119, %lt3A_120 : i32
        %convert_element_type3A_122 = arith.extui %lt3A_121 : i1 to i32
        %cond3A_123 = arith.constant 0 : i32
        %cond3A_124 = arith.cmpi ne, %convert_element_type3A_122, %cond3A_123 : i32
        scf.if %cond3A_124 {
          %dma_wait3A_162 = arith.constant 0 : i32
          %dma_wait3A_163 = tpu.memref_slice %arg7[%add3A_119, %dma_wait3A_162] : memref<250x80xi32, #tpu.memory_space<vmem>> -> memref<1x80xi32, #tpu.memory_space<vmem>>
          %dma_wait3A_164 = tpu.memref_squeeze %dma_wait3A_163 : memref<1x80xi32, #tpu.memory_space<vmem>> -> memref<80xi32, #tpu.memory_space<vmem>>
          %dma_wait3A_165 = arith.constant 0 : i32
          %dma_wait3A_166 = arith.constant 0 : i32
          %dma_wait3A_167 = tpu.memref_slice %arg3[%dma_wait3A_165, %dma_wait3A_166] : memref<10000x64xf32, #tpu.memory_space<hbm>> -> memref<10000x64xf32, #tpu.memory_space<hbm>>
          tpu.wait_indirect_dma semaphore(%arg18 : memref<!tpu.dma_semaphore, #tpu.memory_space<semaphore_mem>>) src(%dma_wait3A_167 : memref<10000x64xf32, #tpu.memory_space<hbm>>) dst(%arg10 : memref<80x64xf32, #tpu.memory_space<vmem>>)
          %add3A_168 = arith.constant 5 : i32
          %add3A_169 = arith.addi %add3A_119, %add3A_168 : i32
          %lt3A_170 = arith.constant 250 : i32
          %lt3A_171 = arith.cmpi slt, %add3A_169, %lt3A_170 : i32
          %convert_element_type3A_172 = arith.extui %lt3A_171 : i1 to i32
          %cond3A_173 = arith.constant 0 : i32
          %cond3A_174 = arith.cmpi ne, %convert_element_type3A_172, %cond3A_173 : i32
          scf.if %cond3A_174 {
            %ge3A = arith.constant 1 : i32
            %ge3A_181 = arith.cmpi sge, %add3A_119, %ge3A : i32
            %convert_element_type3A_182 = arith.extui %ge3A_181 : i1 to i32
            %cond3A_183 = arith.constant 0 : i32
            %cond3A_184 = arith.cmpi ne, %convert_element_type3A_182, %cond3A_183 : i32
            scf.if %cond3A_184 {
              %sub3A = arith.constant 1 : i32
              %sub3A_193 = arith.subi %add3A_119, %sub3A : i32
              %dma_wait3A_194 = arith.constant 0 : i32
              %dma_wait3A_195 = tpu.memref_slice %arg8[%sub3A_193, %dma_wait3A_194] : memref<250x80xi32, #tpu.memory_space<vmem>> -> memref<1x80xi32, #tpu.memory_space<vmem>>
              %dma_wait3A_196 = tpu.memref_squeeze %dma_wait3A_195 : memref<1x80xi32, #tpu.memory_space<vmem>> -> memref<80xi32, #tpu.memory_space<vmem>>
              %dma_wait3A_197 = arith.constant 0 : i32
              %dma_wait3A_198 = arith.constant 0 : i32
              %dma_wait3A_199 = tpu.memref_slice %arg16[%dma_wait3A_197, %dma_wait3A_198] : memref<10112x64xf32, #tpu.memory_space<vmem_shared>> -> memref<10112x64xf32, #tpu.memory_space<vmem_shared>>
              tpu.wait_indirect_dma semaphore(%arg23 : memref<!tpu.dma_semaphore, #tpu.memory_space<semaphore_mem>>) src(%arg9 : memref<80x64xf32, #tpu.memory_space<vmem>>) dst(%dma_wait3A_199 : memref<10112x64xf32, #tpu.memory_space<vmem_shared>>)
            } else {
            }
            %add3A_185 = arith.constant 5 : i32
            %add3A_186 = arith.addi %add3A_119, %add3A_185 : i32
            %dma_start3A_187 = arith.constant 0 : i32
            %dma_start3A_188 = tpu.memref_slice %arg7[%add3A_186, %dma_start3A_187] : memref<250x80xi32, #tpu.memory_space<vmem>> -> memref<1x80xi32, #tpu.memory_space<vmem>>
            %dma_start3A_189 = tpu.memref_squeeze %dma_start3A_188 : memref<1x80xi32, #tpu.memory_space<vmem>> -> memref<80xi32, #tpu.memory_space<vmem>>
            %dma_start3A_190 = arith.constant 0 : i32
            %dma_start3A_191 = arith.constant 0 : i32
            %dma_start3A_192 = tpu.memref_slice %arg3[%dma_start3A_190, %dma_start3A_191] : memref<10000x64xf32, #tpu.memory_space<hbm>> -> memref<10000x64xf32, #tpu.memory_space<hbm>>
            tpu.enqueue_indirect_dma source(%dma_start3A_192 : memref<10000x64xf32, #tpu.memory_space<hbm>>) target(%arg9 : memref<80x64xf32, #tpu.memory_space<vmem>>) offsets(%dma_start3A_189 : memref<80xi32, #tpu.memory_space<vmem>>) semaphore(%arg17 : memref<!tpu.dma_semaphore, #tpu.memory_space<semaphore_mem>>)
          } else {
          }
          %dma_start3A_175 = arith.constant 0 : i32
          %dma_start3A_176 = tpu.memref_slice %arg8[%add3A_119, %dma_start3A_175] : memref<250x80xi32, #tpu.memory_space<vmem>> -> memref<1x80xi32, #tpu.memory_space<vmem>>
          %dma_start3A_177 = tpu.memref_squeeze %dma_start3A_176 : memref<1x80xi32, #tpu.memory_space<vmem>> -> memref<80xi32, #tpu.memory_space<vmem>>
          %dma_start3A_178 = arith.constant 0 : i32
          %dma_start3A_179 = arith.constant 0 : i32
          %dma_start3A_180 = tpu.memref_slice %arg16[%dma_start3A_178, %dma_start3A_179] : memref<10112x64xf32, #tpu.memory_space<vmem_shared>> -> memref<10112x64xf32, #tpu.memory_space<vmem_shared>>
          tpu.enqueue_indirect_dma source(%arg10 : memref<80x64xf32, #tpu.memory_space<vmem>>) target(%dma_start3A_180 : memref<10112x64xf32, #tpu.memory_space<vmem_shared>>) offsets(%dma_start3A_177 : memref<80xi32, #tpu.memory_space<vmem>>) semaphore(%arg24 : memref<!tpu.dma_semaphore, #tpu.memory_space<semaphore_mem>>) {add = true}
        } else {
        }
        %mul3A_125 = arith.constant 6 : i32
        %mul3A_126 = arith.muli %scan3A_107, %mul3A_125 : i32
        %add3A_127 = arith.constant 2 : i32
        %add3A_128 = arith.addi %mul3A_126, %add3A_127 : i32
        %lt3A_129 = arith.constant 250 : i32
        %lt3A_130 = arith.cmpi slt, %add3A_128, %lt3A_129 : i32
        %convert_element_type3A_131 = arith.extui %lt3A_130 : i1 to i32
        %cond3A_132 = arith.constant 0 : i32
        %cond3A_133 = arith.cmpi ne, %convert_element_type3A_131, %cond3A_132 : i32
        scf.if %cond3A_133 {
          %dma_wait3A_162 = arith.constant 0 : i32
          %dma_wait3A_163 = tpu.memref_slice %arg7[%add3A_128, %dma_wait3A_162] : memref<250x80xi32, #tpu.memory_space<vmem>> -> memref<1x80xi32, #tpu.memory_space<vmem>>
          %dma_wait3A_164 = tpu.memref_squeeze %dma_wait3A_163 : memref<1x80xi32, #tpu.memory_space<vmem>> -> memref<80xi32, #tpu.memory_space<vmem>>
          %dma_wait3A_165 = arith.constant 0 : i32
          %dma_wait3A_166 = arith.constant 0 : i32
          %dma_wait3A_167 = tpu.memref_slice %arg3[%dma_wait3A_165, %dma_wait3A_166] : memref<10000x64xf32, #tpu.memory_space<hbm>> -> memref<10000x64xf32, #tpu.memory_space<hbm>>
          tpu.wait_indirect_dma semaphore(%arg19 : memref<!tpu.dma_semaphore, #tpu.memory_space<semaphore_mem>>) src(%dma_wait3A_167 : memref<10000x64xf32, #tpu.memory_space<hbm>>) dst(%arg11 : memref<80x64xf32, #tpu.memory_space<vmem>>)
          %add3A_168 = arith.constant 5 : i32
          %add3A_169 = arith.addi %add3A_128, %add3A_168 : i32
          %lt3A_170 = arith.constant 250 : i32
          %lt3A_171 = arith.cmpi slt, %add3A_169, %lt3A_170 : i32
          %convert_element_type3A_172 = arith.extui %lt3A_171 : i1 to i32
          %cond3A_173 = arith.constant 0 : i32
          %cond3A_174 = arith.cmpi ne, %convert_element_type3A_172, %cond3A_173 : i32
          scf.if %cond3A_174 {
            %ge3A = arith.constant 1 : i32
            %ge3A_181 = arith.cmpi sge, %add3A_128, %ge3A : i32
            %convert_element_type3A_182 = arith.extui %ge3A_181 : i1 to i32
            %cond3A_183 = arith.constant 0 : i32
            %cond3A_184 = arith.cmpi ne, %convert_element_type3A_182, %cond3A_183 : i32
            scf.if %cond3A_184 {
              %sub3A = arith.constant 1 : i32
              %sub3A_193 = arith.subi %add3A_128, %sub3A : i32
              %dma_wait3A_194 = arith.constant 0 : i32
              %dma_wait3A_195 = tpu.memref_slice %arg8[%sub3A_193, %dma_wait3A_194] : memref<250x80xi32, #tpu.memory_space<vmem>> -> memref<1x80xi32, #tpu.memory_space<vmem>>
              %dma_wait3A_196 = tpu.memref_squeeze %dma_wait3A_195 : memref<1x80xi32, #tpu.memory_space<vmem>> -> memref<80xi32, #tpu.memory_space<vmem>>
              %dma_wait3A_197 = arith.constant 0 : i32
              %dma_wait3A_198 = arith.constant 0 : i32
              %dma_wait3A_199 = tpu.memref_slice %arg16[%dma_wait3A_197, %dma_wait3A_198] : memref<10112x64xf32, #tpu.memory_space<vmem_shared>> -> memref<10112x64xf32, #tpu.memory_space<vmem_shared>>
              tpu.wait_indirect_dma semaphore(%arg24 : memref<!tpu.dma_semaphore, #tpu.memory_space<semaphore_mem>>) src(%arg10 : memref<80x64xf32, #tpu.memory_space<vmem>>) dst(%dma_wait3A_199 : memref<10112x64xf32, #tpu.memory_space<vmem_shared>>)
            } else {
            }
            %add3A_185 = arith.constant 5 : i32
            %add3A_186 = arith.addi %add3A_128, %add3A_185 : i32
            %dma_start3A_187 = arith.constant 0 : i32
            %dma_start3A_188 = tpu.memref_slice %arg7[%add3A_186, %dma_start3A_187] : memref<250x80xi32, #tpu.memory_space<vmem>> -> memref<1x80xi32, #tpu.memory_space<vmem>>
            %dma_start3A_189 = tpu.memref_squeeze %dma_start3A_188 : memref<1x80xi32, #tpu.memory_space<vmem>> -> memref<80xi32, #tpu.memory_space<vmem>>
            %dma_start3A_190 = arith.constant 0 : i32
            %dma_start3A_191 = arith.constant 0 : i32
            %dma_start3A_192 = tpu.memref_slice %arg3[%dma_start3A_190, %dma_start3A_191] : memref<10000x64xf32, #tpu.memory_space<hbm>> -> memref<10000x64xf32, #tpu.memory_space<hbm>>
            tpu.enqueue_indirect_dma source(%dma_start3A_192 : memref<10000x64xf32, #tpu.memory_space<hbm>>) target(%arg10 : memref<80x64xf32, #tpu.memory_space<vmem>>) offsets(%dma_start3A_189 : memref<80xi32, #tpu.memory_space<vmem>>) semaphore(%arg18 : memref<!tpu.dma_semaphore, #tpu.memory_space<semaphore_mem>>)
          } else {
          }
          %dma_start3A_175 = arith.constant 0 : i32
          %dma_start3A_176 = tpu.memref_slice %arg8[%add3A_128, %dma_start3A_175] : memref<250x80xi32, #tpu.memory_space<vmem>> -> memref<1x80xi32, #tpu.memory_space<vmem>>
          %dma_start3A_177 = tpu.memref_squeeze %dma_start3A_176 : memref<1x80xi32, #tpu.memory_space<vmem>> -> memref<80xi32, #tpu.memory_space<vmem>>
          %dma_start3A_178 = arith.constant 0 : i32
          %dma_start3A_179 = arith.constant 0 : i32
          %dma_start3A_180 = tpu.memref_slice %arg16[%dma_start3A_178, %dma_start3A_179] : memref<10112x64xf32, #tpu.memory_space<vmem_shared>> -> memref<10112x64xf32, #tpu.memory_space<vmem_shared>>
          tpu.enqueue_indirect_dma source(%arg11 : memref<80x64xf32, #tpu.memory_space<vmem>>) target(%dma_start3A_180 : memref<10112x64xf32, #tpu.memory_space<vmem_shared>>) offsets(%dma_start3A_177 : memref<80xi32, #tpu.memory_space<vmem>>) semaphore(%arg25 : memref<!tpu.dma_semaphore, #tpu.memory_space<semaphore_mem>>) {add = true}
        } else {
        }
        %mul3A_134 = arith.constant 6 : i32
        %mul3A_135 = arith.muli %scan3A_107, %mul3A_134 : i32
        %add3A_136 = arith.constant 3 : i32
        %add3A_137 = arith.addi %mul3A_135, %add3A_136 : i32
        %lt3A_138 = arith.constant 250 : i32
        %lt3A_139 = arith.cmpi slt, %add3A_137, %lt3A_138 : i32
        %convert_element_type3A_140 = arith.extui %lt3A_139 : i1 to i32
        %cond3A_141 = arith.constant 0 : i32
        %cond3A_142 = arith.cmpi ne, %convert_element_type3A_140, %cond3A_141 : i32
        scf.if %cond3A_142 {
          %dma_wait3A_162 = arith.constant 0 : i32
          %dma_wait3A_163 = tpu.memref_slice %arg7[%add3A_137, %dma_wait3A_162] : memref<250x80xi32, #tpu.memory_space<vmem>> -> memref<1x80xi32, #tpu.memory_space<vmem>>
          %dma_wait3A_164 = tpu.memref_squeeze %dma_wait3A_163 : memref<1x80xi32, #tpu.memory_space<vmem>> -> memref<80xi32, #tpu.memory_space<vmem>>
          %dma_wait3A_165 = arith.constant 0 : i32
          %dma_wait3A_166 = arith.constant 0 : i32
          %dma_wait3A_167 = tpu.memref_slice %arg3[%dma_wait3A_165, %dma_wait3A_166] : memref<10000x64xf32, #tpu.memory_space<hbm>> -> memref<10000x64xf32, #tpu.memory_space<hbm>>
          tpu.wait_indirect_dma semaphore(%arg20 : memref<!tpu.dma_semaphore, #tpu.memory_space<semaphore_mem>>) src(%dma_wait3A_167 : memref<10000x64xf32, #tpu.memory_space<hbm>>) dst(%arg12 : memref<80x64xf32, #tpu.memory_space<vmem>>)
          %add3A_168 = arith.constant 5 : i32
          %add3A_169 = arith.addi %add3A_137, %add3A_168 : i32
          %lt3A_170 = arith.constant 250 : i32
          %lt3A_171 = arith.cmpi slt, %add3A_169, %lt3A_170 : i32
          %convert_element_type3A_172 = arith.extui %lt3A_171 : i1 to i32
          %cond3A_173 = arith.constant 0 : i32
          %cond3A_174 = arith.cmpi ne, %convert_element_type3A_172, %cond3A_173 : i32
          scf.if %cond3A_174 {
            %ge3A = arith.constant 1 : i32
            %ge3A_181 = arith.cmpi sge, %add3A_137, %ge3A : i32
            %convert_element_type3A_182 = arith.extui %ge3A_181 : i1 to i32
            %cond3A_183 = arith.constant 0 : i32
            %cond3A_184 = arith.cmpi ne, %convert_element_type3A_182, %cond3A_183 : i32
            scf.if %cond3A_184 {
              %sub3A = arith.constant 1 : i32
              %sub3A_193 = arith.subi %add3A_137, %sub3A : i32
              %dma_wait3A_194 = arith.constant 0 : i32
              %dma_wait3A_195 = tpu.memref_slice %arg8[%sub3A_193, %dma_wait3A_194] : memref<250x80xi32, #tpu.memory_space<vmem>> -> memref<1x80xi32, #tpu.memory_space<vmem>>
              %dma_wait3A_196 = tpu.memref_squeeze %dma_wait3A_195 : memref<1x80xi32, #tpu.memory_space<vmem>> -> memref<80xi32, #tpu.memory_space<vmem>>
              %dma_wait3A_197 = arith.constant 0 : i32
              %dma_wait3A_198 = arith.constant 0 : i32
              %dma_wait3A_199 = tpu.memref_slice %arg16[%dma_wait3A_197, %dma_wait3A_198] : memref<10112x64xf32, #tpu.memory_space<vmem_shared>> -> memref<10112x64xf32, #tpu.memory_space<vmem_shared>>
              tpu.wait_indirect_dma semaphore(%arg25 : memref<!tpu.dma_semaphore, #tpu.memory_space<semaphore_mem>>) src(%arg11 : memref<80x64xf32, #tpu.memory_space<vmem>>) dst(%dma_wait3A_199 : memref<10112x64xf32, #tpu.memory_space<vmem_shared>>)
            } else {
            }
            %add3A_185 = arith.constant 5 : i32
            %add3A_186 = arith.addi %add3A_137, %add3A_185 : i32
            %dma_start3A_187 = arith.constant 0 : i32
            %dma_start3A_188 = tpu.memref_slice %arg7[%add3A_186, %dma_start3A_187] : memref<250x80xi32, #tpu.memory_space<vmem>> -> memref<1x80xi32, #tpu.memory_space<vmem>>
            %dma_start3A_189 = tpu.memref_squeeze %dma_start3A_188 : memref<1x80xi32, #tpu.memory_space<vmem>> -> memref<80xi32, #tpu.memory_space<vmem>>
            %dma_start3A_190 = arith.constant 0 : i32
            %dma_start3A_191 = arith.constant 0 : i32
            %dma_start3A_192 = tpu.memref_slice %arg3[%dma_start3A_190, %dma_start3A_191] : memref<10000x64xf32, #tpu.memory_space<hbm>> -> memref<10000x64xf32, #tpu.memory_space<hbm>>
            tpu.enqueue_indirect_dma source(%dma_start3A_192 : memref<10000x64xf32, #tpu.memory_space<hbm>>) target(%arg11 : memref<80x64xf32, #tpu.memory_space<vmem>>) offsets(%dma_start3A_189 : memref<80xi32, #tpu.memory_space<vmem>>) semaphore(%arg19 : memref<!tpu.dma_semaphore, #tpu.memory_space<semaphore_mem>>)
          } else {
          }
          %dma_start3A_175 = arith.constant 0 : i32
          %dma_start3A_176 = tpu.memref_slice %arg8[%add3A_137, %dma_start3A_175] : memref<250x80xi32, #tpu.memory_space<vmem>> -> memref<1x80xi32, #tpu.memory_space<vmem>>
          %dma_start3A_177 = tpu.memref_squeeze %dma_start3A_176 : memref<1x80xi32, #tpu.memory_space<vmem>> -> memref<80xi32, #tpu.memory_space<vmem>>
          %dma_start3A_178 = arith.constant 0 : i32
          %dma_start3A_179 = arith.constant 0 : i32
          %dma_start3A_180 = tpu.memref_slice %arg16[%dma_start3A_178, %dma_start3A_179] : memref<10112x64xf32, #tpu.memory_space<vmem_shared>> -> memref<10112x64xf32, #tpu.memory_space<vmem_shared>>
          tpu.enqueue_indirect_dma source(%arg12 : memref<80x64xf32, #tpu.memory_space<vmem>>) target(%dma_start3A_180 : memref<10112x64xf32, #tpu.memory_space<vmem_shared>>) offsets(%dma_start3A_177 : memref<80xi32, #tpu.memory_space<vmem>>) semaphore(%arg26 : memref<!tpu.dma_semaphore, #tpu.memory_space<semaphore_mem>>) {add = true}
        } else {
        }
        %mul3A_143 = arith.constant 6 : i32
        %mul3A_144 = arith.muli %scan3A_107, %mul3A_143 : i32
        %add3A_145 = arith.constant 4 : i32
        %add3A_146 = arith.addi %mul3A_144, %add3A_145 : i32
        %lt3A_147 = arith.constant 250 : i32
        %lt3A_148 = arith.cmpi slt, %add3A_146, %lt3A_147 : i32
        %convert_element_type3A_149 = arith.extui %lt3A_148 : i1 to i32
        %cond3A_150 = arith.constant 0 : i32
        %cond3A_151 = arith.cmpi ne, %convert_element_type3A_149, %cond3A_150 : i32
        scf.if %cond3A_151 {
          %dma_wait3A_162 = arith.constant 0 : i32
          %dma_wait3A_163 = tpu.memref_slice %arg7[%add3A_146, %dma_wait3A_162] : memref<250x80xi32, #tpu.memory_space<vmem>> -> memref<1x80xi32, #tpu.memory_space<vmem>>
          %dma_wait3A_164 = tpu.memref_squeeze %dma_wait3A_163 : memref<1x80xi32, #tpu.memory_space<vmem>> -> memref<80xi32, #tpu.memory_space<vmem>>
          %dma_wait3A_165 = arith.constant 0 : i32
          %dma_wait3A_166 = arith.constant 0 : i32
          %dma_wait3A_167 = tpu.memref_slice %arg3[%dma_wait3A_165, %dma_wait3A_166] : memref<10000x64xf32, #tpu.memory_space<hbm>> -> memref<10000x64xf32, #tpu.memory_space<hbm>>
          tpu.wait_indirect_dma semaphore(%arg21 : memref<!tpu.dma_semaphore, #tpu.memory_space<semaphore_mem>>) src(%dma_wait3A_167 : memref<10000x64xf32, #tpu.memory_space<hbm>>) dst(%arg13 : memref<80x64xf32, #tpu.memory_space<vmem>>)
          %add3A_168 = arith.constant 5 : i32
          %add3A_169 = arith.addi %add3A_146, %add3A_168 : i32
          %lt3A_170 = arith.constant 250 : i32
          %lt3A_171 = arith.cmpi slt, %add3A_169, %lt3A_170 : i32
          %convert_element_type3A_172 = arith.extui %lt3A_171 : i1 to i32
          %cond3A_173 = arith.constant 0 : i32
          %cond3A_174 = arith.cmpi ne, %convert_element_type3A_172, %cond3A_173 : i32
          scf.if %cond3A_174 {
            %ge3A = arith.constant 1 : i32
            %ge3A_181 = arith.cmpi sge, %add3A_146, %ge3A : i32
            %convert_element_type3A_182 = arith.extui %ge3A_181 : i1 to i32
            %cond3A_183 = arith.constant 0 : i32
            %cond3A_184 = arith.cmpi ne, %convert_element_type3A_182, %cond3A_183 : i32
            scf.if %cond3A_184 {
              %sub3A = arith.constant 1 : i32
              %sub3A_193 = arith.subi %add3A_146, %sub3A : i32
              %dma_wait3A_194 = arith.constant 0 : i32
              %dma_wait3A_195 = tpu.memref_slice %arg8[%sub3A_193, %dma_wait3A_194] : memref<250x80xi32, #tpu.memory_space<vmem>> -> memref<1x80xi32, #tpu.memory_space<vmem>>
              %dma_wait3A_196 = tpu.memref_squeeze %dma_wait3A_195 : memref<1x80xi32, #tpu.memory_space<vmem>> -> memref<80xi32, #tpu.memory_space<vmem>>
              %dma_wait3A_197 = arith.constant 0 : i32
              %dma_wait3A_198 = arith.constant 0 : i32
              %dma_wait3A_199 = tpu.memref_slice %arg16[%dma_wait3A_197, %dma_wait3A_198] : memref<10112x64xf32, #tpu.memory_space<vmem_shared>> -> memref<10112x64xf32, #tpu.memory_space<vmem_shared>>
              tpu.wait_indirect_dma semaphore(%arg26 : memref<!tpu.dma_semaphore, #tpu.memory_space<semaphore_mem>>) src(%arg12 : memref<80x64xf32, #tpu.memory_space<vmem>>) dst(%dma_wait3A_199 : memref<10112x64xf32, #tpu.memory_space<vmem_shared>>)
            } else {
            }
            %add3A_185 = arith.constant 5 : i32
            %add3A_186 = arith.addi %add3A_146, %add3A_185 : i32
            %dma_start3A_187 = arith.constant 0 : i32
            %dma_start3A_188 = tpu.memref_slice %arg7[%add3A_186, %dma_start3A_187] : memref<250x80xi32, #tpu.memory_space<vmem>> -> memref<1x80xi32, #tpu.memory_space<vmem>>
            %dma_start3A_189 = tpu.memref_squeeze %dma_start3A_188 : memref<1x80xi32, #tpu.memory_space<vmem>> -> memref<80xi32, #tpu.memory_space<vmem>>
            %dma_start3A_190 = arith.constant 0 : i32
            %dma_start3A_191 = arith.constant 0 : i32
            %dma_start3A_192 = tpu.memref_slice %arg3[%dma_start3A_190, %dma_start3A_191] : memref<10000x64xf32, #tpu.memory_space<hbm>> -> memref<10000x64xf32, #tpu.memory_space<hbm>>
            tpu.enqueue_indirect_dma source(%dma_start3A_192 : memref<10000x64xf32, #tpu.memory_space<hbm>>) target(%arg12 : memref<80x64xf32, #tpu.memory_space<vmem>>) offsets(%dma_start3A_189 : memref<80xi32, #tpu.memory_space<vmem>>) semaphore(%arg20 : memref<!tpu.dma_semaphore, #tpu.memory_space<semaphore_mem>>)
          } else {
          }
          %dma_start3A_175 = arith.constant 0 : i32
          %dma_start3A_176 = tpu.memref_slice %arg8[%add3A_146, %dma_start3A_175] : memref<250x80xi32, #tpu.memory_space<vmem>> -> memref<1x80xi32, #tpu.memory_space<vmem>>
          %dma_start3A_177 = tpu.memref_squeeze %dma_start3A_176 : memref<1x80xi32, #tpu.memory_space<vmem>> -> memref<80xi32, #tpu.memory_space<vmem>>
          %dma_start3A_178 = arith.constant 0 : i32
          %dma_start3A_179 = arith.constant 0 : i32
          %dma_start3A_180 = tpu.memref_slice %arg16[%dma_start3A_178, %dma_start3A_179] : memref<10112x64xf32, #tpu.memory_space<vmem_shared>> -> memref<10112x64xf32, #tpu.memory_space<vmem_shared>>
          tpu.enqueue_indirect_dma source(%arg13 : memref<80x64xf32, #tpu.memory_space<vmem>>) target(%dma_start3A_180 : memref<10112x64xf32, #tpu.memory_space<vmem_shared>>) offsets(%dma_start3A_177 : memref<80xi32, #tpu.memory_space<vmem>>) semaphore(%arg27 : memref<!tpu.dma_semaphore, #tpu.memory_space<semaphore_mem>>) {add = true}
        } else {
        }
        %mul3A_152 = arith.constant 6 : i32
        %mul3A_153 = arith.muli %scan3A_107, %mul3A_152 : i32
        %add3A_154 = arith.constant 5 : i32
        %add3A_155 = arith.addi %mul3A_153, %add3A_154 : i32
        %lt3A_156 = arith.constant 250 : i32
        %lt3A_157 = arith.cmpi slt, %add3A_155, %lt3A_156 : i32
        %convert_element_type3A_158 = arith.extui %lt3A_157 : i1 to i32
        %cond3A_159 = arith.constant 0 : i32
        %cond3A_160 = arith.cmpi ne, %convert_element_type3A_158, %cond3A_159 : i32
        scf.if %cond3A_160 {
          %dma_wait3A_162 = arith.constant 0 : i32
          %dma_wait3A_163 = tpu.memref_slice %arg7[%add3A_155, %dma_wait3A_162] : memref<250x80xi32, #tpu.memory_space<vmem>> -> memref<1x80xi32, #tpu.memory_space<vmem>>
          %dma_wait3A_164 = tpu.memref_squeeze %dma_wait3A_163 : memref<1x80xi32, #tpu.memory_space<vmem>> -> memref<80xi32, #tpu.memory_space<vmem>>
          %dma_wait3A_165 = arith.constant 0 : i32
          %dma_wait3A_166 = arith.constant 0 : i32
          %dma_wait3A_167 = tpu.memref_slice %arg3[%dma_wait3A_165, %dma_wait3A_166] : memref<10000x64xf32, #tpu.memory_space<hbm>> -> memref<10000x64xf32, #tpu.memory_space<hbm>>
          tpu.wait_indirect_dma semaphore(%arg22 : memref<!tpu.dma_semaphore, #tpu.memory_space<semaphore_mem>>) src(%dma_wait3A_167 : memref<10000x64xf32, #tpu.memory_space<hbm>>) dst(%arg14 : memref<80x64xf32, #tpu.memory_space<vmem>>)
          %add3A_168 = arith.constant 5 : i32
          %add3A_169 = arith.addi %add3A_155, %add3A_168 : i32
          %lt3A_170 = arith.constant 250 : i32
          %lt3A_171 = arith.cmpi slt, %add3A_169, %lt3A_170 : i32
          %convert_element_type3A_172 = arith.extui %lt3A_171 : i1 to i32
          %cond3A_173 = arith.constant 0 : i32
          %cond3A_174 = arith.cmpi ne, %convert_element_type3A_172, %cond3A_173 : i32
          scf.if %cond3A_174 {
            %ge3A = arith.constant 1 : i32
            %ge3A_181 = arith.cmpi sge, %add3A_155, %ge3A : i32
            %convert_element_type3A_182 = arith.extui %ge3A_181 : i1 to i32
            %cond3A_183 = arith.constant 0 : i32
            %cond3A_184 = arith.cmpi ne, %convert_element_type3A_182, %cond3A_183 : i32
            scf.if %cond3A_184 {
              %sub3A = arith.constant 1 : i32
              %sub3A_193 = arith.subi %add3A_155, %sub3A : i32
              %dma_wait3A_194 = arith.constant 0 : i32
              %dma_wait3A_195 = tpu.memref_slice %arg8[%sub3A_193, %dma_wait3A_194] : memref<250x80xi32, #tpu.memory_space<vmem>> -> memref<1x80xi32, #tpu.memory_space<vmem>>
              %dma_wait3A_196 = tpu.memref_squeeze %dma_wait3A_195 : memref<1x80xi32, #tpu.memory_space<vmem>> -> memref<80xi32, #tpu.memory_space<vmem>>
              %dma_wait3A_197 = arith.constant 0 : i32
              %dma_wait3A_198 = arith.constant 0 : i32
              %dma_wait3A_199 = tpu.memref_slice %arg16[%dma_wait3A_197, %dma_wait3A_198] : memref<10112x64xf32, #tpu.memory_space<vmem_shared>> -> memref<10112x64xf32, #tpu.memory_space<vmem_shared>>
              tpu.wait_indirect_dma semaphore(%arg27 : memref<!tpu.dma_semaphore, #tpu.memory_space<semaphore_mem>>) src(%arg13 : memref<80x64xf32, #tpu.memory_space<vmem>>) dst(%dma_wait3A_199 : memref<10112x64xf32, #tpu.memory_space<vmem_shared>>)
            } else {
            }
            %add3A_185 = arith.constant 5 : i32
            %add3A_186 = arith.addi %add3A_155, %add3A_185 : i32
            %dma_start3A_187 = arith.constant 0 : i32
            %dma_start3A_188 = tpu.memref_slice %arg7[%add3A_186, %dma_start3A_187] : memref<250x80xi32, #tpu.memory_space<vmem>> -> memref<1x80xi32, #tpu.memory_space<vmem>>
            %dma_start3A_189 = tpu.memref_squeeze %dma_start3A_188 : memref<1x80xi32, #tpu.memory_space<vmem>> -> memref<80xi32, #tpu.memory_space<vmem>>
            %dma_start3A_190 = arith.constant 0 : i32
            %dma_start3A_191 = arith.constant 0 : i32
            %dma_start3A_192 = tpu.memref_slice %arg3[%dma_start3A_190, %dma_start3A_191] : memref<10000x64xf32, #tpu.memory_space<hbm>> -> memref<10000x64xf32, #tpu.memory_space<hbm>>
            tpu.enqueue_indirect_dma source(%dma_start3A_192 : memref<10000x64xf32, #tpu.memory_space<hbm>>) target(%arg13 : memref<80x64xf32, #tpu.memory_space<vmem>>) offsets(%dma_start3A_189 : memref<80xi32, #tpu.memory_space<vmem>>) semaphore(%arg21 : memref<!tpu.dma_semaphore, #tpu.memory_space<semaphore_mem>>)
          } else {
          }
          %dma_start3A_175 = arith.constant 0 : i32
          %dma_start3A_176 = tpu.memref_slice %arg8[%add3A_155, %dma_start3A_175] : memref<250x80xi32, #tpu.memory_space<vmem>> -> memref<1x80xi32, #tpu.memory_space<vmem>>
          %dma_start3A_177 = tpu.memref_squeeze %dma_start3A_176 : memref<1x80xi32, #tpu.memory_space<vmem>> -> memref<80xi32, #tpu.memory_space<vmem>>
          %dma_start3A_178 = arith.constant 0 : i32
          %dma_start3A_179 = arith.constant 0 : i32
          %dma_start3A_180 = tpu.memref_slice %arg16[%dma_start3A_178, %dma_start3A_179] : memref<10112x64xf32, #tpu.memory_space<vmem_shared>> -> memref<10112x64xf32, #tpu.memory_space<vmem_shared>>
          tpu.enqueue_indirect_dma source(%arg14 : memref<80x64xf32, #tpu.memory_space<vmem>>) target(%dma_start3A_180 : memref<10112x64xf32, #tpu.memory_space<vmem_shared>>) offsets(%dma_start3A_177 : memref<80xi32, #tpu.memory_space<vmem>>) semaphore(%arg28 : memref<!tpu.dma_semaphore, #tpu.memory_space<semaphore_mem>>) {add = true}
        } else {
        }
        %scan3A_161 = arith.constant 0 : i32
        scf.yield %scan3A_161 : i32
      }
      %scan3A_65 = arith.constant 42 : i32
      %dma_wait3A = arith.constant 244 : i32
      %dma_wait3A_66 = arith.constant 0 : i32
      %dma_wait3A_67 = tpu.memref_slice %arg8[%dma_wait3A, %dma_wait3A_66] : memref<250x80xi32, #tpu.memory_space<vmem>> -> memref<1x80xi32, #tpu.memory_space<vmem>>
      %dma_wait3A_68 = tpu.memref_squeeze %dma_wait3A_67 : memref<1x80xi32, #tpu.memory_space<vmem>> -> memref<80xi32, #tpu.memory_space<vmem>>
      %dma_wait3A_69 = arith.constant 0 : i32
      %dma_wait3A_70 = arith.constant 0 : i32
      %dma_wait3A_71 = tpu.memref_slice %arg16[%dma_wait3A_69, %dma_wait3A_70] : memref<10112x64xf32, #tpu.memory_space<vmem_shared>> -> memref<10112x64xf32, #tpu.memory_space<vmem_shared>>
      tpu.wait_indirect_dma semaphore(%arg27 : memref<!tpu.dma_semaphore, #tpu.memory_space<semaphore_mem>>) src(%arg13 : memref<80x64xf32, #tpu.memory_space<vmem>>) dst(%dma_wait3A_71 : memref<10112x64xf32, #tpu.memory_space<vmem_shared>>)
      %dma_wait3A_72 = arith.constant 245 : i32
      %dma_wait3A_73 = arith.constant 0 : i32
      %dma_wait3A_74 = tpu.memref_slice %arg8[%dma_wait3A_72, %dma_wait3A_73] : memref<250x80xi32, #tpu.memory_space<vmem>> -> memref<1x80xi32, #tpu.memory_space<vmem>>
      %dma_wait3A_75 = tpu.memref_squeeze %dma_wait3A_74 : memref<1x80xi32, #tpu.memory_space<vmem>> -> memref<80xi32, #tpu.memory_space<vmem>>
      %dma_wait3A_76 = arith.constant 0 : i32
      %dma_wait3A_77 = arith.constant 0 : i32
      %dma_wait3A_78 = tpu.memref_slice %arg16[%dma_wait3A_76, %dma_wait3A_77] : memref<10112x64xf32, #tpu.memory_space<vmem_shared>> -> memref<10112x64xf32, #tpu.memory_space<vmem_shared>>
      tpu.wait_indirect_dma semaphore(%arg28 : memref<!tpu.dma_semaphore, #tpu.memory_space<semaphore_mem>>) src(%arg14 : memref<80x64xf32, #tpu.memory_space<vmem>>) dst(%dma_wait3A_78 : memref<10112x64xf32, #tpu.memory_space<vmem_shared>>)
      %dma_wait3A_79 = arith.constant 246 : i32
      %dma_wait3A_80 = arith.constant 0 : i32
      %dma_wait3A_81 = tpu.memref_slice %arg8[%dma_wait3A_79, %dma_wait3A_80] : memref<250x80xi32, #tpu.memory_space<vmem>> -> memref<1x80xi32, #tpu.memory_space<vmem>>
      %dma_wait3A_82 = tpu.memref_squeeze %dma_wait3A_81 : memref<1x80xi32, #tpu.memory_space<vmem>> -> memref<80xi32, #tpu.memory_space<vmem>>
      %dma_wait3A_83 = arith.constant 0 : i32
      %dma_wait3A_84 = arith.constant 0 : i32
      %dma_wait3A_85 = tpu.memref_slice %arg16[%dma_wait3A_83, %dma_wait3A_84] : memref<10112x64xf32, #tpu.memory_space<vmem_shared>> -> memref<10112x64xf32, #tpu.memory_space<vmem_shared>>
      tpu.wait_indirect_dma semaphore(%arg23 : memref<!tpu.dma_semaphore, #tpu.memory_space<semaphore_mem>>) src(%arg9 : memref<80x64xf32, #tpu.memory_space<vmem>>) dst(%dma_wait3A_85 : memref<10112x64xf32, #tpu.memory_space<vmem_shared>>)
      %dma_wait3A_86 = arith.constant 247 : i32
      %dma_wait3A_87 = arith.constant 0 : i32
      %dma_wait3A_88 = tpu.memref_slice %arg8[%dma_wait3A_86, %dma_wait3A_87] : memref<250x80xi32, #tpu.memory_space<vmem>> -> memref<1x80xi32, #tpu.memory_space<vmem>>
      %dma_wait3A_89 = tpu.memref_squeeze %dma_wait3A_88 : memref<1x80xi32, #tpu.memory_space<vmem>> -> memref<80xi32, #tpu.memory_space<vmem>>
      %dma_wait3A_90 = arith.constant 0 : i32
      %dma_wait3A_91 = arith.constant 0 : i32
      %dma_wait3A_92 = tpu.memref_slice %arg16[%dma_wait3A_90, %dma_wait3A_91] : memref<10112x64xf32, #tpu.memory_space<vmem_shared>> -> memref<10112x64xf32, #tpu.memory_space<vmem_shared>>
      tpu.wait_indirect_dma semaphore(%arg24 : memref<!tpu.dma_semaphore, #tpu.memory_space<semaphore_mem>>) src(%arg10 : memref<80x64xf32, #tpu.memory_space<vmem>>) dst(%dma_wait3A_92 : memref<10112x64xf32, #tpu.memory_space<vmem_shared>>)
      %dma_wait3A_93 = arith.constant 248 : i32
      %dma_wait3A_94 = arith.constant 0 : i32
      %dma_wait3A_95 = tpu.memref_slice %arg8[%dma_wait3A_93, %dma_wait3A_94] : memref<250x80xi32, #tpu.memory_space<vmem>> -> memref<1x80xi32, #tpu.memory_space<vmem>>
      %dma_wait3A_96 = tpu.memref_squeeze %dma_wait3A_95 : memref<1x80xi32, #tpu.memory_space<vmem>> -> memref<80xi32, #tpu.memory_space<vmem>>
      %dma_wait3A_97 = arith.constant 0 : i32
      %dma_wait3A_98 = arith.constant 0 : i32
      %dma_wait3A_99 = tpu.memref_slice %arg16[%dma_wait3A_97, %dma_wait3A_98] : memref<10112x64xf32, #tpu.memory_space<vmem_shared>> -> memref<10112x64xf32, #tpu.memory_space<vmem_shared>>
      tpu.wait_indirect_dma semaphore(%arg25 : memref<!tpu.dma_semaphore, #tpu.memory_space<semaphore_mem>>) src(%arg11 : memref<80x64xf32, #tpu.memory_space<vmem>>) dst(%dma_wait3A_99 : memref<10112x64xf32, #tpu.memory_space<vmem_shared>>)
      %dma_wait3A_100 = arith.constant 249 : i32
      %dma_wait3A_101 = arith.constant 0 : i32
      %dma_wait3A_102 = tpu.memref_slice %arg8[%dma_wait3A_100, %dma_wait3A_101] : memref<250x80xi32, #tpu.memory_space<vmem>> -> memref<1x80xi32, #tpu.memory_space<vmem>>
      %dma_wait3A_103 = tpu.memref_squeeze %dma_wait3A_102 : memref<1x80xi32, #tpu.memory_space<vmem>> -> memref<80xi32, #tpu.memory_space<vmem>>
      %dma_wait3A_104 = arith.constant 0 : i32
      %dma_wait3A_105 = arith.constant 0 : i32
      %dma_wait3A_106 = tpu.memref_slice %arg16[%dma_wait3A_104, %dma_wait3A_105] : memref<10112x64xf32, #tpu.memory_space<vmem_shared>> -> memref<10112x64xf32, #tpu.memory_space<vmem_shared>>
      tpu.wait_indirect_dma semaphore(%arg26 : memref<!tpu.dma_semaphore, #tpu.memory_space<semaphore_mem>>) src(%arg12 : memref<80x64xf32, #tpu.memory_space<vmem>>) dst(%dma_wait3A_106 : memref<10112x64xf32, #tpu.memory_space<vmem_shared>>)
    } else {
    }
    %barrier3A_21 = arith.constant 0 : index
    tpu.barrier barrier_id(%barrier3A_21)
    %mul3A = arith.constant 632 : i32
    %mul3A_22 = arith.muli %arg1, %mul3A : i32
    %mul3A_23 = arith.constant 632 : i32
    %mul3A_24 = arith.muli %arg1, %mul3A_23 : i32
    "tpu.region"() ({
      %run_scoped3A = tpu.sem_alloc : memref<!tpu.dma_semaphore, #tpu.memory_space<semaphore_mem>>
      %dma_start3A = arith.constant 0 : i32
      %dma_start3A_25 = tpu.memref_slice %arg6[%arg0, %mul3A_24, %dma_start3A] : memref<2x10112x64xf32, #tpu.memory_space<hbm>> -> memref<1x632x64xf32, #tpu.memory_space<hbm>>
      %dma_start3A_26 = tpu.memref_squeeze %dma_start3A_25 : memref<1x632x64xf32, #tpu.memory_space<hbm>> -> memref<632x64xf32, #tpu.memory_space<hbm>>
      %dma_start3A_27 = arith.constant 0 : i32
      %dma_start3A_28 = tpu.memref_slice %arg16[%mul3A_22, %dma_start3A_27] : memref<10112x64xf32, #tpu.memory_space<vmem_shared>> -> memref<632x64xf32, #tpu.memory_space<vmem_shared>>
      tpu.enqueue_dma source(%dma_start3A_28 : memref<632x64xf32, #tpu.memory_space<vmem_shared>>) target(%dma_start3A_26 : memref<632x64xf32, #tpu.memory_space<hbm>>) target_semaphore(%run_scoped3A : memref<!tpu.dma_semaphore, #tpu.memory_space<semaphore_mem>>)
      %dma_wait3A = arith.constant 0 : i32
      %dma_wait3A_29 = tpu.memref_slice %arg6[%arg0, %mul3A_24, %dma_wait3A] : memref<2x10112x64xf32, #tpu.memory_space<hbm>> -> memref<1x632x64xf32, #tpu.memory_space<hbm>>
      %dma_wait3A_30 = tpu.memref_squeeze %dma_wait3A_29 : memref<1x632x64xf32, #tpu.memory_space<hbm>> -> memref<632x64xf32, #tpu.memory_space<hbm>>
      %dma_wait3A_31 = arith.constant 0 : i32
      %dma_wait3A_32 = tpu.memref_slice %arg16[%mul3A_22, %dma_wait3A_31] : memref<10112x64xf32, #tpu.memory_space<vmem_shared>> -> memref<632x64xf32, #tpu.memory_space<vmem_shared>>
      tpu.wait_dma2 semaphore(%run_scoped3A : memref<!tpu.dma_semaphore, #tpu.memory_space<semaphore_mem>>) src(%dma_wait3A_32 : memref<632x64xf32, #tpu.memory_space<vmem_shared>>) dst(%dma_wait3A_30 : memref<632x64xf32, #tpu.memory_space<hbm>>)
      tpu.yield
    }) : () -> ()
    return
  }
}

#map = affine_map<(d0, d1) -> (0, 0)>
#map1 = affine_map<(d0, d1) -> (0, 0, 0)>
module attributes {stable_mosaic.version = 14 : i64} {
  func.func @edge_kernel(%arg0: i32, %arg1: i32, %arg2: memref<10000x64xf32, #tpu.memory_space<hbm>>, %arg3: memref<10000x64xf32, #tpu.memory_space<hbm>>, %arg4: memref<16x250x80xi32, #tpu.memory_space<hbm>>, %arg5: memref<16x250x80xi32, #tpu.memory_space<hbm>>, %arg6: memref<2x10112x64xf32, #tpu.memory_space<hbm>>, %arg7: memref<250x80xi32, #tpu.memory_space<vmem>>, %arg8: memref<250x80xi32, #tpu.memory_space<vmem>>, %arg9: memref<80x64xf32, #tpu.memory_space<vmem>>, %arg10: memref<80x64xf32, #tpu.memory_space<vmem>>, %arg11: memref<80x64xf32, #tpu.memory_space<vmem>>, %arg12: memref<80x64xf32, #tpu.memory_space<vmem>>, %arg13: memref<80x64xf32, #tpu.memory_space<vmem>>, %arg14: memref<80x64xf32, #tpu.memory_space<vmem>>, %arg15: memref<79x64xf32, #tpu.memory_space<vmem>>, %arg16: memref<10112x64xf32, #tpu.memory_space<vmem_shared>>, %arg17: memref<!tpu.dma_semaphore, #tpu.memory_space<semaphore_mem>>, %arg18: memref<!tpu.dma_semaphore, #tpu.memory_space<semaphore_mem>>, %arg19: memref<!tpu.dma_semaphore, #tpu.memory_space<semaphore_mem>>, %arg20: memref<!tpu.dma_semaphore, #tpu.memory_space<semaphore_mem>>, %arg21: memref<!tpu.dma_semaphore, #tpu.memory_space<semaphore_mem>>, %arg22: memref<!tpu.dma_semaphore, #tpu.memory_space<semaphore_mem>>, %arg23: memref<!tpu.dma_semaphore, #tpu.memory_space<semaphore_mem>>, %arg24: memref<!tpu.dma_semaphore, #tpu.memory_space<semaphore_mem>>, %arg25: memref<!tpu.dma_semaphore, #tpu.memory_space<semaphore_mem>>, %arg26: memref<!tpu.dma_semaphore, #tpu.memory_space<semaphore_mem>>, %arg27: memref<!tpu.dma_semaphore, #tpu.memory_space<semaphore_mem>>, %arg28: memref<!tpu.dma_semaphore, #tpu.memory_space<semaphore_mem>>) attributes {dimension_semantics = [#tpu.dimension_semantics<core_parallel>, #tpu.dimension_semantics<subcore_parallel>], iteration_bounds = array<i64: 2, 16>, scalar_prefetch = 0 : i64, scratch_operands = 22 : i64, tpu.core_type = #tpu.core_type<sc_vector_subcore>, window_params = [{transform_indices = #map}, {transform_indices = #map}, {transform_indices = #map1}, {transform_indices = #map1}, {transform_indices = #map1}]} {
    %broadcast_in_dim3A = arith.constant 0.000000e+00 : f32
    %broadcast_in_dim3A_0 = vector.broadcast %broadcast_in_dim3A : f32 to vector<16xf32>
    %scan3A = arith.constant 0 : i32
    %scan3A_1 = arith.constant 0 : i32
    %scan3A_2 = arith.constant 79 : i32
    %scan3A_3 = arith.addi %scan3A_1, %scan3A_2 : i32
    %scan3A_4 = arith.constant 1 : i32
    %scan3A_5 = scf.for %scan3A_25 = %scan3A_1 to %scan3A_3 step %scan3A_4 iter_args(%scan3A_26 = %scan3A) -> (i32)  : i32 {
      %scan3A_27 = arith.constant 0 : i32
      %scan3A_28 = arith.constant 0 : i32
      %scan3A_29 = arith.constant 4 : i32
      %scan3A_30 = arith.addi %scan3A_28, %scan3A_29 : i32
      %scan3A_31 = arith.constant 1 : i32
      %scan3A_32 = scf.for %scan3A_35 = %scan3A_28 to %scan3A_30 step %scan3A_31 iter_args(%scan3A_36 = %scan3A_27) -> (i32)  : i32 {
        %mul3A_37 = arith.constant 16 : i32
        %mul3A_38 = arith.muli %scan3A_35, %mul3A_37 : i32
        %swap3A = arith.index_cast %scan3A_25 : i32 to index
        %swap3A_39 = arith.index_cast %mul3A_38 : i32 to index
        %swap3A_40 = tpu.vector_load %arg15[%swap3A, %swap3A_39] {strides = array<i32>} : memref<79x64xf32, #tpu.memory_space<vmem>>, vector<1x16xf32>,
        %swap3A_41 = vector.shape_cast %swap3A_40 : vector<1x16xf32> to vector<16xf32>
        %swap3A_42 = vector.shape_cast %broadcast_in_dim3A_0 : vector<16xf32> to vector<1x16xf32>
        tpu.vector_store %arg15[%swap3A, %swap3A_39], %swap3A_42 {strides = array<i32>} : memref<79x64xf32, #tpu.memory_space<vmem>>, vector<1x16xf32>,
        %scan3A_43 = arith.constant 0 : i32
        scf.yield %scan3A_43 : i32
      }
      %scan3A_33 = arith.constant 4 : i32
      %scan3A_34 = arith.constant 0 : i32
      scf.yield %scan3A_34 : i32
    }
    %scan3A_6 = arith.constant 79 : i32
    %scan3A_7 = arith.constant 0 : i32
    %scan3A_8 = arith.constant 0 : i32
    %scan3A_9 = arith.constant 8 : i32
    %scan3A_10 = arith.addi %scan3A_8, %scan3A_9 : i32
    %scan3A_11 = arith.constant 1 : i32
    %scan3A_12 = scf.for %scan3A_25 = %scan3A_8 to %scan3A_10 step %scan3A_11 iter_args(%scan3A_26 = %scan3A_7) -> (i32)  : i32 {
      %mul3A_27 = arith.constant 632 : i32
      %mul3A_28 = arith.muli %arg1, %mul3A_27 : i32
      %mul3A_29 = arith.constant 79 : i32
      %mul3A_30 = arith.muli %scan3A_25, %mul3A_29 : i32
      %add3A = arith.addi %mul3A_28, %mul3A_30 : i32
      "tpu.region"() ({
        %run_scoped3A = tpu.sem_alloc : memref<!tpu.dma_semaphore, #tpu.memory_space<semaphore_mem>>
        %dma_start3A = arith.constant 0 : i32
        %dma_start3A_32 = tpu.memref_slice %arg16[%add3A, %dma_start3A] : memref<10112x64xf32, #tpu.memory_space<vmem_shared>> -> memref<79x64xf32, #tpu.memory_space<vmem_shared>>
        %dma_start3A_33 = arith.constant 0 : i32
        %dma_start3A_34 = tpu.memref_slice %arg16[%add3A, %dma_start3A_33] : memref<10112x64xf32, #tpu.memory_space<vmem_shared>> -> memref<79x64xf32, #tpu.memory_space<vmem_shared>>
        tpu.enqueue_dma source(%arg15 : memref<79x64xf32, #tpu.memory_space<vmem>>) target(%dma_start3A_34 : memref<79x64xf32, #tpu.memory_space<vmem_shared>>) target_semaphore(%run_scoped3A : memref<!tpu.dma_semaphore, #tpu.memory_space<semaphore_mem>>)
        %dma_wait3A = arith.constant 0 : i32
        %dma_wait3A_35 = tpu.memref_slice %arg16[%add3A, %dma_wait3A] : memref<10112x64xf32, #tpu.memory_space<vmem_shared>> -> memref<79x64xf32, #tpu.memory_space<vmem_shared>>
        %dma_wait3A_36 = arith.constant 0 : i32
        %dma_wait3A_37 = tpu.memref_slice %arg16[%add3A, %dma_wait3A_36] : memref<10112x64xf32, #tpu.memory_space<vmem_shared>> -> memref<79x64xf32, #tpu.memory_space<vmem_shared>>
        tpu.wait_dma2 semaphore(%run_scoped3A : memref<!tpu.dma_semaphore, #tpu.memory_space<semaphore_mem>>) src(%arg15 : memref<79x64xf32, #tpu.memory_space<vmem>>) dst(%dma_wait3A_37 : memref<79x64xf32, #tpu.memory_space<vmem_shared>>)
        tpu.yield
      }) : () -> ()
      %scan3A_31 = arith.constant 0 : i32
      scf.yield %scan3A_31 : i32
    }
    %scan3A_13 = arith.constant 8 : i32
    "tpu.region"() ({
      %run_scoped3A = tpu.sem_alloc : memref<!tpu.dma_semaphore, #tpu.memory_space<semaphore_mem>>
      %dma_start3A = arith.constant 0 : i32
      %dma_start3A_25 = arith.constant 0 : i32
      %dma_start3A_26 = tpu.memref_slice %arg4[%arg1, %dma_start3A, %dma_start3A_25] : memref<16x250x80xi32, #tpu.memory_space<hbm>> -> memref<1x250x80xi32, #tpu.memory_space<hbm>>
      %dma_start3A_27 = tpu.memref_squeeze %dma_start3A_26 : memref<1x250x80xi32, #tpu.memory_space<hbm>> -> memref<250x80xi32, #tpu.memory_space<hbm>>
      %dma_start3A_28 = arith.constant 0 : i32
      %dma_start3A_29 = arith.constant 0 : i32
      %dma_start3A_30 = tpu.memref_slice %arg4[%arg1, %dma_start3A_28, %dma_start3A_29] : memref<16x250x80xi32, #tpu.memory_space<hbm>> -> memref<1x250x80xi32, #tpu.memory_space<hbm>>
      %dma_start3A_31 = tpu.memref_squeeze %dma_start3A_30 : memref<1x250x80xi32, #tpu.memory_space<hbm>> -> memref<250x80xi32, #tpu.memory_space<hbm>>
      tpu.enqueue_dma source(%dma_start3A_31 : memref<250x80xi32, #tpu.memory_space<hbm>>) target(%arg7 : memref<250x80xi32, #tpu.memory_space<vmem>>) target_semaphore(%run_scoped3A : memref<!tpu.dma_semaphore, #tpu.memory_space<semaphore_mem>>)
      %dma_wait3A = arith.constant 0 : i32
      %dma_wait3A_32 = arith.constant 0 : i32
      %dma_wait3A_33 = tpu.memref_slice %arg4[%arg1, %dma_wait3A, %dma_wait3A_32] : memref<16x250x80xi32, #tpu.memory_space<hbm>> -> memref<1x250x80xi32, #tpu.memory_space<hbm>>
      %dma_wait3A_34 = tpu.memref_squeeze %dma_wait3A_33 : memref<1x250x80xi32, #tpu.memory_space<hbm>> -> memref<250x80xi32, #tpu.memory_space<hbm>>
      %dma_wait3A_35 = arith.constant 0 : i32
      %dma_wait3A_36 = arith.constant 0 : i32
      %dma_wait3A_37 = tpu.memref_slice %arg4[%arg1, %dma_wait3A_35, %dma_wait3A_36] : memref<16x250x80xi32, #tpu.memory_space<hbm>> -> memref<1x250x80xi32, #tpu.memory_space<hbm>>
      %dma_wait3A_38 = tpu.memref_squeeze %dma_wait3A_37 : memref<1x250x80xi32, #tpu.memory_space<hbm>> -> memref<250x80xi32, #tpu.memory_space<hbm>>
      tpu.wait_dma2 semaphore(%run_scoped3A : memref<!tpu.dma_semaphore, #tpu.memory_space<semaphore_mem>>) src(%dma_wait3A_38 : memref<250x80xi32, #tpu.memory_space<hbm>>) dst(%arg7 : memref<250x80xi32, #tpu.memory_space<vmem>>)
      tpu.yield
    }) : () -> ()
    "tpu.region"() ({
      %run_scoped3A = tpu.sem_alloc : memref<!tpu.dma_semaphore, #tpu.memory_space<semaphore_mem>>
      %dma_start3A = arith.constant 0 : i32
      %dma_start3A_25 = arith.constant 0 : i32
      %dma_start3A_26 = tpu.memref_slice %arg5[%arg1, %dma_start3A, %dma_start3A_25] : memref<16x250x80xi32, #tpu.memory_space<hbm>> -> memref<1x250x80xi32, #tpu.memory_space<hbm>>
      %dma_start3A_27 = tpu.memref_squeeze %dma_start3A_26 : memref<1x250x80xi32, #tpu.memory_space<hbm>> -> memref<250x80xi32, #tpu.memory_space<hbm>>
      %dma_start3A_28 = arith.constant 0 : i32
      %dma_start3A_29 = arith.constant 0 : i32
      %dma_start3A_30 = tpu.memref_slice %arg5[%arg1, %dma_start3A_28, %dma_start3A_29] : memref<16x250x80xi32, #tpu.memory_space<hbm>> -> memref<1x250x80xi32, #tpu.memory_space<hbm>>
      %dma_start3A_31 = tpu.memref_squeeze %dma_start3A_30 : memref<1x250x80xi32, #tpu.memory_space<hbm>> -> memref<250x80xi32, #tpu.memory_space<hbm>>
      tpu.enqueue_dma source(%dma_start3A_31 : memref<250x80xi32, #tpu.memory_space<hbm>>) target(%arg8 : memref<250x80xi32, #tpu.memory_space<vmem>>) target_semaphore(%run_scoped3A : memref<!tpu.dma_semaphore, #tpu.memory_space<semaphore_mem>>)
      %dma_wait3A = arith.constant 0 : i32
      %dma_wait3A_32 = arith.constant 0 : i32
      %dma_wait3A_33 = tpu.memref_slice %arg5[%arg1, %dma_wait3A, %dma_wait3A_32] : memref<16x250x80xi32, #tpu.memory_space<hbm>> -> memref<1x250x80xi32, #tpu.memory_space<hbm>>
      %dma_wait3A_34 = tpu.memref_squeeze %dma_wait3A_33 : memref<1x250x80xi32, #tpu.memory_space<hbm>> -> memref<250x80xi32, #tpu.memory_space<hbm>>
      %dma_wait3A_35 = arith.constant 0 : i32
      %dma_wait3A_36 = arith.constant 0 : i32
      %dma_wait3A_37 = tpu.memref_slice %arg5[%arg1, %dma_wait3A_35, %dma_wait3A_36] : memref<16x250x80xi32, #tpu.memory_space<hbm>> -> memref<1x250x80xi32, #tpu.memory_space<hbm>>
      %dma_wait3A_38 = tpu.memref_squeeze %dma_wait3A_37 : memref<1x250x80xi32, #tpu.memory_space<hbm>> -> memref<250x80xi32, #tpu.memory_space<hbm>>
      tpu.wait_dma2 semaphore(%run_scoped3A : memref<!tpu.dma_semaphore, #tpu.memory_space<semaphore_mem>>) src(%dma_wait3A_38 : memref<250x80xi32, #tpu.memory_space<hbm>>) dst(%arg8 : memref<250x80xi32, #tpu.memory_space<vmem>>)
      tpu.yield
    }) : () -> ()
    %barrier3A = arith.constant 0 : index
    tpu.barrier barrier_id(%barrier3A)
    %eq3A = arith.constant 0 : i32
    %eq3A_14 = arith.cmpi eq, %arg0, %eq3A : i32
    %convert_element_type3A = arith.extui %eq3A_14 : i1 to i32
    %cond3A = arith.constant 0 : i32
    %cond3A_15 = arith.cmpi ne, %convert_element_type3A, %cond3A : i32
    scf.if %cond3A_15 {
      %dma_start3A = arith.constant 0 : i32
      %dma_start3A_25 = arith.constant 0 : i32
      %dma_start3A_26 = tpu.memref_slice %arg7[%dma_start3A, %dma_start3A_25] : memref<250x80xi32, #tpu.memory_space<vmem>> -> memref<1x80xi32, #tpu.memory_space<vmem>>
      %dma_start3A_27 = tpu.memref_squeeze %dma_start3A_26 : memref<1x80xi32, #tpu.memory_space<vmem>> -> memref<80xi32, #tpu.memory_space<vmem>>
      %dma_start3A_28 = arith.constant 0 : i32
      %dma_start3A_29 = arith.constant 0 : i32
      %dma_start3A_30 = tpu.memref_slice %arg2[%dma_start3A_28, %dma_start3A_29] : memref<10000x64xf32, #tpu.memory_space<hbm>> -> memref<10000x64xf32, #tpu.memory_space<hbm>>
      tpu.enqueue_indirect_dma source(%dma_start3A_30 : memref<10000x64xf32, #tpu.memory_space<hbm>>) target(%arg9 : memref<80x64xf32, #tpu.memory_space<vmem>>) offsets(%dma_start3A_27 : memref<80xi32, #tpu.memory_space<vmem>>) semaphore(%arg17 : memref<!tpu.dma_semaphore, #tpu.memory_space<semaphore_mem>>)
      %dma_start3A_31 = arith.constant 1 : i32
      %dma_start3A_32 = arith.constant 0 : i32
      %dma_start3A_33 = tpu.memref_slice %arg7[%dma_start3A_31, %dma_start3A_32] : memref<250x80xi32, #tpu.memory_space<vmem>> -> memref<1x80xi32, #tpu.memory_space<vmem>>
      %dma_start3A_34 = tpu.memref_squeeze %dma_start3A_33 : memref<1x80xi32, #tpu.memory_space<vmem>> -> memref<80xi32, #tpu.memory_space<vmem>>
      %dma_start3A_35 = arith.constant 0 : i32
      %dma_start3A_36 = arith.constant 0 : i32
      %dma_start3A_37 = tpu.memref_slice %arg2[%dma_start3A_35, %dma_start3A_36] : memref<10000x64xf32, #tpu.memory_space<hbm>> -> memref<10000x64xf32, #tpu.memory_space<hbm>>
      tpu.enqueue_indirect_dma source(%dma_start3A_37 : memref<10000x64xf32, #tpu.memory_space<hbm>>) target(%arg10 : memref<80x64xf32, #tpu.memory_space<vmem>>) offsets(%dma_start3A_34 : memref<80xi32, #tpu.memory_space<vmem>>) semaphore(%arg18 : memref<!tpu.dma_semaphore, #tpu.memory_space<semaphore_mem>>)
      %dma_start3A_38 = arith.constant 2 : i32
      %dma_start3A_39 = arith.constant 0 : i32
      %dma_start3A_40 = tpu.memref_slice %arg7[%dma_start3A_38, %dma_start3A_39] : memref<250x80xi32, #tpu.memory_space<vmem>> -> memref<1x80xi32, #tpu.memory_space<vmem>>
      %dma_start3A_41 = tpu.memref_squeeze %dma_start3A_40 : memref<1x80xi32, #tpu.memory_space<vmem>> -> memref<80xi32, #tpu.memory_space<vmem>>
      %dma_start3A_42 = arith.constant 0 : i32
      %dma_start3A_43 = arith.constant 0 : i32
      %dma_start3A_44 = tpu.memref_slice %arg2[%dma_start3A_42, %dma_start3A_43] : memref<10000x64xf32, #tpu.memory_space<hbm>> -> memref<10000x64xf32, #tpu.memory_space<hbm>>
      tpu.enqueue_indirect_dma source(%dma_start3A_44 : memref<10000x64xf32, #tpu.memory_space<hbm>>) target(%arg11 : memref<80x64xf32, #tpu.memory_space<vmem>>) offsets(%dma_start3A_41 : memref<80xi32, #tpu.memory_space<vmem>>) semaphore(%arg19 : memref<!tpu.dma_semaphore, #tpu.memory_space<semaphore_mem>>)
      %dma_start3A_45 = arith.constant 3 : i32
      %dma_start3A_46 = arith.constant 0 : i32
      %dma_start3A_47 = tpu.memref_slice %arg7[%dma_start3A_45, %dma_start3A_46] : memref<250x80xi32, #tpu.memory_space<vmem>> -> memref<1x80xi32, #tpu.memory_space<vmem>>
      %dma_start3A_48 = tpu.memref_squeeze %dma_start3A_47 : memref<1x80xi32, #tpu.memory_space<vmem>> -> memref<80xi32, #tpu.memory_space<vmem>>
      %dma_start3A_49 = arith.constant 0 : i32
      %dma_start3A_50 = arith.constant 0 : i32
      %dma_start3A_51 = tpu.memref_slice %arg2[%dma_start3A_49, %dma_start3A_50] : memref<10000x64xf32, #tpu.memory_space<hbm>> -> memref<10000x64xf32, #tpu.memory_space<hbm>>
      tpu.enqueue_indirect_dma source(%dma_start3A_51 : memref<10000x64xf32, #tpu.memory_space<hbm>>) target(%arg12 : memref<80x64xf32, #tpu.memory_space<vmem>>) offsets(%dma_start3A_48 : memref<80xi32, #tpu.memory_space<vmem>>) semaphore(%arg20 : memref<!tpu.dma_semaphore, #tpu.memory_space<semaphore_mem>>)
      %dma_start3A_52 = arith.constant 4 : i32
      %dma_start3A_53 = arith.constant 0 : i32
      %dma_start3A_54 = tpu.memref_slice %arg7[%dma_start3A_52, %dma_start3A_53] : memref<250x80xi32, #tpu.memory_space<vmem>> -> memref<1x80xi32, #tpu.memory_space<vmem>>
      %dma_start3A_55 = tpu.memref_squeeze %dma_start3A_54 : memref<1x80xi32, #tpu.memory_space<vmem>> -> memref<80xi32, #tpu.memory_space<vmem>>
      %dma_start3A_56 = arith.constant 0 : i32
      %dma_start3A_57 = arith.constant 0 : i32
      %dma_start3A_58 = tpu.memref_slice %arg2[%dma_start3A_56, %dma_start3A_57] : memref<10000x64xf32, #tpu.memory_space<hbm>> -> memref<10000x64xf32, #tpu.memory_space<hbm>>
      tpu.enqueue_indirect_dma source(%dma_start3A_58 : memref<10000x64xf32, #tpu.memory_space<hbm>>) target(%arg13 : memref<80x64xf32, #tpu.memory_space<vmem>>) offsets(%dma_start3A_55 : memref<80xi32, #tpu.memory_space<vmem>>) semaphore(%arg21 : memref<!tpu.dma_semaphore, #tpu.memory_space<semaphore_mem>>)
      %scan3A_59 = arith.constant 0 : i32
      %scan3A_60 = arith.constant 0 : i32
      %scan3A_61 = arith.constant 42 : i32
      %scan3A_62 = arith.addi %scan3A_60, %scan3A_61 : i32
      %scan3A_63 = arith.constant 1 : i32
      %scan3A_64 = scf.for %scan3A_107 = %scan3A_60 to %scan3A_62 step %scan3A_63 iter_args(%scan3A_108 = %scan3A_59) -> (i32)  : i32 {
        %mul3A_109 = arith.constant 6 : i32
        %mul3A_110 = arith.muli %scan3A_107, %mul3A_109 : i32
        %add3A = arith.constant 0 : i32
        %add3A_111 = arith.addi %mul3A_110, %add3A : i32
        %lt3A = arith.constant 250 : i32
        %lt3A_112 = arith.cmpi slt, %add3A_111, %lt3A : i32
        %convert_element_type3A_113 = arith.extui %lt3A_112 : i1 to i32
        %cond3A_114 = arith.constant 0 : i32
        %cond3A_115 = arith.cmpi ne, %convert_element_type3A_113, %cond3A_114 : i32
        scf.if %cond3A_115 {
          %dma_wait3A_162 = arith.constant 0 : i32
          %dma_wait3A_163 = tpu.memref_slice %arg7[%add3A_111, %dma_wait3A_162] : memref<250x80xi32, #tpu.memory_space<vmem>> -> memref<1x80xi32, #tpu.memory_space<vmem>>
          %dma_wait3A_164 = tpu.memref_squeeze %dma_wait3A_163 : memref<1x80xi32, #tpu.memory_space<vmem>> -> memref<80xi32, #tpu.memory_space<vmem>>
          %dma_wait3A_165 = arith.constant 0 : i32
          %dma_wait3A_166 = arith.constant 0 : i32
          %dma_wait3A_167 = tpu.memref_slice %arg2[%dma_wait3A_165, %dma_wait3A_166] : memref<10000x64xf32, #tpu.memory_space<hbm>> -> memref<10000x64xf32, #tpu.memory_space<hbm>>
          tpu.wait_indirect_dma semaphore(%arg17 : memref<!tpu.dma_semaphore, #tpu.memory_space<semaphore_mem>>) src(%dma_wait3A_167 : memref<10000x64xf32, #tpu.memory_space<hbm>>) dst(%arg9 : memref<80x64xf32, #tpu.memory_space<vmem>>)
          %add3A_168 = arith.constant 5 : i32
          %add3A_169 = arith.addi %add3A_111, %add3A_168 : i32
          %lt3A_170 = arith.constant 250 : i32
          %lt3A_171 = arith.cmpi slt, %add3A_169, %lt3A_170 : i32
          %convert_element_type3A_172 = arith.extui %lt3A_171 : i1 to i32
          %cond3A_173 = arith.constant 0 : i32
          %cond3A_174 = arith.cmpi ne, %convert_element_type3A_172, %cond3A_173 : i32
          scf.if %cond3A_174 {
            %ge3A = arith.constant 1 : i32
            %ge3A_181 = arith.cmpi sge, %add3A_111, %ge3A : i32
            %convert_element_type3A_182 = arith.extui %ge3A_181 : i1 to i32
            %cond3A_183 = arith.constant 0 : i32
            %cond3A_184 = arith.cmpi ne, %convert_element_type3A_182, %cond3A_183 : i32
            scf.if %cond3A_184 {
              %sub3A = arith.constant 1 : i32
              %sub3A_193 = arith.subi %add3A_111, %sub3A : i32
              %dma_wait3A_194 = arith.constant 0 : i32
              %dma_wait3A_195 = tpu.memref_slice %arg8[%sub3A_193, %dma_wait3A_194] : memref<250x80xi32, #tpu.memory_space<vmem>> -> memref<1x80xi32, #tpu.memory_space<vmem>>
              %dma_wait3A_196 = tpu.memref_squeeze %dma_wait3A_195 : memref<1x80xi32, #tpu.memory_space<vmem>> -> memref<80xi32, #tpu.memory_space<vmem>>
              %dma_wait3A_197 = arith.constant 0 : i32
              %dma_wait3A_198 = arith.constant 0 : i32
              %dma_wait3A_199 = tpu.memref_slice %arg16[%dma_wait3A_197, %dma_wait3A_198] : memref<10112x64xf32, #tpu.memory_space<vmem_shared>> -> memref<10112x64xf32, #tpu.memory_space<vmem_shared>>
              tpu.wait_indirect_dma semaphore(%arg28 : memref<!tpu.dma_semaphore, #tpu.memory_space<semaphore_mem>>) src(%arg14 : memref<80x64xf32, #tpu.memory_space<vmem>>) dst(%dma_wait3A_199 : memref<10112x64xf32, #tpu.memory_space<vmem_shared>>)
            } else {
            }
            %add3A_185 = arith.constant 5 : i32
            %add3A_186 = arith.addi %add3A_111, %add3A_185 : i32
            %dma_start3A_187 = arith.constant 0 : i32
            %dma_start3A_188 = tpu.memref_slice %arg7[%add3A_186, %dma_start3A_187] : memref<250x80xi32, #tpu.memory_space<vmem>> -> memref<1x80xi32, #tpu.memory_space<vmem>>
            %dma_start3A_189 = tpu.memref_squeeze %dma_start3A_188 : memref<1x80xi32, #tpu.memory_space<vmem>> -> memref<80xi32, #tpu.memory_space<vmem>>
            %dma_start3A_190 = arith.constant 0 : i32
            %dma_start3A_191 = arith.constant 0 : i32
            %dma_start3A_192 = tpu.memref_slice %arg2[%dma_start3A_190, %dma_start3A_191] : memref<10000x64xf32, #tpu.memory_space<hbm>> -> memref<10000x64xf32, #tpu.memory_space<hbm>>
            tpu.enqueue_indirect_dma source(%dma_start3A_192 : memref<10000x64xf32, #tpu.memory_space<hbm>>) target(%arg14 : memref<80x64xf32, #tpu.memory_space<vmem>>) offsets(%dma_start3A_189 : memref<80xi32, #tpu.memory_space<vmem>>) semaphore(%arg22 : memref<!tpu.dma_semaphore, #tpu.memory_space<semaphore_mem>>)
          } else {
          }
          %dma_start3A_175 = arith.constant 0 : i32
          %dma_start3A_176 = tpu.memref_slice %arg8[%add3A_111, %dma_start3A_175] : memref<250x80xi32, #tpu.memory_space<vmem>> -> memref<1x80xi32, #tpu.memory_space<vmem>>
          %dma_start3A_177 = tpu.memref_squeeze %dma_start3A_176 : memref<1x80xi32, #tpu.memory_space<vmem>> -> memref<80xi32, #tpu.memory_space<vmem>>
          %dma_start3A_178 = arith.constant 0 : i32
          %dma_start3A_179 = arith.constant 0 : i32
          %dma_start3A_180 = tpu.memref_slice %arg16[%dma_start3A_178, %dma_start3A_179] : memref<10112x64xf32, #tpu.memory_space<vmem_shared>> -> memref<10112x64xf32, #tpu.memory_space<vmem_shared>>
          tpu.enqueue_indirect_dma source(%arg9 : memref<80x64xf32, #tpu.memory_space<vmem>>) target(%dma_start3A_180 : memref<10112x64xf32, #tpu.memory_space<vmem_shared>>) offsets(%dma_start3A_177 : memref<80xi32, #tpu.memory_space<vmem>>) semaphore(%arg23 : memref<!tpu.dma_semaphore, #tpu.memory_space<semaphore_mem>>) {add = true}
        } else {
        }
        %mul3A_116 = arith.constant 6 : i32
        %mul3A_117 = arith.muli %scan3A_107, %mul3A_116 : i32
        %add3A_118 = arith.constant 1 : i32
        %add3A_119 = arith.addi %mul3A_117, %add3A_118 : i32
        %lt3A_120 = arith.constant 250 : i32
        %lt3A_121 = arith.cmpi slt, %add3A_119, %lt3A_120 : i32
        %convert_element_type3A_122 = arith.extui %lt3A_121 : i1 to i32
        %cond3A_123 = arith.constant 0 : i32
        %cond3A_124 = arith.cmpi ne, %convert_element_type3A_122, %cond3A_123 : i32
        scf.if %cond3A_124 {
          %dma_wait3A_162 = arith.constant 0 : i32
          %dma_wait3A_163 = tpu.memref_slice %arg7[%add3A_119, %dma_wait3A_162] : memref<250x80xi32, #tpu.memory_space<vmem>> -> memref<1x80xi32, #tpu.memory_space<vmem>>
          %dma_wait3A_164 = tpu.memref_squeeze %dma_wait3A_163 : memref<1x80xi32, #tpu.memory_space<vmem>> -> memref<80xi32, #tpu.memory_space<vmem>>
          %dma_wait3A_165 = arith.constant 0 : i32
          %dma_wait3A_166 = arith.constant 0 : i32
          %dma_wait3A_167 = tpu.memref_slice %arg2[%dma_wait3A_165, %dma_wait3A_166] : memref<10000x64xf32, #tpu.memory_space<hbm>> -> memref<10000x64xf32, #tpu.memory_space<hbm>>
          tpu.wait_indirect_dma semaphore(%arg18 : memref<!tpu.dma_semaphore, #tpu.memory_space<semaphore_mem>>) src(%dma_wait3A_167 : memref<10000x64xf32, #tpu.memory_space<hbm>>) dst(%arg10 : memref<80x64xf32, #tpu.memory_space<vmem>>)
          %add3A_168 = arith.constant 5 : i32
          %add3A_169 = arith.addi %add3A_119, %add3A_168 : i32
          %lt3A_170 = arith.constant 250 : i32
          %lt3A_171 = arith.cmpi slt, %add3A_169, %lt3A_170 : i32
          %convert_element_type3A_172 = arith.extui %lt3A_171 : i1 to i32
          %cond3A_173 = arith.constant 0 : i32
          %cond3A_174 = arith.cmpi ne, %convert_element_type3A_172, %cond3A_173 : i32
          scf.if %cond3A_174 {
            %ge3A = arith.constant 1 : i32
            %ge3A_181 = arith.cmpi sge, %add3A_119, %ge3A : i32
            %convert_element_type3A_182 = arith.extui %ge3A_181 : i1 to i32
            %cond3A_183 = arith.constant 0 : i32
            %cond3A_184 = arith.cmpi ne, %convert_element_type3A_182, %cond3A_183 : i32
            scf.if %cond3A_184 {
              %sub3A = arith.constant 1 : i32
              %sub3A_193 = arith.subi %add3A_119, %sub3A : i32
              %dma_wait3A_194 = arith.constant 0 : i32
              %dma_wait3A_195 = tpu.memref_slice %arg8[%sub3A_193, %dma_wait3A_194] : memref<250x80xi32, #tpu.memory_space<vmem>> -> memref<1x80xi32, #tpu.memory_space<vmem>>
              %dma_wait3A_196 = tpu.memref_squeeze %dma_wait3A_195 : memref<1x80xi32, #tpu.memory_space<vmem>> -> memref<80xi32, #tpu.memory_space<vmem>>
              %dma_wait3A_197 = arith.constant 0 : i32
              %dma_wait3A_198 = arith.constant 0 : i32
              %dma_wait3A_199 = tpu.memref_slice %arg16[%dma_wait3A_197, %dma_wait3A_198] : memref<10112x64xf32, #tpu.memory_space<vmem_shared>> -> memref<10112x64xf32, #tpu.memory_space<vmem_shared>>
              tpu.wait_indirect_dma semaphore(%arg23 : memref<!tpu.dma_semaphore, #tpu.memory_space<semaphore_mem>>) src(%arg9 : memref<80x64xf32, #tpu.memory_space<vmem>>) dst(%dma_wait3A_199 : memref<10112x64xf32, #tpu.memory_space<vmem_shared>>)
            } else {
            }
            %add3A_185 = arith.constant 5 : i32
            %add3A_186 = arith.addi %add3A_119, %add3A_185 : i32
            %dma_start3A_187 = arith.constant 0 : i32
            %dma_start3A_188 = tpu.memref_slice %arg7[%add3A_186, %dma_start3A_187] : memref<250x80xi32, #tpu.memory_space<vmem>> -> memref<1x80xi32, #tpu.memory_space<vmem>>
            %dma_start3A_189 = tpu.memref_squeeze %dma_start3A_188 : memref<1x80xi32, #tpu.memory_space<vmem>> -> memref<80xi32, #tpu.memory_space<vmem>>
            %dma_start3A_190 = arith.constant 0 : i32
            %dma_start3A_191 = arith.constant 0 : i32
            %dma_start3A_192 = tpu.memref_slice %arg2[%dma_start3A_190, %dma_start3A_191] : memref<10000x64xf32, #tpu.memory_space<hbm>> -> memref<10000x64xf32, #tpu.memory_space<hbm>>
            tpu.enqueue_indirect_dma source(%dma_start3A_192 : memref<10000x64xf32, #tpu.memory_space<hbm>>) target(%arg9 : memref<80x64xf32, #tpu.memory_space<vmem>>) offsets(%dma_start3A_189 : memref<80xi32, #tpu.memory_space<vmem>>) semaphore(%arg17 : memref<!tpu.dma_semaphore, #tpu.memory_space<semaphore_mem>>)
          } else {
          }
          %dma_start3A_175 = arith.constant 0 : i32
          %dma_start3A_176 = tpu.memref_slice %arg8[%add3A_119, %dma_start3A_175] : memref<250x80xi32, #tpu.memory_space<vmem>> -> memref<1x80xi32, #tpu.memory_space<vmem>>
          %dma_start3A_177 = tpu.memref_squeeze %dma_start3A_176 : memref<1x80xi32, #tpu.memory_space<vmem>> -> memref<80xi32, #tpu.memory_space<vmem>>
          %dma_start3A_178 = arith.constant 0 : i32
          %dma_start3A_179 = arith.constant 0 : i32
          %dma_start3A_180 = tpu.memref_slice %arg16[%dma_start3A_178, %dma_start3A_179] : memref<10112x64xf32, #tpu.memory_space<vmem_shared>> -> memref<10112x64xf32, #tpu.memory_space<vmem_shared>>
          tpu.enqueue_indirect_dma source(%arg10 : memref<80x64xf32, #tpu.memory_space<vmem>>) target(%dma_start3A_180 : memref<10112x64xf32, #tpu.memory_space<vmem_shared>>) offsets(%dma_start3A_177 : memref<80xi32, #tpu.memory_space<vmem>>) semaphore(%arg24 : memref<!tpu.dma_semaphore, #tpu.memory_space<semaphore_mem>>) {add = true}
        } else {
        }
        %mul3A_125 = arith.constant 6 : i32
        %mul3A_126 = arith.muli %scan3A_107, %mul3A_125 : i32
        %add3A_127 = arith.constant 2 : i32
        %add3A_128 = arith.addi %mul3A_126, %add3A_127 : i32
        %lt3A_129 = arith.constant 250 : i32
        %lt3A_130 = arith.cmpi slt, %add3A_128, %lt3A_129 : i32
        %convert_element_type3A_131 = arith.extui %lt3A_130 : i1 to i32
        %cond3A_132 = arith.constant 0 : i32
        %cond3A_133 = arith.cmpi ne, %convert_element_type3A_131, %cond3A_132 : i32
        scf.if %cond3A_133 {
          %dma_wait3A_162 = arith.constant 0 : i32
          %dma_wait3A_163 = tpu.memref_slice %arg7[%add3A_128, %dma_wait3A_162] : memref<250x80xi32, #tpu.memory_space<vmem>> -> memref<1x80xi32, #tpu.memory_space<vmem>>
          %dma_wait3A_164 = tpu.memref_squeeze %dma_wait3A_163 : memref<1x80xi32, #tpu.memory_space<vmem>> -> memref<80xi32, #tpu.memory_space<vmem>>
          %dma_wait3A_165 = arith.constant 0 : i32
          %dma_wait3A_166 = arith.constant 0 : i32
          %dma_wait3A_167 = tpu.memref_slice %arg2[%dma_wait3A_165, %dma_wait3A_166] : memref<10000x64xf32, #tpu.memory_space<hbm>> -> memref<10000x64xf32, #tpu.memory_space<hbm>>
          tpu.wait_indirect_dma semaphore(%arg19 : memref<!tpu.dma_semaphore, #tpu.memory_space<semaphore_mem>>) src(%dma_wait3A_167 : memref<10000x64xf32, #tpu.memory_space<hbm>>) dst(%arg11 : memref<80x64xf32, #tpu.memory_space<vmem>>)
          %add3A_168 = arith.constant 5 : i32
          %add3A_169 = arith.addi %add3A_128, %add3A_168 : i32
          %lt3A_170 = arith.constant 250 : i32
          %lt3A_171 = arith.cmpi slt, %add3A_169, %lt3A_170 : i32
          %convert_element_type3A_172 = arith.extui %lt3A_171 : i1 to i32
          %cond3A_173 = arith.constant 0 : i32
          %cond3A_174 = arith.cmpi ne, %convert_element_type3A_172, %cond3A_173 : i32
          scf.if %cond3A_174 {
            %ge3A = arith.constant 1 : i32
            %ge3A_181 = arith.cmpi sge, %add3A_128, %ge3A : i32
            %convert_element_type3A_182 = arith.extui %ge3A_181 : i1 to i32
            %cond3A_183 = arith.constant 0 : i32
            %cond3A_184 = arith.cmpi ne, %convert_element_type3A_182, %cond3A_183 : i32
            scf.if %cond3A_184 {
              %sub3A = arith.constant 1 : i32
              %sub3A_193 = arith.subi %add3A_128, %sub3A : i32
              %dma_wait3A_194 = arith.constant 0 : i32
              %dma_wait3A_195 = tpu.memref_slice %arg8[%sub3A_193, %dma_wait3A_194] : memref<250x80xi32, #tpu.memory_space<vmem>> -> memref<1x80xi32, #tpu.memory_space<vmem>>
              %dma_wait3A_196 = tpu.memref_squeeze %dma_wait3A_195 : memref<1x80xi32, #tpu.memory_space<vmem>> -> memref<80xi32, #tpu.memory_space<vmem>>
              %dma_wait3A_197 = arith.constant 0 : i32
              %dma_wait3A_198 = arith.constant 0 : i32
              %dma_wait3A_199 = tpu.memref_slice %arg16[%dma_wait3A_197, %dma_wait3A_198] : memref<10112x64xf32, #tpu.memory_space<vmem_shared>> -> memref<10112x64xf32, #tpu.memory_space<vmem_shared>>
              tpu.wait_indirect_dma semaphore(%arg24 : memref<!tpu.dma_semaphore, #tpu.memory_space<semaphore_mem>>) src(%arg10 : memref<80x64xf32, #tpu.memory_space<vmem>>) dst(%dma_wait3A_199 : memref<10112x64xf32, #tpu.memory_space<vmem_shared>>)
            } else {
            }
            %add3A_185 = arith.constant 5 : i32
            %add3A_186 = arith.addi %add3A_128, %add3A_185 : i32
            %dma_start3A_187 = arith.constant 0 : i32
            %dma_start3A_188 = tpu.memref_slice %arg7[%add3A_186, %dma_start3A_187] : memref<250x80xi32, #tpu.memory_space<vmem>> -> memref<1x80xi32, #tpu.memory_space<vmem>>
            %dma_start3A_189 = tpu.memref_squeeze %dma_start3A_188 : memref<1x80xi32, #tpu.memory_space<vmem>> -> memref<80xi32, #tpu.memory_space<vmem>>
            %dma_start3A_190 = arith.constant 0 : i32
            %dma_start3A_191 = arith.constant 0 : i32
            %dma_start3A_192 = tpu.memref_slice %arg2[%dma_start3A_190, %dma_start3A_191] : memref<10000x64xf32, #tpu.memory_space<hbm>> -> memref<10000x64xf32, #tpu.memory_space<hbm>>
            tpu.enqueue_indirect_dma source(%dma_start3A_192 : memref<10000x64xf32, #tpu.memory_space<hbm>>) target(%arg10 : memref<80x64xf32, #tpu.memory_space<vmem>>) offsets(%dma_start3A_189 : memref<80xi32, #tpu.memory_space<vmem>>) semaphore(%arg18 : memref<!tpu.dma_semaphore, #tpu.memory_space<semaphore_mem>>)
          } else {
          }
          %dma_start3A_175 = arith.constant 0 : i32
          %dma_start3A_176 = tpu.memref_slice %arg8[%add3A_128, %dma_start3A_175] : memref<250x80xi32, #tpu.memory_space<vmem>> -> memref<1x80xi32, #tpu.memory_space<vmem>>
          %dma_start3A_177 = tpu.memref_squeeze %dma_start3A_176 : memref<1x80xi32, #tpu.memory_space<vmem>> -> memref<80xi32, #tpu.memory_space<vmem>>
          %dma_start3A_178 = arith.constant 0 : i32
          %dma_start3A_179 = arith.constant 0 : i32
          %dma_start3A_180 = tpu.memref_slice %arg16[%dma_start3A_178, %dma_start3A_179] : memref<10112x64xf32, #tpu.memory_space<vmem_shared>> -> memref<10112x64xf32, #tpu.memory_space<vmem_shared>>
          tpu.enqueue_indirect_dma source(%arg11 : memref<80x64xf32, #tpu.memory_space<vmem>>) target(%dma_start3A_180 : memref<10112x64xf32, #tpu.memory_space<vmem_shared>>) offsets(%dma_start3A_177 : memref<80xi32, #tpu.memory_space<vmem>>) semaphore(%arg25 : memref<!tpu.dma_semaphore, #tpu.memory_space<semaphore_mem>>) {add = true}
        } else {
        }
        %mul3A_134 = arith.constant 6 : i32
        %mul3A_135 = arith.muli %scan3A_107, %mul3A_134 : i32
        %add3A_136 = arith.constant 3 : i32
        %add3A_137 = arith.addi %mul3A_135, %add3A_136 : i32
        %lt3A_138 = arith.constant 250 : i32
        %lt3A_139 = arith.cmpi slt, %add3A_137, %lt3A_138 : i32
        %convert_element_type3A_140 = arith.extui %lt3A_139 : i1 to i32
        %cond3A_141 = arith.constant 0 : i32
        %cond3A_142 = arith.cmpi ne, %convert_element_type3A_140, %cond3A_141 : i32
        scf.if %cond3A_142 {
          %dma_wait3A_162 = arith.constant 0 : i32
          %dma_wait3A_163 = tpu.memref_slice %arg7[%add3A_137, %dma_wait3A_162] : memref<250x80xi32, #tpu.memory_space<vmem>> -> memref<1x80xi32, #tpu.memory_space<vmem>>
          %dma_wait3A_164 = tpu.memref_squeeze %dma_wait3A_163 : memref<1x80xi32, #tpu.memory_space<vmem>> -> memref<80xi32, #tpu.memory_space<vmem>>
          %dma_wait3A_165 = arith.constant 0 : i32
          %dma_wait3A_166 = arith.constant 0 : i32
          %dma_wait3A_167 = tpu.memref_slice %arg2[%dma_wait3A_165, %dma_wait3A_166] : memref<10000x64xf32, #tpu.memory_space<hbm>> -> memref<10000x64xf32, #tpu.memory_space<hbm>>
          tpu.wait_indirect_dma semaphore(%arg20 : memref<!tpu.dma_semaphore, #tpu.memory_space<semaphore_mem>>) src(%dma_wait3A_167 : memref<10000x64xf32, #tpu.memory_space<hbm>>) dst(%arg12 : memref<80x64xf32, #tpu.memory_space<vmem>>)
          %add3A_168 = arith.constant 5 : i32
          %add3A_169 = arith.addi %add3A_137, %add3A_168 : i32
          %lt3A_170 = arith.constant 250 : i32
          %lt3A_171 = arith.cmpi slt, %add3A_169, %lt3A_170 : i32
          %convert_element_type3A_172 = arith.extui %lt3A_171 : i1 to i32
          %cond3A_173 = arith.constant 0 : i32
          %cond3A_174 = arith.cmpi ne, %convert_element_type3A_172, %cond3A_173 : i32
          scf.if %cond3A_174 {
            %ge3A = arith.constant 1 : i32
            %ge3A_181 = arith.cmpi sge, %add3A_137, %ge3A : i32
            %convert_element_type3A_182 = arith.extui %ge3A_181 : i1 to i32
            %cond3A_183 = arith.constant 0 : i32
            %cond3A_184 = arith.cmpi ne, %convert_element_type3A_182, %cond3A_183 : i32
            scf.if %cond3A_184 {
              %sub3A = arith.constant 1 : i32
              %sub3A_193 = arith.subi %add3A_137, %sub3A : i32
              %dma_wait3A_194 = arith.constant 0 : i32
              %dma_wait3A_195 = tpu.memref_slice %arg8[%sub3A_193, %dma_wait3A_194] : memref<250x80xi32, #tpu.memory_space<vmem>> -> memref<1x80xi32, #tpu.memory_space<vmem>>
              %dma_wait3A_196 = tpu.memref_squeeze %dma_wait3A_195 : memref<1x80xi32, #tpu.memory_space<vmem>> -> memref<80xi32, #tpu.memory_space<vmem>>
              %dma_wait3A_197 = arith.constant 0 : i32
              %dma_wait3A_198 = arith.constant 0 : i32
              %dma_wait3A_199 = tpu.memref_slice %arg16[%dma_wait3A_197, %dma_wait3A_198] : memref<10112x64xf32, #tpu.memory_space<vmem_shared>> -> memref<10112x64xf32, #tpu.memory_space<vmem_shared>>
              tpu.wait_indirect_dma semaphore(%arg25 : memref<!tpu.dma_semaphore, #tpu.memory_space<semaphore_mem>>) src(%arg11 : memref<80x64xf32, #tpu.memory_space<vmem>>) dst(%dma_wait3A_199 : memref<10112x64xf32, #tpu.memory_space<vmem_shared>>)
            } else {
            }
            %add3A_185 = arith.constant 5 : i32
            %add3A_186 = arith.addi %add3A_137, %add3A_185 : i32
            %dma_start3A_187 = arith.constant 0 : i32
            %dma_start3A_188 = tpu.memref_slice %arg7[%add3A_186, %dma_start3A_187] : memref<250x80xi32, #tpu.memory_space<vmem>> -> memref<1x80xi32, #tpu.memory_space<vmem>>
            %dma_start3A_189 = tpu.memref_squeeze %dma_start3A_188 : memref<1x80xi32, #tpu.memory_space<vmem>> -> memref<80xi32, #tpu.memory_space<vmem>>
            %dma_start3A_190 = arith.constant 0 : i32
            %dma_start3A_191 = arith.constant 0 : i32
            %dma_start3A_192 = tpu.memref_slice %arg2[%dma_start3A_190, %dma_start3A_191] : memref<10000x64xf32, #tpu.memory_space<hbm>> -> memref<10000x64xf32, #tpu.memory_space<hbm>>
            tpu.enqueue_indirect_dma source(%dma_start3A_192 : memref<10000x64xf32, #tpu.memory_space<hbm>>) target(%arg11 : memref<80x64xf32, #tpu.memory_space<vmem>>) offsets(%dma_start3A_189 : memref<80xi32, #tpu.memory_space<vmem>>) semaphore(%arg19 : memref<!tpu.dma_semaphore, #tpu.memory_space<semaphore_mem>>)
          } else {
          }
          %dma_start3A_175 = arith.constant 0 : i32
          %dma_start3A_176 = tpu.memref_slice %arg8[%add3A_137, %dma_start3A_175] : memref<250x80xi32, #tpu.memory_space<vmem>> -> memref<1x80xi32, #tpu.memory_space<vmem>>
          %dma_start3A_177 = tpu.memref_squeeze %dma_start3A_176 : memref<1x80xi32, #tpu.memory_space<vmem>> -> memref<80xi32, #tpu.memory_space<vmem>>
          %dma_start3A_178 = arith.constant 0 : i32
          %dma_start3A_179 = arith.constant 0 : i32
          %dma_start3A_180 = tpu.memref_slice %arg16[%dma_start3A_178, %dma_start3A_179] : memref<10112x64xf32, #tpu.memory_space<vmem_shared>> -> memref<10112x64xf32, #tpu.memory_space<vmem_shared>>
          tpu.enqueue_indirect_dma source(%arg12 : memref<80x64xf32, #tpu.memory_space<vmem>>) target(%dma_start3A_180 : memref<10112x64xf32, #tpu.memory_space<vmem_shared>>) offsets(%dma_start3A_177 : memref<80xi32, #tpu.memory_space<vmem>>) semaphore(%arg26 : memref<!tpu.dma_semaphore, #tpu.memory_space<semaphore_mem>>) {add = true}
        } else {
        }
        %mul3A_143 = arith.constant 6 : i32
        %mul3A_144 = arith.muli %scan3A_107, %mul3A_143 : i32
        %add3A_145 = arith.constant 4 : i32
        %add3A_146 = arith.addi %mul3A_144, %add3A_145 : i32
        %lt3A_147 = arith.constant 250 : i32
        %lt3A_148 = arith.cmpi slt, %add3A_146, %lt3A_147 : i32
        %convert_element_type3A_149 = arith.extui %lt3A_148 : i1 to i32
        %cond3A_150 = arith.constant 0 : i32
        %cond3A_151 = arith.cmpi ne, %convert_element_type3A_149, %cond3A_150 : i32
        scf.if %cond3A_151 {
          %dma_wait3A_162 = arith.constant 0 : i32
          %dma_wait3A_163 = tpu.memref_slice %arg7[%add3A_146, %dma_wait3A_162] : memref<250x80xi32, #tpu.memory_space<vmem>> -> memref<1x80xi32, #tpu.memory_space<vmem>>
          %dma_wait3A_164 = tpu.memref_squeeze %dma_wait3A_163 : memref<1x80xi32, #tpu.memory_space<vmem>> -> memref<80xi32, #tpu.memory_space<vmem>>
          %dma_wait3A_165 = arith.constant 0 : i32
          %dma_wait3A_166 = arith.constant 0 : i32
          %dma_wait3A_167 = tpu.memref_slice %arg2[%dma_wait3A_165, %dma_wait3A_166] : memref<10000x64xf32, #tpu.memory_space<hbm>> -> memref<10000x64xf32, #tpu.memory_space<hbm>>
          tpu.wait_indirect_dma semaphore(%arg21 : memref<!tpu.dma_semaphore, #tpu.memory_space<semaphore_mem>>) src(%dma_wait3A_167 : memref<10000x64xf32, #tpu.memory_space<hbm>>) dst(%arg13 : memref<80x64xf32, #tpu.memory_space<vmem>>)
          %add3A_168 = arith.constant 5 : i32
          %add3A_169 = arith.addi %add3A_146, %add3A_168 : i32
          %lt3A_170 = arith.constant 250 : i32
          %lt3A_171 = arith.cmpi slt, %add3A_169, %lt3A_170 : i32
          %convert_element_type3A_172 = arith.extui %lt3A_171 : i1 to i32
          %cond3A_173 = arith.constant 0 : i32
          %cond3A_174 = arith.cmpi ne, %convert_element_type3A_172, %cond3A_173 : i32
          scf.if %cond3A_174 {
            %ge3A = arith.constant 1 : i32
            %ge3A_181 = arith.cmpi sge, %add3A_146, %ge3A : i32
            %convert_element_type3A_182 = arith.extui %ge3A_181 : i1 to i32
            %cond3A_183 = arith.constant 0 : i32
            %cond3A_184 = arith.cmpi ne, %convert_element_type3A_182, %cond3A_183 : i32
            scf.if %cond3A_184 {
              %sub3A = arith.constant 1 : i32
              %sub3A_193 = arith.subi %add3A_146, %sub3A : i32
              %dma_wait3A_194 = arith.constant 0 : i32
              %dma_wait3A_195 = tpu.memref_slice %arg8[%sub3A_193, %dma_wait3A_194] : memref<250x80xi32, #tpu.memory_space<vmem>> -> memref<1x80xi32, #tpu.memory_space<vmem>>
              %dma_wait3A_196 = tpu.memref_squeeze %dma_wait3A_195 : memref<1x80xi32, #tpu.memory_space<vmem>> -> memref<80xi32, #tpu.memory_space<vmem>>
              %dma_wait3A_197 = arith.constant 0 : i32
              %dma_wait3A_198 = arith.constant 0 : i32
              %dma_wait3A_199 = tpu.memref_slice %arg16[%dma_wait3A_197, %dma_wait3A_198] : memref<10112x64xf32, #tpu.memory_space<vmem_shared>> -> memref<10112x64xf32, #tpu.memory_space<vmem_shared>>
              tpu.wait_indirect_dma semaphore(%arg26 : memref<!tpu.dma_semaphore, #tpu.memory_space<semaphore_mem>>) src(%arg12 : memref<80x64xf32, #tpu.memory_space<vmem>>) dst(%dma_wait3A_199 : memref<10112x64xf32, #tpu.memory_space<vmem_shared>>)
            } else {
            }
            %add3A_185 = arith.constant 5 : i32
            %add3A_186 = arith.addi %add3A_146, %add3A_185 : i32
            %dma_start3A_187 = arith.constant 0 : i32
            %dma_start3A_188 = tpu.memref_slice %arg7[%add3A_186, %dma_start3A_187] : memref<250x80xi32, #tpu.memory_space<vmem>> -> memref<1x80xi32, #tpu.memory_space<vmem>>
            %dma_start3A_189 = tpu.memref_squeeze %dma_start3A_188 : memref<1x80xi32, #tpu.memory_space<vmem>> -> memref<80xi32, #tpu.memory_space<vmem>>
            %dma_start3A_190 = arith.constant 0 : i32
            %dma_start3A_191 = arith.constant 0 : i32
            %dma_start3A_192 = tpu.memref_slice %arg2[%dma_start3A_190, %dma_start3A_191] : memref<10000x64xf32, #tpu.memory_space<hbm>> -> memref<10000x64xf32, #tpu.memory_space<hbm>>
            tpu.enqueue_indirect_dma source(%dma_start3A_192 : memref<10000x64xf32, #tpu.memory_space<hbm>>) target(%arg12 : memref<80x64xf32, #tpu.memory_space<vmem>>) offsets(%dma_start3A_189 : memref<80xi32, #tpu.memory_space<vmem>>) semaphore(%arg20 : memref<!tpu.dma_semaphore, #tpu.memory_space<semaphore_mem>>)
          } else {
          }
          %dma_start3A_175 = arith.constant 0 : i32
          %dma_start3A_176 = tpu.memref_slice %arg8[%add3A_146, %dma_start3A_175] : memref<250x80xi32, #tpu.memory_space<vmem>> -> memref<1x80xi32, #tpu.memory_space<vmem>>
          %dma_start3A_177 = tpu.memref_squeeze %dma_start3A_176 : memref<1x80xi32, #tpu.memory_space<vmem>> -> memref<80xi32, #tpu.memory_space<vmem>>
          %dma_start3A_178 = arith.constant 0 : i32
          %dma_start3A_179 = arith.constant 0 : i32
          %dma_start3A_180 = tpu.memref_slice %arg16[%dma_start3A_178, %dma_start3A_179] : memref<10112x64xf32, #tpu.memory_space<vmem_shared>> -> memref<10112x64xf32, #tpu.memory_space<vmem_shared>>
          tpu.enqueue_indirect_dma source(%arg13 : memref<80x64xf32, #tpu.memory_space<vmem>>) target(%dma_start3A_180 : memref<10112x64xf32, #tpu.memory_space<vmem_shared>>) offsets(%dma_start3A_177 : memref<80xi32, #tpu.memory_space<vmem>>) semaphore(%arg27 : memref<!tpu.dma_semaphore, #tpu.memory_space<semaphore_mem>>) {add = true}
        } else {
        }
        %mul3A_152 = arith.constant 6 : i32
        %mul3A_153 = arith.muli %scan3A_107, %mul3A_152 : i32
        %add3A_154 = arith.constant 5 : i32
        %add3A_155 = arith.addi %mul3A_153, %add3A_154 : i32
        %lt3A_156 = arith.constant 250 : i32
        %lt3A_157 = arith.cmpi slt, %add3A_155, %lt3A_156 : i32
        %convert_element_type3A_158 = arith.extui %lt3A_157 : i1 to i32
        %cond3A_159 = arith.constant 0 : i32
        %cond3A_160 = arith.cmpi ne, %convert_element_type3A_158, %cond3A_159 : i32
        scf.if %cond3A_160 {
          %dma_wait3A_162 = arith.constant 0 : i32
          %dma_wait3A_163 = tpu.memref_slice %arg7[%add3A_155, %dma_wait3A_162] : memref<250x80xi32, #tpu.memory_space<vmem>> -> memref<1x80xi32, #tpu.memory_space<vmem>>
          %dma_wait3A_164 = tpu.memref_squeeze %dma_wait3A_163 : memref<1x80xi32, #tpu.memory_space<vmem>> -> memref<80xi32, #tpu.memory_space<vmem>>
          %dma_wait3A_165 = arith.constant 0 : i32
          %dma_wait3A_166 = arith.constant 0 : i32
          %dma_wait3A_167 = tpu.memref_slice %arg2[%dma_wait3A_165, %dma_wait3A_166] : memref<10000x64xf32, #tpu.memory_space<hbm>> -> memref<10000x64xf32, #tpu.memory_space<hbm>>
          tpu.wait_indirect_dma semaphore(%arg22 : memref<!tpu.dma_semaphore, #tpu.memory_space<semaphore_mem>>) src(%dma_wait3A_167 : memref<10000x64xf32, #tpu.memory_space<hbm>>) dst(%arg14 : memref<80x64xf32, #tpu.memory_space<vmem>>)
          %add3A_168 = arith.constant 5 : i32
          %add3A_169 = arith.addi %add3A_155, %add3A_168 : i32
          %lt3A_170 = arith.constant 250 : i32
          %lt3A_171 = arith.cmpi slt, %add3A_169, %lt3A_170 : i32
          %convert_element_type3A_172 = arith.extui %lt3A_171 : i1 to i32
          %cond3A_173 = arith.constant 0 : i32
          %cond3A_174 = arith.cmpi ne, %convert_element_type3A_172, %cond3A_173 : i32
          scf.if %cond3A_174 {
            %ge3A = arith.constant 1 : i32
            %ge3A_181 = arith.cmpi sge, %add3A_155, %ge3A : i32
            %convert_element_type3A_182 = arith.extui %ge3A_181 : i1 to i32
            %cond3A_183 = arith.constant 0 : i32
            %cond3A_184 = arith.cmpi ne, %convert_element_type3A_182, %cond3A_183 : i32
            scf.if %cond3A_184 {
              %sub3A = arith.constant 1 : i32
              %sub3A_193 = arith.subi %add3A_155, %sub3A : i32
              %dma_wait3A_194 = arith.constant 0 : i32
              %dma_wait3A_195 = tpu.memref_slice %arg8[%sub3A_193, %dma_wait3A_194] : memref<250x80xi32, #tpu.memory_space<vmem>> -> memref<1x80xi32, #tpu.memory_space<vmem>>
              %dma_wait3A_196 = tpu.memref_squeeze %dma_wait3A_195 : memref<1x80xi32, #tpu.memory_space<vmem>> -> memref<80xi32, #tpu.memory_space<vmem>>
              %dma_wait3A_197 = arith.constant 0 : i32
              %dma_wait3A_198 = arith.constant 0 : i32
              %dma_wait3A_199 = tpu.memref_slice %arg16[%dma_wait3A_197, %dma_wait3A_198] : memref<10112x64xf32, #tpu.memory_space<vmem_shared>> -> memref<10112x64xf32, #tpu.memory_space<vmem_shared>>
              tpu.wait_indirect_dma semaphore(%arg27 : memref<!tpu.dma_semaphore, #tpu.memory_space<semaphore_mem>>) src(%arg13 : memref<80x64xf32, #tpu.memory_space<vmem>>) dst(%dma_wait3A_199 : memref<10112x64xf32, #tpu.memory_space<vmem_shared>>)
            } else {
            }
            %add3A_185 = arith.constant 5 : i32
            %add3A_186 = arith.addi %add3A_155, %add3A_185 : i32
            %dma_start3A_187 = arith.constant 0 : i32
            %dma_start3A_188 = tpu.memref_slice %arg7[%add3A_186, %dma_start3A_187] : memref<250x80xi32, #tpu.memory_space<vmem>> -> memref<1x80xi32, #tpu.memory_space<vmem>>
            %dma_start3A_189 = tpu.memref_squeeze %dma_start3A_188 : memref<1x80xi32, #tpu.memory_space<vmem>> -> memref<80xi32, #tpu.memory_space<vmem>>
            %dma_start3A_190 = arith.constant 0 : i32
            %dma_start3A_191 = arith.constant 0 : i32
            %dma_start3A_192 = tpu.memref_slice %arg2[%dma_start3A_190, %dma_start3A_191] : memref<10000x64xf32, #tpu.memory_space<hbm>> -> memref<10000x64xf32, #tpu.memory_space<hbm>>
            tpu.enqueue_indirect_dma source(%dma_start3A_192 : memref<10000x64xf32, #tpu.memory_space<hbm>>) target(%arg13 : memref<80x64xf32, #tpu.memory_space<vmem>>) offsets(%dma_start3A_189 : memref<80xi32, #tpu.memory_space<vmem>>) semaphore(%arg21 : memref<!tpu.dma_semaphore, #tpu.memory_space<semaphore_mem>>)
          } else {
          }
          %dma_start3A_175 = arith.constant 0 : i32
          %dma_start3A_176 = tpu.memref_slice %arg8[%add3A_155, %dma_start3A_175] : memref<250x80xi32, #tpu.memory_space<vmem>> -> memref<1x80xi32, #tpu.memory_space<vmem>>
          %dma_start3A_177 = tpu.memref_squeeze %dma_start3A_176 : memref<1x80xi32, #tpu.memory_space<vmem>> -> memref<80xi32, #tpu.memory_space<vmem>>
          %dma_start3A_178 = arith.constant 0 : i32
          %dma_start3A_179 = arith.constant 0 : i32
          %dma_start3A_180 = tpu.memref_slice %arg16[%dma_start3A_178, %dma_start3A_179] : memref<10112x64xf32, #tpu.memory_space<vmem_shared>> -> memref<10112x64xf32, #tpu.memory_space<vmem_shared>>
          tpu.enqueue_indirect_dma source(%arg14 : memref<80x64xf32, #tpu.memory_space<vmem>>) target(%dma_start3A_180 : memref<10112x64xf32, #tpu.memory_space<vmem_shared>>) offsets(%dma_start3A_177 : memref<80xi32, #tpu.memory_space<vmem>>) semaphore(%arg28 : memref<!tpu.dma_semaphore, #tpu.memory_space<semaphore_mem>>) {add = true}
        } else {
        }
        %scan3A_161 = arith.constant 0 : i32
        scf.yield %scan3A_161 : i32
      }
      %scan3A_65 = arith.constant 42 : i32
      %dma_wait3A = arith.constant 244 : i32
      %dma_wait3A_66 = arith.constant 0 : i32
      %dma_wait3A_67 = tpu.memref_slice %arg8[%dma_wait3A, %dma_wait3A_66] : memref<250x80xi32, #tpu.memory_space<vmem>> -> memref<1x80xi32, #tpu.memory_space<vmem>>
      %dma_wait3A_68 = tpu.memref_squeeze %dma_wait3A_67 : memref<1x80xi32, #tpu.memory_space<vmem>> -> memref<80xi32, #tpu.memory_space<vmem>>
      %dma_wait3A_69 = arith.constant 0 : i32
      %dma_wait3A_70 = arith.constant 0 : i32
      %dma_wait3A_71 = tpu.memref_slice %arg16[%dma_wait3A_69, %dma_wait3A_70] : memref<10112x64xf32, #tpu.memory_space<vmem_shared>> -> memref<10112x64xf32, #tpu.memory_space<vmem_shared>>
      tpu.wait_indirect_dma semaphore(%arg27 : memref<!tpu.dma_semaphore, #tpu.memory_space<semaphore_mem>>) src(%arg13 : memref<80x64xf32, #tpu.memory_space<vmem>>) dst(%dma_wait3A_71 : memref<10112x64xf32, #tpu.memory_space<vmem_shared>>)
      %dma_wait3A_72 = arith.constant 245 : i32
      %dma_wait3A_73 = arith.constant 0 : i32
      %dma_wait3A_74 = tpu.memref_slice %arg8[%dma_wait3A_72, %dma_wait3A_73] : memref<250x80xi32, #tpu.memory_space<vmem>> -> memref<1x80xi32, #tpu.memory_space<vmem>>
      %dma_wait3A_75 = tpu.memref_squeeze %dma_wait3A_74 : memref<1x80xi32, #tpu.memory_space<vmem>> -> memref<80xi32, #tpu.memory_space<vmem>>
      %dma_wait3A_76 = arith.constant 0 : i32
      %dma_wait3A_77 = arith.constant 0 : i32
      %dma_wait3A_78 = tpu.memref_slice %arg16[%dma_wait3A_76, %dma_wait3A_77] : memref<10112x64xf32, #tpu.memory_space<vmem_shared>> -> memref<10112x64xf32, #tpu.memory_space<vmem_shared>>
      tpu.wait_indirect_dma semaphore(%arg28 : memref<!tpu.dma_semaphore, #tpu.memory_space<semaphore_mem>>) src(%arg14 : memref<80x64xf32, #tpu.memory_space<vmem>>) dst(%dma_wait3A_78 : memref<10112x64xf32, #tpu.memory_space<vmem_shared>>)
      %dma_wait3A_79 = arith.constant 246 : i32
      %dma_wait3A_80 = arith.constant 0 : i32
      %dma_wait3A_81 = tpu.memref_slice %arg8[%dma_wait3A_79, %dma_wait3A_80] : memref<250x80xi32, #tpu.memory_space<vmem>> -> memref<1x80xi32, #tpu.memory_space<vmem>>
      %dma_wait3A_82 = tpu.memref_squeeze %dma_wait3A_81 : memref<1x80xi32, #tpu.memory_space<vmem>> -> memref<80xi32, #tpu.memory_space<vmem>>
      %dma_wait3A_83 = arith.constant 0 : i32
      %dma_wait3A_84 = arith.constant 0 : i32
      %dma_wait3A_85 = tpu.memref_slice %arg16[%dma_wait3A_83, %dma_wait3A_84] : memref<10112x64xf32, #tpu.memory_space<vmem_shared>> -> memref<10112x64xf32, #tpu.memory_space<vmem_shared>>
      tpu.wait_indirect_dma semaphore(%arg23 : memref<!tpu.dma_semaphore, #tpu.memory_space<semaphore_mem>>) src(%arg9 : memref<80x64xf32, #tpu.memory_space<vmem>>) dst(%dma_wait3A_85 : memref<10112x64xf32, #tpu.memory_space<vmem_shared>>)
      %dma_wait3A_86 = arith.constant 247 : i32
      %dma_wait3A_87 = arith.constant 0 : i32
      %dma_wait3A_88 = tpu.memref_slice %arg8[%dma_wait3A_86, %dma_wait3A_87] : memref<250x80xi32, #tpu.memory_space<vmem>> -> memref<1x80xi32, #tpu.memory_space<vmem>>
      %dma_wait3A_89 = tpu.memref_squeeze %dma_wait3A_88 : memref<1x80xi32, #tpu.memory_space<vmem>> -> memref<80xi32, #tpu.memory_space<vmem>>
      %dma_wait3A_90 = arith.constant 0 : i32
      %dma_wait3A_91 = arith.constant 0 : i32
      %dma_wait3A_92 = tpu.memref_slice %arg16[%dma_wait3A_90, %dma_wait3A_91] : memref<10112x64xf32, #tpu.memory_space<vmem_shared>> -> memref<10112x64xf32, #tpu.memory_space<vmem_shared>>
      tpu.wait_indirect_dma semaphore(%arg24 : memref<!tpu.dma_semaphore, #tpu.memory_space<semaphore_mem>>) src(%arg10 : memref<80x64xf32, #tpu.memory_space<vmem>>) dst(%dma_wait3A_92 : memref<10112x64xf32, #tpu.memory_space<vmem_shared>>)
      %dma_wait3A_93 = arith.constant 248 : i32
      %dma_wait3A_94 = arith.constant 0 : i32
      %dma_wait3A_95 = tpu.memref_slice %arg8[%dma_wait3A_93, %dma_wait3A_94] : memref<250x80xi32, #tpu.memory_space<vmem>> -> memref<1x80xi32, #tpu.memory_space<vmem>>
      %dma_wait3A_96 = tpu.memref_squeeze %dma_wait3A_95 : memref<1x80xi32, #tpu.memory_space<vmem>> -> memref<80xi32, #tpu.memory_space<vmem>>
      %dma_wait3A_97 = arith.constant 0 : i32
      %dma_wait3A_98 = arith.constant 0 : i32
      %dma_wait3A_99 = tpu.memref_slice %arg16[%dma_wait3A_97, %dma_wait3A_98] : memref<10112x64xf32, #tpu.memory_space<vmem_shared>> -> memref<10112x64xf32, #tpu.memory_space<vmem_shared>>
      tpu.wait_indirect_dma semaphore(%arg25 : memref<!tpu.dma_semaphore, #tpu.memory_space<semaphore_mem>>) src(%arg11 : memref<80x64xf32, #tpu.memory_space<vmem>>) dst(%dma_wait3A_99 : memref<10112x64xf32, #tpu.memory_space<vmem_shared>>)
      %dma_wait3A_100 = arith.constant 249 : i32
      %dma_wait3A_101 = arith.constant 0 : i32
      %dma_wait3A_102 = tpu.memref_slice %arg8[%dma_wait3A_100, %dma_wait3A_101] : memref<250x80xi32, #tpu.memory_space<vmem>> -> memref<1x80xi32, #tpu.memory_space<vmem>>
      %dma_wait3A_103 = tpu.memref_squeeze %dma_wait3A_102 : memref<1x80xi32, #tpu.memory_space<vmem>> -> memref<80xi32, #tpu.memory_space<vmem>>
      %dma_wait3A_104 = arith.constant 0 : i32
      %dma_wait3A_105 = arith.constant 0 : i32
      %dma_wait3A_106 = tpu.memref_slice %arg16[%dma_wait3A_104, %dma_wait3A_105] : memref<10112x64xf32, #tpu.memory_space<vmem_shared>> -> memref<10112x64xf32, #tpu.memory_space<vmem_shared>>
      tpu.wait_indirect_dma semaphore(%arg26 : memref<!tpu.dma_semaphore, #tpu.memory_space<semaphore_mem>>) src(%arg12 : memref<80x64xf32, #tpu.memory_space<vmem>>) dst(%dma_wait3A_106 : memref<10112x64xf32, #tpu.memory_space<vmem_shared>>)
    } else {
    }
    %eq3A_16 = arith.constant 1 : i32
    %eq3A_17 = arith.cmpi eq, %arg0, %eq3A_16 : i32
    %convert_element_type3A_18 = arith.extui %eq3A_17 : i1 to i32
    %cond3A_19 = arith.constant 0 : i32
    %cond3A_20 = arith.cmpi ne, %convert_element_type3A_18, %cond3A_19 : i32
    scf.if %cond3A_20 {
      %dma_start3A = arith.constant 0 : i32
      %dma_start3A_25 = arith.constant 0 : i32
      %dma_start3A_26 = tpu.memref_slice %arg7[%dma_start3A, %dma_start3A_25] : memref<250x80xi32, #tpu.memory_space<vmem>> -> memref<1x80xi32, #tpu.memory_space<vmem>>
      %dma_start3A_27 = tpu.memref_squeeze %dma_start3A_26 : memref<1x80xi32, #tpu.memory_space<vmem>> -> memref<80xi32, #tpu.memory_space<vmem>>
      %dma_start3A_28 = arith.constant 0 : i32
      %dma_start3A_29 = arith.constant 0 : i32
      %dma_start3A_30 = tpu.memref_slice %arg3[%dma_start3A_28, %dma_start3A_29] : memref<10000x64xf32, #tpu.memory_space<hbm>> -> memref<10000x64xf32, #tpu.memory_space<hbm>>
      tpu.enqueue_indirect_dma source(%dma_start3A_30 : memref<10000x64xf32, #tpu.memory_space<hbm>>) target(%arg9 : memref<80x64xf32, #tpu.memory_space<vmem>>) offsets(%dma_start3A_27 : memref<80xi32, #tpu.memory_space<vmem>>) semaphore(%arg17 : memref<!tpu.dma_semaphore, #tpu.memory_space<semaphore_mem>>)
      %dma_start3A_31 = arith.constant 1 : i32
      %dma_start3A_32 = arith.constant 0 : i32
      %dma_start3A_33 = tpu.memref_slice %arg7[%dma_start3A_31, %dma_start3A_32] : memref<250x80xi32, #tpu.memory_space<vmem>> -> memref<1x80xi32, #tpu.memory_space<vmem>>
      %dma_start3A_34 = tpu.memref_squeeze %dma_start3A_33 : memref<1x80xi32, #tpu.memory_space<vmem>> -> memref<80xi32, #tpu.memory_space<vmem>>
      %dma_start3A_35 = arith.constant 0 : i32
      %dma_start3A_36 = arith.constant 0 : i32
      %dma_start3A_37 = tpu.memref_slice %arg3[%dma_start3A_35, %dma_start3A_36] : memref<10000x64xf32, #tpu.memory_space<hbm>> -> memref<10000x64xf32, #tpu.memory_space<hbm>>
      tpu.enqueue_indirect_dma source(%dma_start3A_37 : memref<10000x64xf32, #tpu.memory_space<hbm>>) target(%arg10 : memref<80x64xf32, #tpu.memory_space<vmem>>) offsets(%dma_start3A_34 : memref<80xi32, #tpu.memory_space<vmem>>) semaphore(%arg18 : memref<!tpu.dma_semaphore, #tpu.memory_space<semaphore_mem>>)
      %dma_start3A_38 = arith.constant 2 : i32
      %dma_start3A_39 = arith.constant 0 : i32
      %dma_start3A_40 = tpu.memref_slice %arg7[%dma_start3A_38, %dma_start3A_39] : memref<250x80xi32, #tpu.memory_space<vmem>> -> memref<1x80xi32, #tpu.memory_space<vmem>>
      %dma_start3A_41 = tpu.memref_squeeze %dma_start3A_40 : memref<1x80xi32, #tpu.memory_space<vmem>> -> memref<80xi32, #tpu.memory_space<vmem>>
      %dma_start3A_42 = arith.constant 0 : i32
      %dma_start3A_43 = arith.constant 0 : i32
      %dma_start3A_44 = tpu.memref_slice %arg3[%dma_start3A_42, %dma_start3A_43] : memref<10000x64xf32, #tpu.memory_space<hbm>> -> memref<10000x64xf32, #tpu.memory_space<hbm>>
      tpu.enqueue_indirect_dma source(%dma_start3A_44 : memref<10000x64xf32, #tpu.memory_space<hbm>>) target(%arg11 : memref<80x64xf32, #tpu.memory_space<vmem>>) offsets(%dma_start3A_41 : memref<80xi32, #tpu.memory_space<vmem>>) semaphore(%arg19 : memref<!tpu.dma_semaphore, #tpu.memory_space<semaphore_mem>>)
      %dma_start3A_45 = arith.constant 3 : i32
      %dma_start3A_46 = arith.constant 0 : i32
      %dma_start3A_47 = tpu.memref_slice %arg7[%dma_start3A_45, %dma_start3A_46] : memref<250x80xi32, #tpu.memory_space<vmem>> -> memref<1x80xi32, #tpu.memory_space<vmem>>
      %dma_start3A_48 = tpu.memref_squeeze %dma_start3A_47 : memref<1x80xi32, #tpu.memory_space<vmem>> -> memref<80xi32, #tpu.memory_space<vmem>>
      %dma_start3A_49 = arith.constant 0 : i32
      %dma_start3A_50 = arith.constant 0 : i32
      %dma_start3A_51 = tpu.memref_slice %arg3[%dma_start3A_49, %dma_start3A_50] : memref<10000x64xf32, #tpu.memory_space<hbm>> -> memref<10000x64xf32, #tpu.memory_space<hbm>>
      tpu.enqueue_indirect_dma source(%dma_start3A_51 : memref<10000x64xf32, #tpu.memory_space<hbm>>) target(%arg12 : memref<80x64xf32, #tpu.memory_space<vmem>>) offsets(%dma_start3A_48 : memref<80xi32, #tpu.memory_space<vmem>>) semaphore(%arg20 : memref<!tpu.dma_semaphore, #tpu.memory_space<semaphore_mem>>)
      %dma_start3A_52 = arith.constant 4 : i32
      %dma_start3A_53 = arith.constant 0 : i32
      %dma_start3A_54 = tpu.memref_slice %arg7[%dma_start3A_52, %dma_start3A_53] : memref<250x80xi32, #tpu.memory_space<vmem>> -> memref<1x80xi32, #tpu.memory_space<vmem>>
      %dma_start3A_55 = tpu.memref_squeeze %dma_start3A_54 : memref<1x80xi32, #tpu.memory_space<vmem>> -> memref<80xi32, #tpu.memory_space<vmem>>
      %dma_start3A_56 = arith.constant 0 : i32
      %dma_start3A_57 = arith.constant 0 : i32
      %dma_start3A_58 = tpu.memref_slice %arg3[%dma_start3A_56, %dma_start3A_57] : memref<10000x64xf32, #tpu.memory_space<hbm>> -> memref<10000x64xf32, #tpu.memory_space<hbm>>
      tpu.enqueue_indirect_dma source(%dma_start3A_58 : memref<10000x64xf32, #tpu.memory_space<hbm>>) target(%arg13 : memref<80x64xf32, #tpu.memory_space<vmem>>) offsets(%dma_start3A_55 : memref<80xi32, #tpu.memory_space<vmem>>) semaphore(%arg21 : memref<!tpu.dma_semaphore, #tpu.memory_space<semaphore_mem>>)
      %scan3A_59 = arith.constant 0 : i32
      %scan3A_60 = arith.constant 0 : i32
      %scan3A_61 = arith.constant 42 : i32
      %scan3A_62 = arith.addi %scan3A_60, %scan3A_61 : i32
      %scan3A_63 = arith.constant 1 : i32
      %scan3A_64 = scf.for %scan3A_107 = %scan3A_60 to %scan3A_62 step %scan3A_63 iter_args(%scan3A_108 = %scan3A_59) -> (i32)  : i32 {
        %mul3A_109 = arith.constant 6 : i32
        %mul3A_110 = arith.muli %scan3A_107, %mul3A_109 : i32
        %add3A = arith.constant 0 : i32
        %add3A_111 = arith.addi %mul3A_110, %add3A : i32
        %lt3A = arith.constant 250 : i32
        %lt3A_112 = arith.cmpi slt, %add3A_111, %lt3A : i32
        %convert_element_type3A_113 = arith.extui %lt3A_112 : i1 to i32
        %cond3A_114 = arith.constant 0 : i32
        %cond3A_115 = arith.cmpi ne, %convert_element_type3A_113, %cond3A_114 : i32
        scf.if %cond3A_115 {
          %dma_wait3A_162 = arith.constant 0 : i32
          %dma_wait3A_163 = tpu.memref_slice %arg7[%add3A_111, %dma_wait3A_162] : memref<250x80xi32, #tpu.memory_space<vmem>> -> memref<1x80xi32, #tpu.memory_space<vmem>>
          %dma_wait3A_164 = tpu.memref_squeeze %dma_wait3A_163 : memref<1x80xi32, #tpu.memory_space<vmem>> -> memref<80xi32, #tpu.memory_space<vmem>>
          %dma_wait3A_165 = arith.constant 0 : i32
          %dma_wait3A_166 = arith.constant 0 : i32
          %dma_wait3A_167 = tpu.memref_slice %arg3[%dma_wait3A_165, %dma_wait3A_166] : memref<10000x64xf32, #tpu.memory_space<hbm>> -> memref<10000x64xf32, #tpu.memory_space<hbm>>
          tpu.wait_indirect_dma semaphore(%arg17 : memref<!tpu.dma_semaphore, #tpu.memory_space<semaphore_mem>>) src(%dma_wait3A_167 : memref<10000x64xf32, #tpu.memory_space<hbm>>) dst(%arg9 : memref<80x64xf32, #tpu.memory_space<vmem>>)
          %add3A_168 = arith.constant 5 : i32
          %add3A_169 = arith.addi %add3A_111, %add3A_168 : i32
          %lt3A_170 = arith.constant 250 : i32
          %lt3A_171 = arith.cmpi slt, %add3A_169, %lt3A_170 : i32
          %convert_element_type3A_172 = arith.extui %lt3A_171 : i1 to i32
          %cond3A_173 = arith.constant 0 : i32
          %cond3A_174 = arith.cmpi ne, %convert_element_type3A_172, %cond3A_173 : i32
          scf.if %cond3A_174 {
            %ge3A = arith.constant 1 : i32
            %ge3A_181 = arith.cmpi sge, %add3A_111, %ge3A : i32
            %convert_element_type3A_182 = arith.extui %ge3A_181 : i1 to i32
            %cond3A_183 = arith.constant 0 : i32
            %cond3A_184 = arith.cmpi ne, %convert_element_type3A_182, %cond3A_183 : i32
            scf.if %cond3A_184 {
              %sub3A = arith.constant 1 : i32
              %sub3A_193 = arith.subi %add3A_111, %sub3A : i32
              %dma_wait3A_194 = arith.constant 0 : i32
              %dma_wait3A_195 = tpu.memref_slice %arg8[%sub3A_193, %dma_wait3A_194] : memref<250x80xi32, #tpu.memory_space<vmem>> -> memref<1x80xi32, #tpu.memory_space<vmem>>
              %dma_wait3A_196 = tpu.memref_squeeze %dma_wait3A_195 : memref<1x80xi32, #tpu.memory_space<vmem>> -> memref<80xi32, #tpu.memory_space<vmem>>
              %dma_wait3A_197 = arith.constant 0 : i32
              %dma_wait3A_198 = arith.constant 0 : i32
              %dma_wait3A_199 = tpu.memref_slice %arg16[%dma_wait3A_197, %dma_wait3A_198] : memref<10112x64xf32, #tpu.memory_space<vmem_shared>> -> memref<10112x64xf32, #tpu.memory_space<vmem_shared>>
              tpu.wait_indirect_dma semaphore(%arg28 : memref<!tpu.dma_semaphore, #tpu.memory_space<semaphore_mem>>) src(%arg14 : memref<80x64xf32, #tpu.memory_space<vmem>>) dst(%dma_wait3A_199 : memref<10112x64xf32, #tpu.memory_space<vmem_shared>>)
            } else {
            }
            %add3A_185 = arith.constant 5 : i32
            %add3A_186 = arith.addi %add3A_111, %add3A_185 : i32
            %dma_start3A_187 = arith.constant 0 : i32
            %dma_start3A_188 = tpu.memref_slice %arg7[%add3A_186, %dma_start3A_187] : memref<250x80xi32, #tpu.memory_space<vmem>> -> memref<1x80xi32, #tpu.memory_space<vmem>>
            %dma_start3A_189 = tpu.memref_squeeze %dma_start3A_188 : memref<1x80xi32, #tpu.memory_space<vmem>> -> memref<80xi32, #tpu.memory_space<vmem>>
            %dma_start3A_190 = arith.constant 0 : i32
            %dma_start3A_191 = arith.constant 0 : i32
            %dma_start3A_192 = tpu.memref_slice %arg3[%dma_start3A_190, %dma_start3A_191] : memref<10000x64xf32, #tpu.memory_space<hbm>> -> memref<10000x64xf32, #tpu.memory_space<hbm>>
            tpu.enqueue_indirect_dma source(%dma_start3A_192 : memref<10000x64xf32, #tpu.memory_space<hbm>>) target(%arg14 : memref<80x64xf32, #tpu.memory_space<vmem>>) offsets(%dma_start3A_189 : memref<80xi32, #tpu.memory_space<vmem>>) semaphore(%arg22 : memref<!tpu.dma_semaphore, #tpu.memory_space<semaphore_mem>>)
          } else {
          }
          %dma_start3A_175 = arith.constant 0 : i32
          %dma_start3A_176 = tpu.memref_slice %arg8[%add3A_111, %dma_start3A_175] : memref<250x80xi32, #tpu.memory_space<vmem>> -> memref<1x80xi32, #tpu.memory_space<vmem>>
          %dma_start3A_177 = tpu.memref_squeeze %dma_start3A_176 : memref<1x80xi32, #tpu.memory_space<vmem>> -> memref<80xi32, #tpu.memory_space<vmem>>
          %dma_start3A_178 = arith.constant 0 : i32
          %dma_start3A_179 = arith.constant 0 : i32
          %dma_start3A_180 = tpu.memref_slice %arg16[%dma_start3A_178, %dma_start3A_179] : memref<10112x64xf32, #tpu.memory_space<vmem_shared>> -> memref<10112x64xf32, #tpu.memory_space<vmem_shared>>
          tpu.enqueue_indirect_dma source(%arg9 : memref<80x64xf32, #tpu.memory_space<vmem>>) target(%dma_start3A_180 : memref<10112x64xf32, #tpu.memory_space<vmem_shared>>) offsets(%dma_start3A_177 : memref<80xi32, #tpu.memory_space<vmem>>) semaphore(%arg23 : memref<!tpu.dma_semaphore, #tpu.memory_space<semaphore_mem>>) {add = true}
        } else {
        }
        %mul3A_116 = arith.constant 6 : i32
        %mul3A_117 = arith.muli %scan3A_107, %mul3A_116 : i32
        %add3A_118 = arith.constant 1 : i32
        %add3A_119 = arith.addi %mul3A_117, %add3A_118 : i32
        %lt3A_120 = arith.constant 250 : i32
        %lt3A_121 = arith.cmpi slt, %add3A_119, %lt3A_120 : i32
        %convert_element_type3A_122 = arith.extui %lt3A_121 : i1 to i32
        %cond3A_123 = arith.constant 0 : i32
        %cond3A_124 = arith.cmpi ne, %convert_element_type3A_122, %cond3A_123 : i32
        scf.if %cond3A_124 {
          %dma_wait3A_162 = arith.constant 0 : i32
          %dma_wait3A_163 = tpu.memref_slice %arg7[%add3A_119, %dma_wait3A_162] : memref<250x80xi32, #tpu.memory_space<vmem>> -> memref<1x80xi32, #tpu.memory_space<vmem>>
          %dma_wait3A_164 = tpu.memref_squeeze %dma_wait3A_163 : memref<1x80xi32, #tpu.memory_space<vmem>> -> memref<80xi32, #tpu.memory_space<vmem>>
          %dma_wait3A_165 = arith.constant 0 : i32
          %dma_wait3A_166 = arith.constant 0 : i32
          %dma_wait3A_167 = tpu.memref_slice %arg3[%dma_wait3A_165, %dma_wait3A_166] : memref<10000x64xf32, #tpu.memory_space<hbm>> -> memref<10000x64xf32, #tpu.memory_space<hbm>>
          tpu.wait_indirect_dma semaphore(%arg18 : memref<!tpu.dma_semaphore, #tpu.memory_space<semaphore_mem>>) src(%dma_wait3A_167 : memref<10000x64xf32, #tpu.memory_space<hbm>>) dst(%arg10 : memref<80x64xf32, #tpu.memory_space<vmem>>)
          %add3A_168 = arith.constant 5 : i32
          %add3A_169 = arith.addi %add3A_119, %add3A_168 : i32
          %lt3A_170 = arith.constant 250 : i32
          %lt3A_171 = arith.cmpi slt, %add3A_169, %lt3A_170 : i32
          %convert_element_type3A_172 = arith.extui %lt3A_171 : i1 to i32
          %cond3A_173 = arith.constant 0 : i32
          %cond3A_174 = arith.cmpi ne, %convert_element_type3A_172, %cond3A_173 : i32
          scf.if %cond3A_174 {
            %ge3A = arith.constant 1 : i32
            %ge3A_181 = arith.cmpi sge, %add3A_119, %ge3A : i32
            %convert_element_type3A_182 = arith.extui %ge3A_181 : i1 to i32
            %cond3A_183 = arith.constant 0 : i32
            %cond3A_184 = arith.cmpi ne, %convert_element_type3A_182, %cond3A_183 : i32
            scf.if %cond3A_184 {
              %sub3A = arith.constant 1 : i32
              %sub3A_193 = arith.subi %add3A_119, %sub3A : i32
              %dma_wait3A_194 = arith.constant 0 : i32
              %dma_wait3A_195 = tpu.memref_slice %arg8[%sub3A_193, %dma_wait3A_194] : memref<250x80xi32, #tpu.memory_space<vmem>> -> memref<1x80xi32, #tpu.memory_space<vmem>>
              %dma_wait3A_196 = tpu.memref_squeeze %dma_wait3A_195 : memref<1x80xi32, #tpu.memory_space<vmem>> -> memref<80xi32, #tpu.memory_space<vmem>>
              %dma_wait3A_197 = arith.constant 0 : i32
              %dma_wait3A_198 = arith.constant 0 : i32
              %dma_wait3A_199 = tpu.memref_slice %arg16[%dma_wait3A_197, %dma_wait3A_198] : memref<10112x64xf32, #tpu.memory_space<vmem_shared>> -> memref<10112x64xf32, #tpu.memory_space<vmem_shared>>
              tpu.wait_indirect_dma semaphore(%arg23 : memref<!tpu.dma_semaphore, #tpu.memory_space<semaphore_mem>>) src(%arg9 : memref<80x64xf32, #tpu.memory_space<vmem>>) dst(%dma_wait3A_199 : memref<10112x64xf32, #tpu.memory_space<vmem_shared>>)
            } else {
            }
            %add3A_185 = arith.constant 5 : i32
            %add3A_186 = arith.addi %add3A_119, %add3A_185 : i32
            %dma_start3A_187 = arith.constant 0 : i32
            %dma_start3A_188 = tpu.memref_slice %arg7[%add3A_186, %dma_start3A_187] : memref<250x80xi32, #tpu.memory_space<vmem>> -> memref<1x80xi32, #tpu.memory_space<vmem>>
            %dma_start3A_189 = tpu.memref_squeeze %dma_start3A_188 : memref<1x80xi32, #tpu.memory_space<vmem>> -> memref<80xi32, #tpu.memory_space<vmem>>
            %dma_start3A_190 = arith.constant 0 : i32
            %dma_start3A_191 = arith.constant 0 : i32
            %dma_start3A_192 = tpu.memref_slice %arg3[%dma_start3A_190, %dma_start3A_191] : memref<10000x64xf32, #tpu.memory_space<hbm>> -> memref<10000x64xf32, #tpu.memory_space<hbm>>
            tpu.enqueue_indirect_dma source(%dma_start3A_192 : memref<10000x64xf32, #tpu.memory_space<hbm>>) target(%arg9 : memref<80x64xf32, #tpu.memory_space<vmem>>) offsets(%dma_start3A_189 : memref<80xi32, #tpu.memory_space<vmem>>) semaphore(%arg17 : memref<!tpu.dma_semaphore, #tpu.memory_space<semaphore_mem>>)
          } else {
          }
          %dma_start3A_175 = arith.constant 0 : i32
          %dma_start3A_176 = tpu.memref_slice %arg8[%add3A_119, %dma_start3A_175] : memref<250x80xi32, #tpu.memory_space<vmem>> -> memref<1x80xi32, #tpu.memory_space<vmem>>
          %dma_start3A_177 = tpu.memref_squeeze %dma_start3A_176 : memref<1x80xi32, #tpu.memory_space<vmem>> -> memref<80xi32, #tpu.memory_space<vmem>>
          %dma_start3A_178 = arith.constant 0 : i32
          %dma_start3A_179 = arith.constant 0 : i32
          %dma_start3A_180 = tpu.memref_slice %arg16[%dma_start3A_178, %dma_start3A_179] : memref<10112x64xf32, #tpu.memory_space<vmem_shared>> -> memref<10112x64xf32, #tpu.memory_space<vmem_shared>>
          tpu.enqueue_indirect_dma source(%arg10 : memref<80x64xf32, #tpu.memory_space<vmem>>) target(%dma_start3A_180 : memref<10112x64xf32, #tpu.memory_space<vmem_shared>>) offsets(%dma_start3A_177 : memref<80xi32, #tpu.memory_space<vmem>>) semaphore(%arg24 : memref<!tpu.dma_semaphore, #tpu.memory_space<semaphore_mem>>) {add = true}
        } else {
        }
        %mul3A_125 = arith.constant 6 : i32
        %mul3A_126 = arith.muli %scan3A_107, %mul3A_125 : i32
        %add3A_127 = arith.constant 2 : i32
        %add3A_128 = arith.addi %mul3A_126, %add3A_127 : i32
        %lt3A_129 = arith.constant 250 : i32
        %lt3A_130 = arith.cmpi slt, %add3A_128, %lt3A_129 : i32
        %convert_element_type3A_131 = arith.extui %lt3A_130 : i1 to i32
        %cond3A_132 = arith.constant 0 : i32
        %cond3A_133 = arith.cmpi ne, %convert_element_type3A_131, %cond3A_132 : i32
        scf.if %cond3A_133 {
          %dma_wait3A_162 = arith.constant 0 : i32
          %dma_wait3A_163 = tpu.memref_slice %arg7[%add3A_128, %dma_wait3A_162] : memref<250x80xi32, #tpu.memory_space<vmem>> -> memref<1x80xi32, #tpu.memory_space<vmem>>
          %dma_wait3A_164 = tpu.memref_squeeze %dma_wait3A_163 : memref<1x80xi32, #tpu.memory_space<vmem>> -> memref<80xi32, #tpu.memory_space<vmem>>
          %dma_wait3A_165 = arith.constant 0 : i32
          %dma_wait3A_166 = arith.constant 0 : i32
          %dma_wait3A_167 = tpu.memref_slice %arg3[%dma_wait3A_165, %dma_wait3A_166] : memref<10000x64xf32, #tpu.memory_space<hbm>> -> memref<10000x64xf32, #tpu.memory_space<hbm>>
          tpu.wait_indirect_dma semaphore(%arg19 : memref<!tpu.dma_semaphore, #tpu.memory_space<semaphore_mem>>) src(%dma_wait3A_167 : memref<10000x64xf32, #tpu.memory_space<hbm>>) dst(%arg11 : memref<80x64xf32, #tpu.memory_space<vmem>>)
          %add3A_168 = arith.constant 5 : i32
          %add3A_169 = arith.addi %add3A_128, %add3A_168 : i32
          %lt3A_170 = arith.constant 250 : i32
          %lt3A_171 = arith.cmpi slt, %add3A_169, %lt3A_170 : i32
          %convert_element_type3A_172 = arith.extui %lt3A_171 : i1 to i32
          %cond3A_173 = arith.constant 0 : i32
          %cond3A_174 = arith.cmpi ne, %convert_element_type3A_172, %cond3A_173 : i32
          scf.if %cond3A_174 {
            %ge3A = arith.constant 1 : i32
            %ge3A_181 = arith.cmpi sge, %add3A_128, %ge3A : i32
            %convert_element_type3A_182 = arith.extui %ge3A_181 : i1 to i32
            %cond3A_183 = arith.constant 0 : i32
            %cond3A_184 = arith.cmpi ne, %convert_element_type3A_182, %cond3A_183 : i32
            scf.if %cond3A_184 {
              %sub3A = arith.constant 1 : i32
              %sub3A_193 = arith.subi %add3A_128, %sub3A : i32
              %dma_wait3A_194 = arith.constant 0 : i32
              %dma_wait3A_195 = tpu.memref_slice %arg8[%sub3A_193, %dma_wait3A_194] : memref<250x80xi32, #tpu.memory_space<vmem>> -> memref<1x80xi32, #tpu.memory_space<vmem>>
              %dma_wait3A_196 = tpu.memref_squeeze %dma_wait3A_195 : memref<1x80xi32, #tpu.memory_space<vmem>> -> memref<80xi32, #tpu.memory_space<vmem>>
              %dma_wait3A_197 = arith.constant 0 : i32
              %dma_wait3A_198 = arith.constant 0 : i32
              %dma_wait3A_199 = tpu.memref_slice %arg16[%dma_wait3A_197, %dma_wait3A_198] : memref<10112x64xf32, #tpu.memory_space<vmem_shared>> -> memref<10112x64xf32, #tpu.memory_space<vmem_shared>>
              tpu.wait_indirect_dma semaphore(%arg24 : memref<!tpu.dma_semaphore, #tpu.memory_space<semaphore_mem>>) src(%arg10 : memref<80x64xf32, #tpu.memory_space<vmem>>) dst(%dma_wait3A_199 : memref<10112x64xf32, #tpu.memory_space<vmem_shared>>)
            } else {
            }
            %add3A_185 = arith.constant 5 : i32
            %add3A_186 = arith.addi %add3A_128, %add3A_185 : i32
            %dma_start3A_187 = arith.constant 0 : i32
            %dma_start3A_188 = tpu.memref_slice %arg7[%add3A_186, %dma_start3A_187] : memref<250x80xi32, #tpu.memory_space<vmem>> -> memref<1x80xi32, #tpu.memory_space<vmem>>
            %dma_start3A_189 = tpu.memref_squeeze %dma_start3A_188 : memref<1x80xi32, #tpu.memory_space<vmem>> -> memref<80xi32, #tpu.memory_space<vmem>>
            %dma_start3A_190 = arith.constant 0 : i32
            %dma_start3A_191 = arith.constant 0 : i32
            %dma_start3A_192 = tpu.memref_slice %arg3[%dma_start3A_190, %dma_start3A_191] : memref<10000x64xf32, #tpu.memory_space<hbm>> -> memref<10000x64xf32, #tpu.memory_space<hbm>>
            tpu.enqueue_indirect_dma source(%dma_start3A_192 : memref<10000x64xf32, #tpu.memory_space<hbm>>) target(%arg10 : memref<80x64xf32, #tpu.memory_space<vmem>>) offsets(%dma_start3A_189 : memref<80xi32, #tpu.memory_space<vmem>>) semaphore(%arg18 : memref<!tpu.dma_semaphore, #tpu.memory_space<semaphore_mem>>)
          } else {
          }
          %dma_start3A_175 = arith.constant 0 : i32
          %dma_start3A_176 = tpu.memref_slice %arg8[%add3A_128, %dma_start3A_175] : memref<250x80xi32, #tpu.memory_space<vmem>> -> memref<1x80xi32, #tpu.memory_space<vmem>>
          %dma_start3A_177 = tpu.memref_squeeze %dma_start3A_176 : memref<1x80xi32, #tpu.memory_space<vmem>> -> memref<80xi32, #tpu.memory_space<vmem>>
          %dma_start3A_178 = arith.constant 0 : i32
          %dma_start3A_179 = arith.constant 0 : i32
          %dma_start3A_180 = tpu.memref_slice %arg16[%dma_start3A_178, %dma_start3A_179] : memref<10112x64xf32, #tpu.memory_space<vmem_shared>> -> memref<10112x64xf32, #tpu.memory_space<vmem_shared>>
          tpu.enqueue_indirect_dma source(%arg11 : memref<80x64xf32, #tpu.memory_space<vmem>>) target(%dma_start3A_180 : memref<10112x64xf32, #tpu.memory_space<vmem_shared>>) offsets(%dma_start3A_177 : memref<80xi32, #tpu.memory_space<vmem>>) semaphore(%arg25 : memref<!tpu.dma_semaphore, #tpu.memory_space<semaphore_mem>>) {add = true}
        } else {
        }
        %mul3A_134 = arith.constant 6 : i32
        %mul3A_135 = arith.muli %scan3A_107, %mul3A_134 : i32
        %add3A_136 = arith.constant 3 : i32
        %add3A_137 = arith.addi %mul3A_135, %add3A_136 : i32
        %lt3A_138 = arith.constant 250 : i32
        %lt3A_139 = arith.cmpi slt, %add3A_137, %lt3A_138 : i32
        %convert_element_type3A_140 = arith.extui %lt3A_139 : i1 to i32
        %cond3A_141 = arith.constant 0 : i32
        %cond3A_142 = arith.cmpi ne, %convert_element_type3A_140, %cond3A_141 : i32
        scf.if %cond3A_142 {
          %dma_wait3A_162 = arith.constant 0 : i32
          %dma_wait3A_163 = tpu.memref_slice %arg7[%add3A_137, %dma_wait3A_162] : memref<250x80xi32, #tpu.memory_space<vmem>> -> memref<1x80xi32, #tpu.memory_space<vmem>>
          %dma_wait3A_164 = tpu.memref_squeeze %dma_wait3A_163 : memref<1x80xi32, #tpu.memory_space<vmem>> -> memref<80xi32, #tpu.memory_space<vmem>>
          %dma_wait3A_165 = arith.constant 0 : i32
          %dma_wait3A_166 = arith.constant 0 : i32
          %dma_wait3A_167 = tpu.memref_slice %arg3[%dma_wait3A_165, %dma_wait3A_166] : memref<10000x64xf32, #tpu.memory_space<hbm>> -> memref<10000x64xf32, #tpu.memory_space<hbm>>
          tpu.wait_indirect_dma semaphore(%arg20 : memref<!tpu.dma_semaphore, #tpu.memory_space<semaphore_mem>>) src(%dma_wait3A_167 : memref<10000x64xf32, #tpu.memory_space<hbm>>) dst(%arg12 : memref<80x64xf32, #tpu.memory_space<vmem>>)
          %add3A_168 = arith.constant 5 : i32
          %add3A_169 = arith.addi %add3A_137, %add3A_168 : i32
          %lt3A_170 = arith.constant 250 : i32
          %lt3A_171 = arith.cmpi slt, %add3A_169, %lt3A_170 : i32
          %convert_element_type3A_172 = arith.extui %lt3A_171 : i1 to i32
          %cond3A_173 = arith.constant 0 : i32
          %cond3A_174 = arith.cmpi ne, %convert_element_type3A_172, %cond3A_173 : i32
          scf.if %cond3A_174 {
            %ge3A = arith.constant 1 : i32
            %ge3A_181 = arith.cmpi sge, %add3A_137, %ge3A : i32
            %convert_element_type3A_182 = arith.extui %ge3A_181 : i1 to i32
            %cond3A_183 = arith.constant 0 : i32
            %cond3A_184 = arith.cmpi ne, %convert_element_type3A_182, %cond3A_183 : i32
            scf.if %cond3A_184 {
              %sub3A = arith.constant 1 : i32
              %sub3A_193 = arith.subi %add3A_137, %sub3A : i32
              %dma_wait3A_194 = arith.constant 0 : i32
              %dma_wait3A_195 = tpu.memref_slice %arg8[%sub3A_193, %dma_wait3A_194] : memref<250x80xi32, #tpu.memory_space<vmem>> -> memref<1x80xi32, #tpu.memory_space<vmem>>
              %dma_wait3A_196 = tpu.memref_squeeze %dma_wait3A_195 : memref<1x80xi32, #tpu.memory_space<vmem>> -> memref<80xi32, #tpu.memory_space<vmem>>
              %dma_wait3A_197 = arith.constant 0 : i32
              %dma_wait3A_198 = arith.constant 0 : i32
              %dma_wait3A_199 = tpu.memref_slice %arg16[%dma_wait3A_197, %dma_wait3A_198] : memref<10112x64xf32, #tpu.memory_space<vmem_shared>> -> memref<10112x64xf32, #tpu.memory_space<vmem_shared>>
              tpu.wait_indirect_dma semaphore(%arg25 : memref<!tpu.dma_semaphore, #tpu.memory_space<semaphore_mem>>) src(%arg11 : memref<80x64xf32, #tpu.memory_space<vmem>>) dst(%dma_wait3A_199 : memref<10112x64xf32, #tpu.memory_space<vmem_shared>>)
            } else {
            }
            %add3A_185 = arith.constant 5 : i32
            %add3A_186 = arith.addi %add3A_137, %add3A_185 : i32
            %dma_start3A_187 = arith.constant 0 : i32
            %dma_start3A_188 = tpu.memref_slice %arg7[%add3A_186, %dma_start3A_187] : memref<250x80xi32, #tpu.memory_space<vmem>> -> memref<1x80xi32, #tpu.memory_space<vmem>>
            %dma_start3A_189 = tpu.memref_squeeze %dma_start3A_188 : memref<1x80xi32, #tpu.memory_space<vmem>> -> memref<80xi32, #tpu.memory_space<vmem>>
            %dma_start3A_190 = arith.constant 0 : i32
            %dma_start3A_191 = arith.constant 0 : i32
            %dma_start3A_192 = tpu.memref_slice %arg3[%dma_start3A_190, %dma_start3A_191] : memref<10000x64xf32, #tpu.memory_space<hbm>> -> memref<10000x64xf32, #tpu.memory_space<hbm>>
            tpu.enqueue_indirect_dma source(%dma_start3A_192 : memref<10000x64xf32, #tpu.memory_space<hbm>>) target(%arg11 : memref<80x64xf32, #tpu.memory_space<vmem>>) offsets(%dma_start3A_189 : memref<80xi32, #tpu.memory_space<vmem>>) semaphore(%arg19 : memref<!tpu.dma_semaphore, #tpu.memory_space<semaphore_mem>>)
          } else {
          }
          %dma_start3A_175 = arith.constant 0 : i32
          %dma_start3A_176 = tpu.memref_slice %arg8[%add3A_137, %dma_start3A_175] : memref<250x80xi32, #tpu.memory_space<vmem>> -> memref<1x80xi32, #tpu.memory_space<vmem>>
          %dma_start3A_177 = tpu.memref_squeeze %dma_start3A_176 : memref<1x80xi32, #tpu.memory_space<vmem>> -> memref<80xi32, #tpu.memory_space<vmem>>
          %dma_start3A_178 = arith.constant 0 : i32
          %dma_start3A_179 = arith.constant 0 : i32
          %dma_start3A_180 = tpu.memref_slice %arg16[%dma_start3A_178, %dma_start3A_179] : memref<10112x64xf32, #tpu.memory_space<vmem_shared>> -> memref<10112x64xf32, #tpu.memory_space<vmem_shared>>
          tpu.enqueue_indirect_dma source(%arg12 : memref<80x64xf32, #tpu.memory_space<vmem>>) target(%dma_start3A_180 : memref<10112x64xf32, #tpu.memory_space<vmem_shared>>) offsets(%dma_start3A_177 : memref<80xi32, #tpu.memory_space<vmem>>) semaphore(%arg26 : memref<!tpu.dma_semaphore, #tpu.memory_space<semaphore_mem>>) {add = true}
        } else {
        }
        %mul3A_143 = arith.constant 6 : i32
        %mul3A_144 = arith.muli %scan3A_107, %mul3A_143 : i32
        %add3A_145 = arith.constant 4 : i32
        %add3A_146 = arith.addi %mul3A_144, %add3A_145 : i32
        %lt3A_147 = arith.constant 250 : i32
        %lt3A_148 = arith.cmpi slt, %add3A_146, %lt3A_147 : i32
        %convert_element_type3A_149 = arith.extui %lt3A_148 : i1 to i32
        %cond3A_150 = arith.constant 0 : i32
        %cond3A_151 = arith.cmpi ne, %convert_element_type3A_149, %cond3A_150 : i32
        scf.if %cond3A_151 {
          %dma_wait3A_162 = arith.constant 0 : i32
          %dma_wait3A_163 = tpu.memref_slice %arg7[%add3A_146, %dma_wait3A_162] : memref<250x80xi32, #tpu.memory_space<vmem>> -> memref<1x80xi32, #tpu.memory_space<vmem>>
          %dma_wait3A_164 = tpu.memref_squeeze %dma_wait3A_163 : memref<1x80xi32, #tpu.memory_space<vmem>> -> memref<80xi32, #tpu.memory_space<vmem>>
          %dma_wait3A_165 = arith.constant 0 : i32
          %dma_wait3A_166 = arith.constant 0 : i32
          %dma_wait3A_167 = tpu.memref_slice %arg3[%dma_wait3A_165, %dma_wait3A_166] : memref<10000x64xf32, #tpu.memory_space<hbm>> -> memref<10000x64xf32, #tpu.memory_space<hbm>>
          tpu.wait_indirect_dma semaphore(%arg21 : memref<!tpu.dma_semaphore, #tpu.memory_space<semaphore_mem>>) src(%dma_wait3A_167 : memref<10000x64xf32, #tpu.memory_space<hbm>>) dst(%arg13 : memref<80x64xf32, #tpu.memory_space<vmem>>)
          %add3A_168 = arith.constant 5 : i32
          %add3A_169 = arith.addi %add3A_146, %add3A_168 : i32
          %lt3A_170 = arith.constant 250 : i32
          %lt3A_171 = arith.cmpi slt, %add3A_169, %lt3A_170 : i32
          %convert_element_type3A_172 = arith.extui %lt3A_171 : i1 to i32
          %cond3A_173 = arith.constant 0 : i32
          %cond3A_174 = arith.cmpi ne, %convert_element_type3A_172, %cond3A_173 : i32
          scf.if %cond3A_174 {
            %ge3A = arith.constant 1 : i32
            %ge3A_181 = arith.cmpi sge, %add3A_146, %ge3A : i32
            %convert_element_type3A_182 = arith.extui %ge3A_181 : i1 to i32
            %cond3A_183 = arith.constant 0 : i32
            %cond3A_184 = arith.cmpi ne, %convert_element_type3A_182, %cond3A_183 : i32
            scf.if %cond3A_184 {
              %sub3A = arith.constant 1 : i32
              %sub3A_193 = arith.subi %add3A_146, %sub3A : i32
              %dma_wait3A_194 = arith.constant 0 : i32
              %dma_wait3A_195 = tpu.memref_slice %arg8[%sub3A_193, %dma_wait3A_194] : memref<250x80xi32, #tpu.memory_space<vmem>> -> memref<1x80xi32, #tpu.memory_space<vmem>>
              %dma_wait3A_196 = tpu.memref_squeeze %dma_wait3A_195 : memref<1x80xi32, #tpu.memory_space<vmem>> -> memref<80xi32, #tpu.memory_space<vmem>>
              %dma_wait3A_197 = arith.constant 0 : i32
              %dma_wait3A_198 = arith.constant 0 : i32
              %dma_wait3A_199 = tpu.memref_slice %arg16[%dma_wait3A_197, %dma_wait3A_198] : memref<10112x64xf32, #tpu.memory_space<vmem_shared>> -> memref<10112x64xf32, #tpu.memory_space<vmem_shared>>
              tpu.wait_indirect_dma semaphore(%arg26 : memref<!tpu.dma_semaphore, #tpu.memory_space<semaphore_mem>>) src(%arg12 : memref<80x64xf32, #tpu.memory_space<vmem>>) dst(%dma_wait3A_199 : memref<10112x64xf32, #tpu.memory_space<vmem_shared>>)
            } else {
            }
            %add3A_185 = arith.constant 5 : i32
            %add3A_186 = arith.addi %add3A_146, %add3A_185 : i32
            %dma_start3A_187 = arith.constant 0 : i32
            %dma_start3A_188 = tpu.memref_slice %arg7[%add3A_186, %dma_start3A_187] : memref<250x80xi32, #tpu.memory_space<vmem>> -> memref<1x80xi32, #tpu.memory_space<vmem>>
            %dma_start3A_189 = tpu.memref_squeeze %dma_start3A_188 : memref<1x80xi32, #tpu.memory_space<vmem>> -> memref<80xi32, #tpu.memory_space<vmem>>
            %dma_start3A_190 = arith.constant 0 : i32
            %dma_start3A_191 = arith.constant 0 : i32
            %dma_start3A_192 = tpu.memref_slice %arg3[%dma_start3A_190, %dma_start3A_191] : memref<10000x64xf32, #tpu.memory_space<hbm>> -> memref<10000x64xf32, #tpu.memory_space<hbm>>
            tpu.enqueue_indirect_dma source(%dma_start3A_192 : memref<10000x64xf32, #tpu.memory_space<hbm>>) target(%arg12 : memref<80x64xf32, #tpu.memory_space<vmem>>) offsets(%dma_start3A_189 : memref<80xi32, #tpu.memory_space<vmem>>) semaphore(%arg20 : memref<!tpu.dma_semaphore, #tpu.memory_space<semaphore_mem>>)
          } else {
          }
          %dma_start3A_175 = arith.constant 0 : i32
          %dma_start3A_176 = tpu.memref_slice %arg8[%add3A_146, %dma_start3A_175] : memref<250x80xi32, #tpu.memory_space<vmem>> -> memref<1x80xi32, #tpu.memory_space<vmem>>
          %dma_start3A_177 = tpu.memref_squeeze %dma_start3A_176 : memref<1x80xi32, #tpu.memory_space<vmem>> -> memref<80xi32, #tpu.memory_space<vmem>>
          %dma_start3A_178 = arith.constant 0 : i32
          %dma_start3A_179 = arith.constant 0 : i32
          %dma_start3A_180 = tpu.memref_slice %arg16[%dma_start3A_178, %dma_start3A_179] : memref<10112x64xf32, #tpu.memory_space<vmem_shared>> -> memref<10112x64xf32, #tpu.memory_space<vmem_shared>>
          tpu.enqueue_indirect_dma source(%arg13 : memref<80x64xf32, #tpu.memory_space<vmem>>) target(%dma_start3A_180 : memref<10112x64xf32, #tpu.memory_space<vmem_shared>>) offsets(%dma_start3A_177 : memref<80xi32, #tpu.memory_space<vmem>>) semaphore(%arg27 : memref<!tpu.dma_semaphore, #tpu.memory_space<semaphore_mem>>) {add = true}
        } else {
        }
        %mul3A_152 = arith.constant 6 : i32
        %mul3A_153 = arith.muli %scan3A_107, %mul3A_152 : i32
        %add3A_154 = arith.constant 5 : i32
        %add3A_155 = arith.addi %mul3A_153, %add3A_154 : i32
        %lt3A_156 = arith.constant 250 : i32
        %lt3A_157 = arith.cmpi slt, %add3A_155, %lt3A_156 : i32
        %convert_element_type3A_158 = arith.extui %lt3A_157 : i1 to i32
        %cond3A_159 = arith.constant 0 : i32
        %cond3A_160 = arith.cmpi ne, %convert_element_type3A_158, %cond3A_159 : i32
        scf.if %cond3A_160 {
          %dma_wait3A_162 = arith.constant 0 : i32
          %dma_wait3A_163 = tpu.memref_slice %arg7[%add3A_155, %dma_wait3A_162] : memref<250x80xi32, #tpu.memory_space<vmem>> -> memref<1x80xi32, #tpu.memory_space<vmem>>
          %dma_wait3A_164 = tpu.memref_squeeze %dma_wait3A_163 : memref<1x80xi32, #tpu.memory_space<vmem>> -> memref<80xi32, #tpu.memory_space<vmem>>
          %dma_wait3A_165 = arith.constant 0 : i32
          %dma_wait3A_166 = arith.constant 0 : i32
          %dma_wait3A_167 = tpu.memref_slice %arg3[%dma_wait3A_165, %dma_wait3A_166] : memref<10000x64xf32, #tpu.memory_space<hbm>> -> memref<10000x64xf32, #tpu.memory_space<hbm>>
          tpu.wait_indirect_dma semaphore(%arg22 : memref<!tpu.dma_semaphore, #tpu.memory_space<semaphore_mem>>) src(%dma_wait3A_167 : memref<10000x64xf32, #tpu.memory_space<hbm>>) dst(%arg14 : memref<80x64xf32, #tpu.memory_space<vmem>>)
          %add3A_168 = arith.constant 5 : i32
          %add3A_169 = arith.addi %add3A_155, %add3A_168 : i32
          %lt3A_170 = arith.constant 250 : i32
          %lt3A_171 = arith.cmpi slt, %add3A_169, %lt3A_170 : i32
          %convert_element_type3A_172 = arith.extui %lt3A_171 : i1 to i32
          %cond3A_173 = arith.constant 0 : i32
          %cond3A_174 = arith.cmpi ne, %convert_element_type3A_172, %cond3A_173 : i32
          scf.if %cond3A_174 {
            %ge3A = arith.constant 1 : i32
            %ge3A_181 = arith.cmpi sge, %add3A_155, %ge3A : i32
            %convert_element_type3A_182 = arith.extui %ge3A_181 : i1 to i32
            %cond3A_183 = arith.constant 0 : i32
            %cond3A_184 = arith.cmpi ne, %convert_element_type3A_182, %cond3A_183 : i32
            scf.if %cond3A_184 {
              %sub3A = arith.constant 1 : i32
              %sub3A_193 = arith.subi %add3A_155, %sub3A : i32
              %dma_wait3A_194 = arith.constant 0 : i32
              %dma_wait3A_195 = tpu.memref_slice %arg8[%sub3A_193, %dma_wait3A_194] : memref<250x80xi32, #tpu.memory_space<vmem>> -> memref<1x80xi32, #tpu.memory_space<vmem>>
              %dma_wait3A_196 = tpu.memref_squeeze %dma_wait3A_195 : memref<1x80xi32, #tpu.memory_space<vmem>> -> memref<80xi32, #tpu.memory_space<vmem>>
              %dma_wait3A_197 = arith.constant 0 : i32
              %dma_wait3A_198 = arith.constant 0 : i32
              %dma_wait3A_199 = tpu.memref_slice %arg16[%dma_wait3A_197, %dma_wait3A_198] : memref<10112x64xf32, #tpu.memory_space<vmem_shared>> -> memref<10112x64xf32, #tpu.memory_space<vmem_shared>>
              tpu.wait_indirect_dma semaphore(%arg27 : memref<!tpu.dma_semaphore, #tpu.memory_space<semaphore_mem>>) src(%arg13 : memref<80x64xf32, #tpu.memory_space<vmem>>) dst(%dma_wait3A_199 : memref<10112x64xf32, #tpu.memory_space<vmem_shared>>)
            } else {
            }
            %add3A_185 = arith.constant 5 : i32
            %add3A_186 = arith.addi %add3A_155, %add3A_185 : i32
            %dma_start3A_187 = arith.constant 0 : i32
            %dma_start3A_188 = tpu.memref_slice %arg7[%add3A_186, %dma_start3A_187] : memref<250x80xi32, #tpu.memory_space<vmem>> -> memref<1x80xi32, #tpu.memory_space<vmem>>
            %dma_start3A_189 = tpu.memref_squeeze %dma_start3A_188 : memref<1x80xi32, #tpu.memory_space<vmem>> -> memref<80xi32, #tpu.memory_space<vmem>>
            %dma_start3A_190 = arith.constant 0 : i32
            %dma_start3A_191 = arith.constant 0 : i32
            %dma_start3A_192 = tpu.memref_slice %arg3[%dma_start3A_190, %dma_start3A_191] : memref<10000x64xf32, #tpu.memory_space<hbm>> -> memref<10000x64xf32, #tpu.memory_space<hbm>>
            tpu.enqueue_indirect_dma source(%dma_start3A_192 : memref<10000x64xf32, #tpu.memory_space<hbm>>) target(%arg13 : memref<80x64xf32, #tpu.memory_space<vmem>>) offsets(%dma_start3A_189 : memref<80xi32, #tpu.memory_space<vmem>>) semaphore(%arg21 : memref<!tpu.dma_semaphore, #tpu.memory_space<semaphore_mem>>)
          } else {
          }
          %dma_start3A_175 = arith.constant 0 : i32
          %dma_start3A_176 = tpu.memref_slice %arg8[%add3A_155, %dma_start3A_175] : memref<250x80xi32, #tpu.memory_space<vmem>> -> memref<1x80xi32, #tpu.memory_space<vmem>>
          %dma_start3A_177 = tpu.memref_squeeze %dma_start3A_176 : memref<1x80xi32, #tpu.memory_space<vmem>> -> memref<80xi32, #tpu.memory_space<vmem>>
          %dma_start3A_178 = arith.constant 0 : i32
          %dma_start3A_179 = arith.constant 0 : i32
          %dma_start3A_180 = tpu.memref_slice %arg16[%dma_start3A_178, %dma_start3A_179] : memref<10112x64xf32, #tpu.memory_space<vmem_shared>> -> memref<10112x64xf32, #tpu.memory_space<vmem_shared>>
          tpu.enqueue_indirect_dma source(%arg14 : memref<80x64xf32, #tpu.memory_space<vmem>>) target(%dma_start3A_180 : memref<10112x64xf32, #tpu.memory_space<vmem_shared>>) offsets(%dma_start3A_177 : memref<80xi32, #tpu.memory_space<vmem>>) semaphore(%arg28 : memref<!tpu.dma_semaphore, #tpu.memory_space<semaphore_mem>>) {add = true}
        } else {
        }
        %scan3A_161 = arith.constant 0 : i32
        scf.yield %scan3A_161 : i32
      }
      %scan3A_65 = arith.constant 42 : i32
      %dma_wait3A = arith.constant 244 : i32
      %dma_wait3A_66 = arith.constant 0 : i32
      %dma_wait3A_67 = tpu.memref_slice %arg8[%dma_wait3A, %dma_wait3A_66] : memref<250x80xi32, #tpu.memory_space<vmem>> -> memref<1x80xi32, #tpu.memory_space<vmem>>
      %dma_wait3A_68 = tpu.memref_squeeze %dma_wait3A_67 : memref<1x80xi32, #tpu.memory_space<vmem>> -> memref<80xi32, #tpu.memory_space<vmem>>
      %dma_wait3A_69 = arith.constant 0 : i32
      %dma_wait3A_70 = arith.constant 0 : i32
      %dma_wait3A_71 = tpu.memref_slice %arg16[%dma_wait3A_69, %dma_wait3A_70] : memref<10112x64xf32, #tpu.memory_space<vmem_shared>> -> memref<10112x64xf32, #tpu.memory_space<vmem_shared>>
      tpu.wait_indirect_dma semaphore(%arg27 : memref<!tpu.dma_semaphore, #tpu.memory_space<semaphore_mem>>) src(%arg13 : memref<80x64xf32, #tpu.memory_space<vmem>>) dst(%dma_wait3A_71 : memref<10112x64xf32, #tpu.memory_space<vmem_shared>>)
      %dma_wait3A_72 = arith.constant 245 : i32
      %dma_wait3A_73 = arith.constant 0 : i32
      %dma_wait3A_74 = tpu.memref_slice %arg8[%dma_wait3A_72, %dma_wait3A_73] : memref<250x80xi32, #tpu.memory_space<vmem>> -> memref<1x80xi32, #tpu.memory_space<vmem>>
      %dma_wait3A_75 = tpu.memref_squeeze %dma_wait3A_74 : memref<1x80xi32, #tpu.memory_space<vmem>> -> memref<80xi32, #tpu.memory_space<vmem>>
      %dma_wait3A_76 = arith.constant 0 : i32
      %dma_wait3A_77 = arith.constant 0 : i32
      %dma_wait3A_78 = tpu.memref_slice %arg16[%dma_wait3A_76, %dma_wait3A_77] : memref<10112x64xf32, #tpu.memory_space<vmem_shared>> -> memref<10112x64xf32, #tpu.memory_space<vmem_shared>>
      tpu.wait_indirect_dma semaphore(%arg28 : memref<!tpu.dma_semaphore, #tpu.memory_space<semaphore_mem>>) src(%arg14 : memref<80x64xf32, #tpu.memory_space<vmem>>) dst(%dma_wait3A_78 : memref<10112x64xf32, #tpu.memory_space<vmem_shared>>)
      %dma_wait3A_79 = arith.constant 246 : i32
      %dma_wait3A_80 = arith.constant 0 : i32
      %dma_wait3A_81 = tpu.memref_slice %arg8[%dma_wait3A_79, %dma_wait3A_80] : memref<250x80xi32, #tpu.memory_space<vmem>> -> memref<1x80xi32, #tpu.memory_space<vmem>>
      %dma_wait3A_82 = tpu.memref_squeeze %dma_wait3A_81 : memref<1x80xi32, #tpu.memory_space<vmem>> -> memref<80xi32, #tpu.memory_space<vmem>>
      %dma_wait3A_83 = arith.constant 0 : i32
      %dma_wait3A_84 = arith.constant 0 : i32
      %dma_wait3A_85 = tpu.memref_slice %arg16[%dma_wait3A_83, %dma_wait3A_84] : memref<10112x64xf32, #tpu.memory_space<vmem_shared>> -> memref<10112x64xf32, #tpu.memory_space<vmem_shared>>
      tpu.wait_indirect_dma semaphore(%arg23 : memref<!tpu.dma_semaphore, #tpu.memory_space<semaphore_mem>>) src(%arg9 : memref<80x64xf32, #tpu.memory_space<vmem>>) dst(%dma_wait3A_85 : memref<10112x64xf32, #tpu.memory_space<vmem_shared>>)
      %dma_wait3A_86 = arith.constant 247 : i32
      %dma_wait3A_87 = arith.constant 0 : i32
      %dma_wait3A_88 = tpu.memref_slice %arg8[%dma_wait3A_86, %dma_wait3A_87] : memref<250x80xi32, #tpu.memory_space<vmem>> -> memref<1x80xi32, #tpu.memory_space<vmem>>
      %dma_wait3A_89 = tpu.memref_squeeze %dma_wait3A_88 : memref<1x80xi32, #tpu.memory_space<vmem>> -> memref<80xi32, #tpu.memory_space<vmem>>
      %dma_wait3A_90 = arith.constant 0 : i32
      %dma_wait3A_91 = arith.constant 0 : i32
      %dma_wait3A_92 = tpu.memref_slice %arg16[%dma_wait3A_90, %dma_wait3A_91] : memref<10112x64xf32, #tpu.memory_space<vmem_shared>> -> memref<10112x64xf32, #tpu.memory_space<vmem_shared>>
      tpu.wait_indirect_dma semaphore(%arg24 : memref<!tpu.dma_semaphore, #tpu.memory_space<semaphore_mem>>) src(%arg10 : memref<80x64xf32, #tpu.memory_space<vmem>>) dst(%dma_wait3A_92 : memref<10112x64xf32, #tpu.memory_space<vmem_shared>>)
      %dma_wait3A_93 = arith.constant 248 : i32
      %dma_wait3A_94 = arith.constant 0 : i32
      %dma_wait3A_95 = tpu.memref_slice %arg8[%dma_wait3A_93, %dma_wait3A_94] : memref<250x80xi32, #tpu.memory_space<vmem>> -> memref<1x80xi32, #tpu.memory_space<vmem>>
      %dma_wait3A_96 = tpu.memref_squeeze %dma_wait3A_95 : memref<1x80xi32, #tpu.memory_space<vmem>> -> memref<80xi32, #tpu.memory_space<vmem>>
      %dma_wait3A_97 = arith.constant 0 : i32
      %dma_wait3A_98 = arith.constant 0 : i32
      %dma_wait3A_99 = tpu.memref_slice %arg16[%dma_wait3A_97, %dma_wait3A_98] : memref<10112x64xf32, #tpu.memory_space<vmem_shared>> -> memref<10112x64xf32, #tpu.memory_space<vmem_shared>>
      tpu.wait_indirect_dma semaphore(%arg25 : memref<!tpu.dma_semaphore, #tpu.memory_space<semaphore_mem>>) src(%arg11 : memref<80x64xf32, #tpu.memory_space<vmem>>) dst(%dma_wait3A_99 : memref<10112x64xf32, #tpu.memory_space<vmem_shared>>)
      %dma_wait3A_100 = arith.constant 249 : i32
      %dma_wait3A_101 = arith.constant 0 : i32
      %dma_wait3A_102 = tpu.memref_slice %arg8[%dma_wait3A_100, %dma_wait3A_101] : memref<250x80xi32, #tpu.memory_space<vmem>> -> memref<1x80xi32, #tpu.memory_space<vmem>>
      %dma_wait3A_103 = tpu.memref_squeeze %dma_wait3A_102 : memref<1x80xi32, #tpu.memory_space<vmem>> -> memref<80xi32, #tpu.memory_space<vmem>>
      %dma_wait3A_104 = arith.constant 0 : i32
      %dma_wait3A_105 = arith.constant 0 : i32
      %dma_wait3A_106 = tpu.memref_slice %arg16[%dma_wait3A_104, %dma_wait3A_105] : memref<10112x64xf32, #tpu.memory_space<vmem_shared>> -> memref<10112x64xf32, #tpu.memory_space<vmem_shared>>
      tpu.wait_indirect_dma semaphore(%arg26 : memref<!tpu.dma_semaphore, #tpu.memory_space<semaphore_mem>>) src(%arg12 : memref<80x64xf32, #tpu.memory_space<vmem>>) dst(%dma_wait3A_106 : memref<10112x64xf32, #tpu.memory_space<vmem_shared>>)
    } else {
    }
    %barrier3A_21 = arith.constant 0 : index
    tpu.barrier barrier_id(%barrier3A_21)
    %mul3A = arith.constant 632 : i32
    %mul3A_22 = arith.muli %arg1, %mul3A : i32
    %mul3A_23 = arith.constant 632 : i32
    %mul3A_24 = arith.muli %arg1, %mul3A_23 : i32
    "tpu.region"() ({
      %run_scoped3A = tpu.sem_alloc : memref<!tpu.dma_semaphore, #tpu.memory_space<semaphore_mem>>
      %dma_start3A = arith.constant 0 : i32
      %dma_start3A_25 = tpu.memref_slice %arg6[%arg0, %mul3A_24, %dma_start3A] : memref<2x10112x64xf32, #tpu.memory_space<hbm>> -> memref<1x632x64xf32, #tpu.memory_space<hbm>>
      %dma_start3A_26 = tpu.memref_squeeze %dma_start3A_25 : memref<1x632x64xf32, #tpu.memory_space<hbm>> -> memref<632x64xf32, #tpu.memory_space<hbm>>
      %dma_start3A_27 = arith.constant 0 : i32
      %dma_start3A_28 = tpu.memref_slice %arg16[%mul3A_22, %dma_start3A_27] : memref<10112x64xf32, #tpu.memory_space<vmem_shared>> -> memref<632x64xf32, #tpu.memory_space<vmem_shared>>
      tpu.enqueue_dma source(%dma_start3A_28 : memref<632x64xf32, #tpu.memory_space<vmem_shared>>) target(%dma_start3A_26 : memref<632x64xf32, #tpu.memory_space<hbm>>) target_semaphore(%run_scoped3A : memref<!tpu.dma_semaphore, #tpu.memory_space<semaphore_mem>>)
      %dma_wait3A = arith.constant 0 : i32
      %dma_wait3A_29 = tpu.memref_slice %arg6[%arg0, %mul3A_24, %dma_wait3A] : memref<2x10112x64xf32, #tpu.memory_space<hbm>> -> memref<1x632x64xf32, #tpu.memory_space<hbm>>
      %dma_wait3A_30 = tpu.memref_squeeze %dma_wait3A_29 : memref<1x632x64xf32, #tpu.memory_space<hbm>> -> memref<632x64xf32, #tpu.memory_space<hbm>>
      %dma_wait3A_31 = arith.constant 0 : i32
      %dma_wait3A_32 = tpu.memref_slice %arg16[%mul3A_22, %dma_wait3A_31] : memref<10112x64xf32, #tpu.memory_space<vmem_shared>> -> memref<632x64xf32, #tpu.memory_space<vmem_shared>>
      tpu.wait_dma2 semaphore(%run_scoped3A : memref<!tpu.dma_semaphore, #tpu.memory_space<semaphore_mem>>) src(%dma_wait3A_32 : memref<632x64xf32, #tpu.memory_space<vmem_shared>>) dst(%dma_wait3A_30 : memref<632x64xf32, #tpu.memory_space<hbm>>)
      tpu.yield
    }) : () -> ()
    return
  }
}

module attributes {stable_mosaic.version = 14 : i64} {
  func.func @body(%arg0: i32, %arg1: memref<1000x128xf32, #tpu.memory_space<vmem>>, %arg2: memref<128x128xf32, #tpu.memory_space<vmem>>, %arg3: memref<1000x128xf32, #tpu.memory_space<vmem>>) attributes {dimension_semantics = [#tpu.dimension_semantics<arbitrary>], iteration_bounds = array<i64: 10>, scalar_prefetch = 0 : i64, scratch_operands = 0 : i64, tpu.core_type = #tpu.core_type<tc>, window_params = [{transform_indices = @transform_0, window_bounds = array<i64: 1000, 128>}, {pipeline_mode = #tpu.pipeline_mode<synchronous>, transform_indices = @transform_1, window_bounds = array<i64: 128, 128>}, {transform_indices = @transform_2, window_bounds = array<i64: 1000, 128>}]} {
    %get3A = arith.constant 0 : index
    %get3A_0 = arith.constant 0 : index
    %get3A_1 = vector.load %arg1[%get3A, %get3A_0] : memref<1000x128xf32, #tpu.memory_space<vmem>>, vector<1000x128xf32>
    %get3A_2 = arith.constant 0 : index
    %get3A_3 = arith.constant 0 : index
    %get3A_4 = vector.load %arg2[%get3A_2, %get3A_3] : memref<128x128xf32, #tpu.memory_space<vmem>>, vector<128x128xf32>
    %dot_general3A = arith.constant dense<0.000000e+00> : vector<1000x128xf32>
    %dot_general3A_5 = tpu.matmul %get3A_1, %get3A_4, %dot_general3A {dimension_numbers = #tpu.dot_dimension_numbers<[1], [0], [0], [1], [0, 0, 1, 1], [], []>, transpose_lhs_hint = false} : vector<1000x128xf32>, vector<128x128xf32>, vector<1000x128xf32> -> vector<1000x128xf32>
    %swap3A = arith.constant 0 : index
    %swap3A_6 = arith.constant 0 : index
    %swap3A_7 = vector.load %arg3[%swap3A, %swap3A_6] : memref<1000x128xf32, #tpu.memory_space<vmem>>, vector<1000x128xf32>
    tpu.vector_store %arg3[%swap3A, %swap3A_6], %dot_general3A_5 {strides = array<i32>} : memref<1000x128xf32, #tpu.memory_space<vmem>>, vector<1000x128xf32>,
    return
  }
  func.func @transform_0(%arg0: i32) -> (i32, i32) {
    %c0_i32 = arith.constant 0 : i32
    %c0_i32_0 = arith.constant 0 : i32
    return %arg0, %c0_i32 : i32, i32
  }
  func.func @transform_1(%arg0: i32) -> (i32, i32) {
    %c0_i32 = arith.constant 0 : i32
    %c0_i32_0 = arith.constant 0 : i32
    %c0_i32_1 = arith.constant 0 : i32
    return %c0_i32, %c0_i32_0 : i32, i32
  }
  func.func @transform_2(%arg0: i32) -> (i32, i32) {
    %c0_i32 = arith.constant 0 : i32
    %c0_i32_0 = arith.constant 0 : i32
    return %arg0, %c0_i32 : i32, i32
  }
}

module attributes {stable_mosaic.version = 14 : i64} {
  func.func @body(%arg0: i32, %arg1: memref<1000x128xf32, #tpu.memory_space<vmem>>, %arg2: memref<2x1000x16xf32, #tpu.memory_space<vmem>>, %arg3: memref<1000x64xf32, #tpu.memory_space<vmem>>, %arg4: memref<1000x64xf32, #tpu.memory_space<vmem>>) attributes {dimension_semantics = [#tpu.dimension_semantics<arbitrary>], iteration_bounds = array<i64: 10>, scalar_prefetch = 0 : i64, scratch_operands = 0 : i64, tpu.core_type = #tpu.core_type<tc>, window_params = [{transform_indices = @transform_0, window_bounds = array<i64: 1000, 128>}, {transform_indices = @transform_1, window_bounds = array<i64: 2, 1000, 16>}, {transform_indices = @transform_2, window_bounds = array<i64: 1000, 64>}, {transform_indices = @transform_3, window_bounds = array<i64: 1000, 64>}]} {
    %get3A = arith.constant 0 : index
    %get3A_0 = arith.constant 0 : index
    %get3A_1 = arith.constant 0 : index
    %get3A_2 = vector.load %arg2[%get3A, %get3A_0, %get3A_1] : memref<2x1000x16xf32, #tpu.memory_space<vmem>>, vector<2x1000x16xf32>
    %slice3A = vector.extract_strided_slice %get3A_2 {offsets = [0, 0, 0], sizes = [1, 1000, 1], strides = [1, 1, 1]} : vector<2x1000x16xf32> to vector<1x1000x1xf32>
    %squeeze3A = vector.shape_cast %slice3A : vector<1x1000x1xf32> to vector<1000x1xf32>
    %slice3A_3 = vector.extract_strided_slice %get3A_2 {offsets = [1, 0, 0], sizes = [1, 1000, 1], strides = [1, 1, 1]} : vector<2x1000x16xf32> to vector<1x1000x1xf32>
    %squeeze3A_4 = vector.shape_cast %slice3A_3 : vector<1x1000x1xf32> to vector<1000x1xf32>
    %add3A = arith.addf %squeeze3A, %squeeze3A_4 : vector<1000x1xf32>
    %add3A_5 = arith.constant 1.000000e+00 : f32
    %add3A_6 = vector.broadcast %add3A_5 : f32 to vector<1000x1xf32>
    %add3A_7 = arith.addf %add3A, %add3A_6 : vector<1000x1xf32>
    %rsqrt3A = math.rsqrt %add3A_7 : vector<1000x1xf32>
    %get3A_8 = arith.constant 0 : index
    %get3A_9 = arith.constant 0 : index
    %get3A_10 = vector.load %arg1[%get3A_8, %get3A_9] : memref<1000x128xf32, #tpu.memory_space<vmem>>, vector<1000x128xf32>
    %mul3A = vector.broadcast %rsqrt3A : vector<1000x1xf32> to vector<1000x128xf32>
    %mul3A_11 = arith.mulf %get3A_10, %mul3A : vector<1000x128xf32>
    %slice3A_12 = vector.extract_strided_slice %mul3A_11 {offsets = [0, 0], sizes = [1000, 64], strides = [1, 1]} : vector<1000x128xf32> to vector<1000x64xf32>
    %swap3A = arith.constant 0 : index
    %swap3A_13 = arith.constant 0 : index
    %swap3A_14 = vector.load %arg3[%swap3A, %swap3A_13] : memref<1000x64xf32, #tpu.memory_space<vmem>>, vector<1000x64xf32>
    tpu.vector_store %arg3[%swap3A, %swap3A_13], %slice3A_12 {strides = array<i32>} : memref<1000x64xf32, #tpu.memory_space<vmem>>, vector<1000x64xf32>,
    %slice3A_15 = vector.extract_strided_slice %mul3A_11 {offsets = [0, 64], sizes = [1000, 64], strides = [1, 1]} : vector<1000x128xf32> to vector<1000x64xf32>
    %swap3A_16 = arith.constant 0 : index
    %swap3A_17 = arith.constant 0 : index
    %swap3A_18 = vector.load %arg4[%swap3A_16, %swap3A_17] : memref<1000x64xf32, #tpu.memory_space<vmem>>, vector<1000x64xf32>
    tpu.vector_store %arg4[%swap3A_16, %swap3A_17], %slice3A_15 {strides = array<i32>} : memref<1000x64xf32, #tpu.memory_space<vmem>>, vector<1000x64xf32>,
    return
  }
  func.func @transform_0(%arg0: i32) -> (i32, i32) {
    %c0_i32 = arith.constant 0 : i32
    %c0_i32_0 = arith.constant 0 : i32
    return %arg0, %c0_i32 : i32, i32
  }
  func.func @transform_1(%arg0: i32) -> (i32, i32, i32) {
    %c0_i32 = arith.constant 0 : i32
    %c0_i32_0 = arith.constant 0 : i32
    %c0_i32_1 = arith.constant 0 : i32
    return %c0_i32, %arg0, %c0_i32_0 : i32, i32, i32
  }
  func.func @transform_2(%arg0: i32) -> (i32, i32) {
    %c0_i32 = arith.constant 0 : i32
    %c0_i32_0 = arith.constant 0 : i32
    return %arg0, %c0_i32 : i32, i32
  }
  func.func @transform_3(%arg0: i32) -> (i32, i32) {
    %c0_i32 = arith.constant 0 : i32
    %c0_i32_0 = arith.constant 0 : i32
    return %arg0, %c0_i32 : i32, i32
  }
}

module attributes {stable_mosaic.version = 14 : i64} {
  func.func @body(%arg0: i32, %arg1: memref<2x1000x64xf32, #tpu.memory_space<vmem>>, %arg2: memref<1000x64xf32, #tpu.memory_space<vmem>>, %arg3: memref<1000x64xf32, #tpu.memory_space<vmem>>, %arg4: memref<2x1000x16xf32, #tpu.memory_space<vmem>>, %arg5: memref<128x128xf32, #tpu.memory_space<vmem>>, %arg6: memref<1000x128xf32, #tpu.memory_space<vmem>>, %arg7: memref<1000x64xf32, #tpu.memory_space<vmem>>, %arg8: memref<1000x64xf32, #tpu.memory_space<vmem>>) attributes {dimension_semantics = [#tpu.dimension_semantics<arbitrary>], iteration_bounds = array<i64: 10>, scalar_prefetch = 0 : i64, scratch_operands = 0 : i64, tpu.core_type = #tpu.core_type<tc>, window_params = [{transform_indices = @transform_0, window_bounds = array<i64: 2, 1000, 64>}, {transform_indices = @transform_1, window_bounds = array<i64: 1000, 64>}, {transform_indices = @transform_2, window_bounds = array<i64: 1000, 64>}, {transform_indices = @transform_3, window_bounds = array<i64: 2, 1000, 16>}, {pipeline_mode = #tpu.pipeline_mode<synchronous>, transform_indices = @transform_4, window_bounds = array<i64: 128, 128>}, {transform_indices = @transform_5, window_bounds = array<i64: 1000, 128>}, {transform_indices = @transform_6, window_bounds = array<i64: 1000, 64>}, {transform_indices = @transform_7, window_bounds = array<i64: 1000, 64>}]} {
    %get3A = arith.constant 0 : index
    %get3A_0 = arith.constant 0 : index
    %get3A_1 = arith.constant 0 : index
    %get3A_2 = vector.load %arg4[%get3A, %get3A_0, %get3A_1] : memref<2x1000x16xf32, #tpu.memory_space<vmem>>, vector<2x1000x16xf32>
    %slice3A = vector.extract_strided_slice %get3A_2 {offsets = [0, 0, 0], sizes = [1, 1000, 1], strides = [1, 1, 1]} : vector<2x1000x16xf32> to vector<1x1000x1xf32>
    %squeeze3A = vector.shape_cast %slice3A : vector<1x1000x1xf32> to vector<1000x1xf32>
    %slice3A_3 = vector.extract_strided_slice %get3A_2 {offsets = [1, 0, 0], sizes = [1, 1000, 1], strides = [1, 1, 1]} : vector<2x1000x16xf32> to vector<1x1000x1xf32>
    %squeeze3A_4 = vector.shape_cast %slice3A_3 : vector<1x1000x1xf32> to vector<1000x1xf32>
    %add3A = arith.addf %squeeze3A, %squeeze3A_4 : vector<1000x1xf32>
    %add3A_5 = arith.constant 1.000000e+00 : f32
    %add3A_6 = vector.broadcast %add3A_5 : f32 to vector<1000x1xf32>
    %add3A_7 = arith.addf %add3A, %add3A_6 : vector<1000x1xf32>
    %rsqrt3A = math.rsqrt %add3A_7 : vector<1000x1xf32>
    %get3A_8 = arith.constant 0 : index
    %get3A_9 = arith.constant 0 : index
    %get3A_10 = arith.constant 0 : index
    %get3A_11 = vector.load %arg1[%get3A_8, %get3A_9, %get3A_10] : memref<2x1000x64xf32, #tpu.memory_space<vmem>>, vector<2x1000x64xf32>
    %slice3A_12 = vector.extract_strided_slice %get3A_11 {offsets = [0, 0, 0], sizes = [1, 1000, 64], strides = [1, 1, 1]} : vector<2x1000x64xf32> to vector<1x1000x64xf32>
    %squeeze3A_13 = vector.shape_cast %slice3A_12 : vector<1x1000x64xf32> to vector<1000x64xf32>
    %get3A_14 = arith.constant 0 : index
    %get3A_15 = arith.constant 0 : index
    %get3A_16 = vector.load %arg2[%get3A_14, %get3A_15] : memref<1000x64xf32, #tpu.memory_space<vmem>>, vector<1000x64xf32>
    %add3A_17 = arith.addf %squeeze3A_13, %get3A_16 : vector<1000x64xf32>
    %mul3A = vector.broadcast %rsqrt3A : vector<1000x1xf32> to vector<1000x64xf32>
    %mul3A_18 = arith.mulf %add3A_17, %mul3A : vector<1000x64xf32>
    %slice3A_19 = vector.extract_strided_slice %get3A_11 {offsets = [1, 0, 0], sizes = [1, 1000, 64], strides = [1, 1, 1]} : vector<2x1000x64xf32> to vector<1x1000x64xf32>
    %squeeze3A_20 = vector.shape_cast %slice3A_19 : vector<1x1000x64xf32> to vector<1000x64xf32>
    %get3A_21 = arith.constant 0 : index
    %get3A_22 = arith.constant 0 : index
    %get3A_23 = vector.load %arg3[%get3A_21, %get3A_22] : memref<1000x64xf32, #tpu.memory_space<vmem>>, vector<1000x64xf32>
    %add3A_24 = arith.addf %squeeze3A_20, %get3A_23 : vector<1000x64xf32>
    %mul3A_25 = vector.broadcast %rsqrt3A : vector<1000x1xf32> to vector<1000x64xf32>
    %mul3A_26 = arith.mulf %add3A_24, %mul3A_25 : vector<1000x64xf32>
    %concatenate3A = tpu.concatenate %mul3A_18, %mul3A_26 in 1 : vector<1000x64xf32>, vector<1000x64xf32> -> vector<1000x128xf32>
    %max3A = arith.constant 0.000000e+00 : f32
    %max3A_27 = vector.broadcast %max3A : f32 to vector<1000x128xf32>
    %max3A_28 = arith.maximumf %concatenate3A, %max3A_27 : vector<1000x128xf32>
    %swap3A = arith.constant 0 : index
    %swap3A_29 = arith.constant 0 : index
    %swap3A_30 = vector.load %arg6[%swap3A, %swap3A_29] : memref<1000x128xf32, #tpu.memory_space<vmem>>, vector<1000x128xf32>
    tpu.vector_store %arg6[%swap3A, %swap3A_29], %max3A_28 {strides = array<i32>} : memref<1000x128xf32, #tpu.memory_space<vmem>>, vector<1000x128xf32>,
    %get3A_31 = arith.constant 0 : index
    %get3A_32 = arith.constant 0 : index
    %get3A_33 = vector.load %arg5[%get3A_31, %get3A_32] : memref<128x128xf32, #tpu.memory_space<vmem>>, vector<128x128xf32>
    %dot_general3A = arith.constant dense<0.000000e+00> : vector<1000x128xf32>
    %dot_general3A_34 = tpu.matmul %max3A_28, %get3A_33, %dot_general3A {dimension_numbers = #tpu.dot_dimension_numbers<[1], [0], [0], [1], [0, 0, 1, 1], [], []>, transpose_lhs_hint = false} : vector<1000x128xf32>, vector<128x128xf32>, vector<1000x128xf32> -> vector<1000x128xf32>
    %mul3A_35 = vector.broadcast %rsqrt3A : vector<1000x1xf32> to vector<1000x128xf32>
    %mul3A_36 = arith.mulf %dot_general3A_34, %mul3A_35 : vector<1000x128xf32>
    %slice3A_37 = vector.extract_strided_slice %mul3A_36 {offsets = [0, 0], sizes = [1000, 64], strides = [1, 1]} : vector<1000x128xf32> to vector<1000x64xf32>
    %swap3A_38 = arith.constant 0 : index
    %swap3A_39 = arith.constant 0 : index
    %swap3A_40 = vector.load %arg7[%swap3A_38, %swap3A_39] : memref<1000x64xf32, #tpu.memory_space<vmem>>, vector<1000x64xf32>
    tpu.vector_store %arg7[%swap3A_38, %swap3A_39], %slice3A_37 {strides = array<i32>} : memref<1000x64xf32, #tpu.memory_space<vmem>>, vector<1000x64xf32>,
    %slice3A_41 = vector.extract_strided_slice %mul3A_36 {offsets = [0, 64], sizes = [1000, 64], strides = [1, 1]} : vector<1000x128xf32> to vector<1000x64xf32>
    %swap3A_42 = arith.constant 0 : index
    %swap3A_43 = arith.constant 0 : index
    %swap3A_44 = vector.load %arg8[%swap3A_42, %swap3A_43] : memref<1000x64xf32, #tpu.memory_space<vmem>>, vector<1000x64xf32>
    tpu.vector_store %arg8[%swap3A_42, %swap3A_43], %slice3A_41 {strides = array<i32>} : memref<1000x64xf32, #tpu.memory_space<vmem>>, vector<1000x64xf32>,
    return
  }
  func.func @transform_0(%arg0: i32) -> (i32, i32, i32) {
    %c0_i32 = arith.constant 0 : i32
    %c0_i32_0 = arith.constant 0 : i32
    %c0_i32_1 = arith.constant 0 : i32
    return %c0_i32, %arg0, %c0_i32_0 : i32, i32, i32
  }
  func.func @transform_1(%arg0: i32) -> (i32, i32) {
    %c0_i32 = arith.constant 0 : i32
    %c0_i32_0 = arith.constant 0 : i32
    return %arg0, %c0_i32 : i32, i32
  }
  func.func @transform_2(%arg0: i32) -> (i32, i32) {
    %c0_i32 = arith.constant 0 : i32
    %c0_i32_0 = arith.constant 0 : i32
    return %arg0, %c0_i32 : i32, i32
  }
  func.func @transform_3(%arg0: i32) -> (i32, i32, i32) {
    %c0_i32 = arith.constant 0 : i32
    %c0_i32_0 = arith.constant 0 : i32
    %c0_i32_1 = arith.constant 0 : i32
    return %c0_i32, %arg0, %c0_i32_0 : i32, i32, i32
  }
  func.func @transform_4(%arg0: i32) -> (i32, i32) {
    %c0_i32 = arith.constant 0 : i32
    %c0_i32_0 = arith.constant 0 : i32
    %c0_i32_1 = arith.constant 0 : i32
    return %c0_i32, %c0_i32_0 : i32, i32
  }
  func.func @transform_5(%arg0: i32) -> (i32, i32) {
    %c0_i32 = arith.constant 0 : i32
    %c0_i32_0 = arith.constant 0 : i32
    return %arg0, %c0_i32 : i32, i32
  }
  func.func @transform_6(%arg0: i32) -> (i32, i32) {
    %c0_i32 = arith.constant 0 : i32
    %c0_i32_0 = arith.constant 0 : i32
    return %arg0, %c0_i32 : i32, i32
  }
  func.func @transform_7(%arg0: i32) -> (i32, i32) {
    %c0_i32 = arith.constant 0 : i32
    %c0_i32_0 = arith.constant 0 : i32
    return %arg0, %c0_i32 : i32, i32
  }
}

module attributes {stable_mosaic.version = 14 : i64} {
  func.func @body(%arg0: i32, %arg1: memref<2x1000x64xf32, #tpu.memory_space<vmem>>, %arg2: memref<1000x64xf32, #tpu.memory_space<vmem>>, %arg3: memref<1000x64xf32, #tpu.memory_space<vmem>>, %arg4: memref<2x1000x16xf32, #tpu.memory_space<vmem>>, %arg5: memref<1000x128xf32, #tpu.memory_space<vmem>>, %arg6: memref<1000x1xi32, #tpu.memory_space<vmem>>, %arg7: memref<64x256xf32, #tpu.memory_space<vmem>>) attributes {dimension_semantics = [#tpu.dimension_semantics<arbitrary>], iteration_bounds = array<i64: 10>, scalar_prefetch = 0 : i64, scratch_operands = 0 : i64, tpu.core_type = #tpu.core_type<tc>, window_params = [{transform_indices = @transform_0, window_bounds = array<i64: 2, 1000, 64>}, {transform_indices = @transform_1, window_bounds = array<i64: 1000, 64>}, {transform_indices = @transform_2, window_bounds = array<i64: 1000, 64>}, {transform_indices = @transform_3, window_bounds = array<i64: 2, 1000, 16>}, {transform_indices = @transform_4, window_bounds = array<i64: 1000, 128>}, {transform_indices = @transform_5, window_bounds = array<i64: 1000, 1>}, {pipeline_mode = #tpu.pipeline_mode<synchronous>, transform_indices = @transform_6, window_bounds = array<i64: 64, 256>}]} {
    %eq3A = arith.constant 0 : i32
    %eq3A_0 = arith.cmpi eq, %arg0, %eq3A : i32
    %convert_element_type3A = arith.extui %eq3A_0 : i1 to i32
    %cond3A = arith.constant 0 : i32
    %cond3A_1 = arith.cmpi ne, %convert_element_type3A, %cond3A : i32
    scf.if %cond3A_1 {
      %broadcast_in_dim3A = arith.constant 0xFF800000 : f32
      %broadcast_in_dim3A_58 = vector.broadcast %broadcast_in_dim3A : f32 to vector<64x256xf32>
      %swap3A = arith.constant 0 : index
      %swap3A_59 = arith.constant 0 : index
      %swap3A_60 = vector.load %arg7[%swap3A, %swap3A_59] : memref<64x256xf32, #tpu.memory_space<vmem>>, vector<64x256xf32>
      tpu.vector_store %arg7[%swap3A, %swap3A_59], %broadcast_in_dim3A_58 {strides = array<i32>} : memref<64x256xf32, #tpu.memory_space<vmem>>, vector<64x256xf32>,
    } else {
    }
    %get3A = arith.constant 0 : index
    %get3A_2 = arith.constant 0 : index
    %get3A_3 = arith.constant 0 : index
    %get3A_4 = vector.load %arg4[%get3A, %get3A_2, %get3A_3] : memref<2x1000x16xf32, #tpu.memory_space<vmem>>, vector<2x1000x16xf32>
    %slice3A = vector.extract_strided_slice %get3A_4 {offsets = [0, 0, 0], sizes = [1, 1000, 1], strides = [1, 1, 1]} : vector<2x1000x16xf32> to vector<1x1000x1xf32>
    %squeeze3A = vector.shape_cast %slice3A : vector<1x1000x1xf32> to vector<1000x1xf32>
    %slice3A_5 = vector.extract_strided_slice %get3A_4 {offsets = [1, 0, 0], sizes = [1, 1000, 1], strides = [1, 1, 1]} : vector<2x1000x16xf32> to vector<1x1000x1xf32>
    %squeeze3A_6 = vector.shape_cast %slice3A_5 : vector<1x1000x1xf32> to vector<1000x1xf32>
    %add3A = arith.addf %squeeze3A, %squeeze3A_6 : vector<1000x1xf32>
    %add3A_7 = arith.constant 1.000000e+00 : f32
    %add3A_8 = vector.broadcast %add3A_7 : f32 to vector<1000x1xf32>
    %add3A_9 = arith.addf %add3A, %add3A_8 : vector<1000x1xf32>
    %rsqrt3A = math.rsqrt %add3A_9 : vector<1000x1xf32>
    %get3A_10 = arith.constant 0 : index
    %get3A_11 = arith.constant 0 : index
    %get3A_12 = arith.constant 0 : index
    %get3A_13 = vector.load %arg1[%get3A_10, %get3A_11, %get3A_12] : memref<2x1000x64xf32, #tpu.memory_space<vmem>>, vector<2x1000x64xf32>
    %slice3A_14 = vector.extract_strided_slice %get3A_13 {offsets = [0, 0, 0], sizes = [1, 1000, 64], strides = [1, 1, 1]} : vector<2x1000x64xf32> to vector<1x1000x64xf32>
    %squeeze3A_15 = vector.shape_cast %slice3A_14 : vector<1x1000x64xf32> to vector<1000x64xf32>
    %get3A_16 = arith.constant 0 : index
    %get3A_17 = arith.constant 0 : index
    %get3A_18 = vector.load %arg2[%get3A_16, %get3A_17] : memref<1000x64xf32, #tpu.memory_space<vmem>>, vector<1000x64xf32>
    %add3A_19 = arith.addf %squeeze3A_15, %get3A_18 : vector<1000x64xf32>
    %mul3A = vector.broadcast %rsqrt3A : vector<1000x1xf32> to vector<1000x64xf32>
    %mul3A_20 = arith.mulf %add3A_19, %mul3A : vector<1000x64xf32>
    %slice3A_21 = vector.extract_strided_slice %get3A_13 {offsets = [1, 0, 0], sizes = [1, 1000, 64], strides = [1, 1, 1]} : vector<2x1000x64xf32> to vector<1x1000x64xf32>
    %squeeze3A_22 = vector.shape_cast %slice3A_21 : vector<1x1000x64xf32> to vector<1000x64xf32>
    %get3A_23 = arith.constant 0 : index
    %get3A_24 = arith.constant 0 : index
    %get3A_25 = vector.load %arg3[%get3A_23, %get3A_24] : memref<1000x64xf32, #tpu.memory_space<vmem>>, vector<1000x64xf32>
    %add3A_26 = arith.addf %squeeze3A_22, %get3A_25 : vector<1000x64xf32>
    %mul3A_27 = vector.broadcast %rsqrt3A : vector<1000x1xf32> to vector<1000x64xf32>
    %mul3A_28 = arith.mulf %add3A_26, %mul3A_27 : vector<1000x64xf32>
    %concatenate3A = tpu.concatenate %mul3A_20, %mul3A_28 in 1 : vector<1000x64xf32>, vector<1000x64xf32> -> vector<1000x128xf32>
    %max3A = arith.constant 0.000000e+00 : f32
    %max3A_29 = vector.broadcast %max3A : f32 to vector<1000x128xf32>
    %max3A_30 = arith.maximumf %concatenate3A, %max3A_29 : vector<1000x128xf32>
    %get3A_31 = arith.constant 0 : index
    %get3A_32 = arith.constant 0 : index
    %get3A_33 = vector.load %arg5[%get3A_31, %get3A_32] : memref<1000x128xf32, #tpu.memory_space<vmem>>, vector<1000x128xf32>
    %get3A_34 = arith.constant 0 : index
    %get3A_35 = arith.constant 0 : index
    %get3A_36 = vector.load %arg6[%get3A_34, %get3A_35] : memref<1000x1xi32, #tpu.memory_space<vmem>>, vector<1000x1xi32>
    %reduce_min3A = vector.shape_cast %get3A_36 : vector<1000x1xi32> to vector<1x1000x1xi32>
    %reduce_min3A_37 = arith.constant dense<2147483647> : vector<1xi32>
    %reduce_min3A_38 = vector.multi_reduction <minsi>, %reduce_min3A, %reduce_min3A_37 [1, 2] : vector<1x1000x1xi32> to vector<1xi32>
    %reduce_min3A_39 = vector.shape_cast %reduce_min3A_38 : vector<1xi32> to vector<1x1x1xi32>
    %reduce_min3A_40 = vector.extract %reduce_min3A_39[0, 0, 0] : i32 from vector<1x1x1xi32>
    %reduce_max3A = vector.shape_cast %get3A_36 : vector<1000x1xi32> to vector<1x1000x1xi32>
    %reduce_max3A_41 = arith.constant dense<-2147483648> : vector<1xi32>
    %reduce_max3A_42 = vector.multi_reduction <maxsi>, %reduce_max3A, %reduce_max3A_41 [1, 2] : vector<1x1000x1xi32> to vector<1xi32>
    %reduce_max3A_43 = vector.shape_cast %reduce_max3A_42 : vector<1xi32> to vector<1x1x1xi32>
    %reduce_max3A_44 = vector.extract %reduce_max3A_43[0, 0, 0] : i32 from vector<1x1x1xi32>
    %add3A_45 = arith.constant 1 : i32
    %add3A_46 = arith.addi %reduce_max3A_44, %add3A_45 : i32
    %while3A = arith.constant 0xFF800000 : f32
    %while3A_47 = arith.constant 0 : i32
    %while3A_48 = arith.subi %add3A_46, %reduce_min3A_40 : i32
    %while3A_49 = arith.addi %reduce_min3A_40, %while3A_48 : i32
    %while3A_50 = arith.constant 1 : i32
    %while3A_51 = arith.divsi %while3A_48, %while3A_50 : i32
    %while3A_52 = arith.muli %while3A_51, %while3A_50 : i32
    %while3A_53 = arith.addi %reduce_min3A_40, %while3A_52 : i32
    %while3A_54 = arith.constant 1 : i32
    %while3A_55 = scf.for %while3A_58 = %reduce_min3A_40 to %while3A_53 step %while3A_54 iter_args(%while3A_59 = %while3A_47) -> (i32)  : i32 {
      %eq3A_60 = vector.broadcast %while3A_58 : i32 to vector<1000x1xi32>
      %eq3A_61 = arith.cmpi eq, %get3A_36, %eq3A_60 : vector<1000x1xi32>
      %broadcast_in_dim3A = vector.shape_cast %eq3A_61 : vector<1000x1xi1> to vector<1000x1xi1>
      %broadcast_in_dim3A_62 = vector.broadcast %broadcast_in_dim3A : vector<1000x1xi1> to vector<1000x128xi1>
      %broadcast_in_dim3A_63 = vector.broadcast %while3A : f32 to vector<1000x128xf32>
      %select_n3A = arith.select %broadcast_in_dim3A_62, %get3A_33, %broadcast_in_dim3A_63 : vector<1000x128xi1>, vector<1000x128xf32>
      %reduce_max3A_64 = arith.constant dense<0xFF800000> : vector<128xf32>
      %reduce_max3A_65 = vector.multi_reduction <maximumf>, %select_n3A, %reduce_max3A_64 [0] : vector<1000x128xf32> to vector<128xf32>
      %broadcast_in_dim3A_66 = vector.shape_cast %reduce_max3A_65 : vector<128xf32> to vector<1x128xf32>
      %broadcast_in_dim3A_67 = vector.shape_cast %eq3A_61 : vector<1000x1xi1> to vector<1000x1xi1>
      %broadcast_in_dim3A_68 = vector.broadcast %broadcast_in_dim3A_67 : vector<1000x1xi1> to vector<1000x128xi1>
      %broadcast_in_dim3A_69 = vector.broadcast %while3A : f32 to vector<1000x128xf32>
      %select_n3A_70 = arith.select %broadcast_in_dim3A_68, %max3A_30, %broadcast_in_dim3A_69 : vector<1000x128xi1>, vector<1000x128xf32>
      %reduce_max3A_71 = arith.constant dense<0xFF800000> : vector<128xf32>
      %reduce_max3A_72 = vector.multi_reduction <maximumf>, %select_n3A_70, %reduce_max3A_71 [0] : vector<1000x128xf32> to vector<128xf32>
      %broadcast_in_dim3A_73 = vector.shape_cast %reduce_max3A_72 : vector<128xf32> to vector<1x128xf32>
      %concatenate3A_74 = tpu.concatenate %broadcast_in_dim3A_66, %broadcast_in_dim3A_73 in 1 : vector<1x128xf32>, vector<1x128xf32> -> vector<1x256xf32>
      %get3A_75 = arith.index_cast %while3A_58 : i32 to index
      %get3A_76 = arith.constant 0 : index
      %get3A_77 = vector.load %arg7[%get3A_75, %get3A_76] : memref<64x256xf32, #tpu.memory_space<vmem>>, vector<1x256xf32>
      %max3A_78 = arith.maximumf %get3A_77, %concatenate3A_74 : vector<1x256xf32>
      %swap3A = arith.index_cast %while3A_58 : i32 to index
      %swap3A_79 = arith.constant 0 : index
      %swap3A_80 = vector.load %arg7[%swap3A, %swap3A_79] : memref<64x256xf32, #tpu.memory_space<vmem>>, vector<1x256xf32>
      tpu.vector_store %arg7[%swap3A, %swap3A_79], %max3A_78 {strides = array<i32>} : memref<64x256xf32, #tpu.memory_space<vmem>>, vector<1x256xf32>,
      %while3A_81 = arith.constant 0 : i32
      scf.yield %while3A_81 : i32
    }
    %while3A_56 = arith.constant 1 : i32
    %while3A_57 = scf.for %while3A_58 = %while3A_53 to %while3A_49 step %while3A_56 iter_args(%while3A_59 = %while3A_55) -> (i32)  : i32 {
      %eq3A_60 = vector.broadcast %while3A_58 : i32 to vector<1000x1xi32>
      %eq3A_61 = arith.cmpi eq, %get3A_36, %eq3A_60 : vector<1000x1xi32>
      %broadcast_in_dim3A = vector.shape_cast %eq3A_61 : vector<1000x1xi1> to vector<1000x1xi1>
      %broadcast_in_dim3A_62 = vector.broadcast %broadcast_in_dim3A : vector<1000x1xi1> to vector<1000x128xi1>
      %broadcast_in_dim3A_63 = vector.broadcast %while3A : f32 to vector<1000x128xf32>
      %select_n3A = arith.select %broadcast_in_dim3A_62, %get3A_33, %broadcast_in_dim3A_63 : vector<1000x128xi1>, vector<1000x128xf32>
      %reduce_max3A_64 = arith.constant dense<0xFF800000> : vector<128xf32>
      %reduce_max3A_65 = vector.multi_reduction <maximumf>, %select_n3A, %reduce_max3A_64 [0] : vector<1000x128xf32> to vector<128xf32>
      %broadcast_in_dim3A_66 = vector.shape_cast %reduce_max3A_65 : vector<128xf32> to vector<1x128xf32>
      %broadcast_in_dim3A_67 = vector.shape_cast %eq3A_61 : vector<1000x1xi1> to vector<1000x1xi1>
      %broadcast_in_dim3A_68 = vector.broadcast %broadcast_in_dim3A_67 : vector<1000x1xi1> to vector<1000x128xi1>
      %broadcast_in_dim3A_69 = vector.broadcast %while3A : f32 to vector<1000x128xf32>
      %select_n3A_70 = arith.select %broadcast_in_dim3A_68, %max3A_30, %broadcast_in_dim3A_69 : vector<1000x128xi1>, vector<1000x128xf32>
      %reduce_max3A_71 = arith.constant dense<0xFF800000> : vector<128xf32>
      %reduce_max3A_72 = vector.multi_reduction <maximumf>, %select_n3A_70, %reduce_max3A_71 [0] : vector<1000x128xf32> to vector<128xf32>
      %broadcast_in_dim3A_73 = vector.shape_cast %reduce_max3A_72 : vector<128xf32> to vector<1x128xf32>
      %concatenate3A_74 = tpu.concatenate %broadcast_in_dim3A_66, %broadcast_in_dim3A_73 in 1 : vector<1x128xf32>, vector<1x128xf32> -> vector<1x256xf32>
      %get3A_75 = arith.index_cast %while3A_58 : i32 to index
      %get3A_76 = arith.constant 0 : index
      %get3A_77 = vector.load %arg7[%get3A_75, %get3A_76] : memref<64x256xf32, #tpu.memory_space<vmem>>, vector<1x256xf32>
      %max3A_78 = arith.maximumf %get3A_77, %concatenate3A_74 : vector<1x256xf32>
      %swap3A = arith.index_cast %while3A_58 : i32 to index
      %swap3A_79 = arith.constant 0 : index
      %swap3A_80 = vector.load %arg7[%swap3A, %swap3A_79] : memref<64x256xf32, #tpu.memory_space<vmem>>, vector<1x256xf32>
      tpu.vector_store %arg7[%swap3A, %swap3A_79], %max3A_78 {strides = array<i32>} : memref<64x256xf32, #tpu.memory_space<vmem>>, vector<1x256xf32>,
      %while3A_81 = arith.constant 0 : i32
      scf.yield %while3A_81 : i32
    }
    return
  }
  func.func @transform_0(%arg0: i32) -> (i32, i32, i32) {
    %c0_i32 = arith.constant 0 : i32
    %c0_i32_0 = arith.constant 0 : i32
    %c0_i32_1 = arith.constant 0 : i32
    return %c0_i32, %arg0, %c0_i32_0 : i32, i32, i32
  }
  func.func @transform_1(%arg0: i32) -> (i32, i32) {
    %c0_i32 = arith.constant 0 : i32
    %c0_i32_0 = arith.constant 0 : i32
    return %arg0, %c0_i32 : i32, i32
  }
  func.func @transform_2(%arg0: i32) -> (i32, i32) {
    %c0_i32 = arith.constant 0 : i32
    %c0_i32_0 = arith.constant 0 : i32
    return %arg0, %c0_i32 : i32, i32
  }
  func.func @transform_3(%arg0: i32) -> (i32, i32, i32) {
    %c0_i32 = arith.constant 0 : i32
    %c0_i32_0 = arith.constant 0 : i32
    %c0_i32_1 = arith.constant 0 : i32
    return %c0_i32, %arg0, %c0_i32_0 : i32, i32, i32
  }
  func.func @transform_4(%arg0: i32) -> (i32, i32) {
    %c0_i32 = arith.constant 0 : i32
    %c0_i32_0 = arith.constant 0 : i32
    return %arg0, %c0_i32 : i32, i32
  }
  func.func @transform_5(%arg0: i32) -> (i32, i32) {
    %c0_i32 = arith.constant 0 : i32
    %c0_i32_0 = arith.constant 0 : i32
    return %arg0, %c0_i32 : i32, i32
  }
  func.func @transform_6(%arg0: i32) -> (i32, i32) {
    %c0_i32 = arith.constant 0 : i32
    %c0_i32_0 = arith.constant 0 : i32
    %c0_i32_1 = arith.constant 0 : i32
    return %c0_i32, %c0_i32_0 : i32, i32
  }
}

</mosaic_0001>

<sc_bundles>
// kernel: kernel.12.cloned.1.call-start
scs
__scs_entry_jumppad:
0x0: {  	(pc) =	sbr.rel $0x88, $3  }
0x1: {  	(tag) =	ssettag $0x0;
	lr =	simm.s32 $0x1  }
0x2: {  	[smem:$0x3F9C] =	sst lr;
	_ =	strace $0xD0000000  }
0x3: {  	_ = 	snop  }
0x4: {  	_ = 	snop  }
0x5: {  	_ = 	snop  }
0x6: {  	_ = 	snop  }
0x7: {  	_ = 	snop  }
__scs_overlays_trampoline_lowered:
0x8: {  	[smem:$0x3FAB] =	sst s0  }
0x9: {  	[smem:$0x3FAC] =	sst s1  }
0xa: {  	[smem:$0x3FAD] =	sst s2  }
0xb: {  	[smem:$0x3FAE] =	sst s3  }
0xc: {  	[smem:$0x3FAF] =	sst s4  }
0xd: {  	[smem:$0x3FB0] =	sst s5  }
0xe: {  	[smem:$0x3FB1] =	sst s6  }
0xf: {  	[smem:$0x3FB2] =	sst s7  }
0x10: {  	[smem:$0x3FB3] =	sst s8  }
0x11: {  	[smem:$0x3FB4] =	sst s9;
	s0 =	simm.s32 @!p0 $0x0  }
0x12: {  	s1 =	sld [smem:$0x3F9A];
	s0 =	simm.s32 @p0 $0x1  }
0x13: {  	[smem:$0x3FB5] =	sst s0;
	s0 =	simm.s32 @!p1 $0x0  }
0x14: {  	s2 =	sld [smem:$0x3F99];
	s0 =	simm.s32 @p1 $0x1  }
0x15: {  	[smem:$0x3FB6] =	sst s0;
	s0 =	simm.s32 @!p2 $0x0  }
0x16: {  	s3 =	sld [smem:$0x3FDB];
	s0 =	simm.s32 @p2 $0x1  }
0x17: {  	s4 =	simm.s32 $0x1BF5;
	[smem:$0x3FB8] =	sst s0  }
0x18: {  	s0 =	sld [smem:$0x3F9B];
	_ =	swait.ge [sflag:s4], $0x0  }
0x19: {  	s7 =	sld [smem:$0x3F9C]  }
0x1a: {  	s8 =	sadd.s32 $0xFFFFE003, lr  }
0x1b: {  	s9 =	sadd.s32 $0xFFFFFEF7, lr;
	s5 =	simm.s32 $0xFFFFFFFF;
	p2 =	slt.u32 s8, $0xFFFFF086  }
0x1c: {  	p1 =	slt.u32 s9, $0xF7A;
	s5 =	simm.s32 @!p2 $0x0  }
0x1d: {  	s5 =	simm.s32 @p1 $0x1;
	p0 =	seq.s32 s7, s2  }
0x1e: {  	s7 =	smul.u32 @!p0 $0xF7A, s2;
	p2 =	seq.s32 @!p0 s5, $0x0  }
0x1f: {  	s9 =	smul.u32 $0xF7A, s1;
	s8 =	simm.s32 @!p0 $0x1BF5;
	p2 =	por !p2, p0  }
0x20: {  	[sflag:s8] =	ssyncset.s32 @!p0 $0xFFFFF086;
	s6 =	sadd.s32 @!p0 s3, s7;
	s7 =	simm.s32 @!p0 $0x108  }
0x21: {  	s3 =	sadd.s32 s3, s9;
	s6 =	sadd.s32 @!p0 $0x88, s6;
	s7 =	simm.s32 @p2 $0x1082  }
0x22: {  	[simem:s7], [sflag:s8] =	dma.local @!p0 [hbm:s6], $0xF7A  }
0x23: {  	s9 =	sor.u32 $0xD0000000, s2;
	s6 =	simm.s32 $0x108;
	_ =	swait.ge @!p0 [sflag:s8], $0x0  }
0x24: {  	s3 =	sadd.s32 $0x88, s3;
	s6 =	simm.s32 @!p1 $0x1082;
	[sflag:s4] =	ssyncset.s32 $0xFFFFF086  }
0x25: {  	[simem:s6], [sflag:s4] =	dma.local [hbm:s3], $0xF7A  }
0x26: {  	[smem:$0x3F9C] =	sst s1;
	(tag) =	ssettag s2;
	_ =	strace s9  }
0x27: {  	s1 =	sld [smem:$0x3FAC]  }
0x28: {  	s2 =	sld [smem:$0x3FAD]  }
0x29: {  	s4 =	sld [smem:$0x3FAF]  }
0x2a: {  	p0 =	seq.s32 s5, $0x0;
	s5 =	sld [smem:$0x3FB0]  }
0x2b: {  	s6 =	sld [smem:$0x3FB1]  }
0x2c: {  	s7 =	sld [smem:$0x3FB2]  }
0x2d: {  	s3 =	simm.s32 $0x108;
	s8 =	sld [smem:$0x3FB3]  }
0x2e: {  	s3 =	simm.s32 @!p0 $0x1082;
	s9 =	sld [smem:$0x3FB4]  }
0x2f: {  	lr =	sadd.s32 s0, s3;
	s0 =	sld [smem:$0x3FAB]  }
0x30: {  	s3 =	sld [smem:$0x3FAE]  }
0x31: {  	[smem:$0x3FB7] =	sst s10  }
0x32: {  	s10 =	sld [smem:$0x3FB5];
	_ =	sdelay $0x3  }
0x33: {  	p0 =	seq.s32 s10, $0x1;
	s10 =	sld [smem:$0x3FB7];
	_ =	sdelay $0x3  }
0x34: {  	[smem:$0x3FB7] =	sst s10  }
0x35: {  	s10 =	sld [smem:$0x3FB6];
	_ =	sdelay $0x3  }
0x36: {  	p1 =	seq.s32 s10, $0x1;
	s10 =	sld [smem:$0x3FB7];
	_ =	sdelay $0x3  }
0x37: {  	[smem:$0x3FB7] =	sst s10  }
0x38: {  	s10 =	sld [smem:$0x3FB8]  }
0x39: {  	_ = 	snop;
	(pc) =	sbr.ind lr, $3  }
0x3a: {  	_ = 	snop  }
0x3b: {  	_ = 	snop  }
0x3c: {  	p2 =	seq.s32 s10, $0x1;
	s10 =	sld [smem:$0x3FB7]  }
0x3d: {  	_ =	shalt  }
0x3e: {  	_ =	shalt  }
0x3f: {  	_ =	shalt  }
0x40: {  	_ =	shalt  }
0x41: {  	_ =	shalt  }
0x42: {  	_ =	shalt  }
0x43: {  	_ =	shalt  }
0x44: {  	_ =	shalt  }
0x45: {  	_ =	shalt  }
0x46: {  	_ =	shalt  }
0x47: {  	_ =	shalt  }
0x48: {  	_ =	shalt  }
0x49: {  	_ =	shalt  }
0x4a: {  	_ =	shalt  }
0x4b: {  	_ =	shalt  }
0x4c: {  	_ =	shalt  }
0x4d: {  	_ =	shalt  }
0x4e: {  	_ =	shalt  }
0x4f: {  	_ =	shalt  }
0x50: {  	_ =	shalt  }
0x51: {  	_ =	shalt  }
0x52: {  	_ =	shalt  }
0x53: {  	_ =	shalt  }
0x54: {  	_ =	shalt  }
0x55: {  	_ =	shalt  }
0x56: {  	_ =	shalt  }
0x57: {  	_ =	shalt  }
0x58: {  	_ =	shalt  }
0x59: {  	_ =	shalt  }
0x5a: {  	_ =	shalt  }
0x5b: {  	_ =	shalt  }
0x5c: {  	_ =	shalt  }
0x5d: {  	_ =	shalt  }
0x5e: {  	_ =	shalt  }
0x5f: {  	_ =	shalt  }
0x60: {  	_ =	shalt  }
0x61: {  	_ =	shalt  }
0x62: {  	_ =	shalt  }
0x63: {  	_ =	shalt  }
0x64: {  	_ =	shalt  }
0x65: {  	_ =	shalt  }
0x66: {  	_ =	shalt  }
0x67: {  	_ =	shalt  }
0x68: {  	_ =	shalt  }
0x69: {  	_ =	shalt  }
0x6a: {  	_ =	shalt  }
0x6b: {  	_ =	shalt  }
0x6c: {  	_ =	shalt  }
0x6d: {  	_ =	shalt  }
0x6e: {  	_ =	shalt  }
0x6f: {  	_ =	shalt  }
0x70: {  	_ =	shalt  }
0x71: {  	_ =	shalt  }
0x72: {  	_ =	shalt  }
0x73: {  	_ =	shalt  }
0x74: {  	_ =	shalt  }
0x75: {  	_ =	shalt  }
0x76: {  	_ =	shalt  }
0x77: {  	_ =	shalt  }
0x78: {  	_ =	shalt  }
0x79: {  	_ =	shalt  }
0x7a: {  	_ =	shalt  }
0x7b: {  	_ =	shalt  }
0x7c: {  	_ =	shalt  }
0x7d: {  	_ =	shalt  }
0x7e: {  	_ =	shalt  }
0x7f: {  	_ =	shalt  }
0x80: {  	_ =	shalt  }
0x81: {  	_ =	shalt  }
0x82: {  	_ =	shalt  }
0x83: {  	_ =	shalt  }
0x84: {  	_ =	shalt  }
0x85: {  	_ =	shalt  }
0x86: {  	_ =	shalt  }
0x87: {  	_ =	shalt  }
.Lfunc_end0:
.L_simem_size_0:
called_computation.1_lowered:
.L_overlay_start_0:
0x88: {  	s2 =	sld [smem:$0x3FD9]  }
0x89: {  	s3 =	sld [smem:$0x3FFE];
	_ =	sdelay $0x1  }
0x8a: {  	s1 =	srdreg.scid  }
0x8b: {  	s0 =	sand.u32 $0x1, s1  }
0x8c: {  	s16 =	sshll.u32 s0, $0xA;
	s2 =	sadd.s32 s3, s2  }
0x8d: {  	s2 =	sadd.s32 s2, s16  }
0x8e: {  	[smem:$0x3FC3] =	sst s2  }
0x8f: {  	_ = 	snop  }
0x90: {  	(tm) =	ssettm $0x1  }
0x91: {  	s17 =	sld [smem:$0x3FFB];
	_ =	sdelay $0x3  }
0x92: {  	_ =	strace s17  }
0x93: {  	s2 =	sld [smem:$0x3FFC];
	_ =	sdelay $0x3  }
0x94: {  	_ =	strace s2  }
0x95: {  	s2 =	sld [smem:$0x3FFD];
	_ =	sdelay $0x3  }
0x96: {  	_ =	strace s2  }
0x97: {  	_ =	strace $0x8FFFFFFF  }
0x98: {  	s18 =	sld [smem:$0x3FDB];
	_ =	sdelay $0x1  }
0x99: {  	s19 =	simm.s32 $_scs_section_size  }
0x9a: {  	s4 =	simm.s32 $_size__tile_overlayer_lowered;
	s5 =	simm.s32 $_tile_overlayer_lowered  }
0x9b: {  	s22 =	simm.s32 $0x1BFF;
	s21 =	sshll.u32 s5, $0x1;
	s2 =	sadd.s32 s19, s18  }
0x9c: {  	s6 =	simm.s32 $0x0;
	s20 =	sshll.u32 s4, $0x1;
	s4 =	sadd.s32 s21, s2  }
0x9d: {  	[timem:s6], [sflag:s22] =	dma.local [hbm:s4], s20  }
0x9e: {  	_ =	swait.ge [sflag:s22], s20  }
0x9f: {  	s3 =	ssub.s32 $0x0, s20;
	[sflag:s22] =	ssyncset.done $0x0  }
0xa0: {  	[sflag:s22] =	ssyncadd.s32 s3;
	_ =	sdelay $0x1  }
0xa1: {  	s23 =	simm.s32 $0x1B8B  }
0xa2: {  	_ =	swait.ge [sflag:s23], $0x1  }
0xa3: {  	[sflag:s23] =	ssyncset.done $0x0  }
0xa4: {  	s25 =	simm.s32 $0x1B8E;
	s24 =	sld [smem:$0x3FFE];
	[sflag:s23] =	ssyncadd.s32 $0xFFFFFFFF  }
0xa5: {  	s26 =	simm.s32 $execute0_lowered;
	[smem:$0x3FD2] =	sst s25  }
0xa6: {  	s4 =	sshll.u32 s26, $0x1;
	_ =	strace $0x80000049;
	[dreg:$0x1] =	wrdreg $0xFFFFFFFF  }
0xa7: {  	s28 =	simm.s32 $_size_execute0_lowered;
	s2 =	sadd.s32 s2, s4;
	[dreg:$0x0] =	wrdreg $0x0  }
0xa8: {  	s4 =	sshll.u32 s28, $0x1;
	[dreg:$0x2] =	wrdreg s2  }
0xa9: {  	[dreg:$0x3] =	wrdreg s4  }
0xaa: {  	[dreg:$0x4] =	wrdreg $0xC0  }
0xab: {  	_ =	task [dreg:s6], $0x5FFFF  }
0xac: {  	[dreg:$0x1] =	wrdreg $0xFFFFFFFF  }
0xad: {  	[dreg:$0x0] =	wrdreg $0x60  }
0xae: {  	[dreg:$0x2] =	wrdreg s24  }
0xaf: {  	[dreg:$0x3] =	wrdreg $0x128000  }
0xb0: {  	[dreg:$0x4] =	wrdreg $0x9  }
0xb1: {  	_ =	task.clear_ibuf [dreg:s6], $0x5FFFF;
	_ =	strace $0x90000049  }
0xb2: {  	s29 =	simm.s32 $0x9;
	_ =	strace $0x8000004B  }
0xb3: {  	_ =	swait.ge [sflag:s29], $0x1  }
0xb4: {  	[sflag:s29] =	ssyncadd.s32 $0xFFFFFFFF  }
0xb5: {  	_ =	strace $0x9000004B  }
0xb6: {  	_ =	sfence  }
0xb7: {  	s30 =	sld [smem:$0x0];
	_ =	sdelay $0x2  }
0xb8: {  	s31 =	sshll.u32 s1, $0xD;
	s1 =	sshrl.u32 s1, $0x2  }
0xb9: {  	s3 =	sand.u32 $0x4000, s31;
	s1 =	sadd.s32 s1, s30  }
0xba: {  	s0 =	sor.u32 s3, s0;
	s1 =	sshll.u32 s1, $0x11  }
0xbb: {  	s0 =	sor.u32 s1, s0  }
0xbc: {  	s0 =	sadd.s32 $0x8F2B, s0  }
0xbd: {  	[sflag:s0] =	ssyncadd.remote.s32 $0x1  }
0xbe: {  	_ =	sfence.sel $0xFFFF  }
0xbf: {  	[dreg:$0x0] =	wrdreg $0xFFFFFFFF;
	(pc) =	sbr.abs _section_cstart, $3  }
0xc0: {  	[dreg:$0x1] =	wrdreg $0xFFFFFFFF  }
0xc1: {  	_ =	task.clear_ibuf [dreg:s6], $0x2FFFF;
	_ =	strace $0x9FFFFFFF  }
0xc2: {  	(tm) =	ssettm $0x7FFFFFFF  }
0xc3: {  	_ =	shalt  }
tec
execute0_lowered:
.L_overlay_start_1:
0x0: {  	(tag) =	ssettag $0x1  }
0x1: {  	s0 =	rddreg [dreg:$0x0];
	s10 =	stileid.u32  }
0x2: {  	s1 =	srdreg.scid;
	s2 =	rddreg [dreg:$0x1];
	s4 =	simm.s32 $0x0  }
0x3: {  	s18 =	simm.s32 $0x11440;
	s29 =	simm.s32 $0xD840;
	s31 =	simm.s32 $0xEC40  }
0x4: {  	s28 =	simm.s32 $0x7;
	s30 =	simm.s32 $0x3;
	s11 =	simm.s32 $0xB  }
0x5: {  	s12 =	simm.s32 $0xC;
	s13 =	simm.s32 $0x0;
	s3 =	smul.u32 $0x9C4, s10  }
0x6: {  	s1 =	sand.u32 $0x1, s1;
	[smem:$0x7FF] =	sst s4;
	s7 =	smul.u32 $0x9E00, s10  }
0x7: {  	s4 =	sadd.s32 $0xAF200, s0;
	s5 =	sadd.s32 $0x9B800, s0;
	s10 =	smul.u32 $0x27800, s10  }
0x8: {  	s6 =	smul.u32 $0x9E000, s1;
	_ =	strace $0x8000004A;
	s8 =	ssub.s32 $0x2, s1  }
0x9: {  	p0 =	seq.s32 s1, $0x1;
	s1 =	simm.s32 $0x1;
	s3 =	sadd.s32 s3, s0  }
0xa: {  	s9 =	sshrl.u32 s8, $0x1;
	s16 =	sshrl.u32 s10, $0x2;
	s15 =	sadd.s32 $0x1A00, s3  }
0xb: {  	s14 =	ssub.s32 s8, s9;
	s3 =	sadd.s32 $0xB800, s3;
	[dreg:$0x3] =	wrdreg s15  }
0xc: {  	s9 =	sadd.s32 s16, s2;
	[dreg:$0x4] =	wrdreg s3;
	s19 =	smax.u32 s14, $0x1  }
0xd: {  	s17 =	sadd.s32 s7, s2;
	s20 =	sadd.s32 $0x13C0, s9;
	[dreg:$0x6] =	wrdreg s19  }
0xe: {  	s10 =	simm.s32 $0x6;
	s21 =	sadd.s32 $0x2780, s9;
	[dreg:$0x7] =	wrdreg s20  }
0xf: {  	s6 =	sadd.s32 s7, s6;
	s22 =	sadd.s32 $0x3B40, s9;
	[dreg:$0x8] =	wrdreg s21  }
0x10: {  	s7 =	simm.s32 $0x5;
	s23 =	sadd.s32 $0x4F00, s9;
	[dreg:$0x9] =	wrdreg s22  }
0x11: {  	s8 =	simm.s32 $0xA;
	s24 =	sadd.s32 $0x62C0, s9;
	[dreg:$0xa] =	wrdreg s23  }
0x12: {  	s6 =	sshrl.u32 s6, $0x3;
	s25 =	sadd.s32 $0x7680, s9;
	[dreg:$0xb] =	wrdreg s24  }
0x13: {  	s26 =	sadd.s32 $0x8A40, s9;
	s3 =	simm.s32 $0x4;
	[dreg:$0xc] =	wrdreg s25  }
.Ltmp0:
0x14: {  	s0 =	sadd.s32 s6, s0;
	[dreg:$0xd] =	wrdreg s26;
	(pc) =	sbr.rel .LBB2_1-.Ltmp0, $4  }
0x15: {  	s19 =	simm.s32 $0xD;
	s21 =	simm.s32 $0x50;
	s22 =	simm.s32 $0x9C40  }
0x16: {  	s23 =	simm.s32 $0xB040;
	s25 =	sshrl.u32 s17, $0x3;
	s26 =	simm.s32 $0xC440  }
0x17: {  	s20 =	simm.s32 $0x10040;
	s24 =	simm.s32 $0x2;
	s0 =	sadd.s32 $0xC2C00, s0  }
0x18: {  	v0 =	vimm.f32 $0.0e+00;
	s6 =	simm.s32 $0x9;
	[dreg:$0x5] =	wrdreg s0;
	s0 =	simm.s32 $0x8  }
.LBB2_17:
0x19: {  	_ =	swait.ge [sflag:s1], $0x1400  }
0x1a: {  	[sflag:s1] =	ssyncset.done $0x0  }
0x1b: {  	[sflag:s1] =	ssyncadd.s32 $0xFFFFEC00  }
0x1c: {  	_ =	swait.ge [sflag:s12], $0x1400  }
0x1d: {  	s14 =	sshra.s32 s14, $0x2;
	[sflag:s12] =	ssyncset.done $0x0  }
0x1e: {  	s15 =	sadd.s32 $0x190, s14;
	[sflag:s12] =	ssyncadd.s32 $0xFFFFEC00  }
0x1f: {  	[tilespmem:s20], [sflag:$0x6] =	stream.indirect.gather [hbm4b:s5+s21], $0x40, s15, s21, $0xb8;
	[tilespmem:$0x1C600] =	vst v63  }
0x20: {  	s17 =	sadd.s32 $0x4E20, s14  }
0x21: {  	[spmem:s2] =	stream.indirect.scatter.add.f32 [tilespmem:s22], [sflag:$0x7], $0x40, s17, s21, $0xb8;
	[tilespmem:$0x1C600] =	vst v63  }
0x22: {  	_ =	swait.ge [sflag:s24], $0x1400  }
0x23: {  	[sflag:s24] =	ssyncset.done $0x0  }
0x24: {  	[sflag:s24] =	ssyncadd.s32 $0xFFFFEC00  }
0x25: {  	_ =	swait.ge [sflag:s28], $0x1400  }
0x26: {  	[sflag:s28] =	ssyncset.done $0x0  }
0x27: {  	s16 =	sadd.s32 $0x1E0, s14;
	[sflag:s28] =	ssyncadd.s32 $0xFFFFEC00  }
0x28: {  	[tilespmem:s22], [sflag:$0x1] =	stream.indirect.gather [hbm4b:s5+s21], $0x40, s16, s21, $0xb8;
	[tilespmem:$0x1C600] =	vst v63  }
0x29: {  	s17 =	sadd.s32 $0x4E70, s14  }
0x2a: {  	[spmem:s2] =	stream.indirect.scatter.add.f32 [tilespmem:s23], [sflag:$0x8], $0x40, s17, s21, $0xb8;
	[tilespmem:$0x1C600] =	vst v63  }
0x2b: {  	_ =	swait.ge [sflag:s30], $0x1400  }
0x2c: {  	[sflag:s30] =	ssyncset.done $0x0  }
0x2d: {  	[sflag:s30] =	ssyncadd.s32 $0xFFFFEC00  }
0x2e: {  	_ =	swait.ge [sflag:s0], $0x1400  }
0x2f: {  	[sflag:s0] =	ssyncset.done $0x0  }
0x30: {  	s16 =	sadd.s32 $0x230, s14;
	[sflag:s0] =	ssyncadd.s32 $0xFFFFEC00  }
0x31: {  	[tilespmem:s23], [sflag:$0x2] =	stream.indirect.gather [hbm4b:s5+s21], $0x40, s16, s21, $0xb8;
	[tilespmem:$0x1C600] =	vst v63  }
0x32: {  	s17 =	sadd.s32 $0x4EC0, s14  }
0x33: {  	[spmem:s2] =	stream.indirect.scatter.add.f32 [tilespmem:s26], [sflag:$0x9], $0x40, s17, s21, $0xb8;
	[tilespmem:$0x1C600] =	vst v63  }
0x34: {  	_ =	swait.ge [sflag:s3], $0x1400  }
0x35: {  	[sflag:s3] =	ssyncset.done $0x0  }
0x36: {  	[sflag:s3] =	ssyncadd.s32 $0xFFFFEC00  }
0x37: {  	_ =	swait.ge [sflag:s6], $0x1400  }
0x38: {  	[sflag:s6] =	ssyncset.done $0x0  }
0x39: {  	s16 =	sadd.s32 $0x280, s14;
	[sflag:s6] =	ssyncadd.s32 $0xFFFFEC00  }
0x3a: {  	[tilespmem:s26], [sflag:$0x3] =	stream.indirect.gather [hbm4b:s5+s21], $0x40, s16, s21, $0xb8;
	[tilespmem:$0x1C600] =	vst v63  }
0x3b: {  	s17 =	sadd.s32 $0x4F10, s14  }
0x3c: {  	[spmem:s2] =	stream.indirect.scatter.add.f32 [tilespmem:s29], [sflag:$0xA], $0x40, s17, s21, $0xb8;
	[tilespmem:$0x1C600] =	vst v63  }
0x3d: {  	_ =	swait.ge [sflag:s7], $0x1400  }
0x3e: {  	[sflag:s7] =	ssyncset.done $0x0  }
0x3f: {  	[sflag:s7] =	ssyncadd.s32 $0xFFFFEC00  }
0x40: {  	_ =	swait.ge [sflag:s8], $0x1400  }
0x41: {  	[sflag:s8] =	ssyncset.done $0x0  }
0x42: {  	s16 =	sadd.s32 $0x2D0, s14;
	[sflag:s8] =	ssyncadd.s32 $0xFFFFEC00  }
0x43: {  	[tilespmem:s29], [sflag:$0x4] =	stream.indirect.gather [hbm4b:s5+s21], $0x40, s16, s21, $0xb8;
	[tilespmem:$0x1C600] =	vst v63  }
0x44: {  	s17 =	sadd.s32 $0x4F60, s14  }
0x45: {  	[spmem:s2] =	stream.indirect.scatter.add.f32 [tilespmem:s31], [sflag:$0xB], $0x40, s17, s21, $0xb8;
	[tilespmem:$0x1C600] =	vst v63  }
0x46: {  	_ =	swait.ge [sflag:s10], $0x1400  }
0x47: {  	[sflag:s10] =	ssyncset.done $0x0  }
0x48: {  	s14 =	sadd.s32 $0x4FB0, s14;
	[sflag:s10] =	ssyncadd.s32 $0xFFFFEC00  }
0x49: {  	[spmem:s2] =	stream.indirect.scatter.add.f32 [tilespmem:s20], [sflag:$0xC], $0x40, s14, s21, $0xb8;
	[tilespmem:$0x1C600] =	vst v63  }
.LBB2_18:
0x4a: {  	_ =	swait.ge [sflag:s1], $0x1400  }
0x4b: {  	[sflag:s1] =	ssyncset.done $0x0  }
0x4c: {  	s14 =	simm.s32 $0x9B00;
	[sflag:s1] =	ssyncadd.s32 $0xFFFFEC00  }
0x4d: {  	[spmem:s2] =	stream.indirect.scatter.add.f32 [tilespmem:s22], [sflag:$0x7], $0x40, s14, s21, $0xb8;
	[tilespmem:$0x1C600] =	vst v63  }
0x4e: {  	_ =	swait.ge [sflag:s24], $0x1400  }
0x4f: {  	[sflag:s24] =	ssyncset.done $0x0  }
0x50: {  	s16 =	simm.s32 $0x9B50;
	[sflag:s24] =	ssyncadd.s32 $0xFFFFEC00  }
0x51: {  	[spmem:s2] =	stream.indirect.scatter.add.f32 [tilespmem:s23], [sflag:$0x8], $0x40, s16, s21, $0xb8;
	[tilespmem:$0x1C600] =	vst v63  }
0x52: {  	_ =	swait.ge [sflag:s30], $0x1400  }
0x53: {  	[sflag:s30] =	ssyncset.done $0x0  }
0x54: {  	s17 =	simm.s32 $0x9BA0;
	[sflag:s30] =	ssyncadd.s32 $0xFFFFEC00  }
0x55: {  	[spmem:s2] =	stream.indirect.scatter.add.f32 [tilespmem:s26], [sflag:$0x9], $0x40, s17, s21, $0xb8;
	[tilespmem:$0x1C600] =	vst v63  }
0x56: {  	_ =	swait.ge [sflag:s3], $0x1400  }
0x57: {  	[sflag:s3] =	ssyncset.done $0x0  }
0x58: {  	s15 =	simm.s32 $0x9BF0;
	[sflag:s3] =	ssyncadd.s32 $0xFFFFEC00  }
0x59: {  	[spmem:s2] =	stream.indirect.scatter.add.f32 [tilespmem:s29], [sflag:$0xA], $0x40, s15, s21, $0xb8;
	[tilespmem:$0x1C600] =	vst v63  }
0x5a: {  	_ =	swait.ge [sflag:s11], $0x1400  }
0x5b: {  	[sflag:s11] =	ssyncset.done $0x0  }
0x5c: {  	[sflag:s11] =	ssyncadd.s32 $0xFFFFEC00  }
0x5d: {  	_ =	swait.ge [sflag:s12], $0x1400  }
0x5e: {  	[sflag:s12] =	ssyncset.done $0x0  }
0x5f: {  	[sflag:s12] =	ssyncadd.s32 $0xFFFFEC00  }
0x60: {  	_ =	swait.ge [sflag:s28], $0x1400  }
0x61: {  	[sflag:s28] =	ssyncset.done $0x0  }
0x62: {  	[sflag:s28] =	ssyncadd.s32 $0xFFFFEC00  }
0x63: {  	_ =	swait.ge [sflag:s0], $0x1400  }
0x64: {  	[sflag:s0] =	ssyncset.done $0x0  }
0x65: {  	[sflag:s0] =	ssyncadd.s32 $0xFFFFEC00  }
0x66: {  	_ =	swait.ge [sflag:s6], $0x1400  }
0x67: {  	[sflag:s6] =	ssyncset.done $0x0  }
0x68: {  	[sflag:s6] =	ssyncadd.s32 $0xFFFFEC00  }
0x69: {  	_ =	swait.ge [sflag:s8], $0x1400  }
0x6a: {  	[sflag:s8] =	ssyncset.done $0x0  }
0x6b: {  	s16 =	stileid.u32;
	[sflag:s8] =	ssyncadd.s32 $0xFFFFEC00  }
0x6c: {  	s14 =	sshll.u32 s16, $0x6;
	[bflag:$0x0] =	sbarrier.arrive $0xFFFF  }
0x6d: {  	s14 =	sor.u32 $0x1C0D, s14;
	s15 =	rddreg [dreg:$0x5]  }
0x6e: {  	[hbm:s15], [sflag:s14] =	dma.local [spmem:s25], $0x13C0  }
0x6f: {  	_ =	swait.ge [sflag:s19], $0x13C0  }
0x70: {  	s13 =	sadd.s32 $0x1, s13;
	s17 =	rddreg [dreg:$0x6]  }
0x71: {  	p1 =	sne.s32 s13, s17  }
.Ltmp1:
0x72: {  	_ = 	snop;
	(pc) =	sbr.rel @!p1 .LBB2_19-.Ltmp1, $3  }
0x73: {  	_ =	sdelay $0x1  }
0x74: {  	[sflag:s19] =	ssyncset.done $0x0  }
0x75: {  	[sflag:s19] =	ssyncadd.s32 $0xFFFFEC40  }
.LBB2_1:
0x76: {  	s15 =	simm.s32 $0x100;
	s14 =	simm.s32 $0x0  }
.LBB2_2:
0x77: {  	p1 =	sne.s32 s15, $0x4E00;
	[tilespmem:s14+$0x11470] =	vst v0;
	s16 =	smov.u32 s15;
	s15 =	sadd.s32 $0x100, s15  }
.Ltmp2:
0x78: {  	[tilespmem:s14+$0x11460] =	vst v0;
	(pc) =	sbr.rel @p1 .LBB2_2-.Ltmp2, $3  }
0x79: {  	[tilespmem:s14+$0x11440] =	vst v0  }
0x7a: {  	[tilespmem:s14+$0x11450] =	vst v0;
	_ =	sdelay $0x1  }
0x7b: {  	s14 =	sshra.s32 s16, $0x2  }
0x7c: {  	[tilespmem:s14+$0x11470] =	vst v0  }
0x7d: {  	[tilespmem:s14+$0x11460] =	vst v0  }
0x7e: {  	[tilespmem:s14+$0x11440] =	vst v0  }
0x7f: {  	[tilespmem:s14+$0x11450] =	vst v0  }
0x80: {  	[spmem:s9] =	stream.linear.scatter [tilespmem:s18], [sflag:$0xD], $0x13C0, $0x38;
	[tilespmem:$0x1C600] =	vst v63  }
0x81: {  	_ =	swait.ge [sflag:s19], $0x13C0  }
0x82: {  	[sflag:s19] =	ssyncset.done $0x0  }
0x83: {  	s16 =	rddreg [dreg:$0x7];
	[sflag:s19] =	ssyncadd.s32 $0xFFFFEC40  }
0x84: {  	[spmem:s16] =	stream.linear.scatter [tilespmem:s18], [sflag:$0xD], $0x13C0, $0x38;
	[tilespmem:$0x1C600] =	vst v63  }
0x85: {  	_ =	swait.ge [sflag:s19], $0x13C0  }
0x86: {  	[sflag:s19] =	ssyncset.done $0x0  }
0x87: {  	s17 =	rddreg [dreg:$0x8];
	[sflag:s19] =	ssyncadd.s32 $0xFFFFEC40  }
0x88: {  	[spmem:s17] =	stream.linear.scatter [tilespmem:s18], [sflag:$0xD], $0x13C0, $0x38;
	[tilespmem:$0x1C600] =	vst v63  }
0x89: {  	_ =	swait.ge [sflag:s19], $0x13C0  }
0x8a: {  	[sflag:s19] =	ssyncset.done $0x0  }
0x8b: {  	s15 =	rddreg [dreg:$0x9];
	[sflag:s19] =	ssyncadd.s32 $0xFFFFEC40  }
0x8c: {  	[spmem:s15] =	stream.linear.scatter [tilespmem:s18], [sflag:$0xD], $0x13C0, $0x38;
	[tilespmem:$0x1C600] =	vst v63  }
0x8d: {  	_ =	swait.ge [sflag:s19], $0x13C0  }
0x8e: {  	[sflag:s19] =	ssyncset.done $0x0  }
0x8f: {  	s16 =	rddreg [dreg:$0xa];
	[sflag:s19] =	ssyncadd.s32 $0xFFFFEC40  }
0x90: {  	[spmem:s16] =	stream.linear.scatter [tilespmem:s18], [sflag:$0xD], $0x13C0, $0x38;
	[tilespmem:$0x1C600] =	vst v63  }
0x91: {  	_ =	swait.ge [sflag:s19], $0x13C0  }
0x92: {  	[sflag:s19] =	ssyncset.done $0x0  }
0x93: {  	s17 =	rddreg [dreg:$0xb];
	[sflag:s19] =	ssyncadd.s32 $0xFFFFEC40  }
0x94: {  	[spmem:s17] =	stream.linear.scatter [tilespmem:s18], [sflag:$0xD], $0x13C0, $0x38;
	[tilespmem:$0x1C600] =	vst v63  }
0x95: {  	_ =	swait.ge [sflag:s19], $0x13C0  }
0x96: {  	[sflag:s19] =	ssyncset.done $0x0  }
0x97: {  	s15 =	rddreg [dreg:$0xc];
	[sflag:s19] =	ssyncadd.s32 $0xFFFFEC40  }
0x98: {  	[spmem:s15] =	stream.linear.scatter [tilespmem:s18], [sflag:$0xD], $0x13C0, $0x38;
	[tilespmem:$0x1C600] =	vst v63  }
0x99: {  	_ =	swait.ge [sflag:s19], $0x13C0  }
0x9a: {  	[sflag:s19] =	ssyncset.done $0x0  }
0x9b: {  	s16 =	rddreg [dreg:$0xd];
	[sflag:s19] =	ssyncadd.s32 $0xFFFFEC40  }
0x9c: {  	[spmem:s16] =	stream.linear.scatter [tilespmem:s18], [sflag:$0xD], $0x13C0, $0x38;
	[tilespmem:$0x1C600] =	vst v63  }
0x9d: {  	_ =	swait.ge [sflag:s19], $0x13C0  }
0x9e: {  	[sflag:s19] =	ssyncset.done $0x0  }
0x9f: {  	s14 =	simm.s32 $0x0;
	s15 =	rddreg [dreg:$0x3];
	[sflag:s19] =	ssyncadd.s32 $0xFFFFEC40  }
0xa0: {  	[tilespmem:s14], [sflag:$0xD] =	stream.linear.gather [hbm4b:s15+s14], $0x4E20, $0x38;
	[tilespmem:$0x1C600] =	vst v63  }
0xa1: {  	_ =	swait.ge [sflag:s19], $0x4E20  }
0xa2: {  	[sflag:s19] =	ssyncset.done $0x0  }
0xa3: {  	s16 =	simm.s32 $0x4E20;
	s17 =	rddreg [dreg:$0x4];
	[sflag:s19] =	ssyncadd.s32 $0xFFFFB1E0  }
0xa4: {  	[tilespmem:s16], [sflag:$0xD] =	stream.linear.gather [hbm4b:s17+s14], $0x4E20, $0x38;
	[tilespmem:$0x1C600] =	vst v63  }
.Ltmp3:
0xa5: {  	_ =	swait.ge [sflag:s19], $0x4E20;
	(pc) =	sbr.rel @!p0 .LBB2_4-.Ltmp3, $3  }
0xa6: {  	[sflag:s19] =	ssyncset.done $0x0  }
0xa7: {  	[sflag:s19] =	ssyncadd.s32 $0xFFFFB1E0  }
0xa8: {  	[bflag:$0x0] =	sbarrier.arrive $0xFFFF;
	_ =	sdelay $0x1  }
0xa9: {  	s14 =	simm.s32 $0x0  }
0xaa: {  	[tilespmem:s22], [sflag:$0x1] =	stream.indirect.gather [hbm4b:s5+s21], $0x40, s14, s21, $0xb8;
	[tilespmem:$0x1C600] =	vst v63  }
0xab: {  	_ = 	snop  }
0xac: {  	[tilespmem:s23], [sflag:$0x2] =	stream.indirect.gather [hbm4b:s5+s21], $0x40, s21, s21, $0xb8;
	[tilespmem:$0x1C600] =	vst v63  }
0xad: {  	s15 =	simm.s32 $0xA0  }
0xae: {  	[tilespmem:s26], [sflag:$0x3] =	stream.indirect.gather [hbm4b:s5+s21], $0x40, s15, s21, $0xb8;
	[tilespmem:$0x1C600] =	vst v63  }
.Ltmp4:
0xaf: {  	_ = 	snop;
	(pc) =	sbr.rel .LBB2_12-.Ltmp4, $4  }
0xb0: {  	s16 =	simm.s32 $0xF0  }
0xb1: {  	[tilespmem:s29], [sflag:$0x4] =	stream.indirect.gather [hbm4b:s5+s21], $0x40, s16, s21, $0xb8;
	[tilespmem:$0x1C600] =	vst v63  }
0xb2: {  	s17 =	simm.s32 $0x140;
	s15 =	simm.s32 $0x0  }
0xb3: {  	[tilespmem:s31], [sflag:$0x5] =	stream.indirect.gather [hbm4b:s5+s21], $0x40, s17, s21, $0xb8;
	[tilespmem:$0x1C600] =	vst v63  }
.LBB2_15:
0xb4: {  	s16 =	sshra.s32 s14, $0x2  }
0xb5: {  	s16 =	sadd.s32 $0x190, s16  }
0xb6: {  	[tilespmem:s20], [sflag:$0x6] =	stream.indirect.gather [hbm4b:s5+s21], $0x40, s16, s21, $0xb8;
	[tilespmem:$0x1C600] =	vst v63  }
0xb7: {  	s16 =	smov.u32 s14  }
.LBB2_16:
0xb8: {  	s16 =	sshra.s32 s16, $0x2  }
0xb9: {  	s17 =	sadd.s32 $0x4E20, s16  }
0xba: {  	[spmem:s2] =	stream.indirect.scatter.add.f32 [tilespmem:s22], [sflag:$0x7], $0x40, s17, s21, $0xb8;
	[tilespmem:$0x1C600] =	vst v63  }
0xbb: {  	_ =	swait.ge [sflag:s24], $0x1400  }
0xbc: {  	[sflag:s24] =	ssyncset.done $0x0  }
0xbd: {  	[sflag:s24] =	ssyncadd.s32 $0xFFFFEC00  }
0xbe: {  	_ =	swait.ge [sflag:s28], $0x1400  }
0xbf: {  	[sflag:s28] =	ssyncset.done $0x0  }
0xc0: {  	s17 =	sadd.s32 $0x1E0, s16;
	[sflag:s28] =	ssyncadd.s32 $0xFFFFEC00  }
0xc1: {  	[tilespmem:s22], [sflag:$0x1] =	stream.indirect.gather [hbm4b:s5+s21], $0x40, s17, s21, $0xb8;
	[tilespmem:$0x1C600] =	vst v63  }
0xc2: {  	s17 =	sadd.s32 $0x4E70, s16  }
0xc3: {  	[spmem:s2] =	stream.indirect.scatter.add.f32 [tilespmem:s23], [sflag:$0x8], $0x40, s17, s21, $0xb8;
	[tilespmem:$0x1C600] =	vst v63  }
0xc4: {  	_ =	swait.ge [sflag:s30], $0x1400  }
0xc5: {  	[sflag:s30] =	ssyncset.done $0x0  }
0xc6: {  	[sflag:s30] =	ssyncadd.s32 $0xFFFFEC00  }
0xc7: {  	_ =	swait.ge [sflag:s0], $0x1400  }
0xc8: {  	[sflag:s0] =	ssyncset.done $0x0  }
0xc9: {  	s17 =	sadd.s32 $0x230, s16;
	[sflag:s0] =	ssyncadd.s32 $0xFFFFEC00  }
0xca: {  	[tilespmem:s23], [sflag:$0x2] =	stream.indirect.gather [hbm4b:s5+s21], $0x40, s17, s21, $0xb8;
	[tilespmem:$0x1C600] =	vst v63  }
0xcb: {  	s17 =	sadd.s32 $0x4EC0, s16  }
0xcc: {  	[spmem:s2] =	stream.indirect.scatter.add.f32 [tilespmem:s26], [sflag:$0x9], $0x40, s17, s21, $0xb8;
	[tilespmem:$0x1C600] =	vst v63  }
0xcd: {  	_ =	swait.ge [sflag:s3], $0x1400  }
0xce: {  	[sflag:s3] =	ssyncset.done $0x0  }
0xcf: {  	[sflag:s3] =	ssyncadd.s32 $0xFFFFEC00  }
0xd0: {  	_ =	swait.ge [sflag:s6], $0x1400  }
0xd1: {  	[sflag:s6] =	ssyncset.done $0x0  }
0xd2: {  	s17 =	sadd.s32 $0x280, s16;
	[sflag:s6] =	ssyncadd.s32 $0xFFFFEC00  }
0xd3: {  	[tilespmem:s26], [sflag:$0x3] =	stream.indirect.gather [hbm4b:s5+s21], $0x40, s17, s21, $0xb8;
	[tilespmem:$0x1C600] =	vst v63  }
0xd4: {  	s17 =	sadd.s32 $0x4F10, s16  }
0xd5: {  	[spmem:s2] =	stream.indirect.scatter.add.f32 [tilespmem:s29], [sflag:$0xA], $0x40, s17, s21, $0xb8;
	[tilespmem:$0x1C600] =	vst v63  }
0xd6: {  	_ =	swait.ge [sflag:s7], $0x1400  }
0xd7: {  	[sflag:s7] =	ssyncset.done $0x0  }
0xd8: {  	[sflag:s7] =	ssyncadd.s32 $0xFFFFEC00  }
0xd9: {  	_ =	swait.ge [sflag:s8], $0x1400  }
0xda: {  	[sflag:s8] =	ssyncset.done $0x0  }
0xdb: {  	s17 =	sadd.s32 $0x2D0, s16;
	[sflag:s8] =	ssyncadd.s32 $0xFFFFEC00  }
0xdc: {  	[tilespmem:s29], [sflag:$0x4] =	stream.indirect.gather [hbm4b:s5+s21], $0x40, s17, s21, $0xb8;
	[tilespmem:$0x1C600] =	vst v63  }
0xdd: {  	s17 =	sadd.s32 $0x4F60, s16  }
0xde: {  	[spmem:s2] =	stream.indirect.scatter.add.f32 [tilespmem:s31], [sflag:$0xB], $0x40, s17, s21, $0xb8;
	[tilespmem:$0x1C600] =	vst v63  }
0xdf: {  	_ =	swait.ge [sflag:s10], $0x1400  }
0xe0: {  	[sflag:s10] =	ssyncset.done $0x0  }
0xe1: {  	s14 =	sadd.s32 $0x780, s14;
	[sflag:s10] =	ssyncadd.s32 $0xFFFFEC00  }
0xe2: {  	p1 =	sne.s32 s14, $0x12C00;
	_ =	swait.ge [sflag:s11], $0x1400  }
.Ltmp5:
0xe3: {  	[sflag:s11] =	ssyncset.done $0x0;
	(pc) =	sbr.rel @!p1 .LBB2_17-.Ltmp5, $4  }
0xe4: {  	s17 =	sadd.s32 $0x320, s16;
	[sflag:s11] =	ssyncadd.s32 $0xFFFFEC00  }
0xe5: {  	[tilespmem:s31], [sflag:$0x5] =	stream.indirect.gather [hbm4b:s5+s21], $0x40, s17, s21, $0xb8;
	[tilespmem:$0x1C600] =	vst v63  }
0xe6: {  	s15 =	sadd.s32 $0x1, s15;
	s16 =	sadd.s32 $0x4FB0, s16  }
0xe7: {  	[spmem:s2] =	stream.indirect.scatter.add.f32 [tilespmem:s20], [sflag:$0xC], $0x40, s16, s21, $0xb8;
	[tilespmem:$0x1C600] =	vst v63  }
.LBB2_12:
0xe8: {  	p1 =	seq.s32 s15, $0x0  }
.Ltmp6:
0xe9: {  	_ = 	snop;
	(pc) =	sbr.rel @p1 .LBB2_15-.Ltmp6, $4  }
0xea: {  	_ = 	snop  }
0xeb: {  	_ =	swait.ge [sflag:s1], $0x1400  }
0xec: {  	[sflag:s1] =	ssyncset.done $0x0  }
0xed: {  	[sflag:s1] =	ssyncadd.s32 $0xFFFFEC00  }
0xee: {  	p1 =	seq.s32 s15, $0x29  }
.Ltmp7:
0xef: {  	_ = 	snop;
	(pc) =	sbr.rel @p1 .LBB2_16-.Ltmp7, $2  }
0xf0: {  	_ =	sdelay $0x2  }
0xf1: {  	s16 =	simm.s32 $0x13380  }
.Ltmp8:
0xf2: {  	(pc) =	sbr.rel .LBB2_15-.Ltmp8, $4  }
0xf3: {  	_ = 	snop  }
0xf4: {  	_ =	swait.ge [sflag:s12], $0x1400  }
0xf5: {  	[sflag:s12] =	ssyncset.done $0x0  }
0xf6: {  	[sflag:s12] =	ssyncadd.s32 $0xFFFFEC00  }
.LBB2_4:
0xf7: {  	s16 =	simm.s32 $0x0  }
0xf8: {  	[tilespmem:s22], [sflag:$0x1] =	stream.indirect.gather [hbm4b:s4+s21], $0x40, s16, s21, $0xb8;
	[tilespmem:$0x1C600] =	vst v63  }
0xf9: {  	_ = 	snop  }
0xfa: {  	[tilespmem:s23], [sflag:$0x2] =	stream.indirect.gather [hbm4b:s4+s21], $0x40, s21, s21, $0xb8;
	[tilespmem:$0x1C600] =	vst v63  }
0xfb: {  	s14 =	simm.s32 $0xA0  }
0xfc: {  	[tilespmem:s26], [sflag:$0x3] =	stream.indirect.gather [hbm4b:s4+s21], $0x40, s14, s21, $0xb8;
	[tilespmem:$0x1C600] =	vst v63  }
.Ltmp9:
0xfd: {  	_ = 	snop;
	(pc) =	sbr.rel .LBB2_5-.Ltmp9, $4  }
0xfe: {  	s15 =	simm.s32 $0xF0  }
0xff: {  	[tilespmem:s29], [sflag:$0x4] =	stream.indirect.gather [hbm4b:s4+s21], $0x40, s15, s21, $0xb8;
	[tilespmem:$0x1C600] =	vst v63  }
0x100: {  	s17 =	simm.s32 $0x140;
	s15 =	simm.s32 $0x0  }
0x101: {  	[tilespmem:s31], [sflag:$0x5] =	stream.indirect.gather [hbm4b:s4+s21], $0x40, s17, s21, $0xb8;
	[tilespmem:$0x1C600] =	vst v63  }
.LBB2_8:
0x102: {  	s14 =	sshra.s32 s16, $0x2  }
0x103: {  	s14 =	sadd.s32 $0x190, s14  }
0x104: {  	[tilespmem:s20], [sflag:$0x6] =	stream.indirect.gather [hbm4b:s4+s21], $0x40, s14, s21, $0xb8;
	[tilespmem:$0x1C600] =	vst v63  }
0x105: {  	s14 =	smov.u32 s16  }
.LBB2_9:
0x106: {  	s14 =	sshra.s32 s14, $0x2  }
0x107: {  	s17 =	sadd.s32 $0x4E20, s14  }
0x108: {  	[spmem:s2] =	stream.indirect.scatter.add.f32 [tilespmem:s22], [sflag:$0x7], $0x40, s17, s21, $0xb8;
	[tilespmem:$0x1C600] =	vst v63  }
0x109: {  	_ =	swait.ge [sflag:s24], $0x1400  }
0x10a: {  	[sflag:s24] =	ssyncset.done $0x0  }
0x10b: {  	[sflag:s24] =	ssyncadd.s32 $0xFFFFEC00  }
0x10c: {  	_ =	swait.ge [sflag:s28], $0x1400  }
0x10d: {  	[sflag:s28] =	ssyncset.done $0x0  }
0x10e: {  	s17 =	sadd.s32 $0x1E0, s14;
	[sflag:s28] =	ssyncadd.s32 $0xFFFFEC00  }
0x10f: {  	[tilespmem:s22], [sflag:$0x1] =	stream.indirect.gather [hbm4b:s4+s21], $0x40, s17, s21, $0xb8;
	[tilespmem:$0x1C600] =	vst v63  }
0x110: {  	s17 =	sadd.s32 $0x4E70, s14  }
0x111: {  	[spmem:s2] =	stream.indirect.scatter.add.f32 [tilespmem:s23], [sflag:$0x8], $0x40, s17, s21, $0xb8;
	[tilespmem:$0x1C600] =	vst v63  }
0x112: {  	_ =	swait.ge [sflag:s30], $0x1400  }
0x113: {  	[sflag:s30] =	ssyncset.done $0x0  }
0x114: {  	[sflag:s30] =	ssyncadd.s32 $0xFFFFEC00  }
0x115: {  	_ =	swait.ge [sflag:s0], $0x1400  }
0x116: {  	[sflag:s0] =	ssyncset.done $0x0  }
0x117: {  	s17 =	sadd.s32 $0x230, s14;
	[sflag:s0] =	ssyncadd.s32 $0xFFFFEC00  }
0x118: {  	[tilespmem:s23], [sflag:$0x2] =	stream.indirect.gather [hbm4b:s4+s21], $0x40, s17, s21, $0xb8;
	[tilespmem:$0x1C600] =	vst v63  }
0x119: {  	s17 =	sadd.s32 $0x4EC0, s14  }
0x11a: {  	[spmem:s2] =	stream.indirect.scatter.add.f32 [tilespmem:s26], [sflag:$0x9], $0x40, s17, s21, $0xb8;
	[tilespmem:$0x1C600] =	vst v63  }
0x11b: {  	_ =	swait.ge [sflag:s3], $0x1400  }
0x11c: {  	[sflag:s3] =	ssyncset.done $0x0  }
0x11d: {  	[sflag:s3] =	ssyncadd.s32 $0xFFFFEC00  }
0x11e: {  	_ =	swait.ge [sflag:s6], $0x1400  }
0x11f: {  	[sflag:s6] =	ssyncset.done $0x0  }
0x120: {  	s17 =	sadd.s32 $0x280, s14;
	[sflag:s6] =	ssyncadd.s32 $0xFFFFEC00  }
0x121: {  	[tilespmem:s26], [sflag:$0x3] =	stream.indirect.gather [hbm4b:s4+s21], $0x40, s17, s21, $0xb8;
	[tilespmem:$0x1C600] =	vst v63  }
0x122: {  	s17 =	sadd.s32 $0x4F10, s14  }
0x123: {  	[spmem:s2] =	stream.indirect.scatter.add.f32 [tilespmem:s29], [sflag:$0xA], $0x40, s17, s21, $0xb8;
	[tilespmem:$0x1C600] =	vst v63  }
0x124: {  	_ =	swait.ge [sflag:s7], $0x1400  }
0x125: {  	[sflag:s7] =	ssyncset.done $0x0  }
0x126: {  	[sflag:s7] =	ssyncadd.s32 $0xFFFFEC00  }
0x127: {  	_ =	swait.ge [sflag:s8], $0x1400  }
0x128: {  	[sflag:s8] =	ssyncset.done $0x0  }
0x129: {  	s17 =	sadd.s32 $0x2D0, s14;
	[sflag:s8] =	ssyncadd.s32 $0xFFFFEC00  }
0x12a: {  	[tilespmem:s29], [sflag:$0x4] =	stream.indirect.gather [hbm4b:s4+s21], $0x40, s17, s21, $0xb8;
	[tilespmem:$0x1C600] =	vst v63  }
0x12b: {  	s17 =	sadd.s32 $0x4F60, s14  }
0x12c: {  	[spmem:s2] =	stream.indirect.scatter.add.f32 [tilespmem:s31], [sflag:$0xB], $0x40, s17, s21, $0xb8;
	[tilespmem:$0x1C600] =	vst v63  }
0x12d: {  	_ =	swait.ge [sflag:s10], $0x1400  }
0x12e: {  	[sflag:s10] =	ssyncset.done $0x0  }
0x12f: {  	s16 =	sadd.s32 $0x780, s16;
	[sflag:s10] =	ssyncadd.s32 $0xFFFFEC00  }
0x130: {  	p1 =	seq.s32 s16, $0x12C00;
	_ =	swait.ge [sflag:s11], $0x1400  }
.Ltmp10:
0x131: {  	[sflag:s11] =	ssyncset.done $0x0;
	(pc) =	sbr.rel @p1 .LBB2_10-.Ltmp10, $4  }
0x132: {  	s17 =	sadd.s32 $0x320, s14;
	[sflag:s11] =	ssyncadd.s32 $0xFFFFEC00  }
0x133: {  	[tilespmem:s31], [sflag:$0x5] =	stream.indirect.gather [hbm4b:s4+s21], $0x40, s17, s21, $0xb8;
	[tilespmem:$0x1C600] =	vst v63  }
0x134: {  	s15 =	sadd.s32 $0x1, s15;
	s14 =	sadd.s32 $0x4FB0, s14  }
0x135: {  	[spmem:s2] =	stream.indirect.scatter.add.f32 [tilespmem:s20], [sflag:$0xC], $0x40, s14, s21, $0xb8;
	[tilespmem:$0x1C600] =	vst v63  }
.LBB2_5:
0x136: {  	p1 =	seq.s32 s15, $0x0  }
.Ltmp11:
0x137: {  	_ = 	snop;
	(pc) =	sbr.rel @p1 .LBB2_8-.Ltmp11, $4  }
0x138: {  	_ = 	snop  }
0x139: {  	_ =	swait.ge [sflag:s1], $0x1400  }
0x13a: {  	[sflag:s1] =	ssyncset.done $0x0  }
0x13b: {  	[sflag:s1] =	ssyncadd.s32 $0xFFFFEC00  }
0x13c: {  	p1 =	seq.s32 s15, $0x29  }
.Ltmp12:
0x13d: {  	_ = 	snop;
	(pc) =	sbr.rel @p1 .LBB2_9-.Ltmp12, $2  }
0x13e: {  	_ =	sdelay $0x2  }
0x13f: {  	s14 =	simm.s32 $0x13380  }
.Ltmp13:
0x140: {  	(pc) =	sbr.rel .LBB2_8-.Ltmp13, $4  }
0x141: {  	_ = 	snop  }
0x142: {  	_ =	swait.ge [sflag:s12], $0x1400  }
0x143: {  	[sflag:s12] =	ssyncset.done $0x0  }
0x144: {  	[sflag:s12] =	ssyncadd.s32 $0xFFFFEC00  }
.LBB2_10:
0x145: {  	_ =	swait.ge [sflag:s1], $0x1400  }
0x146: {  	[sflag:s1] =	ssyncset.done $0x0  }
0x147: {  	[sflag:s1] =	ssyncadd.s32 $0xFFFFEC00  }
0x148: {  	_ =	swait.ge [sflag:s12], $0x1400  }
0x149: {  	s14 =	sshra.s32 s16, $0x2;
	[sflag:s12] =	ssyncset.done $0x0  }
0x14a: {  	s15 =	sadd.s32 $0x190, s14;
	[sflag:s12] =	ssyncadd.s32 $0xFFFFEC00  }
0x14b: {  	[tilespmem:s20], [sflag:$0x6] =	stream.indirect.gather [hbm4b:s4+s21], $0x40, s15, s21, $0xb8;
	[tilespmem:$0x1C600] =	vst v63  }
0x14c: {  	s17 =	sadd.s32 $0x4E20, s14  }
0x14d: {  	[spmem:s2] =	stream.indirect.scatter.add.f32 [tilespmem:s22], [sflag:$0x7], $0x40, s17, s21, $0xb8;
	[tilespmem:$0x1C600] =	vst v63  }
0x14e: {  	_ =	swait.ge [sflag:s24], $0x1400  }
0x14f: {  	[sflag:s24] =	ssyncset.done $0x0  }
0x150: {  	[sflag:s24] =	ssyncadd.s32 $0xFFFFEC00  }
0x151: {  	_ =	swait.ge [sflag:s28], $0x1400  }
0x152: {  	[sflag:s28] =	ssyncset.done $0x0  }
0x153: {  	s16 =	sadd.s32 $0x1E0, s14;
	[sflag:s28] =	ssyncadd.s32 $0xFFFFEC00  }
0x154: {  	[tilespmem:s22], [sflag:$0x1] =	stream.indirect.gather [hbm4b:s4+s21], $0x40, s16, s21, $0xb8;
	[tilespmem:$0x1C600] =	vst v63  }
0x155: {  	s17 =	sadd.s32 $0x4E70, s14  }
0x156: {  	[spmem:s2] =	stream.indirect.scatter.add.f32 [tilespmem:s23], [sflag:$0x8], $0x40, s17, s21, $0xb8;
	[tilespmem:$0x1C600] =	vst v63  }
0x157: {  	_ =	swait.ge [sflag:s30], $0x1400  }
0x158: {  	[sflag:s30] =	ssyncset.done $0x0  }
0x159: {  	[sflag:s30] =	ssyncadd.s32 $0xFFFFEC00  }
0x15a: {  	_ =	swait.ge [sflag:s0], $0x1400  }
0x15b: {  	[sflag:s0] =	ssyncset.done $0x0  }
0x15c: {  	s16 =	sadd.s32 $0x230, s14;
	[sflag:s0] =	ssyncadd.s32 $0xFFFFEC00  }
0x15d: {  	[tilespmem:s23], [sflag:$0x2] =	stream.indirect.gather [hbm4b:s4+s21], $0x40, s16, s21, $0xb8;
	[tilespmem:$0x1C600] =	vst v63  }
0x15e: {  	s17 =	sadd.s32 $0x4EC0, s14  }
0x15f: {  	[spmem:s2] =	stream.indirect.scatter.add.f32 [tilespmem:s26], [sflag:$0x9], $0x40, s17, s21, $0xb8;
	[tilespmem:$0x1C600] =	vst v63  }
0x160: {  	_ =	swait.ge [sflag:s3], $0x1400  }
0x161: {  	[sflag:s3] =	ssyncset.done $0x0  }
0x162: {  	[sflag:s3] =	ssyncadd.s32 $0xFFFFEC00  }
0x163: {  	_ =	swait.ge [sflag:s6], $0x1400  }
0x164: {  	[sflag:s6] =	ssyncset.done $0x0  }
0x165: {  	s16 =	sadd.s32 $0x280, s14;
	[sflag:s6] =	ssyncadd.s32 $0xFFFFEC00  }
0x166: {  	[tilespmem:s26], [sflag:$0x3] =	stream.indirect.gather [hbm4b:s4+s21], $0x40, s16, s21, $0xb8;
	[tilespmem:$0x1C600] =	vst v63  }
0x167: {  	s17 =	sadd.s32 $0x4F10, s14  }
0x168: {  	[spmem:s2] =	stream.indirect.scatter.add.f32 [tilespmem:s29], [sflag:$0xA], $0x40, s17, s21, $0xb8;
	[tilespmem:$0x1C600] =	vst v63  }
0x169: {  	_ =	swait.ge [sflag:s7], $0x1400  }
0x16a: {  	[sflag:s7] =	ssyncset.done $0x0  }
0x16b: {  	[sflag:s7] =	ssyncadd.s32 $0xFFFFEC00  }
0x16c: {  	_ =	swait.ge [sflag:s8], $0x1400  }
0x16d: {  	[sflag:s8] =	ssyncset.done $0x0  }
0x16e: {  	s16 =	sadd.s32 $0x2D0, s14;
	[sflag:s8] =	ssyncadd.s32 $0xFFFFEC00  }
0x16f: {  	[tilespmem:s29], [sflag:$0x4] =	stream.indirect.gather [hbm4b:s4+s21], $0x40, s16, s21, $0xb8;
	[tilespmem:$0x1C600] =	vst v63  }
0x170: {  	s17 =	sadd.s32 $0x4F60, s14  }
0x171: {  	[spmem:s2] =	stream.indirect.scatter.add.f32 [tilespmem:s31], [sflag:$0xB], $0x40, s17, s21, $0xb8;
	[tilespmem:$0x1C600] =	vst v63  }
.Ltmp14:
0x172: {  	_ = 	snop;
	(pc) =	sbr.rel .LBB2_18-.Ltmp14, $4  }
0x173: {  	_ =	swait.ge [sflag:s10], $0x1400  }
0x174: {  	[sflag:s10] =	ssyncset.done $0x0  }
0x175: {  	s14 =	sadd.s32 $0x4FB0, s14;
	[sflag:s10] =	ssyncadd.s32 $0xFFFFEC00  }
0x176: {  	[spmem:s2] =	stream.indirect.scatter.add.f32 [tilespmem:s20], [sflag:$0xC], $0x40, s14, s21, $0xb8;
	[tilespmem:$0x1C600] =	vst v63  }
.LBB2_19:
0x177: {  	_ =	sfence.sel $0x180000  }
0x178: {  	[bflag:$0x0] =	sbarrier.arrive $0xFFFF  }
0x179: {  	_ =	strace $0x9000004A  }
0x17a: {  	s0 =	stileid.u32;
	[bflag:$0x2] =	sbarrier.arrive $0xFFFF  }
0x17b: {  	p0 =	sne.s32 s0, $0x0;
	s0 =	rddreg [dreg:$0x2]  }
0x17c: {  	s0 =	sadd.s32 @!p0 $0x100000, s0  }
0x17d: {  	[sflag:s0] =	ssyncadd.tile.s32 @!p0 $0x1;
	_ =	shalt  }
.Lfunc_end2:
_tile_overlayer_lowered:
.L_overlay_start_2:
0x17e: {  	(tag) =	ssettag $0x2  }
0x17f: {  	s0 =	rddreg [dreg:$0x0];
	s2 =	stileid.u32  }
0x180: {  	s1 =	rddreg [dreg:$0x1];
	p0 =	sne.s32 s2, $0x0  }
0x181: {  	s3 =	rddreg [dreg:$0x2];
	[bflag:$0x3] =	sbarrier.arrive $0xFFFF;
	s2 =	simm.s32 @!p0 $0x1C0D  }
0x182: {  	[timem:s3], [sflag:s2] =	dma.local @!p0 [hbm:s0], s1  }
0x183: {  	s0 =	simm.s32 @!p0 $0xD  }
0x184: {  	_ =	swait.ge @!p0 [sflag:s0], s1  }
0x185: {  	s1 =	ssub.s32 @!p0 $0x0, s1;
	[sflag:s0] =	ssyncset.done @!p0 $0x0  }
0x186: {  	[sflag:s0] =	ssyncadd.s32 @!p0 s1  }
0x187: {  	[bflag:$0x3] =	sbarrier.arrive $0xFFFF  }
0x188: {  	_ =	shalt  }

// kernel: kernel.15.cloned.1.call-start
scs
__scs_entry_jumppad:
0x0: {  	(pc) =	sbr.rel $0x88, $3  }
0x1: {  	(tag) =	ssettag $0x0;
	lr =	simm.s32 $0x1  }
0x2: {  	[smem:$0x3F9C] =	sst lr;
	_ =	strace $0xD0000000  }
0x3: {  	_ = 	snop  }
0x4: {  	_ = 	snop  }
0x5: {  	_ = 	snop  }
0x6: {  	_ = 	snop  }
0x7: {  	_ = 	snop  }
__scs_overlays_trampoline_lowered:
0x8: {  	[smem:$0x3FAB] =	sst s0  }
0x9: {  	[smem:$0x3FAC] =	sst s1  }
0xa: {  	[smem:$0x3FAD] =	sst s2  }
0xb: {  	[smem:$0x3FAE] =	sst s3  }
0xc: {  	[smem:$0x3FAF] =	sst s4  }
0xd: {  	[smem:$0x3FB0] =	sst s5  }
0xe: {  	[smem:$0x3FB1] =	sst s6  }
0xf: {  	[smem:$0x3FB2] =	sst s7  }
0x10: {  	[smem:$0x3FB3] =	sst s8  }
0x11: {  	[smem:$0x3FB4] =	sst s9;
	s0 =	simm.s32 @!p0 $0x0  }
0x12: {  	s1 =	sld [smem:$0x3F9A];
	s0 =	simm.s32 @p0 $0x1  }
0x13: {  	[smem:$0x3FB5] =	sst s0;
	s0 =	simm.s32 @!p1 $0x0  }
0x14: {  	s2 =	sld [smem:$0x3F99];
	s0 =	simm.s32 @p1 $0x1  }
0x15: {  	[smem:$0x3FB6] =	sst s0;
	s0 =	simm.s32 @!p2 $0x0  }
0x16: {  	s3 =	sld [smem:$0x3FDB];
	s0 =	simm.s32 @p2 $0x1  }
0x17: {  	s4 =	simm.s32 $0x1BF5;
	[smem:$0x3FB8] =	sst s0  }
0x18: {  	s0 =	sld [smem:$0x3F9B];
	_ =	swait.ge [sflag:s4], $0x0  }
0x19: {  	s7 =	sld [smem:$0x3F9C]  }
0x1a: {  	s8 =	sadd.s32 $0xFFFFE003, lr  }
0x1b: {  	s9 =	sadd.s32 $0xFFFFFEF7, lr;
	s5 =	simm.s32 $0xFFFFFFFF;
	p2 =	slt.u32 s8, $0xFFFFF086  }
0x1c: {  	p1 =	slt.u32 s9, $0xF7A;
	s5 =	simm.s32 @!p2 $0x0  }
0x1d: {  	s5 =	simm.s32 @p1 $0x1;
	p0 =	seq.s32 s7, s2  }
0x1e: {  	s7 =	smul.u32 @!p0 $0xF7A, s2;
	p2 =	seq.s32 @!p0 s5, $0x0  }
0x1f: {  	s9 =	smul.u32 $0xF7A, s1;
	s8 =	simm.s32 @!p0 $0x1BF5;
	p2 =	por !p2, p0  }
0x20: {  	[sflag:s8] =	ssyncset.s32 @!p0 $0xFFFFF086;
	s6 =	sadd.s32 @!p0 s3, s7;
	s7 =	simm.s32 @!p0 $0x108  }
0x21: {  	s3 =	sadd.s32 s3, s9;
	s6 =	sadd.s32 @!p0 $0x88, s6;
	s7 =	simm.s32 @p2 $0x1082  }
0x22: {  	[simem:s7], [sflag:s8] =	dma.local @!p0 [hbm:s6], $0xF7A  }
0x23: {  	s9 =	sor.u32 $0xD0000000, s2;
	s6 =	simm.s32 $0x108;
	_ =	swait.ge @!p0 [sflag:s8], $0x0  }
0x24: {  	s3 =	sadd.s32 $0x88, s3;
	s6 =	simm.s32 @!p1 $0x1082;
	[sflag:s4] =	ssyncset.s32 $0xFFFFF086  }
0x25: {  	[simem:s6], [sflag:s4] =	dma.local [hbm:s3], $0xF7A  }
0x26: {  	[smem:$0x3F9C] =	sst s1;
	(tag) =	ssettag s2;
	_ =	strace s9  }
0x27: {  	s1 =	sld [smem:$0x3FAC]  }
0x28: {  	s2 =	sld [smem:$0x3FAD]  }
0x29: {  	s4 =	sld [smem:$0x3FAF]  }
0x2a: {  	p0 =	seq.s32 s5, $0x0;
	s5 =	sld [smem:$0x3FB0]  }
0x2b: {  	s6 =	sld [smem:$0x3FB1]  }
0x2c: {  	s7 =	sld [smem:$0x3FB2]  }
0x2d: {  	s3 =	simm.s32 $0x108;
	s8 =	sld [smem:$0x3FB3]  }
0x2e: {  	s3 =	simm.s32 @!p0 $0x1082;
	s9 =	sld [smem:$0x3FB4]  }
0x2f: {  	lr =	sadd.s32 s0, s3;
	s0 =	sld [smem:$0x3FAB]  }
0x30: {  	s3 =	sld [smem:$0x3FAE]  }
0x31: {  	[smem:$0x3FB7] =	sst s10  }
0x32: {  	s10 =	sld [smem:$0x3FB5];
	_ =	sdelay $0x3  }
0x33: {  	p0 =	seq.s32 s10, $0x1;
	s10 =	sld [smem:$0x3FB7];
	_ =	sdelay $0x3  }
0x34: {  	[smem:$0x3FB7] =	sst s10  }
0x35: {  	s10 =	sld [smem:$0x3FB6];
	_ =	sdelay $0x3  }
0x36: {  	p1 =	seq.s32 s10, $0x1;
	s10 =	sld [smem:$0x3FB7];
	_ =	sdelay $0x3  }
0x37: {  	[smem:$0x3FB7] =	sst s10  }
0x38: {  	s10 =	sld [smem:$0x3FB8]  }
0x39: {  	_ = 	snop;
	(pc) =	sbr.ind lr, $3  }
0x3a: {  	_ = 	snop  }
0x3b: {  	_ = 	snop  }
0x3c: {  	p2 =	seq.s32 s10, $0x1;
	s10 =	sld [smem:$0x3FB7]  }
0x3d: {  	_ =	shalt  }
0x3e: {  	_ =	shalt  }
0x3f: {  	_ =	shalt  }
0x40: {  	_ =	shalt  }
0x41: {  	_ =	shalt  }
0x42: {  	_ =	shalt  }
0x43: {  	_ =	shalt  }
0x44: {  	_ =	shalt  }
0x45: {  	_ =	shalt  }
0x46: {  	_ =	shalt  }
0x47: {  	_ =	shalt  }
0x48: {  	_ =	shalt  }
0x49: {  	_ =	shalt  }
0x4a: {  	_ =	shalt  }
0x4b: {  	_ =	shalt  }
0x4c: {  	_ =	shalt  }
0x4d: {  	_ =	shalt  }
0x4e: {  	_ =	shalt  }
0x4f: {  	_ =	shalt  }
0x50: {  	_ =	shalt  }
0x51: {  	_ =	shalt  }
0x52: {  	_ =	shalt  }
0x53: {  	_ =	shalt  }
0x54: {  	_ =	shalt  }
0x55: {  	_ =	shalt  }
0x56: {  	_ =	shalt  }
0x57: {  	_ =	shalt  }
0x58: {  	_ =	shalt  }
0x59: {  	_ =	shalt  }
0x5a: {  	_ =	shalt  }
0x5b: {  	_ =	shalt  }
0x5c: {  	_ =	shalt  }
0x5d: {  	_ =	shalt  }
0x5e: {  	_ =	shalt  }
0x5f: {  	_ =	shalt  }
0x60: {  	_ =	shalt  }
0x61: {  	_ =	shalt  }
0x62: {  	_ =	shalt  }
0x63: {  	_ =	shalt  }
0x64: {  	_ =	shalt  }
0x65: {  	_ =	shalt  }
0x66: {  	_ =	shalt  }
0x67: {  	_ =	shalt  }
0x68: {  	_ =	shalt  }
0x69: {  	_ =	shalt  }
0x6a: {  	_ =	shalt  }
0x6b: {  	_ =	shalt  }
0x6c: {  	_ =	shalt  }
0x6d: {  	_ =	shalt  }
0x6e: {  	_ =	shalt  }
0x6f: {  	_ =	shalt  }
0x70: {  	_ =	shalt  }
0x71: {  	_ =	shalt  }
0x72: {  	_ =	shalt  }
0x73: {  	_ =	shalt  }
0x74: {  	_ =	shalt  }
0x75: {  	_ =	shalt  }
0x76: {  	_ =	shalt  }
0x77: {  	_ =	shalt  }
0x78: {  	_ =	shalt  }
0x79: {  	_ =	shalt  }
0x7a: {  	_ =	shalt  }
0x7b: {  	_ =	shalt  }
0x7c: {  	_ =	shalt  }
0x7d: {  	_ =	shalt  }
0x7e: {  	_ =	shalt  }
0x7f: {  	_ =	shalt  }
0x80: {  	_ =	shalt  }
0x81: {  	_ =	shalt  }
0x82: {  	_ =	shalt  }
0x83: {  	_ =	shalt  }
0x84: {  	_ =	shalt  }
0x85: {  	_ =	shalt  }
0x86: {  	_ =	shalt  }
0x87: {  	_ =	shalt  }
.Lfunc_end0:
.L_simem_size_0:
called_computation.2_lowered:
.L_overlay_start_0:
0x88: {  	s2 =	sld [smem:$0x3FD9]  }
0x89: {  	s3 =	sld [smem:$0x3FFE];
	_ =	sdelay $0x1  }
0x8a: {  	s1 =	srdreg.scid  }
0x8b: {  	s0 =	sand.u32 $0x1, s1  }
0x8c: {  	s16 =	sshll.u32 s0, $0xA;
	s2 =	sadd.s32 s3, s2  }
0x8d: {  	s2 =	sadd.s32 s2, s16  }
0x8e: {  	[smem:$0x3FC3] =	sst s2  }
0x8f: {  	_ = 	snop  }
0x90: {  	(tm) =	ssettm $0x1  }
0x91: {  	s17 =	sld [smem:$0x3FFB];
	_ =	sdelay $0x3  }
0x92: {  	_ =	strace s17  }
0x93: {  	s2 =	sld [smem:$0x3FFC];
	_ =	sdelay $0x3  }
0x94: {  	_ =	strace s2  }
0x95: {  	s2 =	sld [smem:$0x3FFD];
	_ =	sdelay $0x3  }
0x96: {  	_ =	strace s2  }
0x97: {  	_ =	strace $0x8FFFFFFF  }
0x98: {  	s18 =	sld [smem:$0x3FDB];
	_ =	sdelay $0x1  }
0x99: {  	s19 =	simm.s32 $_scs_section_size  }
0x9a: {  	s4 =	simm.s32 $_size__tile_overlayer_lowered;
	s5 =	simm.s32 $_tile_overlayer_lowered  }
0x9b: {  	s22 =	simm.s32 $0x1BFF;
	s21 =	sshll.u32 s5, $0x1;
	s2 =	sadd.s32 s19, s18  }
0x9c: {  	s6 =	simm.s32 $0x0;
	s20 =	sshll.u32 s4, $0x1;
	s4 =	sadd.s32 s21, s2  }
0x9d: {  	[timem:s6], [sflag:s22] =	dma.local [hbm:s4], s20  }
0x9e: {  	_ =	swait.ge [sflag:s22], s20  }
0x9f: {  	s3 =	ssub.s32 $0x0, s20;
	[sflag:s22] =	ssyncset.done $0x0  }
0xa0: {  	[sflag:s22] =	ssyncadd.s32 s3;
	_ =	sdelay $0x1  }
0xa1: {  	s23 =	simm.s32 $0x1B8B  }
0xa2: {  	_ =	swait.ge [sflag:s23], $0x1  }
0xa3: {  	[sflag:s23] =	ssyncset.done $0x0  }
0xa4: {  	s25 =	simm.s32 $0x1B8E;
	s24 =	sld [smem:$0x3FFE];
	[sflag:s23] =	ssyncadd.s32 $0xFFFFFFFF  }
0xa5: {  	s26 =	simm.s32 $execute0_lowered;
	[smem:$0x3FD2] =	sst s25  }
0xa6: {  	s4 =	sshll.u32 s26, $0x1;
	_ =	strace $0x8000004C;
	[dreg:$0x1] =	wrdreg $0xFFFFFFFF  }
0xa7: {  	s28 =	simm.s32 $_size_execute0_lowered;
	s2 =	sadd.s32 s2, s4;
	[dreg:$0x0] =	wrdreg $0x0  }
0xa8: {  	s4 =	sshll.u32 s28, $0x1;
	[dreg:$0x2] =	wrdreg s2  }
0xa9: {  	[dreg:$0x3] =	wrdreg s4  }
0xaa: {  	[dreg:$0x4] =	wrdreg $0xC0  }
0xab: {  	_ =	task [dreg:s6], $0x5FFFF  }
0xac: {  	[dreg:$0x1] =	wrdreg $0xFFFFFFFF  }
0xad: {  	[dreg:$0x0] =	wrdreg $0x60  }
0xae: {  	[dreg:$0x2] =	wrdreg s24  }
0xaf: {  	[dreg:$0x3] =	wrdreg $0x128000  }
0xb0: {  	[dreg:$0x4] =	wrdreg $0x9  }
0xb1: {  	_ =	task.clear_ibuf [dreg:s6], $0x5FFFF;
	_ =	strace $0x9000004C  }
0xb2: {  	s29 =	simm.s32 $0x9;
	_ =	strace $0x8000004E  }
0xb3: {  	_ =	swait.ge [sflag:s29], $0x1  }
0xb4: {  	[sflag:s29] =	ssyncadd.s32 $0xFFFFFFFF  }
0xb5: {  	_ =	strace $0x9000004E  }
0xb6: {  	_ =	sfence  }
0xb7: {  	s30 =	sld [smem:$0x0];
	_ =	sdelay $0x2  }
0xb8: {  	s31 =	sshll.u32 s1, $0xD;
	s1 =	sshrl.u32 s1, $0x2  }
0xb9: {  	s3 =	sand.u32 $0x4000, s31;
	s1 =	sadd.s32 s1, s30  }
0xba: {  	s0 =	sor.u32 s3, s0;
	s1 =	sshll.u32 s1, $0x11  }
0xbb: {  	s0 =	sor.u32 s1, s0  }
0xbc: {  	s0 =	sadd.s32 $0x8F2B, s0  }
0xbd: {  	[sflag:s0] =	ssyncadd.remote.s32 $0x1  }
0xbe: {  	_ =	sfence.sel $0xFFFF  }
0xbf: {  	[dreg:$0x0] =	wrdreg $0xFFFFFFFF;
	(pc) =	sbr.abs _section_cstart, $3  }
0xc0: {  	[dreg:$0x1] =	wrdreg $0xFFFFFFFF  }
0xc1: {  	_ =	task.clear_ibuf [dreg:s6], $0x2FFFF;
	_ =	strace $0x9FFFFFFF  }
0xc2: {  	(tm) =	ssettm $0x7FFFFFFF  }
0xc3: {  	_ =	shalt  }
tec
execute0_lowered:
.L_overlay_start_1:
0x0: {  	(tag) =	ssettag $0x1  }
0x1: {  	s0 =	rddreg [dreg:$0x0];
	s10 =	stileid.u32  }
0x2: {  	s1 =	srdreg.scid;
	s2 =	rddreg [dreg:$0x1];
	s4 =	simm.s32 $0x0  }
0x3: {  	s18 =	simm.s32 $0x11440;
	s29 =	simm.s32 $0xD840;
	s31 =	simm.s32 $0xEC40  }
0x4: {  	s28 =	simm.s32 $0x7;
	s30 =	simm.s32 $0x3;
	s11 =	simm.s32 $0xB  }
0x5: {  	s12 =	simm.s32 $0xC;
	s13 =	simm.s32 $0x0;
	s3 =	smul.u32 $0x9C4, s10  }
0x6: {  	s1 =	sand.u32 $0x1, s1;
	[smem:$0x7FF] =	sst s4;
	s7 =	smul.u32 $0x9E00, s10  }
0x7: {  	s4 =	sadd.s32 $0x88000, s0;
	s5 =	sadd.s32 $0x74600, s0;
	s10 =	smul.u32 $0x27800, s10  }
0x8: {  	s6 =	smul.u32 $0x9E000, s1;
	_ =	strace $0x8000004D;
	s8 =	ssub.s32 $0x2, s1  }
0x9: {  	p0 =	seq.s32 s1, $0x1;
	s1 =	simm.s32 $0x1;
	s3 =	sadd.s32 s3, s0  }
0xa: {  	s9 =	sshrl.u32 s8, $0x1;
	s16 =	sshrl.u32 s10, $0x2;
	s15 =	sadd.s32 $0x1A00, s3  }
0xb: {  	s14 =	ssub.s32 s8, s9;
	s3 =	sadd.s32 $0xB800, s3;
	[dreg:$0x3] =	wrdreg s15  }
0xc: {  	s9 =	sadd.s32 s16, s2;
	[dreg:$0x4] =	wrdreg s3;
	s19 =	smax.u32 s14, $0x1  }
0xd: {  	s17 =	sadd.s32 s7, s2;
	s20 =	sadd.s32 $0x13C0, s9;
	[dreg:$0x6] =	wrdreg s19  }
0xe: {  	s10 =	simm.s32 $0x6;
	s21 =	sadd.s32 $0x2780, s9;
	[dreg:$0x7] =	wrdreg s20  }
0xf: {  	s6 =	sadd.s32 s7, s6;
	s22 =	sadd.s32 $0x3B40, s9;
	[dreg:$0x8] =	wrdreg s21  }
0x10: {  	s7 =	simm.s32 $0x5;
	s23 =	sadd.s32 $0x4F00, s9;
	[dreg:$0x9] =	wrdreg s22  }
0x11: {  	s8 =	simm.s32 $0xA;
	s24 =	sadd.s32 $0x62C0, s9;
	[dreg:$0xa] =	wrdreg s23  }
0x12: {  	s6 =	sshrl.u32 s6, $0x3;
	s25 =	sadd.s32 $0x7680, s9;
	[dreg:$0xb] =	wrdreg s24  }
0x13: {  	s26 =	sadd.s32 $0x8A40, s9;
	s3 =	simm.s32 $0x4;
	[dreg:$0xc] =	wrdreg s25  }
.Ltmp0:
0x14: {  	s0 =	sadd.s32 s6, s0;
	[dreg:$0xd] =	wrdreg s26;
	(pc) =	sbr.rel .LBB2_1-.Ltmp0, $4  }
0x15: {  	s19 =	simm.s32 $0xD;
	s21 =	simm.s32 $0x50;
	s22 =	simm.s32 $0x9C40  }
0x16: {  	s23 =	simm.s32 $0xB040;
	s25 =	sshrl.u32 s17, $0x3;
	s26 =	simm.s32 $0xC440  }
0x17: {  	s20 =	simm.s32 $0x10040;
	s24 =	simm.s32 $0x2;
	s0 =	sadd.s32 $0x9BA00, s0  }
0x18: {  	v0 =	vimm.f32 $0.0e+00;
	s6 =	simm.s32 $0x9;
	[dreg:$0x5] =	wrdreg s0;
	s0 =	simm.s32 $0x8  }
.LBB2_17:
0x19: {  	_ =	swait.ge [sflag:s1], $0x1400  }
0x1a: {  	[sflag:s1] =	ssyncset.done $0x0  }
0x1b: {  	[sflag:s1] =	ssyncadd.s32 $0xFFFFEC00  }
0x1c: {  	_ =	swait.ge [sflag:s12], $0x1400  }
0x1d: {  	s14 =	sshra.s32 s14, $0x2;
	[sflag:s12] =	ssyncset.done $0x0  }
0x1e: {  	s15 =	sadd.s32 $0x190, s14;
	[sflag:s12] =	ssyncadd.s32 $0xFFFFEC00  }
0x1f: {  	[tilespmem:s20], [sflag:$0x6] =	stream.indirect.gather [hbm4b:s5+s21], $0x40, s15, s21, $0xb8;
	[tilespmem:$0x1C600] =	vst v63  }
0x20: {  	s17 =	sadd.s32 $0x4E20, s14  }
0x21: {  	[spmem:s2] =	stream.indirect.scatter.add.f32 [tilespmem:s22], [sflag:$0x7], $0x40, s17, s21, $0xb8;
	[tilespmem:$0x1C600] =	vst v63  }
0x22: {  	_ =	swait.ge [sflag:s24], $0x1400  }
0x23: {  	[sflag:s24] =	ssyncset.done $0x0  }
0x24: {  	[sflag:s24] =	ssyncadd.s32 $0xFFFFEC00  }
0x25: {  	_ =	swait.ge [sflag:s28], $0x1400  }
0x26: {  	[sflag:s28] =	ssyncset.done $0x0  }
0x27: {  	s16 =	sadd.s32 $0x1E0, s14;
	[sflag:s28] =	ssyncadd.s32 $0xFFFFEC00  }
0x28: {  	[tilespmem:s22], [sflag:$0x1] =	stream.indirect.gather [hbm4b:s5+s21], $0x40, s16, s21, $0xb8;
	[tilespmem:$0x1C600] =	vst v63  }
0x29: {  	s17 =	sadd.s32 $0x4E70, s14  }
0x2a: {  	[spmem:s2] =	stream.indirect.scatter.add.f32 [tilespmem:s23], [sflag:$0x8], $0x40, s17, s21, $0xb8;
	[tilespmem:$0x1C600] =	vst v63  }
0x2b: {  	_ =	swait.ge [sflag:s30], $0x1400  }
0x2c: {  	[sflag:s30] =	ssyncset.done $0x0  }
0x2d: {  	[sflag:s30] =	ssyncadd.s32 $0xFFFFEC00  }
0x2e: {  	_ =	swait.ge [sflag:s0], $0x1400  }
0x2f: {  	[sflag:s0] =	ssyncset.done $0x0  }
0x30: {  	s16 =	sadd.s32 $0x230, s14;
	[sflag:s0] =	ssyncadd.s32 $0xFFFFEC00  }
0x31: {  	[tilespmem:s23], [sflag:$0x2] =	stream.indirect.gather [hbm4b:s5+s21], $0x40, s16, s21, $0xb8;
	[tilespmem:$0x1C600] =	vst v63  }
0x32: {  	s17 =	sadd.s32 $0x4EC0, s14  }
0x33: {  	[spmem:s2] =	stream.indirect.scatter.add.f32 [tilespmem:s26], [sflag:$0x9], $0x40, s17, s21, $0xb8;
	[tilespmem:$0x1C600] =	vst v63  }
0x34: {  	_ =	swait.ge [sflag:s3], $0x1400  }
0x35: {  	[sflag:s3] =	ssyncset.done $0x0  }
0x36: {  	[sflag:s3] =	ssyncadd.s32 $0xFFFFEC00  }
0x37: {  	_ =	swait.ge [sflag:s6], $0x1400  }
0x38: {  	[sflag:s6] =	ssyncset.done $0x0  }
0x39: {  	s16 =	sadd.s32 $0x280, s14;
	[sflag:s6] =	ssyncadd.s32 $0xFFFFEC00  }
0x3a: {  	[tilespmem:s26], [sflag:$0x3] =	stream.indirect.gather [hbm4b:s5+s21], $0x40, s16, s21, $0xb8;
	[tilespmem:$0x1C600] =	vst v63  }
0x3b: {  	s17 =	sadd.s32 $0x4F10, s14  }
0x3c: {  	[spmem:s2] =	stream.indirect.scatter.add.f32 [tilespmem:s29], [sflag:$0xA], $0x40, s17, s21, $0xb8;
	[tilespmem:$0x1C600] =	vst v63  }
0x3d: {  	_ =	swait.ge [sflag:s7], $0x1400  }
0x3e: {  	[sflag:s7] =	ssyncset.done $0x0  }
0x3f: {  	[sflag:s7] =	ssyncadd.s32 $0xFFFFEC00  }
0x40: {  	_ =	swait.ge [sflag:s8], $0x1400  }
0x41: {  	[sflag:s8] =	ssyncset.done $0x0  }
0x42: {  	s16 =	sadd.s32 $0x2D0, s14;
	[sflag:s8] =	ssyncadd.s32 $0xFFFFEC00  }
0x43: {  	[tilespmem:s29], [sflag:$0x4] =	stream.indirect.gather [hbm4b:s5+s21], $0x40, s16, s21, $0xb8;
	[tilespmem:$0x1C600] =	vst v63  }
0x44: {  	s17 =	sadd.s32 $0x4F60, s14  }
0x45: {  	[spmem:s2] =	stream.indirect.scatter.add.f32 [tilespmem:s31], [sflag:$0xB], $0x40, s17, s21, $0xb8;
	[tilespmem:$0x1C600] =	vst v63  }
0x46: {  	_ =	swait.ge [sflag:s10], $0x1400  }
0x47: {  	[sflag:s10] =	ssyncset.done $0x0  }
0x48: {  	s14 =	sadd.s32 $0x4FB0, s14;
	[sflag:s10] =	ssyncadd.s32 $0xFFFFEC00  }
0x49: {  	[spmem:s2] =	stream.indirect.scatter.add.f32 [tilespmem:s20], [sflag:$0xC], $0x40, s14, s21, $0xb8;
	[tilespmem:$0x1C600] =	vst v63  }
.LBB2_18:
0x4a: {  	_ =	swait.ge [sflag:s1], $0x1400  }
0x4b: {  	[sflag:s1] =	ssyncset.done $0x0  }
0x4c: {  	s14 =	simm.s32 $0x9B00;
	[sflag:s1] =	ssyncadd.s32 $0xFFFFEC00  }
0x4d: {  	[spmem:s2] =	stream.indirect.scatter.add.f32 [tilespmem:s22], [sflag:$0x7], $0x40, s14, s21, $0xb8;
	[tilespmem:$0x1C600] =	vst v63  }
0x4e: {  	_ =	swait.ge [sflag:s24], $0x1400  }
0x4f: {  	[sflag:s24] =	ssyncset.done $0x0  }
0x50: {  	s16 =	simm.s32 $0x9B50;
	[sflag:s24] =	ssyncadd.s32 $0xFFFFEC00  }
0x51: {  	[spmem:s2] =	stream.indirect.scatter.add.f32 [tilespmem:s23], [sflag:$0x8], $0x40, s16, s21, $0xb8;
	[tilespmem:$0x1C600] =	vst v63  }
0x52: {  	_ =	swait.ge [sflag:s30], $0x1400  }
0x53: {  	[sflag:s30] =	ssyncset.done $0x0  }
0x54: {  	s17 =	simm.s32 $0x9BA0;
	[sflag:s30] =	ssyncadd.s32 $0xFFFFEC00  }
0x55: {  	[spmem:s2] =	stream.indirect.scatter.add.f32 [tilespmem:s26], [sflag:$0x9], $0x40, s17, s21, $0xb8;
	[tilespmem:$0x1C600] =	vst v63  }
0x56: {  	_ =	swait.ge [sflag:s3], $0x1400  }
0x57: {  	[sflag:s3] =	ssyncset.done $0x0  }
0x58: {  	s15 =	simm.s32 $0x9BF0;
	[sflag:s3] =	ssyncadd.s32 $0xFFFFEC00  }
0x59: {  	[spmem:s2] =	stream.indirect.scatter.add.f32 [tilespmem:s29], [sflag:$0xA], $0x40, s15, s21, $0xb8;
	[tilespmem:$0x1C600] =	vst v63  }
0x5a: {  	_ =	swait.ge [sflag:s11], $0x1400  }
0x5b: {  	[sflag:s11] =	ssyncset.done $0x0  }
0x5c: {  	[sflag:s11] =	ssyncadd.s32 $0xFFFFEC00  }
0x5d: {  	_ =	swait.ge [sflag:s12], $0x1400  }
0x5e: {  	[sflag:s12] =	ssyncset.done $0x0  }
0x5f: {  	[sflag:s12] =	ssyncadd.s32 $0xFFFFEC00  }
0x60: {  	_ =	swait.ge [sflag:s28], $0x1400  }
0x61: {  	[sflag:s28] =	ssyncset.done $0x0  }
0x62: {  	[sflag:s28] =	ssyncadd.s32 $0xFFFFEC00  }
0x63: {  	_ =	swait.ge [sflag:s0], $0x1400  }
0x64: {  	[sflag:s0] =	ssyncset.done $0x0  }
0x65: {  	[sflag:s0] =	ssyncadd.s32 $0xFFFFEC00  }
0x66: {  	_ =	swait.ge [sflag:s6], $0x1400  }
0x67: {  	[sflag:s6] =	ssyncset.done $0x0  }
0x68: {  	[sflag:s6] =	ssyncadd.s32 $0xFFFFEC00  }
0x69: {  	_ =	swait.ge [sflag:s8], $0x1400  }
0x6a: {  	[sflag:s8] =	ssyncset.done $0x0  }
0x6b: {  	s16 =	stileid.u32;
	[sflag:s8] =	ssyncadd.s32 $0xFFFFEC00  }
0x6c: {  	s14 =	sshll.u32 s16, $0x6;
	[bflag:$0x0] =	sbarrier.arrive $0xFFFF  }
0x6d: {  	s14 =	sor.u32 $0x1C0D, s14;
	s15 =	rddreg [dreg:$0x5]  }
0x6e: {  	[hbm:s15], [sflag:s14] =	dma.local [spmem:s25], $0x13C0  }
0x6f: {  	_ =	swait.ge [sflag:s19], $0x13C0  }
0x70: {  	s13 =	sadd.s32 $0x1, s13;
	s17 =	rddreg [dreg:$0x6]  }
0x71: {  	p1 =	sne.s32 s13, s17  }
.Ltmp1:
0x72: {  	_ = 	snop;
	(pc) =	sbr.rel @!p1 .LBB2_19-.Ltmp1, $3  }
0x73: {  	_ =	sdelay $0x1  }
0x74: {  	[sflag:s19] =	ssyncset.done $0x0  }
0x75: {  	[sflag:s19] =	ssyncadd.s32 $0xFFFFEC40  }
.LBB2_1:
0x76: {  	s15 =	simm.s32 $0x100;
	s14 =	simm.s32 $0x0  }
.LBB2_2:
0x77: {  	p1 =	sne.s32 s15, $0x4E00;
	[tilespmem:s14+$0x11470] =	vst v0;
	s16 =	smov.u32 s15;
	s15 =	sadd.s32 $0x100, s15  }
.Ltmp2:
0x78: {  	[tilespmem:s14+$0x11460] =	vst v0;
	(pc) =	sbr.rel @p1 .LBB2_2-.Ltmp2, $3  }
0x79: {  	[tilespmem:s14+$0x11440] =	vst v0  }
0x7a: {  	[tilespmem:s14+$0x11450] =	vst v0;
	_ =	sdelay $0x1  }
0x7b: {  	s14 =	sshra.s32 s16, $0x2  }
0x7c: {  	[tilespmem:s14+$0x11470] =	vst v0  }
0x7d: {  	[tilespmem:s14+$0x11460] =	vst v0  }
0x7e: {  	[tilespmem:s14+$0x11440] =	vst v0  }
0x7f: {  	[tilespmem:s14+$0x11450] =	vst v0  }
0x80: {  	[spmem:s9] =	stream.linear.scatter [tilespmem:s18], [sflag:$0xD], $0x13C0, $0x38;
	[tilespmem:$0x1C600] =	vst v63  }
0x81: {  	_ =	swait.ge [sflag:s19], $0x13C0  }
0x82: {  	[sflag:s19] =	ssyncset.done $0x0  }
0x83: {  	s16 =	rddreg [dreg:$0x7];
	[sflag:s19] =	ssyncadd.s32 $0xFFFFEC40  }
0x84: {  	[spmem:s16] =	stream.linear.scatter [tilespmem:s18], [sflag:$0xD], $0x13C0, $0x38;
	[tilespmem:$0x1C600] =	vst v63  }
0x85: {  	_ =	swait.ge [sflag:s19], $0x13C0  }
0x86: {  	[sflag:s19] =	ssyncset.done $0x0  }
0x87: {  	s17 =	rddreg [dreg:$0x8];
	[sflag:s19] =	ssyncadd.s32 $0xFFFFEC40  }
0x88: {  	[spmem:s17] =	stream.linear.scatter [tilespmem:s18], [sflag:$0xD], $0x13C0, $0x38;
	[tilespmem:$0x1C600] =	vst v63  }
0x89: {  	_ =	swait.ge [sflag:s19], $0x13C0  }
0x8a: {  	[sflag:s19] =	ssyncset.done $0x0  }
0x8b: {  	s15 =	rddreg [dreg:$0x9];
	[sflag:s19] =	ssyncadd.s32 $0xFFFFEC40  }
0x8c: {  	[spmem:s15] =	stream.linear.scatter [tilespmem:s18], [sflag:$0xD], $0x13C0, $0x38;
	[tilespmem:$0x1C600] =	vst v63  }
0x8d: {  	_ =	swait.ge [sflag:s19], $0x13C0  }
0x8e: {  	[sflag:s19] =	ssyncset.done $0x0  }
0x8f: {  	s16 =	rddreg [dreg:$0xa];
	[sflag:s19] =	ssyncadd.s32 $0xFFFFEC40  }
0x90: {  	[spmem:s16] =	stream.linear.scatter [tilespmem:s18], [sflag:$0xD], $0x13C0, $0x38;
	[tilespmem:$0x1C600] =	vst v63  }
0x91: {  	_ =	swait.ge [sflag:s19], $0x13C0  }
0x92: {  	[sflag:s19] =	ssyncset.done $0x0  }
0x93: {  	s17 =	rddreg [dreg:$0xb];
	[sflag:s19] =	ssyncadd.s32 $0xFFFFEC40  }
0x94: {  	[spmem:s17] =	stream.linear.scatter [tilespmem:s18], [sflag:$0xD], $0x13C0, $0x38;
	[tilespmem:$0x1C600] =	vst v63  }
0x95: {  	_ =	swait.ge [sflag:s19], $0x13C0  }
0x96: {  	[sflag:s19] =	ssyncset.done $0x0  }
0x97: {  	s15 =	rddreg [dreg:$0xc];
	[sflag:s19] =	ssyncadd.s32 $0xFFFFEC40  }
0x98: {  	[spmem:s15] =	stream.linear.scatter [tilespmem:s18], [sflag:$0xD], $0x13C0, $0x38;
	[tilespmem:$0x1C600] =	vst v63  }
0x99: {  	_ =	swait.ge [sflag:s19], $0x13C0  }
0x9a: {  	[sflag:s19] =	ssyncset.done $0x0  }
0x9b: {  	s16 =	rddreg [dreg:$0xd];
	[sflag:s19] =	ssyncadd.s32 $0xFFFFEC40  }
0x9c: {  	[spmem:s16] =	stream.linear.scatter [tilespmem:s18], [sflag:$0xD], $0x13C0, $0x38;
	[tilespmem:$0x1C600] =	vst v63  }
0x9d: {  	_ =	swait.ge [sflag:s19], $0x13C0  }
0x9e: {  	[sflag:s19] =	ssyncset.done $0x0  }
0x9f: {  	s14 =	simm.s32 $0x0;
	s15 =	rddreg [dreg:$0x3];
	[sflag:s19] =	ssyncadd.s32 $0xFFFFEC40  }
0xa0: {  	[tilespmem:s14], [sflag:$0xD] =	stream.linear.gather [hbm4b:s15+s14], $0x4E20, $0x38;
	[tilespmem:$0x1C600] =	vst v63  }
0xa1: {  	_ =	swait.ge [sflag:s19], $0x4E20  }
0xa2: {  	[sflag:s19] =	ssyncset.done $0x0  }
0xa3: {  	s16 =	simm.s32 $0x4E20;
	s17 =	rddreg [dreg:$0x4];
	[sflag:s19] =	ssyncadd.s32 $0xFFFFB1E0  }
0xa4: {  	[tilespmem:s16], [sflag:$0xD] =	stream.linear.gather [hbm4b:s17+s14], $0x4E20, $0x38;
	[tilespmem:$0x1C600] =	vst v63  }
.Ltmp3:
0xa5: {  	_ =	swait.ge [sflag:s19], $0x4E20;
	(pc) =	sbr.rel @!p0 .LBB2_4-.Ltmp3, $3  }
0xa6: {  	[sflag:s19] =	ssyncset.done $0x0  }
0xa7: {  	[sflag:s19] =	ssyncadd.s32 $0xFFFFB1E0  }
0xa8: {  	[bflag:$0x0] =	sbarrier.arrive $0xFFFF;
	_ =	sdelay $0x1  }
0xa9: {  	s14 =	simm.s32 $0x0  }
0xaa: {  	[tilespmem:s22], [sflag:$0x1] =	stream.indirect.gather [hbm4b:s5+s21], $0x40, s14, s21, $0xb8;
	[tilespmem:$0x1C600] =	vst v63  }
0xab: {  	_ = 	snop  }
0xac: {  	[tilespmem:s23], [sflag:$0x2] =	stream.indirect.gather [hbm4b:s5+s21], $0x40, s21, s21, $0xb8;
	[tilespmem:$0x1C600] =	vst v63  }
0xad: {  	s15 =	simm.s32 $0xA0  }
0xae: {  	[tilespmem:s26], [sflag:$0x3] =	stream.indirect.gather [hbm4b:s5+s21], $0x40, s15, s21, $0xb8;
	[tilespmem:$0x1C600] =	vst v63  }
.Ltmp4:
0xaf: {  	_ = 	snop;
	(pc) =	sbr.rel .LBB2_12-.Ltmp4, $4  }
0xb0: {  	s16 =	simm.s32 $0xF0  }
0xb1: {  	[tilespmem:s29], [sflag:$0x4] =	stream.indirect.gather [hbm4b:s5+s21], $0x40, s16, s21, $0xb8;
	[tilespmem:$0x1C600] =	vst v63  }
0xb2: {  	s17 =	simm.s32 $0x140;
	s15 =	simm.s32 $0x0  }
0xb3: {  	[tilespmem:s31], [sflag:$0x5] =	stream.indirect.gather [hbm4b:s5+s21], $0x40, s17, s21, $0xb8;
	[tilespmem:$0x1C600] =	vst v63  }
.LBB2_15:
0xb4: {  	s16 =	sshra.s32 s14, $0x2  }
0xb5: {  	s16 =	sadd.s32 $0x190, s16  }
0xb6: {  	[tilespmem:s20], [sflag:$0x6] =	stream.indirect.gather [hbm4b:s5+s21], $0x40, s16, s21, $0xb8;
	[tilespmem:$0x1C600] =	vst v63  }
0xb7: {  	s16 =	smov.u32 s14  }
.LBB2_16:
0xb8: {  	s16 =	sshra.s32 s16, $0x2  }
0xb9: {  	s17 =	sadd.s32 $0x4E20, s16  }
0xba: {  	[spmem:s2] =	stream.indirect.scatter.add.f32 [tilespmem:s22], [sflag:$0x7], $0x40, s17, s21, $0xb8;
	[tilespmem:$0x1C600] =	vst v63  }
0xbb: {  	_ =	swait.ge [sflag:s24], $0x1400  }
0xbc: {  	[sflag:s24] =	ssyncset.done $0x0  }
0xbd: {  	[sflag:s24] =	ssyncadd.s32 $0xFFFFEC00  }
0xbe: {  	_ =	swait.ge [sflag:s28], $0x1400  }
0xbf: {  	[sflag:s28] =	ssyncset.done $0x0  }
0xc0: {  	s17 =	sadd.s32 $0x1E0, s16;
	[sflag:s28] =	ssyncadd.s32 $0xFFFFEC00  }
0xc1: {  	[tilespmem:s22], [sflag:$0x1] =	stream.indirect.gather [hbm4b:s5+s21], $0x40, s17, s21, $0xb8;
	[tilespmem:$0x1C600] =	vst v63  }
0xc2: {  	s17 =	sadd.s32 $0x4E70, s16  }
0xc3: {  	[spmem:s2] =	stream.indirect.scatter.add.f32 [tilespmem:s23], [sflag:$0x8], $0x40, s17, s21, $0xb8;
	[tilespmem:$0x1C600] =	vst v63  }
0xc4: {  	_ =	swait.ge [sflag:s30], $0x1400  }
0xc5: {  	[sflag:s30] =	ssyncset.done $0x0  }
0xc6: {  	[sflag:s30] =	ssyncadd.s32 $0xFFFFEC00  }
0xc7: {  	_ =	swait.ge [sflag:s0], $0x1400  }
0xc8: {  	[sflag:s0] =	ssyncset.done $0x0  }
0xc9: {  	s17 =	sadd.s32 $0x230, s16;
	[sflag:s0] =	ssyncadd.s32 $0xFFFFEC00  }
0xca: {  	[tilespmem:s23], [sflag:$0x2] =	stream.indirect.gather [hbm4b:s5+s21], $0x40, s17, s21, $0xb8;
	[tilespmem:$0x1C600] =	vst v63  }
0xcb: {  	s17 =	sadd.s32 $0x4EC0, s16  }
0xcc: {  	[spmem:s2] =	stream.indirect.scatter.add.f32 [tilespmem:s26], [sflag:$0x9], $0x40, s17, s21, $0xb8;
	[tilespmem:$0x1C600] =	vst v63  }
0xcd: {  	_ =	swait.ge [sflag:s3], $0x1400  }
0xce: {  	[sflag:s3] =	ssyncset.done $0x0  }
0xcf: {  	[sflag:s3] =	ssyncadd.s32 $0xFFFFEC00  }
0xd0: {  	_ =	swait.ge [sflag:s6], $0x1400  }
0xd1: {  	[sflag:s6] =	ssyncset.done $0x0  }
0xd2: {  	s17 =	sadd.s32 $0x280, s16;
	[sflag:s6] =	ssyncadd.s32 $0xFFFFEC00  }
0xd3: {  	[tilespmem:s26], [sflag:$0x3] =	stream.indirect.gather [hbm4b:s5+s21], $0x40, s17, s21, $0xb8;
	[tilespmem:$0x1C600] =	vst v63  }
0xd4: {  	s17 =	sadd.s32 $0x4F10, s16  }
0xd5: {  	[spmem:s2] =	stream.indirect.scatter.add.f32 [tilespmem:s29], [sflag:$0xA], $0x40, s17, s21, $0xb8;
	[tilespmem:$0x1C600] =	vst v63  }
0xd6: {  	_ =	swait.ge [sflag:s7], $0x1400  }
0xd7: {  	[sflag:s7] =	ssyncset.done $0x0  }
0xd8: {  	[sflag:s7] =	ssyncadd.s32 $0xFFFFEC00  }
0xd9: {  	_ =	swait.ge [sflag:s8], $0x1400  }
0xda: {  	[sflag:s8] =	ssyncset.done $0x0  }
0xdb: {  	s17 =	sadd.s32 $0x2D0, s16;
	[sflag:s8] =	ssyncadd.s32 $0xFFFFEC00  }
0xdc: {  	[tilespmem:s29], [sflag:$0x4] =	stream.indirect.gather [hbm4b:s5+s21], $0x40, s17, s21, $0xb8;
	[tilespmem:$0x1C600] =	vst v63  }
0xdd: {  	s17 =	sadd.s32 $0x4F60, s16  }
0xde: {  	[spmem:s2] =	stream.indirect.scatter.add.f32 [tilespmem:s31], [sflag:$0xB], $0x40, s17, s21, $0xb8;
	[tilespmem:$0x1C600] =	vst v63  }
0xdf: {  	_ =	swait.ge [sflag:s10], $0x1400  }
0xe0: {  	[sflag:s10] =	ssyncset.done $0x0  }
0xe1: {  	s14 =	sadd.s32 $0x780, s14;
	[sflag:s10] =	ssyncadd.s32 $0xFFFFEC00  }
0xe2: {  	p1 =	sne.s32 s14, $0x12C00;
	_ =	swait.ge [sflag:s11], $0x1400  }
.Ltmp5:
0xe3: {  	[sflag:s11] =	ssyncset.done $0x0;
	(pc) =	sbr.rel @!p1 .LBB2_17-.Ltmp5, $4  }
0xe4: {  	s17 =	sadd.s32 $0x320, s16;
	[sflag:s11] =	ssyncadd.s32 $0xFFFFEC00  }
0xe5: {  	[tilespmem:s31], [sflag:$0x5] =	stream.indirect.gather [hbm4b:s5+s21], $0x40, s17, s21, $0xb8;
	[tilespmem:$0x1C600] =	vst v63  }
0xe6: {  	s15 =	sadd.s32 $0x1, s15;
	s16 =	sadd.s32 $0x4FB0, s16  }
0xe7: {  	[spmem:s2] =	stream.indirect.scatter.add.f32 [tilespmem:s20], [sflag:$0xC], $0x40, s16, s21, $0xb8;
	[tilespmem:$0x1C600] =	vst v63  }
.LBB2_12:
0xe8: {  	p1 =	seq.s32 s15, $0x0  }
.Ltmp6:
0xe9: {  	_ = 	snop;
	(pc) =	sbr.rel @p1 .LBB2_15-.Ltmp6, $4  }
0xea: {  	_ = 	snop  }
0xeb: {  	_ =	swait.ge [sflag:s1], $0x1400  }
0xec: {  	[sflag:s1] =	ssyncset.done $0x0  }
0xed: {  	[sflag:s1] =	ssyncadd.s32 $0xFFFFEC00  }
0xee: {  	p1 =	seq.s32 s15, $0x29  }
.Ltmp7:
0xef: {  	_ = 	snop;
	(pc) =	sbr.rel @p1 .LBB2_16-.Ltmp7, $2  }
0xf0: {  	_ =	sdelay $0x2  }
0xf1: {  	s16 =	simm.s32 $0x13380  }
.Ltmp8:
0xf2: {  	(pc) =	sbr.rel .LBB2_15-.Ltmp8, $4  }
0xf3: {  	_ = 	snop  }
0xf4: {  	_ =	swait.ge [sflag:s12], $0x1400  }
0xf5: {  	[sflag:s12] =	ssyncset.done $0x0  }
0xf6: {  	[sflag:s12] =	ssyncadd.s32 $0xFFFFEC00  }
.LBB2_4:
0xf7: {  	s16 =	simm.s32 $0x0  }
0xf8: {  	[tilespmem:s22], [sflag:$0x1] =	stream.indirect.gather [hbm4b:s4+s21], $0x40, s16, s21, $0xb8;
	[tilespmem:$0x1C600] =	vst v63  }
0xf9: {  	_ = 	snop  }
0xfa: {  	[tilespmem:s23], [sflag:$0x2] =	stream.indirect.gather [hbm4b:s4+s21], $0x40, s21, s21, $0xb8;
	[tilespmem:$0x1C600] =	vst v63  }
0xfb: {  	s14 =	simm.s32 $0xA0  }
0xfc: {  	[tilespmem:s26], [sflag:$0x3] =	stream.indirect.gather [hbm4b:s4+s21], $0x40, s14, s21, $0xb8;
	[tilespmem:$0x1C600] =	vst v63  }
.Ltmp9:
0xfd: {  	_ = 	snop;
	(pc) =	sbr.rel .LBB2_5-.Ltmp9, $4  }
0xfe: {  	s15 =	simm.s32 $0xF0  }
0xff: {  	[tilespmem:s29], [sflag:$0x4] =	stream.indirect.gather [hbm4b:s4+s21], $0x40, s15, s21, $0xb8;
	[tilespmem:$0x1C600] =	vst v63  }
0x100: {  	s17 =	simm.s32 $0x140;
	s15 =	simm.s32 $0x0  }
0x101: {  	[tilespmem:s31], [sflag:$0x5] =	stream.indirect.gather [hbm4b:s4+s21], $0x40, s17, s21, $0xb8;
	[tilespmem:$0x1C600] =	vst v63  }
.LBB2_8:
0x102: {  	s14 =	sshra.s32 s16, $0x2  }
0x103: {  	s14 =	sadd.s32 $0x190, s14  }
0x104: {  	[tilespmem:s20], [sflag:$0x6] =	stream.indirect.gather [hbm4b:s4+s21], $0x40, s14, s21, $0xb8;
	[tilespmem:$0x1C600] =	vst v63  }
0x105: {  	s14 =	smov.u32 s16  }
.LBB2_9:
0x106: {  	s14 =	sshra.s32 s14, $0x2  }
0x107: {  	s17 =	sadd.s32 $0x4E20, s14  }
0x108: {  	[spmem:s2] =	stream.indirect.scatter.add.f32 [tilespmem:s22], [sflag:$0x7], $0x40, s17, s21, $0xb8;
	[tilespmem:$0x1C600] =	vst v63  }
0x109: {  	_ =	swait.ge [sflag:s24], $0x1400  }
0x10a: {  	[sflag:s24] =	ssyncset.done $0x0  }
0x10b: {  	[sflag:s24] =	ssyncadd.s32 $0xFFFFEC00  }
0x10c: {  	_ =	swait.ge [sflag:s28], $0x1400  }
0x10d: {  	[sflag:s28] =	ssyncset.done $0x0  }
0x10e: {  	s17 =	sadd.s32 $0x1E0, s14;
	[sflag:s28] =	ssyncadd.s32 $0xFFFFEC00  }
0x10f: {  	[tilespmem:s22], [sflag:$0x1] =	stream.indirect.gather [hbm4b:s4+s21], $0x40, s17, s21, $0xb8;
	[tilespmem:$0x1C600] =	vst v63  }
0x110: {  	s17 =	sadd.s32 $0x4E70, s14  }
0x111: {  	[spmem:s2] =	stream.indirect.scatter.add.f32 [tilespmem:s23], [sflag:$0x8], $0x40, s17, s21, $0xb8;
	[tilespmem:$0x1C600] =	vst v63  }
0x112: {  	_ =	swait.ge [sflag:s30], $0x1400  }
0x113: {  	[sflag:s30] =	ssyncset.done $0x0  }
0x114: {  	[sflag:s30] =	ssyncadd.s32 $0xFFFFEC00  }
0x115: {  	_ =	swait.ge [sflag:s0], $0x1400  }
0x116: {  	[sflag:s0] =	ssyncset.done $0x0  }
0x117: {  	s17 =	sadd.s32 $0x230, s14;
	[sflag:s0] =	ssyncadd.s32 $0xFFFFEC00  }
0x118: {  	[tilespmem:s23], [sflag:$0x2] =	stream.indirect.gather [hbm4b:s4+s21], $0x40, s17, s21, $0xb8;
	[tilespmem:$0x1C600] =	vst v63  }
0x119: {  	s17 =	sadd.s32 $0x4EC0, s14  }
0x11a: {  	[spmem:s2] =	stream.indirect.scatter.add.f32 [tilespmem:s26], [sflag:$0x9], $0x40, s17, s21, $0xb8;
	[tilespmem:$0x1C600] =	vst v63  }
0x11b: {  	_ =	swait.ge [sflag:s3], $0x1400  }
0x11c: {  	[sflag:s3] =	ssyncset.done $0x0  }
0x11d: {  	[sflag:s3] =	ssyncadd.s32 $0xFFFFEC00  }
0x11e: {  	_ =	swait.ge [sflag:s6], $0x1400  }
0x11f: {  	[sflag:s6] =	ssyncset.done $0x0  }
0x120: {  	s17 =	sadd.s32 $0x280, s14;
	[sflag:s6] =	ssyncadd.s32 $0xFFFFEC00  }
0x121: {  	[tilespmem:s26], [sflag:$0x3] =	stream.indirect.gather [hbm4b:s4+s21], $0x40, s17, s21, $0xb8;
	[tilespmem:$0x1C600] =	vst v63  }
0x122: {  	s17 =	sadd.s32 $0x4F10, s14  }
0x123: {  	[spmem:s2] =	stream.indirect.scatter.add.f32 [tilespmem:s29], [sflag:$0xA], $0x40, s17, s21, $0xb8;
	[tilespmem:$0x1C600] =	vst v63  }
0x124: {  	_ =	swait.ge [sflag:s7], $0x1400  }
0x125: {  	[sflag:s7] =	ssyncset.done $0x0  }
0x126: {  	[sflag:s7] =	ssyncadd.s32 $0xFFFFEC00  }
0x127: {  	_ =	swait.ge [sflag:s8], $0x1400  }
0x128: {  	[sflag:s8] =	ssyncset.done $0x0  }
0x129: {  	s17 =	sadd.s32 $0x2D0, s14;
	[sflag:s8] =	ssyncadd.s32 $0xFFFFEC00  }
0x12a: {  	[tilespmem:s29], [sflag:$0x4] =	stream.indirect.gather [hbm4b:s4+s21], $0x40, s17, s21, $0xb8;
	[tilespmem:$0x1C600] =	vst v63  }
0x12b: {  	s17 =	sadd.s32 $0x4F60, s14  }
0x12c: {  	[spmem:s2] =	stream.indirect.scatter.add.f32 [tilespmem:s31], [sflag:$0xB], $0x40, s17, s21, $0xb8;
	[tilespmem:$0x1C600] =	vst v63  }
0x12d: {  	_ =	swait.ge [sflag:s10], $0x1400  }
0x12e: {  	[sflag:s10] =	ssyncset.done $0x0  }
0x12f: {  	s16 =	sadd.s32 $0x780, s16;
	[sflag:s10] =	ssyncadd.s32 $0xFFFFEC00  }
0x130: {  	p1 =	seq.s32 s16, $0x12C00;
	_ =	swait.ge [sflag:s11], $0x1400  }
.Ltmp10:
0x131: {  	[sflag:s11] =	ssyncset.done $0x0;
	(pc) =	sbr.rel @p1 .LBB2_10-.Ltmp10, $4  }
0x132: {  	s17 =	sadd.s32 $0x320, s14;
	[sflag:s11] =	ssyncadd.s32 $0xFFFFEC00  }
0x133: {  	[tilespmem:s31], [sflag:$0x5] =	stream.indirect.gather [hbm4b:s4+s21], $0x40, s17, s21, $0xb8;
	[tilespmem:$0x1C600] =	vst v63  }
0x134: {  	s15 =	sadd.s32 $0x1, s15;
	s14 =	sadd.s32 $0x4FB0, s14  }
0x135: {  	[spmem:s2] =	stream.indirect.scatter.add.f32 [tilespmem:s20], [sflag:$0xC], $0x40, s14, s21, $0xb8;
	[tilespmem:$0x1C600] =	vst v63  }
.LBB2_5:
0x136: {  	p1 =	seq.s32 s15, $0x0  }
.Ltmp11:
0x137: {  	_ = 	snop;
	(pc) =	sbr.rel @p1 .LBB2_8-.Ltmp11, $4  }
0x138: {  	_ = 	snop  }
0x139: {  	_ =	swait.ge [sflag:s1], $0x1400  }
0x13a: {  	[sflag:s1] =	ssyncset.done $0x0  }
0x13b: {  	[sflag:s1] =	ssyncadd.s32 $0xFFFFEC00  }
0x13c: {  	p1 =	seq.s32 s15, $0x29  }
.Ltmp12:
0x13d: {  	_ = 	snop;
	(pc) =	sbr.rel @p1 .LBB2_9-.Ltmp12, $2  }
0x13e: {  	_ =	sdelay $0x2  }
0x13f: {  	s14 =	simm.s32 $0x13380  }
.Ltmp13:
0x140: {  	(pc) =	sbr.rel .LBB2_8-.Ltmp13, $4  }
0x141: {  	_ = 	snop  }
0x142: {  	_ =	swait.ge [sflag:s12], $0x1400  }
0x143: {  	[sflag:s12] =	ssyncset.done $0x0  }
0x144: {  	[sflag:s12] =	ssyncadd.s32 $0xFFFFEC00  }
.LBB2_10:
0x145: {  	_ =	swait.ge [sflag:s1], $0x1400  }
0x146: {  	[sflag:s1] =	ssyncset.done $0x0  }
0x147: {  	[sflag:s1] =	ssyncadd.s32 $0xFFFFEC00  }
0x148: {  	_ =	swait.ge [sflag:s12], $0x1400  }
0x149: {  	s14 =	sshra.s32 s16, $0x2;
	[sflag:s12] =	ssyncset.done $0x0  }
0x14a: {  	s15 =	sadd.s32 $0x190, s14;
	[sflag:s12] =	ssyncadd.s32 $0xFFFFEC00  }
0x14b: {  	[tilespmem:s20], [sflag:$0x6] =	stream.indirect.gather [hbm4b:s4+s21], $0x40, s15, s21, $0xb8;
	[tilespmem:$0x1C600] =	vst v63  }
0x14c: {  	s17 =	sadd.s32 $0x4E20, s14  }
0x14d: {  	[spmem:s2] =	stream.indirect.scatter.add.f32 [tilespmem:s22], [sflag:$0x7], $0x40, s17, s21, $0xb8;
	[tilespmem:$0x1C600] =	vst v63  }
0x14e: {  	_ =	swait.ge [sflag:s24], $0x1400  }
0x14f: {  	[sflag:s24] =	ssyncset.done $0x0  }
0x150: {  	[sflag:s24] =	ssyncadd.s32 $0xFFFFEC00  }
0x151: {  	_ =	swait.ge [sflag:s28], $0x1400  }
0x152: {  	[sflag:s28] =	ssyncset.done $0x0  }
0x153: {  	s16 =	sadd.s32 $0x1E0, s14;
	[sflag:s28] =	ssyncadd.s32 $0xFFFFEC00  }
0x154: {  	[tilespmem:s22], [sflag:$0x1] =	stream.indirect.gather [hbm4b:s4+s21], $0x40, s16, s21, $0xb8;
	[tilespmem:$0x1C600] =	vst v63  }
0x155: {  	s17 =	sadd.s32 $0x4E70, s14  }
0x156: {  	[spmem:s2] =	stream.indirect.scatter.add.f32 [tilespmem:s23], [sflag:$0x8], $0x40, s17, s21, $0xb8;
	[tilespmem:$0x1C600] =	vst v63  }
0x157: {  	_ =	swait.ge [sflag:s30], $0x1400  }
0x158: {  	[sflag:s30] =	ssyncset.done $0x0  }
0x159: {  	[sflag:s30] =	ssyncadd.s32 $0xFFFFEC00  }
0x15a: {  	_ =	swait.ge [sflag:s0], $0x1400  }
0x15b: {  	[sflag:s0] =	ssyncset.done $0x0  }
0x15c: {  	s16 =	sadd.s32 $0x230, s14;
	[sflag:s0] =	ssyncadd.s32 $0xFFFFEC00  }
0x15d: {  	[tilespmem:s23], [sflag:$0x2] =	stream.indirect.gather [hbm4b:s4+s21], $0x40, s16, s21, $0xb8;
	[tilespmem:$0x1C600] =	vst v63  }
0x15e: {  	s17 =	sadd.s32 $0x4EC0, s14  }
0x15f: {  	[spmem:s2] =	stream.indirect.scatter.add.f32 [tilespmem:s26], [sflag:$0x9], $0x40, s17, s21, $0xb8;
	[tilespmem:$0x1C600] =	vst v63  }
0x160: {  	_ =	swait.ge [sflag:s3], $0x1400  }
0x161: {  	[sflag:s3] =	ssyncset.done $0x0  }
0x162: {  	[sflag:s3] =	ssyncadd.s32 $0xFFFFEC00  }
0x163: {  	_ =	swait.ge [sflag:s6], $0x1400  }
0x164: {  	[sflag:s6] =	ssyncset.done $0x0  }
0x165: {  	s16 =	sadd.s32 $0x280, s14;
	[sflag:s6] =	ssyncadd.s32 $0xFFFFEC00  }
0x166: {  	[tilespmem:s26], [sflag:$0x3] =	stream.indirect.gather [hbm4b:s4+s21], $0x40, s16, s21, $0xb8;
	[tilespmem:$0x1C600] =	vst v63  }
0x167: {  	s17 =	sadd.s32 $0x4F10, s14  }
0x168: {  	[spmem:s2] =	stream.indirect.scatter.add.f32 [tilespmem:s29], [sflag:$0xA], $0x40, s17, s21, $0xb8;
	[tilespmem:$0x1C600] =	vst v63  }
0x169: {  	_ =	swait.ge [sflag:s7], $0x1400  }
0x16a: {  	[sflag:s7] =	ssyncset.done $0x0  }
0x16b: {  	[sflag:s7] =	ssyncadd.s32 $0xFFFFEC00  }
0x16c: {  	_ =	swait.ge [sflag:s8], $0x1400  }
0x16d: {  	[sflag:s8] =	ssyncset.done $0x0  }
0x16e: {  	s16 =	sadd.s32 $0x2D0, s14;
	[sflag:s8] =	ssyncadd.s32 $0xFFFFEC00  }
0x16f: {  	[tilespmem:s29], [sflag:$0x4] =	stream.indirect.gather [hbm4b:s4+s21], $0x40, s16, s21, $0xb8;
	[tilespmem:$0x1C600] =	vst v63  }
0x170: {  	s17 =	sadd.s32 $0x4F60, s14  }
0x171: {  	[spmem:s2] =	stream.indirect.scatter.add.f32 [tilespmem:s31], [sflag:$0xB], $0x40, s17, s21, $0xb8;
	[tilespmem:$0x1C600] =	vst v63  }
.Ltmp14:
0x172: {  	_ = 	snop;
	(pc) =	sbr.rel .LBB2_18-.Ltmp14, $4  }
0x173: {  	_ =	swait.ge [sflag:s10], $0x1400  }
0x174: {  	[sflag:s10] =	ssyncset.done $0x0  }
0x175: {  	s14 =	sadd.s32 $0x4FB0, s14;
	[sflag:s10] =	ssyncadd.s32 $0xFFFFEC00  }
0x176: {  	[spmem:s2] =	stream.indirect.scatter.add.f32 [tilespmem:s20], [sflag:$0xC], $0x40, s14, s21, $0xb8;
	[tilespmem:$0x1C600] =	vst v63  }
.LBB2_19:
0x177: {  	_ =	sfence.sel $0x180000  }
0x178: {  	[bflag:$0x0] =	sbarrier.arrive $0xFFFF  }
0x179: {  	_ =	strace $0x9000004D  }
0x17a: {  	s0 =	stileid.u32;
	[bflag:$0x2] =	sbarrier.arrive $0xFFFF  }
0x17b: {  	p0 =	sne.s32 s0, $0x0;
	s0 =	rddreg [dreg:$0x2]  }
0x17c: {  	s0 =	sadd.s32 @!p0 $0x100000, s0  }
0x17d: {  	[sflag:s0] =	ssyncadd.tile.s32 @!p0 $0x1;
	_ =	shalt  }
.Lfunc_end2:
_tile_overlayer_lowered:
.L_overlay_start_2:
0x17e: {  	(tag) =	ssettag $0x2  }
0x17f: {  	s0 =	rddreg [dreg:$0x0];
	s2 =	stileid.u32  }
0x180: {  	s1 =	rddreg [dreg:$0x1];
	p0 =	sne.s32 s2, $0x0  }
0x181: {  	s3 =	rddreg [dreg:$0x2];
	[bflag:$0x3] =	sbarrier.arrive $0xFFFF;
	s2 =	simm.s32 @!p0 $0x1C0D  }
0x182: {  	[timem:s3], [sflag:s2] =	dma.local @!p0 [hbm:s0], s1  }
0x183: {  	s0 =	simm.s32 @!p0 $0xD  }
0x184: {  	_ =	swait.ge @!p0 [sflag:s0], s1  }
0x185: {  	s1 =	ssub.s32 @!p0 $0x0, s1;
	[sflag:s0] =	ssyncset.done @!p0 $0x0  }
0x186: {  	[sflag:s0] =	ssyncadd.s32 @!p0 s1  }
0x187: {  	[bflag:$0x3] =	sbarrier.arrive $0xFFFF  }
0x188: {  	_ =	shalt  }

// kernel: kernel.9.cloned.1.call-start
scs
__scs_entry_jumppad:
0x0: {  	(pc) =	sbr.rel $0x88, $3  }
0x1: {  	(tag) =	ssettag $0x0;
	lr =	simm.s32 $0x1  }
0x2: {  	[smem:$0x3F9C] =	sst lr;
	_ =	strace $0xD0000000  }
0x3: {  	_ = 	snop  }
0x4: {  	_ = 	snop  }
0x5: {  	_ = 	snop  }
0x6: {  	_ = 	snop  }
0x7: {  	_ = 	snop  }
__scs_overlays_trampoline_lowered:
0x8: {  	[smem:$0x3FAB] =	sst s0  }
0x9: {  	[smem:$0x3FAC] =	sst s1  }
0xa: {  	[smem:$0x3FAD] =	sst s2  }
0xb: {  	[smem:$0x3FAE] =	sst s3  }
0xc: {  	[smem:$0x3FAF] =	sst s4  }
0xd: {  	[smem:$0x3FB0] =	sst s5  }
0xe: {  	[smem:$0x3FB1] =	sst s6  }
0xf: {  	[smem:$0x3FB2] =	sst s7  }
0x10: {  	[smem:$0x3FB3] =	sst s8  }
0x11: {  	[smem:$0x3FB4] =	sst s9;
	s0 =	simm.s32 @!p0 $0x0  }
0x12: {  	s1 =	sld [smem:$0x3F9A];
	s0 =	simm.s32 @p0 $0x1  }
0x13: {  	[smem:$0x3FB5] =	sst s0;
	s0 =	simm.s32 @!p1 $0x0  }
0x14: {  	s2 =	sld [smem:$0x3F99];
	s0 =	simm.s32 @p1 $0x1  }
0x15: {  	[smem:$0x3FB6] =	sst s0;
	s0 =	simm.s32 @!p2 $0x0  }
0x16: {  	s3 =	sld [smem:$0x3FDB];
	s0 =	simm.s32 @p2 $0x1  }
0x17: {  	s4 =	simm.s32 $0x1BF5;
	[smem:$0x3FB8] =	sst s0  }
0x18: {  	s0 =	sld [smem:$0x3F9B];
	_ =	swait.ge [sflag:s4], $0x0  }
0x19: {  	s7 =	sld [smem:$0x3F9C]  }
0x1a: {  	s8 =	sadd.s32 $0xFFFFE003, lr  }
0x1b: {  	s9 =	sadd.s32 $0xFFFFFEF7, lr;
	s5 =	simm.s32 $0xFFFFFFFF;
	p2 =	slt.u32 s8, $0xFFFFF086  }
0x1c: {  	p1 =	slt.u32 s9, $0xF7A;
	s5 =	simm.s32 @!p2 $0x0  }
0x1d: {  	s5 =	simm.s32 @p1 $0x1;
	p0 =	seq.s32 s7, s2  }
0x1e: {  	s7 =	smul.u32 @!p0 $0xF7A, s2;
	p2 =	seq.s32 @!p0 s5, $0x0  }
0x1f: {  	s9 =	smul.u32 $0xF7A, s1;
	s8 =	simm.s32 @!p0 $0x1BF5;
	p2 =	por !p2, p0  }
0x20: {  	[sflag:s8] =	ssyncset.s32 @!p0 $0xFFFFF086;
	s6 =	sadd.s32 @!p0 s3, s7;
	s7 =	simm.s32 @!p0 $0x108  }
0x21: {  	s3 =	sadd.s32 s3, s9;
	s6 =	sadd.s32 @!p0 $0x88, s6;
	s7 =	simm.s32 @p2 $0x1082  }
0x22: {  	[simem:s7], [sflag:s8] =	dma.local @!p0 [hbm:s6], $0xF7A  }
0x23: {  	s9 =	sor.u32 $0xD0000000, s2;
	s6 =	simm.s32 $0x108;
	_ =	swait.ge @!p0 [sflag:s8], $0x0  }
0x24: {  	s3 =	sadd.s32 $0x88, s3;
	s6 =	simm.s32 @!p1 $0x1082;
	[sflag:s4] =	ssyncset.s32 $0xFFFFF086  }
0x25: {  	[simem:s6], [sflag:s4] =	dma.local [hbm:s3], $0xF7A  }
0x26: {  	[smem:$0x3F9C] =	sst s1;
	(tag) =	ssettag s2;
	_ =	strace s9  }
0x27: {  	s1 =	sld [smem:$0x3FAC]  }
0x28: {  	s2 =	sld [smem:$0x3FAD]  }
0x29: {  	s4 =	sld [smem:$0x3FAF]  }
0x2a: {  	p0 =	seq.s32 s5, $0x0;
	s5 =	sld [smem:$0x3FB0]  }
0x2b: {  	s6 =	sld [smem:$0x3FB1]  }
0x2c: {  	s7 =	sld [smem:$0x3FB2]  }
0x2d: {  	s3 =	simm.s32 $0x108;
	s8 =	sld [smem:$0x3FB3]  }
0x2e: {  	s3 =	simm.s32 @!p0 $0x1082;
	s9 =	sld [smem:$0x3FB4]  }
0x2f: {  	lr =	sadd.s32 s0, s3;
	s0 =	sld [smem:$0x3FAB]  }
0x30: {  	s3 =	sld [smem:$0x3FAE]  }
0x31: {  	[smem:$0x3FB7] =	sst s10  }
0x32: {  	s10 =	sld [smem:$0x3FB5];
	_ =	sdelay $0x3  }
0x33: {  	p0 =	seq.s32 s10, $0x1;
	s10 =	sld [smem:$0x3FB7];
	_ =	sdelay $0x3  }
0x34: {  	[smem:$0x3FB7] =	sst s10  }
0x35: {  	s10 =	sld [smem:$0x3FB6];
	_ =	sdelay $0x3  }
0x36: {  	p1 =	seq.s32 s10, $0x1;
	s10 =	sld [smem:$0x3FB7];
	_ =	sdelay $0x3  }
0x37: {  	[smem:$0x3FB7] =	sst s10  }
0x38: {  	s10 =	sld [smem:$0x3FB8]  }
0x39: {  	_ = 	snop;
	(pc) =	sbr.ind lr, $3  }
0x3a: {  	_ = 	snop  }
0x3b: {  	_ = 	snop  }
0x3c: {  	p2 =	seq.s32 s10, $0x1;
	s10 =	sld [smem:$0x3FB7]  }
0x3d: {  	_ =	shalt  }
0x3e: {  	_ =	shalt  }
0x3f: {  	_ =	shalt  }
0x40: {  	_ =	shalt  }
0x41: {  	_ =	shalt  }
0x42: {  	_ =	shalt  }
0x43: {  	_ =	shalt  }
0x44: {  	_ =	shalt  }
0x45: {  	_ =	shalt  }
0x46: {  	_ =	shalt  }
0x47: {  	_ =	shalt  }
0x48: {  	_ =	shalt  }
0x49: {  	_ =	shalt  }
0x4a: {  	_ =	shalt  }
0x4b: {  	_ =	shalt  }
0x4c: {  	_ =	shalt  }
0x4d: {  	_ =	shalt  }
0x4e: {  	_ =	shalt  }
0x4f: {  	_ =	shalt  }
0x50: {  	_ =	shalt  }
0x51: {  	_ =	shalt  }
0x52: {  	_ =	shalt  }
0x53: {  	_ =	shalt  }
0x54: {  	_ =	shalt  }
0x55: {  	_ =	shalt  }
0x56: {  	_ =	shalt  }
0x57: {  	_ =	shalt  }
0x58: {  	_ =	shalt  }
0x59: {  	_ =	shalt  }
0x5a: {  	_ =	shalt  }
0x5b: {  	_ =	shalt  }
0x5c: {  	_ =	shalt  }
0x5d: {  	_ =	shalt  }
0x5e: {  	_ =	shalt  }
0x5f: {  	_ =	shalt  }
0x60: {  	_ =	shalt  }
0x61: {  	_ =	shalt  }
0x62: {  	_ =	shalt  }
0x63: {  	_ =	shalt  }
0x64: {  	_ =	shalt  }
0x65: {  	_ =	shalt  }
0x66: {  	_ =	shalt  }
0x67: {  	_ =	shalt  }
0x68: {  	_ =	shalt  }
0x69: {  	_ =	shalt  }
0x6a: {  	_ =	shalt  }
0x6b: {  	_ =	shalt  }
0x6c: {  	_ =	shalt  }
0x6d: {  	_ =	shalt  }
0x6e: {  	_ =	shalt  }
0x6f: {  	_ =	shalt  }
0x70: {  	_ =	shalt  }
0x71: {  	_ =	shalt  }
0x72: {  	_ =	shalt  }
0x73: {  	_ =	shalt  }
0x74: {  	_ =	shalt  }
0x75: {  	_ =	shalt  }
0x76: {  	_ =	shalt  }
0x77: {  	_ =	shalt  }
0x78: {  	_ =	shalt  }
0x79: {  	_ =	shalt  }
0x7a: {  	_ =	shalt  }
0x7b: {  	_ =	shalt  }
0x7c: {  	_ =	shalt  }
0x7d: {  	_ =	shalt  }
0x7e: {  	_ =	shalt  }
0x7f: {  	_ =	shalt  }
0x80: {  	_ =	shalt  }
0x81: {  	_ =	shalt  }
0x82: {  	_ =	shalt  }
0x83: {  	_ =	shalt  }
0x84: {  	_ =	shalt  }
0x85: {  	_ =	shalt  }
0x86: {  	_ =	shalt  }
0x87: {  	_ =	shalt  }
.Lfunc_end0:
.L_simem_size_0:
called_computation_lowered:
.L_overlay_start_0:
0x88: {  	s2 =	sld [smem:$0x3FD9]  }
0x89: {  	s3 =	sld [smem:$0x3FFE];
	_ =	sdelay $0x1  }
0x8a: {  	s1 =	srdreg.scid  }
0x8b: {  	s0 =	sand.u32 $0x1, s1  }
0x8c: {  	s16 =	sshll.u32 s0, $0xA;
	s2 =	sadd.s32 s3, s2  }
0x8d: {  	s2 =	sadd.s32 s2, s16  }
0x8e: {  	[smem:$0x3FC3] =	sst s2  }
0x8f: {  	_ = 	snop  }
0x90: {  	(tm) =	ssettm $0x1  }
0x91: {  	s17 =	sld [smem:$0x3FFB];
	_ =	sdelay $0x3  }
0x92: {  	_ =	strace s17  }
0x93: {  	s2 =	sld [smem:$0x3FFC];
	_ =	sdelay $0x3  }
0x94: {  	_ =	strace s2  }
0x95: {  	s2 =	sld [smem:$0x3FFD];
	_ =	sdelay $0x3  }
0x96: {  	_ =	strace s2  }
0x97: {  	_ =	strace $0x8FFFFFFF  }
0x98: {  	s18 =	sld [smem:$0x3FDB];
	_ =	sdelay $0x1  }
0x99: {  	s19 =	simm.s32 $_scs_section_size  }
0x9a: {  	s4 =	simm.s32 $_size__tile_overlayer_lowered;
	s5 =	simm.s32 $_tile_overlayer_lowered  }
0x9b: {  	s22 =	simm.s32 $0x1BFF;
	s21 =	sshll.u32 s5, $0x1;
	s2 =	sadd.s32 s19, s18  }
0x9c: {  	s6 =	simm.s32 $0x0;
	s20 =	sshll.u32 s4, $0x1;
	s4 =	sadd.s32 s21, s2  }
0x9d: {  	[timem:s6], [sflag:s22] =	dma.local [hbm:s4], s20  }
0x9e: {  	_ =	swait.ge [sflag:s22], s20  }
0x9f: {  	s3 =	ssub.s32 $0x0, s20;
	[sflag:s22] =	ssyncset.done $0x0  }
0xa0: {  	[sflag:s22] =	ssyncadd.s32 s3;
	_ =	sdelay $0x1  }
0xa1: {  	s23 =	simm.s32 $0x1B8B  }
0xa2: {  	_ =	swait.ge [sflag:s23], $0x1  }
0xa3: {  	[sflag:s23] =	ssyncset.done $0x0  }
0xa4: {  	s25 =	simm.s32 $0x1B8E;
	s24 =	sld [smem:$0x3FFE];
	[sflag:s23] =	ssyncadd.s32 $0xFFFFFFFF  }
0xa5: {  	s26 =	simm.s32 $execute0_lowered;
	[smem:$0x3FD2] =	sst s25  }
0xa6: {  	s4 =	sshll.u32 s26, $0x1;
	_ =	strace $0x80000046;
	[dreg:$0x1] =	wrdreg $0xFFFFFFFF  }
0xa7: {  	s28 =	simm.s32 $_size_execute0_lowered;
	s2 =	sadd.s32 s2, s4;
	[dreg:$0x0] =	wrdreg $0x0  }
0xa8: {  	s4 =	sshll.u32 s28, $0x1;
	[dreg:$0x2] =	wrdreg s2  }
0xa9: {  	[dreg:$0x3] =	wrdreg s4  }
0xaa: {  	[dreg:$0x4] =	wrdreg $0xC0  }
0xab: {  	_ =	task [dreg:s6], $0x5FFFF  }
0xac: {  	[dreg:$0x1] =	wrdreg $0xFFFFFFFF  }
0xad: {  	[dreg:$0x0] =	wrdreg $0x60  }
0xae: {  	[dreg:$0x2] =	wrdreg s24  }
0xaf: {  	[dreg:$0x3] =	wrdreg $0x90000  }
0xb0: {  	[dreg:$0x4] =	wrdreg $0x9  }
0xb1: {  	_ =	task.clear_ibuf [dreg:s6], $0x5FFFF;
	_ =	strace $0x90000046  }
0xb2: {  	s29 =	simm.s32 $0x9;
	_ =	strace $0x80000048  }
0xb3: {  	_ =	swait.ge [sflag:s29], $0x1  }
0xb4: {  	[sflag:s29] =	ssyncadd.s32 $0xFFFFFFFF  }
0xb5: {  	_ =	strace $0x90000048  }
0xb6: {  	_ =	sfence  }
0xb7: {  	s30 =	sld [smem:$0x0];
	_ =	sdelay $0x2  }
0xb8: {  	s31 =	sshll.u32 s1, $0xD;
	s1 =	sshrl.u32 s1, $0x2  }
0xb9: {  	s3 =	sand.u32 $0x4000, s31;
	s1 =	sadd.s32 s1, s30  }
0xba: {  	s0 =	sor.u32 s3, s0;
	s1 =	sshll.u32 s1, $0x11  }
0xbb: {  	s0 =	sor.u32 s1, s0  }
0xbc: {  	s0 =	sadd.s32 $0x8F2B, s0  }
0xbd: {  	[sflag:s0] =	ssyncadd.remote.s32 $0x1  }
0xbe: {  	_ =	sfence.sel $0xFFFF  }
0xbf: {  	[dreg:$0x0] =	wrdreg $0xFFFFFFFF;
	(pc) =	sbr.abs _section_cstart, $3  }
0xc0: {  	[dreg:$0x1] =	wrdreg $0xFFFFFFFF  }
0xc1: {  	_ =	task.clear_ibuf [dreg:s6], $0x2FFFF;
	_ =	strace $0x9FFFFFFF  }
0xc2: {  	(tm) =	ssettm $0x7FFFFFFF  }
0xc3: {  	_ =	shalt  }
tec
execute0_lowered:
.L_overlay_start_1:
0x0: {  	(tag) =	ssettag $0x1  }
0x1: {  	s4 =	rddreg [dreg:$0x0];
	s0 =	srdreg.scid  }
0x2: {  	s2 =	rddreg [dreg:$0x1];
	s1 =	stileid.u32;
	s3 =	simm.s32 $0x0  }
0x3: {  	s15 =	simm.s32 $0x6800;
	s16 =	simm.s32 $0x1;
	s17 =	simm.s32 $0x50  }
0x4: {  	s5 =	sand.u32 $0x1, s0;
	s0 =	rddreg [dreg:$0x2];
	s7 =	smul.u32 $0x13C00, s1  }
0x5: {  	s18 =	simm.s32 $0x4000;
	[smem:$0x7FF] =	sst s3;
	s29 =	smul.u32 $0x4F000, s1  }
0x6: {  	s9 =	sshll.u32 s1, $0xC;
	s19 =	sshll.u32 s1, $0x6;
	s6 =	smul.u32 $0x13C000, s5  }
0x7: {  	s8 =	sshll.u32 s5, $0xB;
	_ =	strace $0x80000047;
	s5 =	ssub.s32 $0x2, s5  }
0x8: {  	s19 =	sor.u32 $0x1C01, s19;
	s30 =	sshrl.u32 s5, $0x1;
	s6 =	sadd.s32 s7, s6  }
0x9: {  	s8 =	sadd.s32 s8, s4;
	s10 =	ssub.s32 s5, s30;
	s6 =	sshrl.u32 s6, $0x3  }
0xa: {  	s31 =	sadd.s32 s9, s8;
	s7 =	sshrl.u32 s29, $0x2;
	s6 =	sadd.s32 s6, s4  }
0xb: {  	s4 =	sadd.s32 $0x15600, s31;
	s5 =	sadd.s32 $0x25600, s6;
	s6 =	sadd.s32 s7, s2  }
0xc: {  	s7 =	smax.u32 s10, $0x1;
	s8 =	sadd.s32 $0x2780, s6;
	s9 =	sadd.s32 $0x4F00, s6  }
0xd: {  	s10 =	sadd.s32 $0x7680, s6;
	s11 =	sadd.s32 $0x9E00, s6;
	s12 =	sadd.s32 $0xC580, s6  }
0xe: {  	v0 =	vimm.f32 $1.000000000e+00;
	v1 =	vimm.f32 $0.0e+00;
	s13 =	sadd.s32 $0xED00, s6;
	s14 =	sadd.s32 $0x11480, s6;
	s20 =	sshrl.u32 s6, $0x3  }
.LBB2_1:
0xf: {  	s21 =	simm.s32 $0x0  }
.LBB2_2:
0x10: {  	p0 =	sne.s32 s21, $0x9E00  }
.Ltmp0:
0x11: {  	_ = 	snop;
	(pc) =	sbr.rel @p0 .LBB2_2-.Ltmp0, $3  }
0x12: {  	_ =	sdelay $0x1  }
0x13: {  	s22 =	sshra.s32 s21, $0x2  }
0x14: {  	s21 =	sadd.s32 $0x200, s21;
	[tilespmem:s22+$0x4000] =	vst v0  }
0x15: {  	s21 =	simm.s32 $0x200;
	s22 =	simm.s32 $0x0  }
.LBB2_4:
0x16: {  	p0 =	sne.s32 s21, $0x9C00;
	[tilespmem:s22+$0x6800] =	vst v1;
	s22 =	smov.u32 s21;
	s21 =	sadd.s32 $0x200, s21  }
.Ltmp1:
0x17: {  	(pc) =	sbr.rel @p0 .LBB2_4-.Ltmp1, $2  }
0x18: {  	_ =	sdelay $0x2  }
0x19: {  	s22 =	sshra.s32 s22, $0x2  }
0x1a: {  	[tilespmem:s22+$0x6800] =	vst v1  }
0x1b: {  	[spmem:s6] =	stream.linear.scatter [tilespmem:s15], [sflag:$0x1], $0x2780, $0x38;
	[tilespmem:$0xB780] =	vst v63  }
0x1c: {  	_ =	swait.ge [sflag:s16], $0x2780  }
0x1d: {  	[sflag:s16] =	ssyncset.done $0x0  }
0x1e: {  	[sflag:s16] =	ssyncadd.s32 $0xFFFFD880  }
0x1f: {  	[spmem:s8] =	stream.linear.scatter [tilespmem:s15], [sflag:$0x1], $0x2780, $0x38;
	[tilespmem:$0xB780] =	vst v63  }
0x20: {  	_ =	swait.ge [sflag:s16], $0x2780  }
0x21: {  	[sflag:s16] =	ssyncset.done $0x0  }
0x22: {  	[sflag:s16] =	ssyncadd.s32 $0xFFFFD880  }
0x23: {  	[spmem:s9] =	stream.linear.scatter [tilespmem:s15], [sflag:$0x1], $0x2780, $0x38;
	[tilespmem:$0xB780] =	vst v63  }
0x24: {  	_ =	swait.ge [sflag:s16], $0x2780  }
0x25: {  	[sflag:s16] =	ssyncset.done $0x0  }
0x26: {  	[sflag:s16] =	ssyncadd.s32 $0xFFFFD880  }
0x27: {  	[spmem:s10] =	stream.linear.scatter [tilespmem:s15], [sflag:$0x1], $0x2780, $0x38;
	[tilespmem:$0xB780] =	vst v63  }
0x28: {  	_ =	swait.ge [sflag:s16], $0x2780  }
0x29: {  	[sflag:s16] =	ssyncset.done $0x0  }
0x2a: {  	[sflag:s16] =	ssyncadd.s32 $0xFFFFD880  }
0x2b: {  	[spmem:s11] =	stream.linear.scatter [tilespmem:s15], [sflag:$0x1], $0x2780, $0x38;
	[tilespmem:$0xB780] =	vst v63  }
0x2c: {  	_ =	swait.ge [sflag:s16], $0x2780  }
0x2d: {  	[sflag:s16] =	ssyncset.done $0x0  }
0x2e: {  	[sflag:s16] =	ssyncadd.s32 $0xFFFFD880  }
0x2f: {  	[spmem:s12] =	stream.linear.scatter [tilespmem:s15], [sflag:$0x1], $0x2780, $0x38;
	[tilespmem:$0xB780] =	vst v63  }
0x30: {  	_ =	swait.ge [sflag:s16], $0x2780  }
0x31: {  	[sflag:s16] =	ssyncset.done $0x0  }
0x32: {  	[sflag:s16] =	ssyncadd.s32 $0xFFFFD880  }
0x33: {  	[spmem:s13] =	stream.linear.scatter [tilespmem:s15], [sflag:$0x1], $0x2780, $0x38;
	[tilespmem:$0xB780] =	vst v63  }
0x34: {  	_ =	swait.ge [sflag:s16], $0x2780  }
0x35: {  	[sflag:s16] =	ssyncset.done $0x0  }
0x36: {  	[sflag:s16] =	ssyncadd.s32 $0xFFFFD880  }
0x37: {  	[spmem:s14] =	stream.linear.scatter [tilespmem:s15], [sflag:$0x1], $0x2780, $0x38;
	[tilespmem:$0xB780] =	vst v63  }
0x38: {  	_ =	swait.ge [sflag:s16], $0x2780  }
0x39: {  	[sflag:s16] =	ssyncset.done $0x0  }
0x3a: {  	s21 =	simm.s32 $0x0;
	[sflag:s16] =	ssyncadd.s32 $0xFFFFD880  }
0x3b: {  	[tilespmem:s21], [sflag:$0x1] =	stream.linear.gather [hbm4b:s4+s21], $0x3E80, $0x38;
	[tilespmem:$0xB780] =	vst v63  }
0x3c: {  	_ =	swait.ge [sflag:s16], $0x3E80  }
0x3d: {  	[sflag:s16] =	ssyncset.done $0x0  }
0x3e: {  	[sflag:s16] =	ssyncadd.s32 $0xFFFFC180  }
0x3f: {  	s31 =	simm.s32 $0x0;
	[bflag:$0x0] =	sbarrier.arrive $0xFFFF  }
0x40: {  	[spmem:s2] =	stream.indirect.scatter.add.f32 [tilespmem:s18], [sflag:$0x1], $0x10, s31, s17, $0xb8;
	[tilespmem:$0xB780] =	vst v63  }
0x41: {  	_ =	swait.ge [sflag:s16], $0x500  }
0x42: {  	s21 =	simm.s32 $0x200;
	[sflag:s16] =	ssyncset.done $0x0  }
.LBB2_6:
0x43: {  	s22 =	sshra.s32 s21, $0x2;
	[sflag:s16] =	ssyncadd.s32 $0xFFFFFB00;
	p0 =	sne.s32 s21, $0xF800  }
0x44: {  	[spmem:s2] =	stream.indirect.scatter.add.f32 [tilespmem:s18], [sflag:$0x1], $0x10, s22, s17, $0xb8;
	[tilespmem:$0xB780] =	vst v63  }
.Ltmp2:
0x45: {  	_ = 	snop;
	(pc) =	sbr.rel @p0 .LBB2_6-.Ltmp2, $4  }
0x46: {  	_ = 	snop  }
0x47: {  	s21 =	sadd.s32 $0x200, s21  }
0x48: {  	_ =	swait.ge [sflag:s16], $0x500  }
0x49: {  	[sflag:s16] =	ssyncset.done $0x0  }
0x4a: {  	s3 =	sadd.s32 $0x1, s3  }
0x4b: {  	[sflag:s16] =	ssyncadd.s32 $0xFFFFFB00;
	p0 =	sne.s32 s3, s7  }
.Ltmp3:
0x4c: {  	[bflag:$0x0] =	sbarrier.arrive $0xFFFF;
	(pc) =	sbr.rel @p0 .LBB2_1-.Ltmp3, $4  }
0x4d: {  	[hbm:s5], [sflag:s19] =	dma.local [spmem:s20], $0x2780  }
0x4e: {  	_ =	swait.ge [sflag:s16], $0x2780  }
0x4f: {  	[sflag:s16] =	ssyncset.done $0x0  }
0x50: {  	[sflag:s16] =	ssyncadd.s32 $0xFFFFD880  }
0x51: {  	_ =	sfence.sel $0x180000  }
0x52: {  	[bflag:$0x0] =	sbarrier.arrive $0xFFFF  }
0x53: {  	p0 =	sne.s32 s1, $0x0;
	_ =	strace $0x90000047  }
0x54: {  	s0 =	sadd.s32 @!p0 $0x100000, s0;
	[bflag:$0x2] =	sbarrier.arrive $0xFFFF  }
0x55: {  	[sflag:s0] =	ssyncadd.tile.s32 @!p0 $0x1;
	_ =	shalt  }
.Lfunc_end2:
_tile_overlayer_lowered:
.L_overlay_start_2:
0x56: {  	(tag) =	ssettag $0x2  }
0x57: {  	s0 =	rddreg [dreg:$0x0];
	s2 =	stileid.u32  }
0x58: {  	s1 =	rddreg [dreg:$0x1];
	p0 =	sne.s32 s2, $0x0  }
0x59: {  	s3 =	rddreg [dreg:$0x2];
	[bflag:$0x3] =	sbarrier.arrive $0xFFFF;
	s2 =	simm.s32 @!p0 $0x1C01  }
0x5a: {  	[timem:s3], [sflag:s2] =	dma.local @!p0 [hbm:s0], s1  }
0x5b: {  	s0 =	simm.s32 @!p0 $0x1  }
0x5c: {  	_ =	swait.ge @!p0 [sflag:s0], s1  }
0x5d: {  	s1 =	ssub.s32 @!p0 $0x0, s1;
	[sflag:s0] =	ssyncset.done @!p0 $0x0  }
0x5e: {  	[sflag:s0] =	ssyncadd.s32 @!p0 s1  }
0x5f: {  	[bflag:$0x3] =	sbarrier.arrive $0xFFFF  }
0x60: {  	_ =	shalt  }

</sc_bundles>
